<compile_context>
chip_gen: v7x
topology: tpu7x:2x2x1
jax: 0.10.2.dev20260603
libtpu: 0.0.44.dev20260713+nightly
codegen_flags: <defaults>
</compile_context>

<pallas_src>
import functools

import jax
import jax.numpy as jnp
from jax import lax
from jax.experimental import pallas as pl
from jax.experimental.pallas import tpu as pltpu
from jax.experimental.pallas import tpu_sc as plsc

BATCH = 4096
SEQ = 50
DIM = 64
NUM_ROWS = BATCH * SEQ
NUM_WORKERS = 32
ROWS_PER_WORKER = NUM_ROWS // NUM_WORKERS
LANES = 128
CL = 2
NUM_CHUNKS = SEQ // CL
CROWS = CL * LANES
OPITCH = 129


def _gather_kernel(idx_hbm, table_hbm, out_hbm, idx_v,
                   rows0, rows1, outb0, outb1,
                   gsem0, gsem1, wsem0, wsem1):
    wid = lax.axis_index("s") * 2 + lax.axis_index("c")
    rows = (rows0, rows1)
    outb = (outb0, outb1)
    gsem = (gsem0, gsem1)
    wsem = (wsem0, wsem1)
    pltpu.sync_copy(idx_hbm.at[:, pl.ds(wid * LANES, LANES)], idx_v)

    lane_iota = lax.iota(jnp.int32, 16)

    def start_gather(p, chunk):
        l0 = chunk * CL
        for lp in range(CL):
            pltpu.async_copy(table_hbm.at[idx_v.at[l0 + lp]],
                             rows[p].at[pl.ds(lp * LANES, LANES)], gsem[p])

    def wait_gather(p):
        for lp in range(CL):
            pltpu.make_async_copy(table_hbm.at[idx_v.at[lp]],
                                  rows[p].at[pl.ds(lp * LANES, LANES)],
                                  gsem[p]).wait()

    def scatter_chunk(p):
        @plsc.parallel_loop(0, CROWS, unroll=4)
        def _scatter(t):
            lp = t >> 7
            i = t & (LANES - 1)
            for q in range(4):
                v = rows[p][t, pl.ds(16 * q, 16)]
                row = (16 * q + lane_iota) + lp * DIM
                col = lane_iota * 0 + i
                plsc.store_scatter(outb[p], [row, col], v)

    def issue_writes(p, l0):
        for lp in range(CL):
            for tr in range(8):
                pltpu.async_copy(
                    outb[p].at[pl.ds(lp * DIM + tr * 8, 8), pl.ds(0, LANES)],
                    out_hbm.at[l0 + lp, tr, wid],
                    wsem[p])

    def drain_writes(p, l0):
        for lp in range(CL):
            for tr in range(8):
                pltpu.make_async_copy(
                    outb[p].at[pl.ds(lp * DIM + tr * 8, 8), pl.ds(0, LANES)],
                    out_hbm.at[l0 + lp, tr, wid],
                    wsem[p]).wait()

    start_gather(0, 0)

    def chunk_body(c, carry):
        for p in range(2):
            @pl.when((c & 1) == p)
            def _():
                wait_gather(p)
                @pl.when(c + 1 < NUM_CHUNKS)
                def _():
                    start_gather(1 - p, c + 1)
                @pl.when(c >= 2)
                def _():
                    drain_writes(p, (c - 2) * CL)
                scatter_chunk(p)
                issue_writes(p, c * CL)
        return carry

    lax.fori_loop(0, NUM_CHUNKS, chunk_body, 0)
    drain_writes((NUM_CHUNKS - 2) & 1, (NUM_CHUNKS - 2) * CL)
    drain_writes((NUM_CHUNKS - 1) & 1, (NUM_CHUNKS - 1) * CL)


@jax.jit
def _lookup(idx_t, table):
    mesh = plsc.VectorSubcoreMesh(core_axis_name="c", subcore_axis_name="s")
    run = functools.partial(
        pl.kernel,
        out_type=jax.ShapeDtypeStruct((SEQ, 8, NUM_WORKERS, 8, LANES),
                                      jnp.float32),
        mesh=mesh,
        scratch_types=[
            pltpu.VMEM((SEQ, LANES), jnp.int32),
            pltpu.VMEM((CROWS, DIM), jnp.float32),
            pltpu.VMEM((CROWS, DIM), jnp.float32),
            pltpu.VMEM((CL * DIM, OPITCH), jnp.float32),
            pltpu.VMEM((CL * DIM, OPITCH), jnp.float32),
            pltpu.SemaphoreType.DMA,
            pltpu.SemaphoreType.DMA,
            pltpu.SemaphoreType.DMA,
            pltpu.SemaphoreType.DMA,
        ],
        compiler_params=pltpu.CompilerParams(use_tc_tiling_on_sc=False,
                                             needs_layout_passes=False,
                                             disable_bounds_checks=True),
    )(_gather_kernel)
    return run(idx_t, table)


def kernel(indices, table):
    idx_t = indices.T.astype(jnp.int32)
    out5d = _lookup(idx_t, table)
    t = out5d.transpose(0, 1, 3, 2, 4)
    t = t.reshape(SEQ, DIM, BATCH)
    return t.transpose(2, 0, 1)

# --- scband reference (transcript-rebuilt; emitter-appended) ---
"""Pipeline reference for scband-hierarchical-attention-network-45079976739277 (READ-ONLY COPY).

The authoritative reference and input builder live on the scoring server;
editing this copy changes nothing except your own understanding.
"""

import jax, jax.numpy as jnp
import numpy as np

NUM_EMBEDDINGS = 100000
EMBEDDING_DIM = 64


def setup_inputs(seed: int = 0) -> dict:
    key = jax.random.key(seed)
    k_idx, k_tbl = jax.random.split(key)
    indices = jax.random.randint(k_idx, (4096, 50), 0, NUM_EMBEDDINGS, dtype=jnp.int64 if jax.config.jax_enable_x64 else jnp.int32)
    table = jax.random.normal(k_tbl, (NUM_EMBEDDINGS, EMBEDDING_DIM), dtype=jnp.float32)
    return {"indices": indices, "table": table}


def reference(indices, table):
    # nn.Embedding lookup: out[b, l, :] = table[indices[b, l], :]
    return jnp.take(table, indices, axis=0)

if __name__ == "__main__":
    import jax
    _d = setup_inputs()
    print(jax.jit(kernel)(*tuple(_d.values())))

</pallas_src>

<mosaic_0001>
#map = affine_map<(d0, d1) -> (0, 0)>
#map1 = affine_map<(d0, d1) -> (0, 0, 0, 0, 0)>
module attributes {stable_mosaic.version = 14 : i64} {
  func.func @_gather_kernel(%arg0: i32, %arg1: i32, %arg2: memref<50x4096xi32, #tpu.memory_space<hbm>>, %arg3: memref<100000x64xf32, #tpu.memory_space<hbm>>, %arg4: memref<50x8x32x8x128xf32, #tpu.memory_space<hbm>>, %arg5: memref<50x128xi32, #tpu.memory_space<vmem>>, %arg6: memref<256x64xf32, #tpu.memory_space<vmem>>, %arg7: memref<256x64xf32, #tpu.memory_space<vmem>>, %arg8: memref<128x129xf32, #tpu.memory_space<vmem>>, %arg9: memref<128x129xf32, #tpu.memory_space<vmem>>, %arg10: memref<!tpu.dma_semaphore, #tpu.memory_space<semaphore_mem>>, %arg11: memref<!tpu.dma_semaphore, #tpu.memory_space<semaphore_mem>>, %arg12: memref<!tpu.dma_semaphore, #tpu.memory_space<semaphore_mem>>, %arg13: memref<!tpu.dma_semaphore, #tpu.memory_space<semaphore_mem>>) attributes {dimension_semantics = [#tpu.dimension_semantics<core_parallel>, #tpu.dimension_semantics<subcore_parallel>], iteration_bounds = array<i64: 2, 16>, scalar_prefetch = 0 : i64, scratch_operands = 9 : i64, tpu.core_type = #tpu.core_type<sc_vector_subcore>, window_params = [{transform_indices = #map}, {transform_indices = #map}, {transform_indices = #map1}]} {
    %mul3A = arith.constant 2 : i32
    %mul3A_0 = arith.muli %arg1, %mul3A : i32
    %add3A = arith.addi %mul3A_0, %arg0 : i32
    %mul3A_1 = arith.constant 128 : i32
    %mul3A_2 = arith.muli %add3A, %mul3A_1 : i32
    "tpu.region"() ({
      %run_scoped3A = tpu.sem_alloc : memref<!tpu.dma_semaphore, #tpu.memory_space<semaphore_mem>>
      %dma_start3A_538 = arith.constant 0 : i32
      %dma_start3A_539 = tpu.memref_slice %arg2[%dma_start3A_538, %mul3A_2] : memref<50x4096xi32, #tpu.memory_space<hbm>> -> memref<50x128xi32, #tpu.memory_space<hbm>>
      %dma_start3A_540 = arith.constant 0 : i32
      %dma_start3A_541 = tpu.memref_slice %arg2[%dma_start3A_540, %mul3A_2] : memref<50x4096xi32, #tpu.memory_space<hbm>> -> memref<50x128xi32, #tpu.memory_space<hbm>>
      tpu.enqueue_dma source(%dma_start3A_541 : memref<50x128xi32, #tpu.memory_space<hbm>>) target(%arg5 : memref<50x128xi32, #tpu.memory_space<vmem>>) target_semaphore(%run_scoped3A : memref<!tpu.dma_semaphore, #tpu.memory_space<semaphore_mem>>)
      %dma_wait3A_542 = arith.constant 0 : i32
      %dma_wait3A_543 = tpu.memref_slice %arg2[%dma_wait3A_542, %mul3A_2] : memref<50x4096xi32, #tpu.memory_space<hbm>> -> memref<50x128xi32, #tpu.memory_space<hbm>>
      %dma_wait3A_544 = arith.constant 0 : i32
      %dma_wait3A_545 = tpu.memref_slice %arg2[%dma_wait3A_544, %mul3A_2] : memref<50x4096xi32, #tpu.memory_space<hbm>> -> memref<50x128xi32, #tpu.memory_space<hbm>>
      tpu.wait_dma2 semaphore(%run_scoped3A : memref<!tpu.dma_semaphore, #tpu.memory_space<semaphore_mem>>) src(%dma_wait3A_545 : memref<50x128xi32, #tpu.memory_space<hbm>>) dst(%arg5 : memref<50x128xi32, #tpu.memory_space<vmem>>)
      tpu.yield
    }) : () -> ()
    %iota3A = tpu.iota {dimensions = array<i32: 0>} : vector<16xi32>
    %dma_start3A = arith.constant 0 : i32
    %dma_start3A_3 = arith.constant 0 : i32
    %dma_start3A_4 = arith.constant 0 : i32
    %dma_start3A_5 = tpu.memref_slice %arg6[%dma_start3A_3, %dma_start3A_4] : memref<256x64xf32, #tpu.memory_space<vmem>> -> memref<128x64xf32, #tpu.memory_space<vmem>>
    %dma_start3A_6 = arith.constant 0 : i32
    %dma_start3A_7 = tpu.memref_slice %arg5[%dma_start3A, %dma_start3A_6] : memref<50x128xi32, #tpu.memory_space<vmem>> -> memref<1x128xi32, #tpu.memory_space<vmem>>
    %dma_start3A_8 = tpu.memref_squeeze %dma_start3A_7 : memref<1x128xi32, #tpu.memory_space<vmem>> -> memref<128xi32, #tpu.memory_space<vmem>>
    %dma_start3A_9 = arith.constant 0 : i32
    %dma_start3A_10 = arith.constant 0 : i32
    %dma_start3A_11 = tpu.memref_slice %arg3[%dma_start3A_9, %dma_start3A_10] : memref<100000x64xf32, #tpu.memory_space<hbm>> -> memref<100000x64xf32, #tpu.memory_space<hbm>>
    tpu.enqueue_indirect_dma source(%dma_start3A_11 : memref<100000x64xf32, #tpu.memory_space<hbm>>) target(%dma_start3A_5 : memref<128x64xf32, #tpu.memory_space<vmem>>) offsets(%dma_start3A_8 : memref<128xi32, #tpu.memory_space<vmem>>) semaphore(%arg10 : memref<!tpu.dma_semaphore, #tpu.memory_space<semaphore_mem>>)
    %dma_start3A_12 = arith.constant 1 : i32
    %dma_start3A_13 = arith.constant 128 : i32
    %dma_start3A_14 = arith.constant 0 : i32
    %dma_start3A_15 = tpu.memref_slice %arg6[%dma_start3A_13, %dma_start3A_14] : memref<256x64xf32, #tpu.memory_space<vmem>> -> memref<128x64xf32, #tpu.memory_space<vmem>>
    %dma_start3A_16 = arith.constant 0 : i32
    %dma_start3A_17 = tpu.memref_slice %arg5[%dma_start3A_12, %dma_start3A_16] : memref<50x128xi32, #tpu.memory_space<vmem>> -> memref<1x128xi32, #tpu.memory_space<vmem>>
    %dma_start3A_18 = tpu.memref_squeeze %dma_start3A_17 : memref<1x128xi32, #tpu.memory_space<vmem>> -> memref<128xi32, #tpu.memory_space<vmem>>
    %dma_start3A_19 = arith.constant 0 : i32
    %dma_start3A_20 = arith.constant 0 : i32
    %dma_start3A_21 = tpu.memref_slice %arg3[%dma_start3A_19, %dma_start3A_20] : memref<100000x64xf32, #tpu.memory_space<hbm>> -> memref<100000x64xf32, #tpu.memory_space<hbm>>
    tpu.enqueue_indirect_dma source(%dma_start3A_21 : memref<100000x64xf32, #tpu.memory_space<hbm>>) target(%dma_start3A_15 : memref<128x64xf32, #tpu.memory_space<vmem>>) offsets(%dma_start3A_18 : memref<128xi32, #tpu.memory_space<vmem>>) semaphore(%arg10 : memref<!tpu.dma_semaphore, #tpu.memory_space<semaphore_mem>>)
    %scan3A = arith.constant 0 : i32
    %scan3A_22 = arith.constant 0 : i32
    %scan3A_23 = arith.constant 25 : i32
    %scan3A_24 = arith.addi %scan3A_22, %scan3A_23 : i32
    %scan3A_25 = arith.constant 1 : i32
    scf.for %scan3A_538 = %scan3A_22 to %scan3A_24 step %scan3A_25  : i32 {
      %and3A = arith.constant 1 : i32
      %and3A_539 = arith.andi %scan3A_538, %and3A : i32
      %eq3A = arith.constant 0 : i32
      %eq3A_540 = arith.cmpi eq, %and3A_539, %eq3A : i32
      %convert_element_type3A = arith.extui %eq3A_540 : i1 to i32
      %cond3A = arith.constant 0 : i32
      %cond3A_541 = arith.cmpi ne, %convert_element_type3A, %cond3A : i32
      scf.if %cond3A_541 {
        %dma_wait3A_549 = arith.constant 0 : i32
        %dma_wait3A_550 = arith.constant 0 : i32
        %dma_wait3A_551 = arith.constant 0 : i32
        %dma_wait3A_552 = tpu.memref_slice %arg6[%dma_wait3A_550, %dma_wait3A_551] : memref<256x64xf32, #tpu.memory_space<vmem>> -> memref<128x64xf32, #tpu.memory_space<vmem>>
        %dma_wait3A_553 = arith.constant 0 : i32
        %dma_wait3A_554 = tpu.memref_slice %arg5[%dma_wait3A_549, %dma_wait3A_553] : memref<50x128xi32, #tpu.memory_space<vmem>> -> memref<1x128xi32, #tpu.memory_space<vmem>>
        %dma_wait3A_555 = tpu.memref_squeeze %dma_wait3A_554 : memref<1x128xi32, #tpu.memory_space<vmem>> -> memref<128xi32, #tpu.memory_space<vmem>>
        %dma_wait3A_556 = arith.constant 0 : i32
        %dma_wait3A_557 = arith.constant 0 : i32
        %dma_wait3A_558 = tpu.memref_slice %arg3[%dma_wait3A_556, %dma_wait3A_557] : memref<100000x64xf32, #tpu.memory_space<hbm>> -> memref<100000x64xf32, #tpu.memory_space<hbm>>
        tpu.wait_indirect_dma semaphore(%arg10 : memref<!tpu.dma_semaphore, #tpu.memory_space<semaphore_mem>>) src(%dma_wait3A_558 : memref<100000x64xf32, #tpu.memory_space<hbm>>) dst(%dma_wait3A_552 : memref<128x64xf32, #tpu.memory_space<vmem>>)
        %dma_wait3A_559 = arith.constant 1 : i32
        %dma_wait3A_560 = arith.constant 128 : i32
        %dma_wait3A_561 = arith.constant 0 : i32
        %dma_wait3A_562 = tpu.memref_slice %arg6[%dma_wait3A_560, %dma_wait3A_561] : memref<256x64xf32, #tpu.memory_space<vmem>> -> memref<128x64xf32, #tpu.memory_space<vmem>>
        %dma_wait3A_563 = arith.constant 0 : i32
        %dma_wait3A_564 = tpu.memref_slice %arg5[%dma_wait3A_559, %dma_wait3A_563] : memref<50x128xi32, #tpu.memory_space<vmem>> -> memref<1x128xi32, #tpu.memory_space<vmem>>
        %dma_wait3A_565 = tpu.memref_squeeze %dma_wait3A_564 : memref<1x128xi32, #tpu.memory_space<vmem>> -> memref<128xi32, #tpu.memory_space<vmem>>
        %dma_wait3A_566 = arith.constant 0 : i32
        %dma_wait3A_567 = arith.constant 0 : i32
        %dma_wait3A_568 = tpu.memref_slice %arg3[%dma_wait3A_566, %dma_wait3A_567] : memref<100000x64xf32, #tpu.memory_space<hbm>> -> memref<100000x64xf32, #tpu.memory_space<hbm>>
        tpu.wait_indirect_dma semaphore(%arg10 : memref<!tpu.dma_semaphore, #tpu.memory_space<semaphore_mem>>) src(%dma_wait3A_568 : memref<100000x64xf32, #tpu.memory_space<hbm>>) dst(%dma_wait3A_562 : memref<128x64xf32, #tpu.memory_space<vmem>>)
        %add3A_569 = arith.constant 1 : i32
        %add3A_570 = arith.addi %scan3A_538, %add3A_569 : i32
        %lt3A = arith.constant 25 : i32
        %lt3A_571 = arith.cmpi slt, %add3A_570, %lt3A : i32
        %convert_element_type3A_572 = arith.extui %lt3A_571 : i1 to i32
        %cond3A_573 = arith.constant 0 : i32
        %cond3A_574 = arith.cmpi ne, %convert_element_type3A_572, %cond3A_573 : i32
        scf.if %cond3A_574 {
          %add3A_855 = arith.constant 1 : i32
          %add3A_856 = arith.addi %scan3A_538, %add3A_855 : i32
          %mul3A_857 = arith.constant 2 : i32
          %mul3A_858 = arith.muli %add3A_856, %mul3A_857 : i32
          %add3A_859 = arith.constant 0 : i32
          %add3A_860 = arith.addi %mul3A_858, %add3A_859 : i32
          %dma_start3A_861 = arith.constant 0 : i32
          %dma_start3A_862 = arith.constant 0 : i32
          %dma_start3A_863 = tpu.memref_slice %arg7[%dma_start3A_861, %dma_start3A_862] : memref<256x64xf32, #tpu.memory_space<vmem>> -> memref<128x64xf32, #tpu.memory_space<vmem>>
          %dma_start3A_864 = arith.constant 0 : i32
          %dma_start3A_865 = tpu.memref_slice %arg5[%add3A_860, %dma_start3A_864] : memref<50x128xi32, #tpu.memory_space<vmem>> -> memref<1x128xi32, #tpu.memory_space<vmem>>
          %dma_start3A_866 = tpu.memref_squeeze %dma_start3A_865 : memref<1x128xi32, #tpu.memory_space<vmem>> -> memref<128xi32, #tpu.memory_space<vmem>>
          %dma_start3A_867 = arith.constant 0 : i32
          %dma_start3A_868 = arith.constant 0 : i32
          %dma_start3A_869 = tpu.memref_slice %arg3[%dma_start3A_867, %dma_start3A_868] : memref<100000x64xf32, #tpu.memory_space<hbm>> -> memref<100000x64xf32, #tpu.memory_space<hbm>>
          tpu.enqueue_indirect_dma source(%dma_start3A_869 : memref<100000x64xf32, #tpu.memory_space<hbm>>) target(%dma_start3A_863 : memref<128x64xf32, #tpu.memory_space<vmem>>) offsets(%dma_start3A_866 : memref<128xi32, #tpu.memory_space<vmem>>) semaphore(%arg11 : memref<!tpu.dma_semaphore, #tpu.memory_space<semaphore_mem>>)
          %add3A_870 = arith.constant 1 : i32
          %add3A_871 = arith.addi %mul3A_858, %add3A_870 : i32
          %dma_start3A_872 = arith.constant 128 : i32
          %dma_start3A_873 = arith.constant 0 : i32
          %dma_start3A_874 = tpu.memref_slice %arg7[%dma_start3A_872, %dma_start3A_873] : memref<256x64xf32, #tpu.memory_space<vmem>> -> memref<128x64xf32, #tpu.memory_space<vmem>>
          %dma_start3A_875 = arith.constant 0 : i32
          %dma_start3A_876 = tpu.memref_slice %arg5[%add3A_871, %dma_start3A_875] : memref<50x128xi32, #tpu.memory_space<vmem>> -> memref<1x128xi32, #tpu.memory_space<vmem>>
          %dma_start3A_877 = tpu.memref_squeeze %dma_start3A_876 : memref<1x128xi32, #tpu.memory_space<vmem>> -> memref<128xi32, #tpu.memory_space<vmem>>
          %dma_start3A_878 = arith.constant 0 : i32
          %dma_start3A_879 = arith.constant 0 : i32
          %dma_start3A_880 = tpu.memref_slice %arg3[%dma_start3A_878, %dma_start3A_879] : memref<100000x64xf32, #tpu.memory_space<hbm>> -> memref<100000x64xf32, #tpu.memory_space<hbm>>
          tpu.enqueue_indirect_dma source(%dma_start3A_880 : memref<100000x64xf32, #tpu.memory_space<hbm>>) target(%dma_start3A_874 : memref<128x64xf32, #tpu.memory_space<vmem>>) offsets(%dma_start3A_877 : memref<128xi32, #tpu.memory_space<vmem>>) semaphore(%arg11 : memref<!tpu.dma_semaphore, #tpu.memory_space<semaphore_mem>>)
        } else {
        }
        %ge3A = arith.constant 2 : i32
        %ge3A_575 = arith.cmpi sge, %scan3A_538, %ge3A : i32
        %convert_element_type3A_576 = arith.extui %ge3A_575 : i1 to i32
        %cond3A_577 = arith.constant 0 : i32
        %cond3A_578 = arith.cmpi ne, %convert_element_type3A_576, %cond3A_577 : i32
        scf.if %cond3A_578 {
          %sub3A = arith.constant 2 : i32
          %sub3A_855 = arith.subi %scan3A_538, %sub3A : i32
          %mul3A_856 = arith.constant 2 : i32
          %mul3A_857 = arith.muli %sub3A_855, %mul3A_856 : i32
          %add3A_858 = arith.constant 0 : i32
          %add3A_859 = arith.addi %mul3A_857, %add3A_858 : i32
          %dma_wait3A_860 = arith.constant 0 : i32
          %dma_wait3A_861 = arith.constant 0 : i32
          %dma_wait3A_862 = arith.constant 0 : i32
          %dma_wait3A_863 = tpu.memref_slice %arg8[%dma_wait3A_861, %dma_wait3A_862] : memref<128x129xf32, #tpu.memory_space<vmem>> -> memref<8x128xf32, #tpu.memory_space<vmem>>
          %dma_wait3A_864 = arith.constant 0 : i32
          %dma_wait3A_865 = arith.constant 0 : i32
          %dma_wait3A_866 = tpu.memref_slice %arg4[%add3A_859, %dma_wait3A_860, %add3A, %dma_wait3A_864, %dma_wait3A_865] : memref<50x8x32x8x128xf32, #tpu.memory_space<hbm>> -> memref<1x1x1x8x128xf32, #tpu.memory_space<hbm>>
          %dma_wait3A_867 = tpu.memref_squeeze %dma_wait3A_866 : memref<1x1x1x8x128xf32, #tpu.memory_space<hbm>> -> memref<8x128xf32, #tpu.memory_space<hbm>>
          %dma_wait3A_868 = arith.constant 0 : i32
          %dma_wait3A_869 = arith.constant 0 : i32
          %dma_wait3A_870 = tpu.memref_slice %arg4[%add3A_859, %dma_wait3A_860, %add3A, %dma_wait3A_868, %dma_wait3A_869] : memref<50x8x32x8x128xf32, #tpu.memory_space<hbm>> -> memref<1x1x1x8x128xf32, #tpu.memory_space<hbm>>
          %dma_wait3A_871 = tpu.memref_squeeze %dma_wait3A_870 : memref<1x1x1x8x128xf32, #tpu.memory_space<hbm>> -> memref<8x128xf32, #tpu.memory_space<hbm>>
          %dma_wait3A_872 = arith.constant 0 : i32
          %dma_wait3A_873 = arith.constant 0 : i32
          %dma_wait3A_874 = tpu.memref_slice %arg8[%dma_wait3A_872, %dma_wait3A_873] : memref<128x129xf32, #tpu.memory_space<vmem>> -> memref<8x128xf32, #tpu.memory_space<vmem>>
          tpu.wait_dma2 semaphore(%arg12 : memref<!tpu.dma_semaphore, #tpu.memory_space<semaphore_mem>>) src(%dma_wait3A_874 : memref<8x128xf32, #tpu.memory_space<vmem>>) dst(%dma_wait3A_871 : memref<8x128xf32, #tpu.memory_space<hbm>>)
          %add3A_875 = arith.constant 0 : i32
          %add3A_876 = arith.addi %mul3A_857, %add3A_875 : i32
          %dma_wait3A_877 = arith.constant 1 : i32
          %dma_wait3A_878 = arith.constant 8 : i32
          %dma_wait3A_879 = arith.constant 0 : i32
          %dma_wait3A_880 = tpu.memref_slice %arg8[%dma_wait3A_878, %dma_wait3A_879] : memref<128x129xf32, #tpu.memory_space<vmem>> -> memref<8x128xf32, #tpu.memory_space<vmem>>
          %dma_wait3A_881 = arith.constant 0 : i32
          %dma_wait3A_882 = arith.constant 0 : i32
          %dma_wait3A_883 = tpu.memref_slice %arg4[%add3A_876, %dma_wait3A_877, %add3A, %dma_wait3A_881, %dma_wait3A_882] : memref<50x8x32x8x128xf32, #tpu.memory_space<hbm>> -> memref<1x1x1x8x128xf32, #tpu.memory_space<hbm>>
          %dma_wait3A_884 = tpu.memref_squeeze %dma_wait3A_883 : memref<1x1x1x8x128xf32, #tpu.memory_space<hbm>> -> memref<8x128xf32, #tpu.memory_space<hbm>>
          %dma_wait3A_885 = arith.constant 0 : i32
          %dma_wait3A_886 = arith.constant 0 : i32
          %dma_wait3A_887 = tpu.memref_slice %arg4[%add3A_876, %dma_wait3A_877, %add3A, %dma_wait3A_885, %dma_wait3A_886] : memref<50x8x32x8x128xf32, #tpu.memory_space<hbm>> -> memref<1x1x1x8x128xf32, #tpu.memory_space<hbm>>
          %dma_wait3A_888 = tpu.memref_squeeze %dma_wait3A_887 : memref<1x1x1x8x128xf32, #tpu.memory_space<hbm>> -> memref<8x128xf32, #tpu.memory_space<hbm>>
          %dma_wait3A_889 = arith.constant 8 : i32
          %dma_wait3A_890 = arith.constant 0 : i32
          %dma_wait3A_891 = tpu.memref_slice %arg8[%dma_wait3A_889, %dma_wait3A_890] : memref<128x129xf32, #tpu.memory_space<vmem>> -> memref<8x128xf32, #tpu.memory_space<vmem>>
          tpu.wait_dma2 semaphore(%arg12 : memref<!tpu.dma_semaphore, #tpu.memory_space<semaphore_mem>>) src(%dma_wait3A_891 : memref<8x128xf32, #tpu.memory_space<vmem>>) dst(%dma_wait3A_888 : memref<8x128xf32, #tpu.memory_space<hbm>>)
          %add3A_892 = arith.constant 0 : i32
          %add3A_893 = arith.addi %mul3A_857, %add3A_892 : i32
          %dma_wait3A_894 = arith.constant 2 : i32
          %dma_wait3A_895 = arith.constant 16 : i32
          %dma_wait3A_896 = arith.constant 0 : i32
          %dma_wait3A_897 = tpu.memref_slice %arg8[%dma_wait3A_895, %dma_wait3A_896] : memref<128x129xf32, #tpu.memory_space<vmem>> -> memref<8x128xf32, #tpu.memory_space<vmem>>
          %dma_wait3A_898 = arith.constant 0 : i32
          %dma_wait3A_899 = arith.constant 0 : i32
          %dma_wait3A_900 = tpu.memref_slice %arg4[%add3A_893, %dma_wait3A_894, %add3A, %dma_wait3A_898, %dma_wait3A_899] : memref<50x8x32x8x128xf32, #tpu.memory_space<hbm>> -> memref<1x1x1x8x128xf32, #tpu.memory_space<hbm>>
          %dma_wait3A_901 = tpu.memref_squeeze %dma_wait3A_900 : memref<1x1x1x8x128xf32, #tpu.memory_space<hbm>> -> memref<8x128xf32, #tpu.memory_space<hbm>>
          %dma_wait3A_902 = arith.constant 0 : i32
          %dma_wait3A_903 = arith.constant 0 : i32
          %dma_wait3A_904 = tpu.memref_slice %arg4[%add3A_893, %dma_wait3A_894, %add3A, %dma_wait3A_902, %dma_wait3A_903] : memref<50x8x32x8x128xf32, #tpu.memory_space<hbm>> -> memref<1x1x1x8x128xf32, #tpu.memory_space<hbm>>
          %dma_wait3A_905 = tpu.memref_squeeze %dma_wait3A_904 : memref<1x1x1x8x128xf32, #tpu.memory_space<hbm>> -> memref<8x128xf32, #tpu.memory_space<hbm>>
          %dma_wait3A_906 = arith.constant 16 : i32
          %dma_wait3A_907 = arith.constant 0 : i32
          %dma_wait3A_908 = tpu.memref_slice %arg8[%dma_wait3A_906, %dma_wait3A_907] : memref<128x129xf32, #tpu.memory_space<vmem>> -> memref<8x128xf32, #tpu.memory_space<vmem>>
          tpu.wait_dma2 semaphore(%arg12 : memref<!tpu.dma_semaphore, #tpu.memory_space<semaphore_mem>>) src(%dma_wait3A_908 : memref<8x128xf32, #tpu.memory_space<vmem>>) dst(%dma_wait3A_905 : memref<8x128xf32, #tpu.memory_space<hbm>>)
          %add3A_909 = arith.constant 0 : i32
          %add3A_910 = arith.addi %mul3A_857, %add3A_909 : i32
          %dma_wait3A_911 = arith.constant 3 : i32
          %dma_wait3A_912 = arith.constant 24 : i32
          %dma_wait3A_913 = arith.constant 0 : i32
          %dma_wait3A_914 = tpu.memref_slice %arg8[%dma_wait3A_912, %dma_wait3A_913] : memref<128x129xf32, #tpu.memory_space<vmem>> -> memref<8x128xf32, #tpu.memory_space<vmem>>
          %dma_wait3A_915 = arith.constant 0 : i32
          %dma_wait3A_916 = arith.constant 0 : i32
          %dma_wait3A_917 = tpu.memref_slice %arg4[%add3A_910, %dma_wait3A_911, %add3A, %dma_wait3A_915, %dma_wait3A_916] : memref<50x8x32x8x128xf32, #tpu.memory_space<hbm>> -> memref<1x1x1x8x128xf32, #tpu.memory_space<hbm>>
          %dma_wait3A_918 = tpu.memref_squeeze %dma_wait3A_917 : memref<1x1x1x8x128xf32, #tpu.memory_space<hbm>> -> memref<8x128xf32, #tpu.memory_space<hbm>>
          %dma_wait3A_919 = arith.constant 0 : i32
          %dma_wait3A_920 = arith.constant 0 : i32
          %dma_wait3A_921 = tpu.memref_slice %arg4[%add3A_910, %dma_wait3A_911, %add3A, %dma_wait3A_919, %dma_wait3A_920] : memref<50x8x32x8x128xf32, #tpu.memory_space<hbm>> -> memref<1x1x1x8x128xf32, #tpu.memory_space<hbm>>
          %dma_wait3A_922 = tpu.memref_squeeze %dma_wait3A_921 : memref<1x1x1x8x128xf32, #tpu.memory_space<hbm>> -> memref<8x128xf32, #tpu.memory_space<hbm>>
          %dma_wait3A_923 = arith.constant 24 : i32
          %dma_wait3A_924 = arith.constant 0 : i32
          %dma_wait3A_925 = tpu.memref_slice %arg8[%dma_wait3A_923, %dma_wait3A_924] : memref<128x129xf32, #tpu.memory_space<vmem>> -> memref<8x128xf32, #tpu.memory_space<vmem>>
          tpu.wait_dma2 semaphore(%arg12 : memref<!tpu.dma_semaphore, #tpu.memory_space<semaphore_mem>>) src(%dma_wait3A_925 : memref<8x128xf32, #tpu.memory_space<vmem>>) dst(%dma_wait3A_922 : memref<8x128xf32, #tpu.memory_space<hbm>>)
          %add3A_926 = arith.constant 0 : i32
          %add3A_927 = arith.addi %mul3A_857, %add3A_926 : i32
          %dma_wait3A_928 = arith.constant 4 : i32
          %dma_wait3A_929 = arith.constant 32 : i32
          %dma_wait3A_930 = arith.constant 0 : i32
          %dma_wait3A_931 = tpu.memref_slice %arg8[%dma_wait3A_929, %dma_wait3A_930] : memref<128x129xf32, #tpu.memory_space<vmem>> -> memref<8x128xf32, #tpu.memory_space<vmem>>
          %dma_wait3A_932 = arith.constant 0 : i32
          %dma_wait3A_933 = arith.constant 0 : i32
          %dma_wait3A_934 = tpu.memref_slice %arg4[%add3A_927, %dma_wait3A_928, %add3A, %dma_wait3A_932, %dma_wait3A_933] : memref<50x8x32x8x128xf32, #tpu.memory_space<hbm>> -> memref<1x1x1x8x128xf32, #tpu.memory_space<hbm>>
          %dma_wait3A_935 = tpu.memref_squeeze %dma_wait3A_934 : memref<1x1x1x8x128xf32, #tpu.memory_space<hbm>> -> memref<8x128xf32, #tpu.memory_space<hbm>>
          %dma_wait3A_936 = arith.constant 0 : i32
          %dma_wait3A_937 = arith.constant 0 : i32
          %dma_wait3A_938 = tpu.memref_slice %arg4[%add3A_927, %dma_wait3A_928, %add3A, %dma_wait3A_936, %dma_wait3A_937] : memref<50x8x32x8x128xf32, #tpu.memory_space<hbm>> -> memref<1x1x1x8x128xf32, #tpu.memory_space<hbm>>
          %dma_wait3A_939 = tpu.memref_squeeze %dma_wait3A_938 : memref<1x1x1x8x128xf32, #tpu.memory_space<hbm>> -> memref<8x128xf32, #tpu.memory_space<hbm>>
          %dma_wait3A_940 = arith.constant 32 : i32
          %dma_wait3A_941 = arith.constant 0 : i32
          %dma_wait3A_942 = tpu.memref_slice %arg8[%dma_wait3A_940, %dma_wait3A_941] : memref<128x129xf32, #tpu.memory_space<vmem>> -> memref<8x128xf32, #tpu.memory_space<vmem>>
          tpu.wait_dma2 semaphore(%arg12 : memref<!tpu.dma_semaphore, #tpu.memory_space<semaphore_mem>>) src(%dma_wait3A_942 : memref<8x128xf32, #tpu.memory_space<vmem>>) dst(%dma_wait3A_939 : memref<8x128xf32, #tpu.memory_space<hbm>>)
          %add3A_943 = arith.constant 0 : i32
          %add3A_944 = arith.addi %mul3A_857, %add3A_943 : i32
          %dma_wait3A_945 = arith.constant 5 : i32
          %dma_wait3A_946 = arith.constant 40 : i32
          %dma_wait3A_947 = arith.constant 0 : i32
          %dma_wait3A_948 = tpu.memref_slice %arg8[%dma_wait3A_946, %dma_wait3A_947] : memref<128x129xf32, #tpu.memory_space<vmem>> -> memref<8x128xf32, #tpu.memory_space<vmem>>
          %dma_wait3A_949 = arith.constant 0 : i32
          %dma_wait3A_950 = arith.constant 0 : i32
          %dma_wait3A_951 = tpu.memref_slice %arg4[%add3A_944, %dma_wait3A_945, %add3A, %dma_wait3A_949, %dma_wait3A_950] : memref<50x8x32x8x128xf32, #tpu.memory_space<hbm>> -> memref<1x1x1x8x128xf32, #tpu.memory_space<hbm>>
          %dma_wait3A_952 = tpu.memref_squeeze %dma_wait3A_951 : memref<1x1x1x8x128xf32, #tpu.memory_space<hbm>> -> memref<8x128xf32, #tpu.memory_space<hbm>>
          %dma_wait3A_953 = arith.constant 0 : i32
          %dma_wait3A_954 = arith.constant 0 : i32
          %dma_wait3A_955 = tpu.memref_slice %arg4[%add3A_944, %dma_wait3A_945, %add3A, %dma_wait3A_953, %dma_wait3A_954] : memref<50x8x32x8x128xf32, #tpu.memory_space<hbm>> -> memref<1x1x1x8x128xf32, #tpu.memory_space<hbm>>
          %dma_wait3A_956 = tpu.memref_squeeze %dma_wait3A_955 : memref<1x1x1x8x128xf32, #tpu.memory_space<hbm>> -> memref<8x128xf32, #tpu.memory_space<hbm>>
          %dma_wait3A_957 = arith.constant 40 : i32
          %dma_wait3A_958 = arith.constant 0 : i32
          %dma_wait3A_959 = tpu.memref_slice %arg8[%dma_wait3A_957, %dma_wait3A_958] : memref<128x129xf32, #tpu.memory_space<vmem>> -> memref<8x128xf32, #tpu.memory_space<vmem>>
          tpu.wait_dma2 semaphore(%arg12 : memref<!tpu.dma_semaphore, #tpu.memory_space<semaphore_mem>>) src(%dma_wait3A_959 : memref<8x128xf32, #tpu.memory_space<vmem>>) dst(%dma_wait3A_956 : memref<8x128xf32, #tpu.memory_space<hbm>>)
          %add3A_960 = arith.constant 0 : i32
          %add3A_961 = arith.addi %mul3A_857, %add3A_960 : i32
          %dma_wait3A_962 = arith.constant 6 : i32
          %dma_wait3A_963 = arith.constant 48 : i32
          %dma_wait3A_964 = arith.constant 0 : i32
          %dma_wait3A_965 = tpu.memref_slice %arg8[%dma_wait3A_963, %dma_wait3A_964] : memref<128x129xf32, #tpu.memory_space<vmem>> -> memref<8x128xf32, #tpu.memory_space<vmem>>
          %dma_wait3A_966 = arith.constant 0 : i32
          %dma_wait3A_967 = arith.constant 0 : i32
          %dma_wait3A_968 = tpu.memref_slice %arg4[%add3A_961, %dma_wait3A_962, %add3A, %dma_wait3A_966, %dma_wait3A_967] : memref<50x8x32x8x128xf32, #tpu.memory_space<hbm>> -> memref<1x1x1x8x128xf32, #tpu.memory_space<hbm>>
          %dma_wait3A_969 = tpu.memref_squeeze %dma_wait3A_968 : memref<1x1x1x8x128xf32, #tpu.memory_space<hbm>> -> memref<8x128xf32, #tpu.memory_space<hbm>>
          %dma_wait3A_970 = arith.constant 0 : i32
          %dma_wait3A_971 = arith.constant 0 : i32
          %dma_wait3A_972 = tpu.memref_slice %arg4[%add3A_961, %dma_wait3A_962, %add3A, %dma_wait3A_970, %dma_wait3A_971] : memref<50x8x32x8x128xf32, #tpu.memory_space<hbm>> -> memref<1x1x1x8x128xf32, #tpu.memory_space<hbm>>
          %dma_wait3A_973 = tpu.memref_squeeze %dma_wait3A_972 : memref<1x1x1x8x128xf32, #tpu.memory_space<hbm>> -> memref<8x128xf32, #tpu.memory_space<hbm>>
          %dma_wait3A_974 = arith.constant 48 : i32
          %dma_wait3A_975 = arith.constant 0 : i32
          %dma_wait3A_976 = tpu.memref_slice %arg8[%dma_wait3A_974, %dma_wait3A_975] : memref<128x129xf32, #tpu.memory_space<vmem>> -> memref<8x128xf32, #tpu.memory_space<vmem>>
          tpu.wait_dma2 semaphore(%arg12 : memref<!tpu.dma_semaphore, #tpu.memory_space<semaphore_mem>>) src(%dma_wait3A_976 : memref<8x128xf32, #tpu.memory_space<vmem>>) dst(%dma_wait3A_973 : memref<8x128xf32, #tpu.memory_space<hbm>>)
          %add3A_977 = arith.constant 0 : i32
          %add3A_978 = arith.addi %mul3A_857, %add3A_977 : i32
          %dma_wait3A_979 = arith.constant 7 : i32
          %dma_wait3A_980 = arith.constant 56 : i32
          %dma_wait3A_981 = arith.constant 0 : i32
          %dma_wait3A_982 = tpu.memref_slice %arg8[%dma_wait3A_980, %dma_wait3A_981] : memref<128x129xf32, #tpu.memory_space<vmem>> -> memref<8x128xf32, #tpu.memory_space<vmem>>
          %dma_wait3A_983 = arith.constant 0 : i32
          %dma_wait3A_984 = arith.constant 0 : i32
          %dma_wait3A_985 = tpu.memref_slice %arg4[%add3A_978, %dma_wait3A_979, %add3A, %dma_wait3A_983, %dma_wait3A_984] : memref<50x8x32x8x128xf32, #tpu.memory_space<hbm>> -> memref<1x1x1x8x128xf32, #tpu.memory_space<hbm>>
          %dma_wait3A_986 = tpu.memref_squeeze %dma_wait3A_985 : memref<1x1x1x8x128xf32, #tpu.memory_space<hbm>> -> memref<8x128xf32, #tpu.memory_space<hbm>>
          %dma_wait3A_987 = arith.constant 0 : i32
          %dma_wait3A_988 = arith.constant 0 : i32
          %dma_wait3A_989 = tpu.memref_slice %arg4[%add3A_978, %dma_wait3A_979, %add3A, %dma_wait3A_987, %dma_wait3A_988] : memref<50x8x32x8x128xf32, #tpu.memory_space<hbm>> -> memref<1x1x1x8x128xf32, #tpu.memory_space<hbm>>
          %dma_wait3A_990 = tpu.memref_squeeze %dma_wait3A_989 : memref<1x1x1x8x128xf32, #tpu.memory_space<hbm>> -> memref<8x128xf32, #tpu.memory_space<hbm>>
          %dma_wait3A_991 = arith.constant 56 : i32
          %dma_wait3A_992 = arith.constant 0 : i32
          %dma_wait3A_993 = tpu.memref_slice %arg8[%dma_wait3A_991, %dma_wait3A_992] : memref<128x129xf32, #tpu.memory_space<vmem>> -> memref<8x128xf32, #tpu.memory_space<vmem>>
          tpu.wait_dma2 semaphore(%arg12 : memref<!tpu.dma_semaphore, #tpu.memory_space<semaphore_mem>>) src(%dma_wait3A_993 : memref<8x128xf32, #tpu.memory_space<vmem>>) dst(%dma_wait3A_990 : memref<8x128xf32, #tpu.memory_space<hbm>>)
          %add3A_994 = arith.constant 1 : i32
          %add3A_995 = arith.addi %mul3A_857, %add3A_994 : i32
          %dma_wait3A_996 = arith.constant 0 : i32
          %dma_wait3A_997 = arith.constant 64 : i32
          %dma_wait3A_998 = arith.constant 0 : i32
          %dma_wait3A_999 = tpu.memref_slice %arg8[%dma_wait3A_997, %dma_wait3A_998] : memref<128x129xf32, #tpu.memory_space<vmem>> -> memref<8x128xf32, #tpu.memory_space<vmem>>
          %dma_wait3A_1000 = arith.constant 0 : i32
          %dma_wait3A_1001 = arith.constant 0 : i32
          %dma_wait3A_1002 = tpu.memref_slice %arg4[%add3A_995, %dma_wait3A_996, %add3A, %dma_wait3A_1000, %dma_wait3A_1001] : memref<50x8x32x8x128xf32, #tpu.memory_space<hbm>> -> memref<1x1x1x8x128xf32, #tpu.memory_space<hbm>>
          %dma_wait3A_1003 = tpu.memref_squeeze %dma_wait3A_1002 : memref<1x1x1x8x128xf32, #tpu.memory_space<hbm>> -> memref<8x128xf32, #tpu.memory_space<hbm>>
          %dma_wait3A_1004 = arith.constant 0 : i32
          %dma_wait3A_1005 = arith.constant 0 : i32
          %dma_wait3A_1006 = tpu.memref_slice %arg4[%add3A_995, %dma_wait3A_996, %add3A, %dma_wait3A_1004, %dma_wait3A_1005] : memref<50x8x32x8x128xf32, #tpu.memory_space<hbm>> -> memref<1x1x1x8x128xf32, #tpu.memory_space<hbm>>
          %dma_wait3A_1007 = tpu.memref_squeeze %dma_wait3A_1006 : memref<1x1x1x8x128xf32, #tpu.memory_space<hbm>> -> memref<8x128xf32, #tpu.memory_space<hbm>>
          %dma_wait3A_1008 = arith.constant 64 : i32
          %dma_wait3A_1009 = arith.constant 0 : i32
          %dma_wait3A_1010 = tpu.memref_slice %arg8[%dma_wait3A_1008, %dma_wait3A_1009] : memref<128x129xf32, #tpu.memory_space<vmem>> -> memref<8x128xf32, #tpu.memory_space<vmem>>
          tpu.wait_dma2 semaphore(%arg12 : memref<!tpu.dma_semaphore, #tpu.memory_space<semaphore_mem>>) src(%dma_wait3A_1010 : memref<8x128xf32, #tpu.memory_space<vmem>>) dst(%dma_wait3A_1007 : memref<8x128xf32, #tpu.memory_space<hbm>>)
          %add3A_1011 = arith.constant 1 : i32
          %add3A_1012 = arith.addi %mul3A_857, %add3A_1011 : i32
          %dma_wait3A_1013 = arith.constant 1 : i32
          %dma_wait3A_1014 = arith.constant 72 : i32
          %dma_wait3A_1015 = arith.constant 0 : i32
          %dma_wait3A_1016 = tpu.memref_slice %arg8[%dma_wait3A_1014, %dma_wait3A_1015] : memref<128x129xf32, #tpu.memory_space<vmem>> -> memref<8x128xf32, #tpu.memory_space<vmem>>
          %dma_wait3A_1017 = arith.constant 0 : i32
          %dma_wait3A_1018 = arith.constant 0 : i32
          %dma_wait3A_1019 = tpu.memref_slice %arg4[%add3A_1012, %dma_wait3A_1013, %add3A, %dma_wait3A_1017, %dma_wait3A_1018] : memref<50x8x32x8x128xf32, #tpu.memory_space<hbm>> -> memref<1x1x1x8x128xf32, #tpu.memory_space<hbm>>
          %dma_wait3A_1020 = tpu.memref_squeeze %dma_wait3A_1019 : memref<1x1x1x8x128xf32, #tpu.memory_space<hbm>> -> memref<8x128xf32, #tpu.memory_space<hbm>>
          %dma_wait3A_1021 = arith.constant 0 : i32
          %dma_wait3A_1022 = arith.constant 0 : i32
          %dma_wait3A_1023 = tpu.memref_slice %arg4[%add3A_1012, %dma_wait3A_1013, %add3A, %dma_wait3A_1021, %dma_wait3A_1022] : memref<50x8x32x8x128xf32, #tpu.memory_space<hbm>> -> memref<1x1x1x8x128xf32, #tpu.memory_space<hbm>>
          %dma_wait3A_1024 = tpu.memref_squeeze %dma_wait3A_1023 : memref<1x1x1x8x128xf32, #tpu.memory_space<hbm>> -> memref<8x128xf32, #tpu.memory_space<hbm>>
          %dma_wait3A_1025 = arith.constant 72 : i32
          %dma_wait3A_1026 = arith.constant 0 : i32
          %dma_wait3A_1027 = tpu.memref_slice %arg8[%dma_wait3A_1025, %dma_wait3A_1026] : memref<128x129xf32, #tpu.memory_space<vmem>> -> memref<8x128xf32, #tpu.memory_space<vmem>>
          tpu.wait_dma2 semaphore(%arg12 : memref<!tpu.dma_semaphore, #tpu.memory_space<semaphore_mem>>) src(%dma_wait3A_1027 : memref<8x128xf32, #tpu.memory_space<vmem>>) dst(%dma_wait3A_1024 : memref<8x128xf32, #tpu.memory_space<hbm>>)
          %add3A_1028 = arith.constant 1 : i32
          %add3A_1029 = arith.addi %mul3A_857, %add3A_1028 : i32
          %dma_wait3A_1030 = arith.constant 2 : i32
          %dma_wait3A_1031 = arith.constant 80 : i32
          %dma_wait3A_1032 = arith.constant 0 : i32
          %dma_wait3A_1033 = tpu.memref_slice %arg8[%dma_wait3A_1031, %dma_wait3A_1032] : memref<128x129xf32, #tpu.memory_space<vmem>> -> memref<8x128xf32, #tpu.memory_space<vmem>>
          %dma_wait3A_1034 = arith.constant 0 : i32
          %dma_wait3A_1035 = arith.constant 0 : i32
          %dma_wait3A_1036 = tpu.memref_slice %arg4[%add3A_1029, %dma_wait3A_1030, %add3A, %dma_wait3A_1034, %dma_wait3A_1035] : memref<50x8x32x8x128xf32, #tpu.memory_space<hbm>> -> memref<1x1x1x8x128xf32, #tpu.memory_space<hbm>>
          %dma_wait3A_1037 = tpu.memref_squeeze %dma_wait3A_1036 : memref<1x1x1x8x128xf32, #tpu.memory_space<hbm>> -> memref<8x128xf32, #tpu.memory_space<hbm>>
          %dma_wait3A_1038 = arith.constant 0 : i32
          %dma_wait3A_1039 = arith.constant 0 : i32
          %dma_wait3A_1040 = tpu.memref_slice %arg4[%add3A_1029, %dma_wait3A_1030, %add3A, %dma_wait3A_1038, %dma_wait3A_1039] : memref<50x8x32x8x128xf32, #tpu.memory_space<hbm>> -> memref<1x1x1x8x128xf32, #tpu.memory_space<hbm>>
          %dma_wait3A_1041 = tpu.memref_squeeze %dma_wait3A_1040 : memref<1x1x1x8x128xf32, #tpu.memory_space<hbm>> -> memref<8x128xf32, #tpu.memory_space<hbm>>
          %dma_wait3A_1042 = arith.constant 80 : i32
          %dma_wait3A_1043 = arith.constant 0 : i32
          %dma_wait3A_1044 = tpu.memref_slice %arg8[%dma_wait3A_1042, %dma_wait3A_1043] : memref<128x129xf32, #tpu.memory_space<vmem>> -> memref<8x128xf32, #tpu.memory_space<vmem>>
          tpu.wait_dma2 semaphore(%arg12 : memref<!tpu.dma_semaphore, #tpu.memory_space<semaphore_mem>>) src(%dma_wait3A_1044 : memref<8x128xf32, #tpu.memory_space<vmem>>) dst(%dma_wait3A_1041 : memref<8x128xf32, #tpu.memory_space<hbm>>)
          %add3A_1045 = arith.constant 1 : i32
          %add3A_1046 = arith.addi %mul3A_857, %add3A_1045 : i32
          %dma_wait3A_1047 = arith.constant 3 : i32
          %dma_wait3A_1048 = arith.constant 88 : i32
          %dma_wait3A_1049 = arith.constant 0 : i32
          %dma_wait3A_1050 = tpu.memref_slice %arg8[%dma_wait3A_1048, %dma_wait3A_1049] : memref<128x129xf32, #tpu.memory_space<vmem>> -> memref<8x128xf32, #tpu.memory_space<vmem>>
          %dma_wait3A_1051 = arith.constant 0 : i32
          %dma_wait3A_1052 = arith.constant 0 : i32
          %dma_wait3A_1053 = tpu.memref_slice %arg4[%add3A_1046, %dma_wait3A_1047, %add3A, %dma_wait3A_1051, %dma_wait3A_1052] : memref<50x8x32x8x128xf32, #tpu.memory_space<hbm>> -> memref<1x1x1x8x128xf32, #tpu.memory_space<hbm>>
          %dma_wait3A_1054 = tpu.memref_squeeze %dma_wait3A_1053 : memref<1x1x1x8x128xf32, #tpu.memory_space<hbm>> -> memref<8x128xf32, #tpu.memory_space<hbm>>
          %dma_wait3A_1055 = arith.constant 0 : i32
          %dma_wait3A_1056 = arith.constant 0 : i32
          %dma_wait3A_1057 = tpu.memref_slice %arg4[%add3A_1046, %dma_wait3A_1047, %add3A, %dma_wait3A_1055, %dma_wait3A_1056] : memref<50x8x32x8x128xf32, #tpu.memory_space<hbm>> -> memref<1x1x1x8x128xf32, #tpu.memory_space<hbm>>
          %dma_wait3A_1058 = tpu.memref_squeeze %dma_wait3A_1057 : memref<1x1x1x8x128xf32, #tpu.memory_space<hbm>> -> memref<8x128xf32, #tpu.memory_space<hbm>>
          %dma_wait3A_1059 = arith.constant 88 : i32
          %dma_wait3A_1060 = arith.constant 0 : i32
          %dma_wait3A_1061 = tpu.memref_slice %arg8[%dma_wait3A_1059, %dma_wait3A_1060] : memref<128x129xf32, #tpu.memory_space<vmem>> -> memref<8x128xf32, #tpu.memory_space<vmem>>
          tpu.wait_dma2 semaphore(%arg12 : memref<!tpu.dma_semaphore, #tpu.memory_space<semaphore_mem>>) src(%dma_wait3A_1061 : memref<8x128xf32, #tpu.memory_space<vmem>>) dst(%dma_wait3A_1058 : memref<8x128xf32, #tpu.memory_space<hbm>>)
          %add3A_1062 = arith.constant 1 : i32
          %add3A_1063 = arith.addi %mul3A_857, %add3A_1062 : i32
          %dma_wait3A_1064 = arith.constant 4 : i32
          %dma_wait3A_1065 = arith.constant 96 : i32
          %dma_wait3A_1066 = arith.constant 0 : i32
          %dma_wait3A_1067 = tpu.memref_slice %arg8[%dma_wait3A_1065, %dma_wait3A_1066] : memref<128x129xf32, #tpu.memory_space<vmem>> -> memref<8x128xf32, #tpu.memory_space<vmem>>
          %dma_wait3A_1068 = arith.constant 0 : i32
          %dma_wait3A_1069 = arith.constant 0 : i32
          %dma_wait3A_1070 = tpu.memref_slice %arg4[%add3A_1063, %dma_wait3A_1064, %add3A, %dma_wait3A_1068, %dma_wait3A_1069] : memref<50x8x32x8x128xf32, #tpu.memory_space<hbm>> -> memref<1x1x1x8x128xf32, #tpu.memory_space<hbm>>
          %dma_wait3A_1071 = tpu.memref_squeeze %dma_wait3A_1070 : memref<1x1x1x8x128xf32, #tpu.memory_space<hbm>> -> memref<8x128xf32, #tpu.memory_space<hbm>>
          %dma_wait3A_1072 = arith.constant 0 : i32
          %dma_wait3A_1073 = arith.constant 0 : i32
          %dma_wait3A_1074 = tpu.memref_slice %arg4[%add3A_1063, %dma_wait3A_1064, %add3A, %dma_wait3A_1072, %dma_wait3A_1073] : memref<50x8x32x8x128xf32, #tpu.memory_space<hbm>> -> memref<1x1x1x8x128xf32, #tpu.memory_space<hbm>>
          %dma_wait3A_1075 = tpu.memref_squeeze %dma_wait3A_1074 : memref<1x1x1x8x128xf32, #tpu.memory_space<hbm>> -> memref<8x128xf32, #tpu.memory_space<hbm>>
          %dma_wait3A_1076 = arith.constant 96 : i32
          %dma_wait3A_1077 = arith.constant 0 : i32
          %dma_wait3A_1078 = tpu.memref_slice %arg8[%dma_wait3A_1076, %dma_wait3A_1077] : memref<128x129xf32, #tpu.memory_space<vmem>> -> memref<8x128xf32, #tpu.memory_space<vmem>>
          tpu.wait_dma2 semaphore(%arg12 : memref<!tpu.dma_semaphore, #tpu.memory_space<semaphore_mem>>) src(%dma_wait3A_1078 : memref<8x128xf32, #tpu.memory_space<vmem>>) dst(%dma_wait3A_1075 : memref<8x128xf32, #tpu.memory_space<hbm>>)
          %add3A_1079 = arith.constant 1 : i32
          %add3A_1080 = arith.addi %mul3A_857, %add3A_1079 : i32
          %dma_wait3A_1081 = arith.constant 5 : i32
          %dma_wait3A_1082 = arith.constant 104 : i32
          %dma_wait3A_1083 = arith.constant 0 : i32
          %dma_wait3A_1084 = tpu.memref_slice %arg8[%dma_wait3A_1082, %dma_wait3A_1083] : memref<128x129xf32, #tpu.memory_space<vmem>> -> memref<8x128xf32, #tpu.memory_space<vmem>>
          %dma_wait3A_1085 = arith.constant 0 : i32
          %dma_wait3A_1086 = arith.constant 0 : i32
          %dma_wait3A_1087 = tpu.memref_slice %arg4[%add3A_1080, %dma_wait3A_1081, %add3A, %dma_wait3A_1085, %dma_wait3A_1086] : memref<50x8x32x8x128xf32, #tpu.memory_space<hbm>> -> memref<1x1x1x8x128xf32, #tpu.memory_space<hbm>>
          %dma_wait3A_1088 = tpu.memref_squeeze %dma_wait3A_1087 : memref<1x1x1x8x128xf32, #tpu.memory_space<hbm>> -> memref<8x128xf32, #tpu.memory_space<hbm>>
          %dma_wait3A_1089 = arith.constant 0 : i32
          %dma_wait3A_1090 = arith.constant 0 : i32
          %dma_wait3A_1091 = tpu.memref_slice %arg4[%add3A_1080, %dma_wait3A_1081, %add3A, %dma_wait3A_1089, %dma_wait3A_1090] : memref<50x8x32x8x128xf32, #tpu.memory_space<hbm>> -> memref<1x1x1x8x128xf32, #tpu.memory_space<hbm>>
          %dma_wait3A_1092 = tpu.memref_squeeze %dma_wait3A_1091 : memref<1x1x1x8x128xf32, #tpu.memory_space<hbm>> -> memref<8x128xf32, #tpu.memory_space<hbm>>
          %dma_wait3A_1093 = arith.constant 104 : i32
          %dma_wait3A_1094 = arith.constant 0 : i32
          %dma_wait3A_1095 = tpu.memref_slice %arg8[%dma_wait3A_1093, %dma_wait3A_1094] : memref<128x129xf32, #tpu.memory_space<vmem>> -> memref<8x128xf32, #tpu.memory_space<vmem>>
          tpu.wait_dma2 semaphore(%arg12 : memref<!tpu.dma_semaphore, #tpu.memory_space<semaphore_mem>>) src(%dma_wait3A_1095 : memref<8x128xf32, #tpu.memory_space<vmem>>) dst(%dma_wait3A_1092 : memref<8x128xf32, #tpu.memory_space<hbm>>)
          %add3A_1096 = arith.constant 1 : i32
          %add3A_1097 = arith.addi %mul3A_857, %add3A_1096 : i32
          %dma_wait3A_1098 = arith.constant 6 : i32
          %dma_wait3A_1099 = arith.constant 112 : i32
          %dma_wait3A_1100 = arith.constant 0 : i32
          %dma_wait3A_1101 = tpu.memref_slice %arg8[%dma_wait3A_1099, %dma_wait3A_1100] : memref<128x129xf32, #tpu.memory_space<vmem>> -> memref<8x128xf32, #tpu.memory_space<vmem>>
          %dma_wait3A_1102 = arith.constant 0 : i32
          %dma_wait3A_1103 = arith.constant 0 : i32
          %dma_wait3A_1104 = tpu.memref_slice %arg4[%add3A_1097, %dma_wait3A_1098, %add3A, %dma_wait3A_1102, %dma_wait3A_1103] : memref<50x8x32x8x128xf32, #tpu.memory_space<hbm>> -> memref<1x1x1x8x128xf32, #tpu.memory_space<hbm>>
          %dma_wait3A_1105 = tpu.memref_squeeze %dma_wait3A_1104 : memref<1x1x1x8x128xf32, #tpu.memory_space<hbm>> -> memref<8x128xf32, #tpu.memory_space<hbm>>
          %dma_wait3A_1106 = arith.constant 0 : i32
          %dma_wait3A_1107 = arith.constant 0 : i32
          %dma_wait3A_1108 = tpu.memref_slice %arg4[%add3A_1097, %dma_wait3A_1098, %add3A, %dma_wait3A_1106, %dma_wait3A_1107] : memref<50x8x32x8x128xf32, #tpu.memory_space<hbm>> -> memref<1x1x1x8x128xf32, #tpu.memory_space<hbm>>
          %dma_wait3A_1109 = tpu.memref_squeeze %dma_wait3A_1108 : memref<1x1x1x8x128xf32, #tpu.memory_space<hbm>> -> memref<8x128xf32, #tpu.memory_space<hbm>>
          %dma_wait3A_1110 = arith.constant 112 : i32
          %dma_wait3A_1111 = arith.constant 0 : i32
          %dma_wait3A_1112 = tpu.memref_slice %arg8[%dma_wait3A_1110, %dma_wait3A_1111] : memref<128x129xf32, #tpu.memory_space<vmem>> -> memref<8x128xf32, #tpu.memory_space<vmem>>
          tpu.wait_dma2 semaphore(%arg12 : memref<!tpu.dma_semaphore, #tpu.memory_space<semaphore_mem>>) src(%dma_wait3A_1112 : memref<8x128xf32, #tpu.memory_space<vmem>>) dst(%dma_wait3A_1109 : memref<8x128xf32, #tpu.memory_space<hbm>>)
          %add3A_1113 = arith.constant 1 : i32
          %add3A_1114 = arith.addi %mul3A_857, %add3A_1113 : i32
          %dma_wait3A_1115 = arith.constant 7 : i32
          %dma_wait3A_1116 = arith.constant 120 : i32
          %dma_wait3A_1117 = arith.constant 0 : i32
          %dma_wait3A_1118 = tpu.memref_slice %arg8[%dma_wait3A_1116, %dma_wait3A_1117] : memref<128x129xf32, #tpu.memory_space<vmem>> -> memref<8x128xf32, #tpu.memory_space<vmem>>
          %dma_wait3A_1119 = arith.constant 0 : i32
          %dma_wait3A_1120 = arith.constant 0 : i32
          %dma_wait3A_1121 = tpu.memref_slice %arg4[%add3A_1114, %dma_wait3A_1115, %add3A, %dma_wait3A_1119, %dma_wait3A_1120] : memref<50x8x32x8x128xf32, #tpu.memory_space<hbm>> -> memref<1x1x1x8x128xf32, #tpu.memory_space<hbm>>
          %dma_wait3A_1122 = tpu.memref_squeeze %dma_wait3A_1121 : memref<1x1x1x8x128xf32, #tpu.memory_space<hbm>> -> memref<8x128xf32, #tpu.memory_space<hbm>>
          %dma_wait3A_1123 = arith.constant 0 : i32
          %dma_wait3A_1124 = arith.constant 0 : i32
          %dma_wait3A_1125 = tpu.memref_slice %arg4[%add3A_1114, %dma_wait3A_1115, %add3A, %dma_wait3A_1123, %dma_wait3A_1124] : memref<50x8x32x8x128xf32, #tpu.memory_space<hbm>> -> memref<1x1x1x8x128xf32, #tpu.memory_space<hbm>>
          %dma_wait3A_1126 = tpu.memref_squeeze %dma_wait3A_1125 : memref<1x1x1x8x128xf32, #tpu.memory_space<hbm>> -> memref<8x128xf32, #tpu.memory_space<hbm>>
          %dma_wait3A_1127 = arith.constant 120 : i32
          %dma_wait3A_1128 = arith.constant 0 : i32
          %dma_wait3A_1129 = tpu.memref_slice %arg8[%dma_wait3A_1127, %dma_wait3A_1128] : memref<128x129xf32, #tpu.memory_space<vmem>> -> memref<8x128xf32, #tpu.memory_space<vmem>>
          tpu.wait_dma2 semaphore(%arg12 : memref<!tpu.dma_semaphore, #tpu.memory_space<semaphore_mem>>) src(%dma_wait3A_1129 : memref<8x128xf32, #tpu.memory_space<vmem>>) dst(%dma_wait3A_1126 : memref<8x128xf32, #tpu.memory_space<hbm>>)
        } else {
        }
        %parallel_loop3A = arith.constant 0 : i32
        %parallel_loop3A_579 = arith.constant 256 : i32
        %parallel_loop3A_580 = arith.constant 1 : i32
        scf.for %parallel_loop3A_855 = %parallel_loop3A to %parallel_loop3A_579 step %parallel_loop3A_580  : i32 {
          %parallel_loop3A_856 = arith.constant 7 : i32
          %parallel_loop3A_857 = arith.shrsi %parallel_loop3A_855, %parallel_loop3A_856 : i32
          %parallel_loop3A_858 = arith.constant 127 : i32
          %parallel_loop3A_859 = arith.andi %parallel_loop3A_855, %parallel_loop3A_858 : i32
          %parallel_loop3A_860 = arith.index_cast %parallel_loop3A_855 : i32 to index
          %parallel_loop3A_861 = arith.constant 0 : index
          %parallel_loop3A_862 = tpu.vector_load %arg6[%parallel_loop3A_860, %parallel_loop3A_861] {strides = array<i32>} : memref<256x64xf32, #tpu.memory_space<vmem>>, vector<16xf32>,
          %parallel_loop3A_863 = arith.constant 0 : i32
          %parallel_loop3A_864 = vector.broadcast %parallel_loop3A_863 : i32 to vector<16xi32>
          %parallel_loop3A_865 = arith.addi %parallel_loop3A_864, %iota3A : vector<16xi32>
          %parallel_loop3A_866 = arith.constant 64 : i32
          %parallel_loop3A_867 = arith.muli %parallel_loop3A_857, %parallel_loop3A_866 : i32
          %parallel_loop3A_868 = vector.broadcast %parallel_loop3A_867 : i32 to vector<16xi32>
          %parallel_loop3A_869 = arith.addi %parallel_loop3A_865, %parallel_loop3A_868 : vector<16xi32>
          %parallel_loop3A_870 = arith.constant 0 : i32
          %parallel_loop3A_871 = vector.broadcast %parallel_loop3A_870 : i32 to vector<16xi32>
          %parallel_loop3A_872 = arith.muli %iota3A, %parallel_loop3A_871 : vector<16xi32>
          %parallel_loop3A_873 = vector.broadcast %parallel_loop3A_859 : i32 to vector<16xi32>
          %parallel_loop3A_874 = arith.addi %parallel_loop3A_872, %parallel_loop3A_873 : vector<16xi32>
          tpu.vector_store_idx %arg8[%parallel_loop3A_869, %parallel_loop3A_874], %parallel_loop3A_862 : memref<128x129xf32, #tpu.memory_space<vmem>>[vector<16xi32>, vector<16xi32>], vector<16xf32>,
          %parallel_loop3A_875 = arith.index_cast %parallel_loop3A_855 : i32 to index
          %parallel_loop3A_876 = arith.constant 16 : index
          %parallel_loop3A_877 = tpu.vector_load %arg6[%parallel_loop3A_875, %parallel_loop3A_876] {strides = array<i32>} : memref<256x64xf32, #tpu.memory_space<vmem>>, vector<16xf32>,
          %parallel_loop3A_878 = arith.constant 16 : i32
          %parallel_loop3A_879 = vector.broadcast %parallel_loop3A_878 : i32 to vector<16xi32>
          %parallel_loop3A_880 = arith.addi %parallel_loop3A_879, %iota3A : vector<16xi32>
          %parallel_loop3A_881 = arith.constant 64 : i32
          %parallel_loop3A_882 = arith.muli %parallel_loop3A_857, %parallel_loop3A_881 : i32
          %parallel_loop3A_883 = vector.broadcast %parallel_loop3A_882 : i32 to vector<16xi32>
          %parallel_loop3A_884 = arith.addi %parallel_loop3A_880, %parallel_loop3A_883 : vector<16xi32>
          %parallel_loop3A_885 = arith.constant 0 : i32
          %parallel_loop3A_886 = vector.broadcast %parallel_loop3A_885 : i32 to vector<16xi32>
          %parallel_loop3A_887 = arith.muli %iota3A, %parallel_loop3A_886 : vector<16xi32>
          %parallel_loop3A_888 = vector.broadcast %parallel_loop3A_859 : i32 to vector<16xi32>
          %parallel_loop3A_889 = arith.addi %parallel_loop3A_887, %parallel_loop3A_888 : vector<16xi32>
          tpu.vector_store_idx %arg8[%parallel_loop3A_884, %parallel_loop3A_889], %parallel_loop3A_877 : memref<128x129xf32, #tpu.memory_space<vmem>>[vector<16xi32>, vector<16xi32>], vector<16xf32>,
          %parallel_loop3A_890 = arith.index_cast %parallel_loop3A_855 : i32 to index
          %parallel_loop3A_891 = arith.constant 32 : index
          %parallel_loop3A_892 = tpu.vector_load %arg6[%parallel_loop3A_890, %parallel_loop3A_891] {strides = array<i32>} : memref<256x64xf32, #tpu.memory_space<vmem>>, vector<16xf32>,
          %parallel_loop3A_893 = arith.constant 32 : i32
          %parallel_loop3A_894 = vector.broadcast %parallel_loop3A_893 : i32 to vector<16xi32>
          %parallel_loop3A_895 = arith.addi %parallel_loop3A_894, %iota3A : vector<16xi32>
          %parallel_loop3A_896 = arith.constant 64 : i32
          %parallel_loop3A_897 = arith.muli %parallel_loop3A_857, %parallel_loop3A_896 : i32
          %parallel_loop3A_898 = vector.broadcast %parallel_loop3A_897 : i32 to vector<16xi32>
          %parallel_loop3A_899 = arith.addi %parallel_loop3A_895, %parallel_loop3A_898 : vector<16xi32>
          %parallel_loop3A_900 = arith.constant 0 : i32
          %parallel_loop3A_901 = vector.broadcast %parallel_loop3A_900 : i32 to vector<16xi32>
          %parallel_loop3A_902 = arith.muli %iota3A, %parallel_loop3A_901 : vector<16xi32>
          %parallel_loop3A_903 = vector.broadcast %parallel_loop3A_859 : i32 to vector<16xi32>
          %parallel_loop3A_904 = arith.addi %parallel_loop3A_902, %parallel_loop3A_903 : vector<16xi32>
          tpu.vector_store_idx %arg8[%parallel_loop3A_899, %parallel_loop3A_904], %parallel_loop3A_892 : memref<128x129xf32, #tpu.memory_space<vmem>>[vector<16xi32>, vector<16xi32>], vector<16xf32>,
          %parallel_loop3A_905 = arith.index_cast %parallel_loop3A_855 : i32 to index
          %parallel_loop3A_906 = arith.constant 48 : index
          %parallel_loop3A_907 = tpu.vector_load %arg6[%parallel_loop3A_905, %parallel_loop3A_906] {strides = array<i32>} : memref<256x64xf32, #tpu.memory_space<vmem>>, vector<16xf32>,
          %parallel_loop3A_908 = arith.constant 48 : i32
          %parallel_loop3A_909 = vector.broadcast %parallel_loop3A_908 : i32 to vector<16xi32>
          %parallel_loop3A_910 = arith.addi %parallel_loop3A_909, %iota3A : vector<16xi32>
          %parallel_loop3A_911 = arith.constant 64 : i32
          %parallel_loop3A_912 = arith.muli %parallel_loop3A_857, %parallel_loop3A_911 : i32
          %parallel_loop3A_913 = vector.broadcast %parallel_loop3A_912 : i32 to vector<16xi32>
          %parallel_loop3A_914 = arith.addi %parallel_loop3A_910, %parallel_loop3A_913 : vector<16xi32>
          %parallel_loop3A_915 = arith.constant 0 : i32
          %parallel_loop3A_916 = vector.broadcast %parallel_loop3A_915 : i32 to vector<16xi32>
          %parallel_loop3A_917 = arith.muli %iota3A, %parallel_loop3A_916 : vector<16xi32>
          %parallel_loop3A_918 = vector.broadcast %parallel_loop3A_859 : i32 to vector<16xi32>
          %parallel_loop3A_919 = arith.addi %parallel_loop3A_917, %parallel_loop3A_918 : vector<16xi32>
          tpu.vector_store_idx %arg8[%parallel_loop3A_914, %parallel_loop3A_919], %parallel_loop3A_907 : memref<128x129xf32, #tpu.memory_space<vmem>>[vector<16xi32>, vector<16xi32>], vector<16xf32>,
        } {sc.loop_unroll_factor = 4 : i64, sc.parallel_access}
        %mul3A_581 = arith.constant 2 : i32
        %mul3A_582 = arith.muli %scan3A_538, %mul3A_581 : i32
        %add3A_583 = arith.constant 0 : i32
        %add3A_584 = arith.addi %mul3A_582, %add3A_583 : i32
        %dma_start3A_585 = arith.constant 0 : i32
        %dma_start3A_586 = arith.constant 0 : i32
        %dma_start3A_587 = arith.constant 0 : i32
        %dma_start3A_588 = tpu.memref_slice %arg8[%dma_start3A_586, %dma_start3A_587] : memref<128x129xf32, #tpu.memory_space<vmem>> -> memref<8x128xf32, #tpu.memory_space<vmem>>
        %dma_start3A_589 = arith.constant 0 : i32
        %dma_start3A_590 = arith.constant 0 : i32
        %dma_start3A_591 = tpu.memref_slice %arg4[%add3A_584, %dma_start3A_585, %add3A, %dma_start3A_589, %dma_start3A_590] : memref<50x8x32x8x128xf32, #tpu.memory_space<hbm>> -> memref<1x1x1x8x128xf32, #tpu.memory_space<hbm>>
        %dma_start3A_592 = tpu.memref_squeeze %dma_start3A_591 : memref<1x1x1x8x128xf32, #tpu.memory_space<hbm>> -> memref<8x128xf32, #tpu.memory_space<hbm>>
        %dma_start3A_593 = arith.constant 0 : i32
        %dma_start3A_594 = arith.constant 0 : i32
        %dma_start3A_595 = tpu.memref_slice %arg4[%add3A_584, %dma_start3A_585, %add3A, %dma_start3A_593, %dma_start3A_594] : memref<50x8x32x8x128xf32, #tpu.memory_space<hbm>> -> memref<1x1x1x8x128xf32, #tpu.memory_space<hbm>>
        %dma_start3A_596 = tpu.memref_squeeze %dma_start3A_595 : memref<1x1x1x8x128xf32, #tpu.memory_space<hbm>> -> memref<8x128xf32, #tpu.memory_space<hbm>>
        %dma_start3A_597 = arith.constant 0 : i32
        %dma_start3A_598 = arith.constant 0 : i32
        %dma_start3A_599 = tpu.memref_slice %arg8[%dma_start3A_597, %dma_start3A_598] : memref<128x129xf32, #tpu.memory_space<vmem>> -> memref<8x128xf32, #tpu.memory_space<vmem>>
        tpu.enqueue_dma source(%dma_start3A_599 : memref<8x128xf32, #tpu.memory_space<vmem>>) target(%dma_start3A_596 : memref<8x128xf32, #tpu.memory_space<hbm>>) target_semaphore(%arg12 : memref<!tpu.dma_semaphore, #tpu.memory_space<semaphore_mem>>)
        %add3A_600 = arith.constant 0 : i32
        %add3A_601 = arith.addi %mul3A_582, %add3A_600 : i32
        %dma_start3A_602 = arith.constant 1 : i32
        %dma_start3A_603 = arith.constant 8 : i32
        %dma_start3A_604 = arith.constant 0 : i32
        %dma_start3A_605 = tpu.memref_slice %arg8[%dma_start3A_603, %dma_start3A_604] : memref<128x129xf32, #tpu.memory_space<vmem>> -> memref<8x128xf32, #tpu.memory_space<vmem>>
        %dma_start3A_606 = arith.constant 0 : i32
        %dma_start3A_607 = arith.constant 0 : i32
        %dma_start3A_608 = tpu.memref_slice %arg4[%add3A_601, %dma_start3A_602, %add3A, %dma_start3A_606, %dma_start3A_607] : memref<50x8x32x8x128xf32, #tpu.memory_space<hbm>> -> memref<1x1x1x8x128xf32, #tpu.memory_space<hbm>>
        %dma_start3A_609 = tpu.memref_squeeze %dma_start3A_608 : memref<1x1x1x8x128xf32, #tpu.memory_space<hbm>> -> memref<8x128xf32, #tpu.memory_space<hbm>>
        %dma_start3A_610 = arith.constant 0 : i32
        %dma_start3A_611 = arith.constant 0 : i32
        %dma_start3A_612 = tpu.memref_slice %arg4[%add3A_601, %dma_start3A_602, %add3A, %dma_start3A_610, %dma_start3A_611] : memref<50x8x32x8x128xf32, #tpu.memory_space<hbm>> -> memref<1x1x1x8x128xf32, #tpu.memory_space<hbm>>
        %dma_start3A_613 = tpu.memref_squeeze %dma_start3A_612 : memref<1x1x1x8x128xf32, #tpu.memory_space<hbm>> -> memref<8x128xf32, #tpu.memory_space<hbm>>
        %dma_start3A_614 = arith.constant 8 : i32
        %dma_start3A_615 = arith.constant 0 : i32
        %dma_start3A_616 = tpu.memref_slice %arg8[%dma_start3A_614, %dma_start3A_615] : memref<128x129xf32, #tpu.memory_space<vmem>> -> memref<8x128xf32, #tpu.memory_space<vmem>>
        tpu.enqueue_dma source(%dma_start3A_616 : memref<8x128xf32, #tpu.memory_space<vmem>>) target(%dma_start3A_613 : memref<8x128xf32, #tpu.memory_space<hbm>>) target_semaphore(%arg12 : memref<!tpu.dma_semaphore, #tpu.memory_space<semaphore_mem>>)
        %add3A_617 = arith.constant 0 : i32
        %add3A_618 = arith.addi %mul3A_582, %add3A_617 : i32
        %dma_start3A_619 = arith.constant 2 : i32
        %dma_start3A_620 = arith.constant 16 : i32
        %dma_start3A_621 = arith.constant 0 : i32
        %dma_start3A_622 = tpu.memref_slice %arg8[%dma_start3A_620, %dma_start3A_621] : memref<128x129xf32, #tpu.memory_space<vmem>> -> memref<8x128xf32, #tpu.memory_space<vmem>>
        %dma_start3A_623 = arith.constant 0 : i32
        %dma_start3A_624 = arith.constant 0 : i32
        %dma_start3A_625 = tpu.memref_slice %arg4[%add3A_618, %dma_start3A_619, %add3A, %dma_start3A_623, %dma_start3A_624] : memref<50x8x32x8x128xf32, #tpu.memory_space<hbm>> -> memref<1x1x1x8x128xf32, #tpu.memory_space<hbm>>
        %dma_start3A_626 = tpu.memref_squeeze %dma_start3A_625 : memref<1x1x1x8x128xf32, #tpu.memory_space<hbm>> -> memref<8x128xf32, #tpu.memory_space<hbm>>
        %dma_start3A_627 = arith.constant 0 : i32
        %dma_start3A_628 = arith.constant 0 : i32
        %dma_start3A_629 = tpu.memref_slice %arg4[%add3A_618, %dma_start3A_619, %add3A, %dma_start3A_627, %dma_start3A_628] : memref<50x8x32x8x128xf32, #tpu.memory_space<hbm>> -> memref<1x1x1x8x128xf32, #tpu.memory_space<hbm>>
        %dma_start3A_630 = tpu.memref_squeeze %dma_start3A_629 : memref<1x1x1x8x128xf32, #tpu.memory_space<hbm>> -> memref<8x128xf32, #tpu.memory_space<hbm>>
        %dma_start3A_631 = arith.constant 16 : i32
        %dma_start3A_632 = arith.constant 0 : i32
        %dma_start3A_633 = tpu.memref_slice %arg8[%dma_start3A_631, %dma_start3A_632] : memref<128x129xf32, #tpu.memory_space<vmem>> -> memref<8x128xf32, #tpu.memory_space<vmem>>
        tpu.enqueue_dma source(%dma_start3A_633 : memref<8x128xf32, #tpu.memory_space<vmem>>) target(%dma_start3A_630 : memref<8x128xf32, #tpu.memory_space<hbm>>) target_semaphore(%arg12 : memref<!tpu.dma_semaphore, #tpu.memory_space<semaphore_mem>>)
        %add3A_634 = arith.constant 0 : i32
        %add3A_635 = arith.addi %mul3A_582, %add3A_634 : i32
        %dma_start3A_636 = arith.constant 3 : i32
        %dma_start3A_637 = arith.constant 24 : i32
        %dma_start3A_638 = arith.constant 0 : i32
        %dma_start3A_639 = tpu.memref_slice %arg8[%dma_start3A_637, %dma_start3A_638] : memref<128x129xf32, #tpu.memory_space<vmem>> -> memref<8x128xf32, #tpu.memory_space<vmem>>
        %dma_start3A_640 = arith.constant 0 : i32
        %dma_start3A_641 = arith.constant 0 : i32
        %dma_start3A_642 = tpu.memref_slice %arg4[%add3A_635, %dma_start3A_636, %add3A, %dma_start3A_640, %dma_start3A_641] : memref<50x8x32x8x128xf32, #tpu.memory_space<hbm>> -> memref<1x1x1x8x128xf32, #tpu.memory_space<hbm>>
        %dma_start3A_643 = tpu.memref_squeeze %dma_start3A_642 : memref<1x1x1x8x128xf32, #tpu.memory_space<hbm>> -> memref<8x128xf32, #tpu.memory_space<hbm>>
        %dma_start3A_644 = arith.constant 0 : i32
        %dma_start3A_645 = arith.constant 0 : i32
        %dma_start3A_646 = tpu.memref_slice %arg4[%add3A_635, %dma_start3A_636, %add3A, %dma_start3A_644, %dma_start3A_645] : memref<50x8x32x8x128xf32, #tpu.memory_space<hbm>> -> memref<1x1x1x8x128xf32, #tpu.memory_space<hbm>>
        %dma_start3A_647 = tpu.memref_squeeze %dma_start3A_646 : memref<1x1x1x8x128xf32, #tpu.memory_space<hbm>> -> memref<8x128xf32, #tpu.memory_space<hbm>>
        %dma_start3A_648 = arith.constant 24 : i32
        %dma_start3A_649 = arith.constant 0 : i32
        %dma_start3A_650 = tpu.memref_slice %arg8[%dma_start3A_648, %dma_start3A_649] : memref<128x129xf32, #tpu.memory_space<vmem>> -> memref<8x128xf32, #tpu.memory_space<vmem>>
        tpu.enqueue_dma source(%dma_start3A_650 : memref<8x128xf32, #tpu.memory_space<vmem>>) target(%dma_start3A_647 : memref<8x128xf32, #tpu.memory_space<hbm>>) target_semaphore(%arg12 : memref<!tpu.dma_semaphore, #tpu.memory_space<semaphore_mem>>)
        %add3A_651 = arith.constant 0 : i32
        %add3A_652 = arith.addi %mul3A_582, %add3A_651 : i32
        %dma_start3A_653 = arith.constant 4 : i32
        %dma_start3A_654 = arith.constant 32 : i32
        %dma_start3A_655 = arith.constant 0 : i32
        %dma_start3A_656 = tpu.memref_slice %arg8[%dma_start3A_654, %dma_start3A_655] : memref<128x129xf32, #tpu.memory_space<vmem>> -> memref<8x128xf32, #tpu.memory_space<vmem>>
        %dma_start3A_657 = arith.constant 0 : i32
        %dma_start3A_658 = arith.constant 0 : i32
        %dma_start3A_659 = tpu.memref_slice %arg4[%add3A_652, %dma_start3A_653, %add3A, %dma_start3A_657, %dma_start3A_658] : memref<50x8x32x8x128xf32, #tpu.memory_space<hbm>> -> memref<1x1x1x8x128xf32, #tpu.memory_space<hbm>>
        %dma_start3A_660 = tpu.memref_squeeze %dma_start3A_659 : memref<1x1x1x8x128xf32, #tpu.memory_space<hbm>> -> memref<8x128xf32, #tpu.memory_space<hbm>>
        %dma_start3A_661 = arith.constant 0 : i32
        %dma_start3A_662 = arith.constant 0 : i32
        %dma_start3A_663 = tpu.memref_slice %arg4[%add3A_652, %dma_start3A_653, %add3A, %dma_start3A_661, %dma_start3A_662] : memref<50x8x32x8x128xf32, #tpu.memory_space<hbm>> -> memref<1x1x1x8x128xf32, #tpu.memory_space<hbm>>
        %dma_start3A_664 = tpu.memref_squeeze %dma_start3A_663 : memref<1x1x1x8x128xf32, #tpu.memory_space<hbm>> -> memref<8x128xf32, #tpu.memory_space<hbm>>
        %dma_start3A_665 = arith.constant 32 : i32
        %dma_start3A_666 = arith.constant 0 : i32
        %dma_start3A_667 = tpu.memref_slice %arg8[%dma_start3A_665, %dma_start3A_666] : memref<128x129xf32, #tpu.memory_space<vmem>> -> memref<8x128xf32, #tpu.memory_space<vmem>>
        tpu.enqueue_dma source(%dma_start3A_667 : memref<8x128xf32, #tpu.memory_space<vmem>>) target(%dma_start3A_664 : memref<8x128xf32, #tpu.memory_space<hbm>>) target_semaphore(%arg12 : memref<!tpu.dma_semaphore, #tpu.memory_space<semaphore_mem>>)
        %add3A_668 = arith.constant 0 : i32
        %add3A_669 = arith.addi %mul3A_582, %add3A_668 : i32
        %dma_start3A_670 = arith.constant 5 : i32
        %dma_start3A_671 = arith.constant 40 : i32
        %dma_start3A_672 = arith.constant 0 : i32
        %dma_start3A_673 = tpu.memref_slice %arg8[%dma_start3A_671, %dma_start3A_672] : memref<128x129xf32, #tpu.memory_space<vmem>> -> memref<8x128xf32, #tpu.memory_space<vmem>>
        %dma_start3A_674 = arith.constant 0 : i32
        %dma_start3A_675 = arith.constant 0 : i32
        %dma_start3A_676 = tpu.memref_slice %arg4[%add3A_669, %dma_start3A_670, %add3A, %dma_start3A_674, %dma_start3A_675] : memref<50x8x32x8x128xf32, #tpu.memory_space<hbm>> -> memref<1x1x1x8x128xf32, #tpu.memory_space<hbm>>
        %dma_start3A_677 = tpu.memref_squeeze %dma_start3A_676 : memref<1x1x1x8x128xf32, #tpu.memory_space<hbm>> -> memref<8x128xf32, #tpu.memory_space<hbm>>
        %dma_start3A_678 = arith.constant 0 : i32
        %dma_start3A_679 = arith.constant 0 : i32
        %dma_start3A_680 = tpu.memref_slice %arg4[%add3A_669, %dma_start3A_670, %add3A, %dma_start3A_678, %dma_start3A_679] : memref<50x8x32x8x128xf32, #tpu.memory_space<hbm>> -> memref<1x1x1x8x128xf32, #tpu.memory_space<hbm>>
        %dma_start3A_681 = tpu.memref_squeeze %dma_start3A_680 : memref<1x1x1x8x128xf32, #tpu.memory_space<hbm>> -> memref<8x128xf32, #tpu.memory_space<hbm>>
        %dma_start3A_682 = arith.constant 40 : i32
        %dma_start3A_683 = arith.constant 0 : i32
        %dma_start3A_684 = tpu.memref_slice %arg8[%dma_start3A_682, %dma_start3A_683] : memref<128x129xf32, #tpu.memory_space<vmem>> -> memref<8x128xf32, #tpu.memory_space<vmem>>
        tpu.enqueue_dma source(%dma_start3A_684 : memref<8x128xf32, #tpu.memory_space<vmem>>) target(%dma_start3A_681 : memref<8x128xf32, #tpu.memory_space<hbm>>) target_semaphore(%arg12 : memref<!tpu.dma_semaphore, #tpu.memory_space<semaphore_mem>>)
        %add3A_685 = arith.constant 0 : i32
        %add3A_686 = arith.addi %mul3A_582, %add3A_685 : i32
        %dma_start3A_687 = arith.constant 6 : i32
        %dma_start3A_688 = arith.constant 48 : i32
        %dma_start3A_689 = arith.constant 0 : i32
        %dma_start3A_690 = tpu.memref_slice %arg8[%dma_start3A_688, %dma_start3A_689] : memref<128x129xf32, #tpu.memory_space<vmem>> -> memref<8x128xf32, #tpu.memory_space<vmem>>
        %dma_start3A_691 = arith.constant 0 : i32
        %dma_start3A_692 = arith.constant 0 : i32
        %dma_start3A_693 = tpu.memref_slice %arg4[%add3A_686, %dma_start3A_687, %add3A, %dma_start3A_691, %dma_start3A_692] : memref<50x8x32x8x128xf32, #tpu.memory_space<hbm>> -> memref<1x1x1x8x128xf32, #tpu.memory_space<hbm>>
        %dma_start3A_694 = tpu.memref_squeeze %dma_start3A_693 : memref<1x1x1x8x128xf32, #tpu.memory_space<hbm>> -> memref<8x128xf32, #tpu.memory_space<hbm>>
        %dma_start3A_695 = arith.constant 0 : i32
        %dma_start3A_696 = arith.constant 0 : i32
        %dma_start3A_697 = tpu.memref_slice %arg4[%add3A_686, %dma_start3A_687, %add3A, %dma_start3A_695, %dma_start3A_696] : memref<50x8x32x8x128xf32, #tpu.memory_space<hbm>> -> memref<1x1x1x8x128xf32, #tpu.memory_space<hbm>>
        %dma_start3A_698 = tpu.memref_squeeze %dma_start3A_697 : memref<1x1x1x8x128xf32, #tpu.memory_space<hbm>> -> memref<8x128xf32, #tpu.memory_space<hbm>>
        %dma_start3A_699 = arith.constant 48 : i32
        %dma_start3A_700 = arith.constant 0 : i32
        %dma_start3A_701 = tpu.memref_slice %arg8[%dma_start3A_699, %dma_start3A_700] : memref<128x129xf32, #tpu.memory_space<vmem>> -> memref<8x128xf32, #tpu.memory_space<vmem>>
        tpu.enqueue_dma source(%dma_start3A_701 : memref<8x128xf32, #tpu.memory_space<vmem>>) target(%dma_start3A_698 : memref<8x128xf32, #tpu.memory_space<hbm>>) target_semaphore(%arg12 : memref<!tpu.dma_semaphore, #tpu.memory_space<semaphore_mem>>)
        %add3A_702 = arith.constant 0 : i32
        %add3A_703 = arith.addi %mul3A_582, %add3A_702 : i32
        %dma_start3A_704 = arith.constant 7 : i32
        %dma_start3A_705 = arith.constant 56 : i32
        %dma_start3A_706 = arith.constant 0 : i32
        %dma_start3A_707 = tpu.memref_slice %arg8[%dma_start3A_705, %dma_start3A_706] : memref<128x129xf32, #tpu.memory_space<vmem>> -> memref<8x128xf32, #tpu.memory_space<vmem>>
        %dma_start3A_708 = arith.constant 0 : i32
        %dma_start3A_709 = arith.constant 0 : i32
        %dma_start3A_710 = tpu.memref_slice %arg4[%add3A_703, %dma_start3A_704, %add3A, %dma_start3A_708, %dma_start3A_709] : memref<50x8x32x8x128xf32, #tpu.memory_space<hbm>> -> memref<1x1x1x8x128xf32, #tpu.memory_space<hbm>>
        %dma_start3A_711 = tpu.memref_squeeze %dma_start3A_710 : memref<1x1x1x8x128xf32, #tpu.memory_space<hbm>> -> memref<8x128xf32, #tpu.memory_space<hbm>>
        %dma_start3A_712 = arith.constant 0 : i32
        %dma_start3A_713 = arith.constant 0 : i32
        %dma_start3A_714 = tpu.memref_slice %arg4[%add3A_703, %dma_start3A_704, %add3A, %dma_start3A_712, %dma_start3A_713] : memref<50x8x32x8x128xf32, #tpu.memory_space<hbm>> -> memref<1x1x1x8x128xf32, #tpu.memory_space<hbm>>
        %dma_start3A_715 = tpu.memref_squeeze %dma_start3A_714 : memref<1x1x1x8x128xf32, #tpu.memory_space<hbm>> -> memref<8x128xf32, #tpu.memory_space<hbm>>
        %dma_start3A_716 = arith.constant 56 : i32
        %dma_start3A_717 = arith.constant 0 : i32
        %dma_start3A_718 = tpu.memref_slice %arg8[%dma_start3A_716, %dma_start3A_717] : memref<128x129xf32, #tpu.memory_space<vmem>> -> memref<8x128xf32, #tpu.memory_space<vmem>>
        tpu.enqueue_dma source(%dma_start3A_718 : memref<8x128xf32, #tpu.memory_space<vmem>>) target(%dma_start3A_715 : memref<8x128xf32, #tpu.memory_space<hbm>>) target_semaphore(%arg12 : memref<!tpu.dma_semaphore, #tpu.memory_space<semaphore_mem>>)
        %add3A_719 = arith.constant 1 : i32
        %add3A_720 = arith.addi %mul3A_582, %add3A_719 : i32
        %dma_start3A_721 = arith.constant 0 : i32
        %dma_start3A_722 = arith.constant 64 : i32
        %dma_start3A_723 = arith.constant 0 : i32
        %dma_start3A_724 = tpu.memref_slice %arg8[%dma_start3A_722, %dma_start3A_723] : memref<128x129xf32, #tpu.memory_space<vmem>> -> memref<8x128xf32, #tpu.memory_space<vmem>>
        %dma_start3A_725 = arith.constant 0 : i32
        %dma_start3A_726 = arith.constant 0 : i32
        %dma_start3A_727 = tpu.memref_slice %arg4[%add3A_720, %dma_start3A_721, %add3A, %dma_start3A_725, %dma_start3A_726] : memref<50x8x32x8x128xf32, #tpu.memory_space<hbm>> -> memref<1x1x1x8x128xf32, #tpu.memory_space<hbm>>
        %dma_start3A_728 = tpu.memref_squeeze %dma_start3A_727 : memref<1x1x1x8x128xf32, #tpu.memory_space<hbm>> -> memref<8x128xf32, #tpu.memory_space<hbm>>
        %dma_start3A_729 = arith.constant 0 : i32
        %dma_start3A_730 = arith.constant 0 : i32
        %dma_start3A_731 = tpu.memref_slice %arg4[%add3A_720, %dma_start3A_721, %add3A, %dma_start3A_729, %dma_start3A_730] : memref<50x8x32x8x128xf32, #tpu.memory_space<hbm>> -> memref<1x1x1x8x128xf32, #tpu.memory_space<hbm>>
        %dma_start3A_732 = tpu.memref_squeeze %dma_start3A_731 : memref<1x1x1x8x128xf32, #tpu.memory_space<hbm>> -> memref<8x128xf32, #tpu.memory_space<hbm>>
        %dma_start3A_733 = arith.constant 64 : i32
        %dma_start3A_734 = arith.constant 0 : i32
        %dma_start3A_735 = tpu.memref_slice %arg8[%dma_start3A_733, %dma_start3A_734] : memref<128x129xf32, #tpu.memory_space<vmem>> -> memref<8x128xf32, #tpu.memory_space<vmem>>
        tpu.enqueue_dma source(%dma_start3A_735 : memref<8x128xf32, #tpu.memory_space<vmem>>) target(%dma_start3A_732 : memref<8x128xf32, #tpu.memory_space<hbm>>) target_semaphore(%arg12 : memref<!tpu.dma_semaphore, #tpu.memory_space<semaphore_mem>>)
        %add3A_736 = arith.constant 1 : i32
        %add3A_737 = arith.addi %mul3A_582, %add3A_736 : i32
        %dma_start3A_738 = arith.constant 1 : i32
        %dma_start3A_739 = arith.constant 72 : i32
        %dma_start3A_740 = arith.constant 0 : i32
        %dma_start3A_741 = tpu.memref_slice %arg8[%dma_start3A_739, %dma_start3A_740] : memref<128x129xf32, #tpu.memory_space<vmem>> -> memref<8x128xf32, #tpu.memory_space<vmem>>
        %dma_start3A_742 = arith.constant 0 : i32
        %dma_start3A_743 = arith.constant 0 : i32
        %dma_start3A_744 = tpu.memref_slice %arg4[%add3A_737, %dma_start3A_738, %add3A, %dma_start3A_742, %dma_start3A_743] : memref<50x8x32x8x128xf32, #tpu.memory_space<hbm>> -> memref<1x1x1x8x128xf32, #tpu.memory_space<hbm>>
        %dma_start3A_745 = tpu.memref_squeeze %dma_start3A_744 : memref<1x1x1x8x128xf32, #tpu.memory_space<hbm>> -> memref<8x128xf32, #tpu.memory_space<hbm>>
        %dma_start3A_746 = arith.constant 0 : i32
        %dma_start3A_747 = arith.constant 0 : i32
        %dma_start3A_748 = tpu.memref_slice %arg4[%add3A_737, %dma_start3A_738, %add3A, %dma_start3A_746, %dma_start3A_747] : memref<50x8x32x8x128xf32, #tpu.memory_space<hbm>> -> memref<1x1x1x8x128xf32, #tpu.memory_space<hbm>>
        %dma_start3A_749 = tpu.memref_squeeze %dma_start3A_748 : memref<1x1x1x8x128xf32, #tpu.memory_space<hbm>> -> memref<8x128xf32, #tpu.memory_space<hbm>>
        %dma_start3A_750 = arith.constant 72 : i32
        %dma_start3A_751 = arith.constant 0 : i32
        %dma_start3A_752 = tpu.memref_slice %arg8[%dma_start3A_750, %dma_start3A_751] : memref<128x129xf32, #tpu.memory_space<vmem>> -> memref<8x128xf32, #tpu.memory_space<vmem>>
        tpu.enqueue_dma source(%dma_start3A_752 : memref<8x128xf32, #tpu.memory_space<vmem>>) target(%dma_start3A_749 : memref<8x128xf32, #tpu.memory_space<hbm>>) target_semaphore(%arg12 : memref<!tpu.dma_semaphore, #tpu.memory_space<semaphore_mem>>)
        %add3A_753 = arith.constant 1 : i32
        %add3A_754 = arith.addi %mul3A_582, %add3A_753 : i32
        %dma_start3A_755 = arith.constant 2 : i32
        %dma_start3A_756 = arith.constant 80 : i32
        %dma_start3A_757 = arith.constant 0 : i32
        %dma_start3A_758 = tpu.memref_slice %arg8[%dma_start3A_756, %dma_start3A_757] : memref<128x129xf32, #tpu.memory_space<vmem>> -> memref<8x128xf32, #tpu.memory_space<vmem>>
        %dma_start3A_759 = arith.constant 0 : i32
        %dma_start3A_760 = arith.constant 0 : i32
        %dma_start3A_761 = tpu.memref_slice %arg4[%add3A_754, %dma_start3A_755, %add3A, %dma_start3A_759, %dma_start3A_760] : memref<50x8x32x8x128xf32, #tpu.memory_space<hbm>> -> memref<1x1x1x8x128xf32, #tpu.memory_space<hbm>>
        %dma_start3A_762 = tpu.memref_squeeze %dma_start3A_761 : memref<1x1x1x8x128xf32, #tpu.memory_space<hbm>> -> memref<8x128xf32, #tpu.memory_space<hbm>>
        %dma_start3A_763 = arith.constant 0 : i32
        %dma_start3A_764 = arith.constant 0 : i32
        %dma_start3A_765 = tpu.memref_slice %arg4[%add3A_754, %dma_start3A_755, %add3A, %dma_start3A_763, %dma_start3A_764] : memref<50x8x32x8x128xf32, #tpu.memory_space<hbm>> -> memref<1x1x1x8x128xf32, #tpu.memory_space<hbm>>
        %dma_start3A_766 = tpu.memref_squeeze %dma_start3A_765 : memref<1x1x1x8x128xf32, #tpu.memory_space<hbm>> -> memref<8x128xf32, #tpu.memory_space<hbm>>
        %dma_start3A_767 = arith.constant 80 : i32
        %dma_start3A_768 = arith.constant 0 : i32
        %dma_start3A_769 = tpu.memref_slice %arg8[%dma_start3A_767, %dma_start3A_768] : memref<128x129xf32, #tpu.memory_space<vmem>> -> memref<8x128xf32, #tpu.memory_space<vmem>>
        tpu.enqueue_dma source(%dma_start3A_769 : memref<8x128xf32, #tpu.memory_space<vmem>>) target(%dma_start3A_766 : memref<8x128xf32, #tpu.memory_space<hbm>>) target_semaphore(%arg12 : memref<!tpu.dma_semaphore, #tpu.memory_space<semaphore_mem>>)
        %add3A_770 = arith.constant 1 : i32
        %add3A_771 = arith.addi %mul3A_582, %add3A_770 : i32
        %dma_start3A_772 = arith.constant 3 : i32
        %dma_start3A_773 = arith.constant 88 : i32
        %dma_start3A_774 = arith.constant 0 : i32
        %dma_start3A_775 = tpu.memref_slice %arg8[%dma_start3A_773, %dma_start3A_774] : memref<128x129xf32, #tpu.memory_space<vmem>> -> memref<8x128xf32, #tpu.memory_space<vmem>>
        %dma_start3A_776 = arith.constant 0 : i32
        %dma_start3A_777 = arith.constant 0 : i32
        %dma_start3A_778 = tpu.memref_slice %arg4[%add3A_771, %dma_start3A_772, %add3A, %dma_start3A_776, %dma_start3A_777] : memref<50x8x32x8x128xf32, #tpu.memory_space<hbm>> -> memref<1x1x1x8x128xf32, #tpu.memory_space<hbm>>
        %dma_start3A_779 = tpu.memref_squeeze %dma_start3A_778 : memref<1x1x1x8x128xf32, #tpu.memory_space<hbm>> -> memref<8x128xf32, #tpu.memory_space<hbm>>
        %dma_start3A_780 = arith.constant 0 : i32
        %dma_start3A_781 = arith.constant 0 : i32
        %dma_start3A_782 = tpu.memref_slice %arg4[%add3A_771, %dma_start3A_772, %add3A, %dma_start3A_780, %dma_start3A_781] : memref<50x8x32x8x128xf32, #tpu.memory_space<hbm>> -> memref<1x1x1x8x128xf32, #tpu.memory_space<hbm>>
        %dma_start3A_783 = tpu.memref_squeeze %dma_start3A_782 : memref<1x1x1x8x128xf32, #tpu.memory_space<hbm>> -> memref<8x128xf32, #tpu.memory_space<hbm>>
        %dma_start3A_784 = arith.constant 88 : i32
        %dma_start3A_785 = arith.constant 0 : i32
        %dma_start3A_786 = tpu.memref_slice %arg8[%dma_start3A_784, %dma_start3A_785] : memref<128x129xf32, #tpu.memory_space<vmem>> -> memref<8x128xf32, #tpu.memory_space<vmem>>
        tpu.enqueue_dma source(%dma_start3A_786 : memref<8x128xf32, #tpu.memory_space<vmem>>) target(%dma_start3A_783 : memref<8x128xf32, #tpu.memory_space<hbm>>) target_semaphore(%arg12 : memref<!tpu.dma_semaphore, #tpu.memory_space<semaphore_mem>>)
        %add3A_787 = arith.constant 1 : i32
        %add3A_788 = arith.addi %mul3A_582, %add3A_787 : i32
        %dma_start3A_789 = arith.constant 4 : i32
        %dma_start3A_790 = arith.constant 96 : i32
        %dma_start3A_791 = arith.constant 0 : i32
        %dma_start3A_792 = tpu.memref_slice %arg8[%dma_start3A_790, %dma_start3A_791] : memref<128x129xf32, #tpu.memory_space<vmem>> -> memref<8x128xf32, #tpu.memory_space<vmem>>
        %dma_start3A_793 = arith.constant 0 : i32
        %dma_start3A_794 = arith.constant 0 : i32
        %dma_start3A_795 = tpu.memref_slice %arg4[%add3A_788, %dma_start3A_789, %add3A, %dma_start3A_793, %dma_start3A_794] : memref<50x8x32x8x128xf32, #tpu.memory_space<hbm>> -> memref<1x1x1x8x128xf32, #tpu.memory_space<hbm>>
        %dma_start3A_796 = tpu.memref_squeeze %dma_start3A_795 : memref<1x1x1x8x128xf32, #tpu.memory_space<hbm>> -> memref<8x128xf32, #tpu.memory_space<hbm>>
        %dma_start3A_797 = arith.constant 0 : i32
        %dma_start3A_798 = arith.constant 0 : i32
        %dma_start3A_799 = tpu.memref_slice %arg4[%add3A_788, %dma_start3A_789, %add3A, %dma_start3A_797, %dma_start3A_798] : memref<50x8x32x8x128xf32, #tpu.memory_space<hbm>> -> memref<1x1x1x8x128xf32, #tpu.memory_space<hbm>>
        %dma_start3A_800 = tpu.memref_squeeze %dma_start3A_799 : memref<1x1x1x8x128xf32, #tpu.memory_space<hbm>> -> memref<8x128xf32, #tpu.memory_space<hbm>>
        %dma_start3A_801 = arith.constant 96 : i32
        %dma_start3A_802 = arith.constant 0 : i32
        %dma_start3A_803 = tpu.memref_slice %arg8[%dma_start3A_801, %dma_start3A_802] : memref<128x129xf32, #tpu.memory_space<vmem>> -> memref<8x128xf32, #tpu.memory_space<vmem>>
        tpu.enqueue_dma source(%dma_start3A_803 : memref<8x128xf32, #tpu.memory_space<vmem>>) target(%dma_start3A_800 : memref<8x128xf32, #tpu.memory_space<hbm>>) target_semaphore(%arg12 : memref<!tpu.dma_semaphore, #tpu.memory_space<semaphore_mem>>)
        %add3A_804 = arith.constant 1 : i32
        %add3A_805 = arith.addi %mul3A_582, %add3A_804 : i32
        %dma_start3A_806 = arith.constant 5 : i32
        %dma_start3A_807 = arith.constant 104 : i32
        %dma_start3A_808 = arith.constant 0 : i32
        %dma_start3A_809 = tpu.memref_slice %arg8[%dma_start3A_807, %dma_start3A_808] : memref<128x129xf32, #tpu.memory_space<vmem>> -> memref<8x128xf32, #tpu.memory_space<vmem>>
        %dma_start3A_810 = arith.constant 0 : i32
        %dma_start3A_811 = arith.constant 0 : i32
        %dma_start3A_812 = tpu.memref_slice %arg4[%add3A_805, %dma_start3A_806, %add3A, %dma_start3A_810, %dma_start3A_811] : memref<50x8x32x8x128xf32, #tpu.memory_space<hbm>> -> memref<1x1x1x8x128xf32, #tpu.memory_space<hbm>>
        %dma_start3A_813 = tpu.memref_squeeze %dma_start3A_812 : memref<1x1x1x8x128xf32, #tpu.memory_space<hbm>> -> memref<8x128xf32, #tpu.memory_space<hbm>>
        %dma_start3A_814 = arith.constant 0 : i32
        %dma_start3A_815 = arith.constant 0 : i32
        %dma_start3A_816 = tpu.memref_slice %arg4[%add3A_805, %dma_start3A_806, %add3A, %dma_start3A_814, %dma_start3A_815] : memref<50x8x32x8x128xf32, #tpu.memory_space<hbm>> -> memref<1x1x1x8x128xf32, #tpu.memory_space<hbm>>
        %dma_start3A_817 = tpu.memref_squeeze %dma_start3A_816 : memref<1x1x1x8x128xf32, #tpu.memory_space<hbm>> -> memref<8x128xf32, #tpu.memory_space<hbm>>
        %dma_start3A_818 = arith.constant 104 : i32
        %dma_start3A_819 = arith.constant 0 : i32
        %dma_start3A_820 = tpu.memref_slice %arg8[%dma_start3A_818, %dma_start3A_819] : memref<128x129xf32, #tpu.memory_space<vmem>> -> memref<8x128xf32, #tpu.memory_space<vmem>>
        tpu.enqueue_dma source(%dma_start3A_820 : memref<8x128xf32, #tpu.memory_space<vmem>>) target(%dma_start3A_817 : memref<8x128xf32, #tpu.memory_space<hbm>>) target_semaphore(%arg12 : memref<!tpu.dma_semaphore, #tpu.memory_space<semaphore_mem>>)
        %add3A_821 = arith.constant 1 : i32
        %add3A_822 = arith.addi %mul3A_582, %add3A_821 : i32
        %dma_start3A_823 = arith.constant 6 : i32
        %dma_start3A_824 = arith.constant 112 : i32
        %dma_start3A_825 = arith.constant 0 : i32
        %dma_start3A_826 = tpu.memref_slice %arg8[%dma_start3A_824, %dma_start3A_825] : memref<128x129xf32, #tpu.memory_space<vmem>> -> memref<8x128xf32, #tpu.memory_space<vmem>>
        %dma_start3A_827 = arith.constant 0 : i32
        %dma_start3A_828 = arith.constant 0 : i32
        %dma_start3A_829 = tpu.memref_slice %arg4[%add3A_822, %dma_start3A_823, %add3A, %dma_start3A_827, %dma_start3A_828] : memref<50x8x32x8x128xf32, #tpu.memory_space<hbm>> -> memref<1x1x1x8x128xf32, #tpu.memory_space<hbm>>
        %dma_start3A_830 = tpu.memref_squeeze %dma_start3A_829 : memref<1x1x1x8x128xf32, #tpu.memory_space<hbm>> -> memref<8x128xf32, #tpu.memory_space<hbm>>
        %dma_start3A_831 = arith.constant 0 : i32
        %dma_start3A_832 = arith.constant 0 : i32
        %dma_start3A_833 = tpu.memref_slice %arg4[%add3A_822, %dma_start3A_823, %add3A, %dma_start3A_831, %dma_start3A_832] : memref<50x8x32x8x128xf32, #tpu.memory_space<hbm>> -> memref<1x1x1x8x128xf32, #tpu.memory_space<hbm>>
        %dma_start3A_834 = tpu.memref_squeeze %dma_start3A_833 : memref<1x1x1x8x128xf32, #tpu.memory_space<hbm>> -> memref<8x128xf32, #tpu.memory_space<hbm>>
        %dma_start3A_835 = arith.constant 112 : i32
        %dma_start3A_836 = arith.constant 0 : i32
        %dma_start3A_837 = tpu.memref_slice %arg8[%dma_start3A_835, %dma_start3A_836] : memref<128x129xf32, #tpu.memory_space<vmem>> -> memref<8x128xf32, #tpu.memory_space<vmem>>
        tpu.enqueue_dma source(%dma_start3A_837 : memref<8x128xf32, #tpu.memory_space<vmem>>) target(%dma_start3A_834 : memref<8x128xf32, #tpu.memory_space<hbm>>) target_semaphore(%arg12 : memref<!tpu.dma_semaphore, #tpu.memory_space<semaphore_mem>>)
        %add3A_838 = arith.constant 1 : i32
        %add3A_839 = arith.addi %mul3A_582, %add3A_838 : i32
        %dma_start3A_840 = arith.constant 7 : i32
        %dma_start3A_841 = arith.constant 120 : i32
        %dma_start3A_842 = arith.constant 0 : i32
        %dma_start3A_843 = tpu.memref_slice %arg8[%dma_start3A_841, %dma_start3A_842] : memref<128x129xf32, #tpu.memory_space<vmem>> -> memref<8x128xf32, #tpu.memory_space<vmem>>
        %dma_start3A_844 = arith.constant 0 : i32
        %dma_start3A_845 = arith.constant 0 : i32
        %dma_start3A_846 = tpu.memref_slice %arg4[%add3A_839, %dma_start3A_840, %add3A, %dma_start3A_844, %dma_start3A_845] : memref<50x8x32x8x128xf32, #tpu.memory_space<hbm>> -> memref<1x1x1x8x128xf32, #tpu.memory_space<hbm>>
        %dma_start3A_847 = tpu.memref_squeeze %dma_start3A_846 : memref<1x1x1x8x128xf32, #tpu.memory_space<hbm>> -> memref<8x128xf32, #tpu.memory_space<hbm>>
        %dma_start3A_848 = arith.constant 0 : i32
        %dma_start3A_849 = arith.constant 0 : i32
        %dma_start3A_850 = tpu.memref_slice %arg4[%add3A_839, %dma_start3A_840, %add3A, %dma_start3A_848, %dma_start3A_849] : memref<50x8x32x8x128xf32, #tpu.memory_space<hbm>> -> memref<1x1x1x8x128xf32, #tpu.memory_space<hbm>>
        %dma_start3A_851 = tpu.memref_squeeze %dma_start3A_850 : memref<1x1x1x8x128xf32, #tpu.memory_space<hbm>> -> memref<8x128xf32, #tpu.memory_space<hbm>>
        %dma_start3A_852 = arith.constant 120 : i32
        %dma_start3A_853 = arith.constant 0 : i32
        %dma_start3A_854 = tpu.memref_slice %arg8[%dma_start3A_852, %dma_start3A_853] : memref<128x129xf32, #tpu.memory_space<vmem>> -> memref<8x128xf32, #tpu.memory_space<vmem>>
        tpu.enqueue_dma source(%dma_start3A_854 : memref<8x128xf32, #tpu.memory_space<vmem>>) target(%dma_start3A_851 : memref<8x128xf32, #tpu.memory_space<hbm>>) target_semaphore(%arg12 : memref<!tpu.dma_semaphore, #tpu.memory_space<semaphore_mem>>)
      } else {
      }
      %and3A_542 = arith.constant 1 : i32
      %and3A_543 = arith.andi %scan3A_538, %and3A_542 : i32
      %eq3A_544 = arith.constant 1 : i32
      %eq3A_545 = arith.cmpi eq, %and3A_543, %eq3A_544 : i32
      %convert_element_type3A_546 = arith.extui %eq3A_545 : i1 to i32
      %cond3A_547 = arith.constant 0 : i32
      %cond3A_548 = arith.cmpi ne, %convert_element_type3A_546, %cond3A_547 : i32
      scf.if %cond3A_548 {
        %dma_wait3A_549 = arith.constant 0 : i32
        %dma_wait3A_550 = arith.constant 0 : i32
        %dma_wait3A_551 = arith.constant 0 : i32
        %dma_wait3A_552 = tpu.memref_slice %arg7[%dma_wait3A_550, %dma_wait3A_551] : memref<256x64xf32, #tpu.memory_space<vmem>> -> memref<128x64xf32, #tpu.memory_space<vmem>>
        %dma_wait3A_553 = arith.constant 0 : i32
        %dma_wait3A_554 = tpu.memref_slice %arg5[%dma_wait3A_549, %dma_wait3A_553] : memref<50x128xi32, #tpu.memory_space<vmem>> -> memref<1x128xi32, #tpu.memory_space<vmem>>
        %dma_wait3A_555 = tpu.memref_squeeze %dma_wait3A_554 : memref<1x128xi32, #tpu.memory_space<vmem>> -> memref<128xi32, #tpu.memory_space<vmem>>
        %dma_wait3A_556 = arith.constant 0 : i32
        %dma_wait3A_557 = arith.constant 0 : i32
        %dma_wait3A_558 = tpu.memref_slice %arg3[%dma_wait3A_556, %dma_wait3A_557] : memref<100000x64xf32, #tpu.memory_space<hbm>> -> memref<100000x64xf32, #tpu.memory_space<hbm>>
        tpu.wait_indirect_dma semaphore(%arg11 : memref<!tpu.dma_semaphore, #tpu.memory_space<semaphore_mem>>) src(%dma_wait3A_558 : memref<100000x64xf32, #tpu.memory_space<hbm>>) dst(%dma_wait3A_552 : memref<128x64xf32, #tpu.memory_space<vmem>>)
        %dma_wait3A_559 = arith.constant 1 : i32
        %dma_wait3A_560 = arith.constant 128 : i32
        %dma_wait3A_561 = arith.constant 0 : i32
        %dma_wait3A_562 = tpu.memref_slice %arg7[%dma_wait3A_560, %dma_wait3A_561] : memref<256x64xf32, #tpu.memory_space<vmem>> -> memref<128x64xf32, #tpu.memory_space<vmem>>
        %dma_wait3A_563 = arith.constant 0 : i32
        %dma_wait3A_564 = tpu.memref_slice %arg5[%dma_wait3A_559, %dma_wait3A_563] : memref<50x128xi32, #tpu.memory_space<vmem>> -> memref<1x128xi32, #tpu.memory_space<vmem>>
        %dma_wait3A_565 = tpu.memref_squeeze %dma_wait3A_564 : memref<1x128xi32, #tpu.memory_space<vmem>> -> memref<128xi32, #tpu.memory_space<vmem>>
        %dma_wait3A_566 = arith.constant 0 : i32
        %dma_wait3A_567 = arith.constant 0 : i32
        %dma_wait3A_568 = tpu.memref_slice %arg3[%dma_wait3A_566, %dma_wait3A_567] : memref<100000x64xf32, #tpu.memory_space<hbm>> -> memref<100000x64xf32, #tpu.memory_space<hbm>>
        tpu.wait_indirect_dma semaphore(%arg11 : memref<!tpu.dma_semaphore, #tpu.memory_space<semaphore_mem>>) src(%dma_wait3A_568 : memref<100000x64xf32, #tpu.memory_space<hbm>>) dst(%dma_wait3A_562 : memref<128x64xf32, #tpu.memory_space<vmem>>)
        %add3A_569 = arith.constant 1 : i32
        %add3A_570 = arith.addi %scan3A_538, %add3A_569 : i32
        %lt3A = arith.constant 25 : i32
        %lt3A_571 = arith.cmpi slt, %add3A_570, %lt3A : i32
        %convert_element_type3A_572 = arith.extui %lt3A_571 : i1 to i32
        %cond3A_573 = arith.constant 0 : i32
        %cond3A_574 = arith.cmpi ne, %convert_element_type3A_572, %cond3A_573 : i32
        scf.if %cond3A_574 {
          %add3A_855 = arith.constant 1 : i32
          %add3A_856 = arith.addi %scan3A_538, %add3A_855 : i32
          %mul3A_857 = arith.constant 2 : i32
          %mul3A_858 = arith.muli %add3A_856, %mul3A_857 : i32
          %add3A_859 = arith.constant 0 : i32
          %add3A_860 = arith.addi %mul3A_858, %add3A_859 : i32
          %dma_start3A_861 = arith.constant 0 : i32
          %dma_start3A_862 = arith.constant 0 : i32
          %dma_start3A_863 = tpu.memref_slice %arg6[%dma_start3A_861, %dma_start3A_862] : memref<256x64xf32, #tpu.memory_space<vmem>> -> memref<128x64xf32, #tpu.memory_space<vmem>>
          %dma_start3A_864 = arith.constant 0 : i32
          %dma_start3A_865 = tpu.memref_slice %arg5[%add3A_860, %dma_start3A_864] : memref<50x128xi32, #tpu.memory_space<vmem>> -> memref<1x128xi32, #tpu.memory_space<vmem>>
          %dma_start3A_866 = tpu.memref_squeeze %dma_start3A_865 : memref<1x128xi32, #tpu.memory_space<vmem>> -> memref<128xi32, #tpu.memory_space<vmem>>
          %dma_start3A_867 = arith.constant 0 : i32
          %dma_start3A_868 = arith.constant 0 : i32
          %dma_start3A_869 = tpu.memref_slice %arg3[%dma_start3A_867, %dma_start3A_868] : memref<100000x64xf32, #tpu.memory_space<hbm>> -> memref<100000x64xf32, #tpu.memory_space<hbm>>
          tpu.enqueue_indirect_dma source(%dma_start3A_869 : memref<100000x64xf32, #tpu.memory_space<hbm>>) target(%dma_start3A_863 : memref<128x64xf32, #tpu.memory_space<vmem>>) offsets(%dma_start3A_866 : memref<128xi32, #tpu.memory_space<vmem>>) semaphore(%arg10 : memref<!tpu.dma_semaphore, #tpu.memory_space<semaphore_mem>>)
          %add3A_870 = arith.constant 1 : i32
          %add3A_871 = arith.addi %mul3A_858, %add3A_870 : i32
          %dma_start3A_872 = arith.constant 128 : i32
          %dma_start3A_873 = arith.constant 0 : i32
          %dma_start3A_874 = tpu.memref_slice %arg6[%dma_start3A_872, %dma_start3A_873] : memref<256x64xf32, #tpu.memory_space<vmem>> -> memref<128x64xf32, #tpu.memory_space<vmem>>
          %dma_start3A_875 = arith.constant 0 : i32
          %dma_start3A_876 = tpu.memref_slice %arg5[%add3A_871, %dma_start3A_875] : memref<50x128xi32, #tpu.memory_space<vmem>> -> memref<1x128xi32, #tpu.memory_space<vmem>>
          %dma_start3A_877 = tpu.memref_squeeze %dma_start3A_876 : memref<1x128xi32, #tpu.memory_space<vmem>> -> memref<128xi32, #tpu.memory_space<vmem>>
          %dma_start3A_878 = arith.constant 0 : i32
          %dma_start3A_879 = arith.constant 0 : i32
          %dma_start3A_880 = tpu.memref_slice %arg3[%dma_start3A_878, %dma_start3A_879] : memref<100000x64xf32, #tpu.memory_space<hbm>> -> memref<100000x64xf32, #tpu.memory_space<hbm>>
          tpu.enqueue_indirect_dma source(%dma_start3A_880 : memref<100000x64xf32, #tpu.memory_space<hbm>>) target(%dma_start3A_874 : memref<128x64xf32, #tpu.memory_space<vmem>>) offsets(%dma_start3A_877 : memref<128xi32, #tpu.memory_space<vmem>>) semaphore(%arg10 : memref<!tpu.dma_semaphore, #tpu.memory_space<semaphore_mem>>)
        } else {
        }
        %ge3A = arith.constant 2 : i32
        %ge3A_575 = arith.cmpi sge, %scan3A_538, %ge3A : i32
        %convert_element_type3A_576 = arith.extui %ge3A_575 : i1 to i32
        %cond3A_577 = arith.constant 0 : i32
        %cond3A_578 = arith.cmpi ne, %convert_element_type3A_576, %cond3A_577 : i32
        scf.if %cond3A_578 {
          %sub3A = arith.constant 2 : i32
          %sub3A_855 = arith.subi %scan3A_538, %sub3A : i32
          %mul3A_856 = arith.constant 2 : i32
          %mul3A_857 = arith.muli %sub3A_855, %mul3A_856 : i32
          %add3A_858 = arith.constant 0 : i32
          %add3A_859 = arith.addi %mul3A_857, %add3A_858 : i32
          %dma_wait3A_860 = arith.constant 0 : i32
          %dma_wait3A_861 = arith.constant 0 : i32
          %dma_wait3A_862 = arith.constant 0 : i32
          %dma_wait3A_863 = tpu.memref_slice %arg9[%dma_wait3A_861, %dma_wait3A_862] : memref<128x129xf32, #tpu.memory_space<vmem>> -> memref<8x128xf32, #tpu.memory_space<vmem>>
          %dma_wait3A_864 = arith.constant 0 : i32
          %dma_wait3A_865 = arith.constant 0 : i32
          %dma_wait3A_866 = tpu.memref_slice %arg4[%add3A_859, %dma_wait3A_860, %add3A, %dma_wait3A_864, %dma_wait3A_865] : memref<50x8x32x8x128xf32, #tpu.memory_space<hbm>> -> memref<1x1x1x8x128xf32, #tpu.memory_space<hbm>>
          %dma_wait3A_867 = tpu.memref_squeeze %dma_wait3A_866 : memref<1x1x1x8x128xf32, #tpu.memory_space<hbm>> -> memref<8x128xf32, #tpu.memory_space<hbm>>
          %dma_wait3A_868 = arith.constant 0 : i32
          %dma_wait3A_869 = arith.constant 0 : i32
          %dma_wait3A_870 = tpu.memref_slice %arg4[%add3A_859, %dma_wait3A_860, %add3A, %dma_wait3A_868, %dma_wait3A_869] : memref<50x8x32x8x128xf32, #tpu.memory_space<hbm>> -> memref<1x1x1x8x128xf32, #tpu.memory_space<hbm>>
          %dma_wait3A_871 = tpu.memref_squeeze %dma_wait3A_870 : memref<1x1x1x8x128xf32, #tpu.memory_space<hbm>> -> memref<8x128xf32, #tpu.memory_space<hbm>>
          %dma_wait3A_872 = arith.constant 0 : i32
          %dma_wait3A_873 = arith.constant 0 : i32
          %dma_wait3A_874 = tpu.memref_slice %arg9[%dma_wait3A_872, %dma_wait3A_873] : memref<128x129xf32, #tpu.memory_space<vmem>> -> memref<8x128xf32, #tpu.memory_space<vmem>>
          tpu.wait_dma2 semaphore(%arg13 : memref<!tpu.dma_semaphore, #tpu.memory_space<semaphore_mem>>) src(%dma_wait3A_874 : memref<8x128xf32, #tpu.memory_space<vmem>>) dst(%dma_wait3A_871 : memref<8x128xf32, #tpu.memory_space<hbm>>)
          %add3A_875 = arith.constant 0 : i32
          %add3A_876 = arith.addi %mul3A_857, %add3A_875 : i32
          %dma_wait3A_877 = arith.constant 1 : i32
          %dma_wait3A_878 = arith.constant 8 : i32
          %dma_wait3A_879 = arith.constant 0 : i32
          %dma_wait3A_880 = tpu.memref_slice %arg9[%dma_wait3A_878, %dma_wait3A_879] : memref<128x129xf32, #tpu.memory_space<vmem>> -> memref<8x128xf32, #tpu.memory_space<vmem>>
          %dma_wait3A_881 = arith.constant 0 : i32
          %dma_wait3A_882 = arith.constant 0 : i32
          %dma_wait3A_883 = tpu.memref_slice %arg4[%add3A_876, %dma_wait3A_877, %add3A, %dma_wait3A_881, %dma_wait3A_882] : memref<50x8x32x8x128xf32, #tpu.memory_space<hbm>> -> memref<1x1x1x8x128xf32, #tpu.memory_space<hbm>>
          %dma_wait3A_884 = tpu.memref_squeeze %dma_wait3A_883 : memref<1x1x1x8x128xf32, #tpu.memory_space<hbm>> -> memref<8x128xf32, #tpu.memory_space<hbm>>
          %dma_wait3A_885 = arith.constant 0 : i32
          %dma_wait3A_886 = arith.constant 0 : i32
          %dma_wait3A_887 = tpu.memref_slice %arg4[%add3A_876, %dma_wait3A_877, %add3A, %dma_wait3A_885, %dma_wait3A_886] : memref<50x8x32x8x128xf32, #tpu.memory_space<hbm>> -> memref<1x1x1x8x128xf32, #tpu.memory_space<hbm>>
          %dma_wait3A_888 = tpu.memref_squeeze %dma_wait3A_887 : memref<1x1x1x8x128xf32, #tpu.memory_space<hbm>> -> memref<8x128xf32, #tpu.memory_space<hbm>>
          %dma_wait3A_889 = arith.constant 8 : i32
          %dma_wait3A_890 = arith.constant 0 : i32
          %dma_wait3A_891 = tpu.memref_slice %arg9[%dma_wait3A_889, %dma_wait3A_890] : memref<128x129xf32, #tpu.memory_space<vmem>> -> memref<8x128xf32, #tpu.memory_space<vmem>>
          tpu.wait_dma2 semaphore(%arg13 : memref<!tpu.dma_semaphore, #tpu.memory_space<semaphore_mem>>) src(%dma_wait3A_891 : memref<8x128xf32, #tpu.memory_space<vmem>>) dst(%dma_wait3A_888 : memref<8x128xf32, #tpu.memory_space<hbm>>)
          %add3A_892 = arith.constant 0 : i32
          %add3A_893 = arith.addi %mul3A_857, %add3A_892 : i32
          %dma_wait3A_894 = arith.constant 2 : i32
          %dma_wait3A_895 = arith.constant 16 : i32
          %dma_wait3A_896 = arith.constant 0 : i32
          %dma_wait3A_897 = tpu.memref_slice %arg9[%dma_wait3A_895, %dma_wait3A_896] : memref<128x129xf32, #tpu.memory_space<vmem>> -> memref<8x128xf32, #tpu.memory_space<vmem>>
          %dma_wait3A_898 = arith.constant 0 : i32
          %dma_wait3A_899 = arith.constant 0 : i32
          %dma_wait3A_900 = tpu.memref_slice %arg4[%add3A_893, %dma_wait3A_894, %add3A, %dma_wait3A_898, %dma_wait3A_899] : memref<50x8x32x8x128xf32, #tpu.memory_space<hbm>> -> memref<1x1x1x8x128xf32, #tpu.memory_space<hbm>>
          %dma_wait3A_901 = tpu.memref_squeeze %dma_wait3A_900 : memref<1x1x1x8x128xf32, #tpu.memory_space<hbm>> -> memref<8x128xf32, #tpu.memory_space<hbm>>
          %dma_wait3A_902 = arith.constant 0 : i32
          %dma_wait3A_903 = arith.constant 0 : i32
          %dma_wait3A_904 = tpu.memref_slice %arg4[%add3A_893, %dma_wait3A_894, %add3A, %dma_wait3A_902, %dma_wait3A_903] : memref<50x8x32x8x128xf32, #tpu.memory_space<hbm>> -> memref<1x1x1x8x128xf32, #tpu.memory_space<hbm>>
          %dma_wait3A_905 = tpu.memref_squeeze %dma_wait3A_904 : memref<1x1x1x8x128xf32, #tpu.memory_space<hbm>> -> memref<8x128xf32, #tpu.memory_space<hbm>>
          %dma_wait3A_906 = arith.constant 16 : i32
          %dma_wait3A_907 = arith.constant 0 : i32
          %dma_wait3A_908 = tpu.memref_slice %arg9[%dma_wait3A_906, %dma_wait3A_907] : memref<128x129xf32, #tpu.memory_space<vmem>> -> memref<8x128xf32, #tpu.memory_space<vmem>>
          tpu.wait_dma2 semaphore(%arg13 : memref<!tpu.dma_semaphore, #tpu.memory_space<semaphore_mem>>) src(%dma_wait3A_908 : memref<8x128xf32, #tpu.memory_space<vmem>>) dst(%dma_wait3A_905 : memref<8x128xf32, #tpu.memory_space<hbm>>)
          %add3A_909 = arith.constant 0 : i32
          %add3A_910 = arith.addi %mul3A_857, %add3A_909 : i32
          %dma_wait3A_911 = arith.constant 3 : i32
          %dma_wait3A_912 = arith.constant 24 : i32
          %dma_wait3A_913 = arith.constant 0 : i32
          %dma_wait3A_914 = tpu.memref_slice %arg9[%dma_wait3A_912, %dma_wait3A_913] : memref<128x129xf32, #tpu.memory_space<vmem>> -> memref<8x128xf32, #tpu.memory_space<vmem>>
          %dma_wait3A_915 = arith.constant 0 : i32
          %dma_wait3A_916 = arith.constant 0 : i32
          %dma_wait3A_917 = tpu.memref_slice %arg4[%add3A_910, %dma_wait3A_911, %add3A, %dma_wait3A_915, %dma_wait3A_916] : memref<50x8x32x8x128xf32, #tpu.memory_space<hbm>> -> memref<1x1x1x8x128xf32, #tpu.memory_space<hbm>>
          %dma_wait3A_918 = tpu.memref_squeeze %dma_wait3A_917 : memref<1x1x1x8x128xf32, #tpu.memory_space<hbm>> -> memref<8x128xf32, #tpu.memory_space<hbm>>
          %dma_wait3A_919 = arith.constant 0 : i32
          %dma_wait3A_920 = arith.constant 0 : i32
          %dma_wait3A_921 = tpu.memref_slice %arg4[%add3A_910, %dma_wait3A_911, %add3A, %dma_wait3A_919, %dma_wait3A_920] : memref<50x8x32x8x128xf32, #tpu.memory_space<hbm>> -> memref<1x1x1x8x128xf32, #tpu.memory_space<hbm>>
          %dma_wait3A_922 = tpu.memref_squeeze %dma_wait3A_921 : memref<1x1x1x8x128xf32, #tpu.memory_space<hbm>> -> memref<8x128xf32, #tpu.memory_space<hbm>>
          %dma_wait3A_923 = arith.constant 24 : i32
          %dma_wait3A_924 = arith.constant 0 : i32
          %dma_wait3A_925 = tpu.memref_slice %arg9[%dma_wait3A_923, %dma_wait3A_924] : memref<128x129xf32, #tpu.memory_space<vmem>> -> memref<8x128xf32, #tpu.memory_space<vmem>>
          tpu.wait_dma2 semaphore(%arg13 : memref<!tpu.dma_semaphore, #tpu.memory_space<semaphore_mem>>) src(%dma_wait3A_925 : memref<8x128xf32, #tpu.memory_space<vmem>>) dst(%dma_wait3A_922 : memref<8x128xf32, #tpu.memory_space<hbm>>)
          %add3A_926 = arith.constant 0 : i32
          %add3A_927 = arith.addi %mul3A_857, %add3A_926 : i32
          %dma_wait3A_928 = arith.constant 4 : i32
          %dma_wait3A_929 = arith.constant 32 : i32
          %dma_wait3A_930 = arith.constant 0 : i32
          %dma_wait3A_931 = tpu.memref_slice %arg9[%dma_wait3A_929, %dma_wait3A_930] : memref<128x129xf32, #tpu.memory_space<vmem>> -> memref<8x128xf32, #tpu.memory_space<vmem>>
          %dma_wait3A_932 = arith.constant 0 : i32
          %dma_wait3A_933 = arith.constant 0 : i32
          %dma_wait3A_934 = tpu.memref_slice %arg4[%add3A_927, %dma_wait3A_928, %add3A, %dma_wait3A_932, %dma_wait3A_933] : memref<50x8x32x8x128xf32, #tpu.memory_space<hbm>> -> memref<1x1x1x8x128xf32, #tpu.memory_space<hbm>>
          %dma_wait3A_935 = tpu.memref_squeeze %dma_wait3A_934 : memref<1x1x1x8x128xf32, #tpu.memory_space<hbm>> -> memref<8x128xf32, #tpu.memory_space<hbm>>
          %dma_wait3A_936 = arith.constant 0 : i32
          %dma_wait3A_937 = arith.constant 0 : i32
          %dma_wait3A_938 = tpu.memref_slice %arg4[%add3A_927, %dma_wait3A_928, %add3A, %dma_wait3A_936, %dma_wait3A_937] : memref<50x8x32x8x128xf32, #tpu.memory_space<hbm>> -> memref<1x1x1x8x128xf32, #tpu.memory_space<hbm>>
          %dma_wait3A_939 = tpu.memref_squeeze %dma_wait3A_938 : memref<1x1x1x8x128xf32, #tpu.memory_space<hbm>> -> memref<8x128xf32, #tpu.memory_space<hbm>>
          %dma_wait3A_940 = arith.constant 32 : i32
          %dma_wait3A_941 = arith.constant 0 : i32
          %dma_wait3A_942 = tpu.memref_slice %arg9[%dma_wait3A_940, %dma_wait3A_941] : memref<128x129xf32, #tpu.memory_space<vmem>> -> memref<8x128xf32, #tpu.memory_space<vmem>>
          tpu.wait_dma2 semaphore(%arg13 : memref<!tpu.dma_semaphore, #tpu.memory_space<semaphore_mem>>) src(%dma_wait3A_942 : memref<8x128xf32, #tpu.memory_space<vmem>>) dst(%dma_wait3A_939 : memref<8x128xf32, #tpu.memory_space<hbm>>)
          %add3A_943 = arith.constant 0 : i32
          %add3A_944 = arith.addi %mul3A_857, %add3A_943 : i32
          %dma_wait3A_945 = arith.constant 5 : i32
          %dma_wait3A_946 = arith.constant 40 : i32
          %dma_wait3A_947 = arith.constant 0 : i32
          %dma_wait3A_948 = tpu.memref_slice %arg9[%dma_wait3A_946, %dma_wait3A_947] : memref<128x129xf32, #tpu.memory_space<vmem>> -> memref<8x128xf32, #tpu.memory_space<vmem>>
          %dma_wait3A_949 = arith.constant 0 : i32
          %dma_wait3A_950 = arith.constant 0 : i32
          %dma_wait3A_951 = tpu.memref_slice %arg4[%add3A_944, %dma_wait3A_945, %add3A, %dma_wait3A_949, %dma_wait3A_950] : memref<50x8x32x8x128xf32, #tpu.memory_space<hbm>> -> memref<1x1x1x8x128xf32, #tpu.memory_space<hbm>>
          %dma_wait3A_952 = tpu.memref_squeeze %dma_wait3A_951 : memref<1x1x1x8x128xf32, #tpu.memory_space<hbm>> -> memref<8x128xf32, #tpu.memory_space<hbm>>
          %dma_wait3A_953 = arith.constant 0 : i32
          %dma_wait3A_954 = arith.constant 0 : i32
          %dma_wait3A_955 = tpu.memref_slice %arg4[%add3A_944, %dma_wait3A_945, %add3A, %dma_wait3A_953, %dma_wait3A_954] : memref<50x8x32x8x128xf32, #tpu.memory_space<hbm>> -> memref<1x1x1x8x128xf32, #tpu.memory_space<hbm>>
          %dma_wait3A_956 = tpu.memref_squeeze %dma_wait3A_955 : memref<1x1x1x8x128xf32, #tpu.memory_space<hbm>> -> memref<8x128xf32, #tpu.memory_space<hbm>>
          %dma_wait3A_957 = arith.constant 40 : i32
          %dma_wait3A_958 = arith.constant 0 : i32
          %dma_wait3A_959 = tpu.memref_slice %arg9[%dma_wait3A_957, %dma_wait3A_958] : memref<128x129xf32, #tpu.memory_space<vmem>> -> memref<8x128xf32, #tpu.memory_space<vmem>>
          tpu.wait_dma2 semaphore(%arg13 : memref<!tpu.dma_semaphore, #tpu.memory_space<semaphore_mem>>) src(%dma_wait3A_959 : memref<8x128xf32, #tpu.memory_space<vmem>>) dst(%dma_wait3A_956 : memref<8x128xf32, #tpu.memory_space<hbm>>)
          %add3A_960 = arith.constant 0 : i32
          %add3A_961 = arith.addi %mul3A_857, %add3A_960 : i32
          %dma_wait3A_962 = arith.constant 6 : i32
          %dma_wait3A_963 = arith.constant 48 : i32
          %dma_wait3A_964 = arith.constant 0 : i32
          %dma_wait3A_965 = tpu.memref_slice %arg9[%dma_wait3A_963, %dma_wait3A_964] : memref<128x129xf32, #tpu.memory_space<vmem>> -> memref<8x128xf32, #tpu.memory_space<vmem>>
          %dma_wait3A_966 = arith.constant 0 : i32
          %dma_wait3A_967 = arith.constant 0 : i32
          %dma_wait3A_968 = tpu.memref_slice %arg4[%add3A_961, %dma_wait3A_962, %add3A, %dma_wait3A_966, %dma_wait3A_967] : memref<50x8x32x8x128xf32, #tpu.memory_space<hbm>> -> memref<1x1x1x8x128xf32, #tpu.memory_space<hbm>>
          %dma_wait3A_969 = tpu.memref_squeeze %dma_wait3A_968 : memref<1x1x1x8x128xf32, #tpu.memory_space<hbm>> -> memref<8x128xf32, #tpu.memory_space<hbm>>
          %dma_wait3A_970 = arith.constant 0 : i32
          %dma_wait3A_971 = arith.constant 0 : i32
          %dma_wait3A_972 = tpu.memref_slice %arg4[%add3A_961, %dma_wait3A_962, %add3A, %dma_wait3A_970, %dma_wait3A_971] : memref<50x8x32x8x128xf32, #tpu.memory_space<hbm>> -> memref<1x1x1x8x128xf32, #tpu.memory_space<hbm>>
          %dma_wait3A_973 = tpu.memref_squeeze %dma_wait3A_972 : memref<1x1x1x8x128xf32, #tpu.memory_space<hbm>> -> memref<8x128xf32, #tpu.memory_space<hbm>>
          %dma_wait3A_974 = arith.constant 48 : i32
          %dma_wait3A_975 = arith.constant 0 : i32
          %dma_wait3A_976 = tpu.memref_slice %arg9[%dma_wait3A_974, %dma_wait3A_975] : memref<128x129xf32, #tpu.memory_space<vmem>> -> memref<8x128xf32, #tpu.memory_space<vmem>>
          tpu.wait_dma2 semaphore(%arg13 : memref<!tpu.dma_semaphore, #tpu.memory_space<semaphore_mem>>) src(%dma_wait3A_976 : memref<8x128xf32, #tpu.memory_space<vmem>>) dst(%dma_wait3A_973 : memref<8x128xf32, #tpu.memory_space<hbm>>)
          %add3A_977 = arith.constant 0 : i32
          %add3A_978 = arith.addi %mul3A_857, %add3A_977 : i32
          %dma_wait3A_979 = arith.constant 7 : i32
          %dma_wait3A_980 = arith.constant 56 : i32
          %dma_wait3A_981 = arith.constant 0 : i32
          %dma_wait3A_982 = tpu.memref_slice %arg9[%dma_wait3A_980, %dma_wait3A_981] : memref<128x129xf32, #tpu.memory_space<vmem>> -> memref<8x128xf32, #tpu.memory_space<vmem>>
          %dma_wait3A_983 = arith.constant 0 : i32
          %dma_wait3A_984 = arith.constant 0 : i32
          %dma_wait3A_985 = tpu.memref_slice %arg4[%add3A_978, %dma_wait3A_979, %add3A, %dma_wait3A_983, %dma_wait3A_984] : memref<50x8x32x8x128xf32, #tpu.memory_space<hbm>> -> memref<1x1x1x8x128xf32, #tpu.memory_space<hbm>>
          %dma_wait3A_986 = tpu.memref_squeeze %dma_wait3A_985 : memref<1x1x1x8x128xf32, #tpu.memory_space<hbm>> -> memref<8x128xf32, #tpu.memory_space<hbm>>
          %dma_wait3A_987 = arith.constant 0 : i32
          %dma_wait3A_988 = arith.constant 0 : i32
          %dma_wait3A_989 = tpu.memref_slice %arg4[%add3A_978, %dma_wait3A_979, %add3A, %dma_wait3A_987, %dma_wait3A_988] : memref<50x8x32x8x128xf32, #tpu.memory_space<hbm>> -> memref<1x1x1x8x128xf32, #tpu.memory_space<hbm>>
          %dma_wait3A_990 = tpu.memref_squeeze %dma_wait3A_989 : memref<1x1x1x8x128xf32, #tpu.memory_space<hbm>> -> memref<8x128xf32, #tpu.memory_space<hbm>>
          %dma_wait3A_991 = arith.constant 56 : i32
          %dma_wait3A_992 = arith.constant 0 : i32
          %dma_wait3A_993 = tpu.memref_slice %arg9[%dma_wait3A_991, %dma_wait3A_992] : memref<128x129xf32, #tpu.memory_space<vmem>> -> memref<8x128xf32, #tpu.memory_space<vmem>>
          tpu.wait_dma2 semaphore(%arg13 : memref<!tpu.dma_semaphore, #tpu.memory_space<semaphore_mem>>) src(%dma_wait3A_993 : memref<8x128xf32, #tpu.memory_space<vmem>>) dst(%dma_wait3A_990 : memref<8x128xf32, #tpu.memory_space<hbm>>)
          %add3A_994 = arith.constant 1 : i32
          %add3A_995 = arith.addi %mul3A_857, %add3A_994 : i32
          %dma_wait3A_996 = arith.constant 0 : i32
          %dma_wait3A_997 = arith.constant 64 : i32
          %dma_wait3A_998 = arith.constant 0 : i32
          %dma_wait3A_999 = tpu.memref_slice %arg9[%dma_wait3A_997, %dma_wait3A_998] : memref<128x129xf32, #tpu.memory_space<vmem>> -> memref<8x128xf32, #tpu.memory_space<vmem>>
          %dma_wait3A_1000 = arith.constant 0 : i32
          %dma_wait3A_1001 = arith.constant 0 : i32
          %dma_wait3A_1002 = tpu.memref_slice %arg4[%add3A_995, %dma_wait3A_996, %add3A, %dma_wait3A_1000, %dma_wait3A_1001] : memref<50x8x32x8x128xf32, #tpu.memory_space<hbm>> -> memref<1x1x1x8x128xf32, #tpu.memory_space<hbm>>
          %dma_wait3A_1003 = tpu.memref_squeeze %dma_wait3A_1002 : memref<1x1x1x8x128xf32, #tpu.memory_space<hbm>> -> memref<8x128xf32, #tpu.memory_space<hbm>>
          %dma_wait3A_1004 = arith.constant 0 : i32
          %dma_wait3A_1005 = arith.constant 0 : i32
          %dma_wait3A_1006 = tpu.memref_slice %arg4[%add3A_995, %dma_wait3A_996, %add3A, %dma_wait3A_1004, %dma_wait3A_1005] : memref<50x8x32x8x128xf32, #tpu.memory_space<hbm>> -> memref<1x1x1x8x128xf32, #tpu.memory_space<hbm>>
          %dma_wait3A_1007 = tpu.memref_squeeze %dma_wait3A_1006 : memref<1x1x1x8x128xf32, #tpu.memory_space<hbm>> -> memref<8x128xf32, #tpu.memory_space<hbm>>
          %dma_wait3A_1008 = arith.constant 64 : i32
          %dma_wait3A_1009 = arith.constant 0 : i32
          %dma_wait3A_1010 = tpu.memref_slice %arg9[%dma_wait3A_1008, %dma_wait3A_1009] : memref<128x129xf32, #tpu.memory_space<vmem>> -> memref<8x128xf32, #tpu.memory_space<vmem>>
          tpu.wait_dma2 semaphore(%arg13 : memref<!tpu.dma_semaphore, #tpu.memory_space<semaphore_mem>>) src(%dma_wait3A_1010 : memref<8x128xf32, #tpu.memory_space<vmem>>) dst(%dma_wait3A_1007 : memref<8x128xf32, #tpu.memory_space<hbm>>)
          %add3A_1011 = arith.constant 1 : i32
          %add3A_1012 = arith.addi %mul3A_857, %add3A_1011 : i32
          %dma_wait3A_1013 = arith.constant 1 : i32
          %dma_wait3A_1014 = arith.constant 72 : i32
          %dma_wait3A_1015 = arith.constant 0 : i32
          %dma_wait3A_1016 = tpu.memref_slice %arg9[%dma_wait3A_1014, %dma_wait3A_1015] : memref<128x129xf32, #tpu.memory_space<vmem>> -> memref<8x128xf32, #tpu.memory_space<vmem>>
          %dma_wait3A_1017 = arith.constant 0 : i32
          %dma_wait3A_1018 = arith.constant 0 : i32
          %dma_wait3A_1019 = tpu.memref_slice %arg4[%add3A_1012, %dma_wait3A_1013, %add3A, %dma_wait3A_1017, %dma_wait3A_1018] : memref<50x8x32x8x128xf32, #tpu.memory_space<hbm>> -> memref<1x1x1x8x128xf32, #tpu.memory_space<hbm>>
          %dma_wait3A_1020 = tpu.memref_squeeze %dma_wait3A_1019 : memref<1x1x1x8x128xf32, #tpu.memory_space<hbm>> -> memref<8x128xf32, #tpu.memory_space<hbm>>
          %dma_wait3A_1021 = arith.constant 0 : i32
          %dma_wait3A_1022 = arith.constant 0 : i32
          %dma_wait3A_1023 = tpu.memref_slice %arg4[%add3A_1012, %dma_wait3A_1013, %add3A, %dma_wait3A_1021, %dma_wait3A_1022] : memref<50x8x32x8x128xf32, #tpu.memory_space<hbm>> -> memref<1x1x1x8x128xf32, #tpu.memory_space<hbm>>
          %dma_wait3A_1024 = tpu.memref_squeeze %dma_wait3A_1023 : memref<1x1x1x8x128xf32, #tpu.memory_space<hbm>> -> memref<8x128xf32, #tpu.memory_space<hbm>>
          %dma_wait3A_1025 = arith.constant 72 : i32
          %dma_wait3A_1026 = arith.constant 0 : i32
          %dma_wait3A_1027 = tpu.memref_slice %arg9[%dma_wait3A_1025, %dma_wait3A_1026] : memref<128x129xf32, #tpu.memory_space<vmem>> -> memref<8x128xf32, #tpu.memory_space<vmem>>
          tpu.wait_dma2 semaphore(%arg13 : memref<!tpu.dma_semaphore, #tpu.memory_space<semaphore_mem>>) src(%dma_wait3A_1027 : memref<8x128xf32, #tpu.memory_space<vmem>>) dst(%dma_wait3A_1024 : memref<8x128xf32, #tpu.memory_space<hbm>>)
          %add3A_1028 = arith.constant 1 : i32
          %add3A_1029 = arith.addi %mul3A_857, %add3A_1028 : i32
          %dma_wait3A_1030 = arith.constant 2 : i32
          %dma_wait3A_1031 = arith.constant 80 : i32
          %dma_wait3A_1032 = arith.constant 0 : i32
          %dma_wait3A_1033 = tpu.memref_slice %arg9[%dma_wait3A_1031, %dma_wait3A_1032] : memref<128x129xf32, #tpu.memory_space<vmem>> -> memref<8x128xf32, #tpu.memory_space<vmem>>
          %dma_wait3A_1034 = arith.constant 0 : i32
          %dma_wait3A_1035 = arith.constant 0 : i32
          %dma_wait3A_1036 = tpu.memref_slice %arg4[%add3A_1029, %dma_wait3A_1030, %add3A, %dma_wait3A_1034, %dma_wait3A_1035] : memref<50x8x32x8x128xf32, #tpu.memory_space<hbm>> -> memref<1x1x1x8x128xf32, #tpu.memory_space<hbm>>
          %dma_wait3A_1037 = tpu.memref_squeeze %dma_wait3A_1036 : memref<1x1x1x8x128xf32, #tpu.memory_space<hbm>> -> memref<8x128xf32, #tpu.memory_space<hbm>>
          %dma_wait3A_1038 = arith.constant 0 : i32
          %dma_wait3A_1039 = arith.constant 0 : i32
          %dma_wait3A_1040 = tpu.memref_slice %arg4[%add3A_1029, %dma_wait3A_1030, %add3A, %dma_wait3A_1038, %dma_wait3A_1039] : memref<50x8x32x8x128xf32, #tpu.memory_space<hbm>> -> memref<1x1x1x8x128xf32, #tpu.memory_space<hbm>>
          %dma_wait3A_1041 = tpu.memref_squeeze %dma_wait3A_1040 : memref<1x1x1x8x128xf32, #tpu.memory_space<hbm>> -> memref<8x128xf32, #tpu.memory_space<hbm>>
          %dma_wait3A_1042 = arith.constant 80 : i32
          %dma_wait3A_1043 = arith.constant 0 : i32
          %dma_wait3A_1044 = tpu.memref_slice %arg9[%dma_wait3A_1042, %dma_wait3A_1043] : memref<128x129xf32, #tpu.memory_space<vmem>> -> memref<8x128xf32, #tpu.memory_space<vmem>>
          tpu.wait_dma2 semaphore(%arg13 : memref<!tpu.dma_semaphore, #tpu.memory_space<semaphore_mem>>) src(%dma_wait3A_1044 : memref<8x128xf32, #tpu.memory_space<vmem>>) dst(%dma_wait3A_1041 : memref<8x128xf32, #tpu.memory_space<hbm>>)
          %add3A_1045 = arith.constant 1 : i32
          %add3A_1046 = arith.addi %mul3A_857, %add3A_1045 : i32
          %dma_wait3A_1047 = arith.constant 3 : i32
          %dma_wait3A_1048 = arith.constant 88 : i32
          %dma_wait3A_1049 = arith.constant 0 : i32
          %dma_wait3A_1050 = tpu.memref_slice %arg9[%dma_wait3A_1048, %dma_wait3A_1049] : memref<128x129xf32, #tpu.memory_space<vmem>> -> memref<8x128xf32, #tpu.memory_space<vmem>>
          %dma_wait3A_1051 = arith.constant 0 : i32
          %dma_wait3A_1052 = arith.constant 0 : i32
          %dma_wait3A_1053 = tpu.memref_slice %arg4[%add3A_1046, %dma_wait3A_1047, %add3A, %dma_wait3A_1051, %dma_wait3A_1052] : memref<50x8x32x8x128xf32, #tpu.memory_space<hbm>> -> memref<1x1x1x8x128xf32, #tpu.memory_space<hbm>>
          %dma_wait3A_1054 = tpu.memref_squeeze %dma_wait3A_1053 : memref<1x1x1x8x128xf32, #tpu.memory_space<hbm>> -> memref<8x128xf32, #tpu.memory_space<hbm>>
          %dma_wait3A_1055 = arith.constant 0 : i32
          %dma_wait3A_1056 = arith.constant 0 : i32
          %dma_wait3A_1057 = tpu.memref_slice %arg4[%add3A_1046, %dma_wait3A_1047, %add3A, %dma_wait3A_1055, %dma_wait3A_1056] : memref<50x8x32x8x128xf32, #tpu.memory_space<hbm>> -> memref<1x1x1x8x128xf32, #tpu.memory_space<hbm>>
          %dma_wait3A_1058 = tpu.memref_squeeze %dma_wait3A_1057 : memref<1x1x1x8x128xf32, #tpu.memory_space<hbm>> -> memref<8x128xf32, #tpu.memory_space<hbm>>
          %dma_wait3A_1059 = arith.constant 88 : i32
          %dma_wait3A_1060 = arith.constant 0 : i32
          %dma_wait3A_1061 = tpu.memref_slice %arg9[%dma_wait3A_1059, %dma_wait3A_1060] : memref<128x129xf32, #tpu.memory_space<vmem>> -> memref<8x128xf32, #tpu.memory_space<vmem>>
          tpu.wait_dma2 semaphore(%arg13 : memref<!tpu.dma_semaphore, #tpu.memory_space<semaphore_mem>>) src(%dma_wait3A_1061 : memref<8x128xf32, #tpu.memory_space<vmem>>) dst(%dma_wait3A_1058 : memref<8x128xf32, #tpu.memory_space<hbm>>)
          %add3A_1062 = arith.constant 1 : i32
          %add3A_1063 = arith.addi %mul3A_857, %add3A_1062 : i32
          %dma_wait3A_1064 = arith.constant 4 : i32
          %dma_wait3A_1065 = arith.constant 96 : i32
          %dma_wait3A_1066 = arith.constant 0 : i32
          %dma_wait3A_1067 = tpu.memref_slice %arg9[%dma_wait3A_1065, %dma_wait3A_1066] : memref<128x129xf32, #tpu.memory_space<vmem>> -> memref<8x128xf32, #tpu.memory_space<vmem>>
          %dma_wait3A_1068 = arith.constant 0 : i32
          %dma_wait3A_1069 = arith.constant 0 : i32
          %dma_wait3A_1070 = tpu.memref_slice %arg4[%add3A_1063, %dma_wait3A_1064, %add3A, %dma_wait3A_1068, %dma_wait3A_1069] : memref<50x8x32x8x128xf32, #tpu.memory_space<hbm>> -> memref<1x1x1x8x128xf32, #tpu.memory_space<hbm>>
          %dma_wait3A_1071 = tpu.memref_squeeze %dma_wait3A_1070 : memref<1x1x1x8x128xf32, #tpu.memory_space<hbm>> -> memref<8x128xf32, #tpu.memory_space<hbm>>
          %dma_wait3A_1072 = arith.constant 0 : i32
          %dma_wait3A_1073 = arith.constant 0 : i32
          %dma_wait3A_1074 = tpu.memref_slice %arg4[%add3A_1063, %dma_wait3A_1064, %add3A, %dma_wait3A_1072, %dma_wait3A_1073] : memref<50x8x32x8x128xf32, #tpu.memory_space<hbm>> -> memref<1x1x1x8x128xf32, #tpu.memory_space<hbm>>
          %dma_wait3A_1075 = tpu.memref_squeeze %dma_wait3A_1074 : memref<1x1x1x8x128xf32, #tpu.memory_space<hbm>> -> memref<8x128xf32, #tpu.memory_space<hbm>>
          %dma_wait3A_1076 = arith.constant 96 : i32
          %dma_wait3A_1077 = arith.constant 0 : i32
          %dma_wait3A_1078 = tpu.memref_slice %arg9[%dma_wait3A_1076, %dma_wait3A_1077] : memref<128x129xf32, #tpu.memory_space<vmem>> -> memref<8x128xf32, #tpu.memory_space<vmem>>
          tpu.wait_dma2 semaphore(%arg13 : memref<!tpu.dma_semaphore, #tpu.memory_space<semaphore_mem>>) src(%dma_wait3A_1078 : memref<8x128xf32, #tpu.memory_space<vmem>>) dst(%dma_wait3A_1075 : memref<8x128xf32, #tpu.memory_space<hbm>>)
          %add3A_1079 = arith.constant 1 : i32
          %add3A_1080 = arith.addi %mul3A_857, %add3A_1079 : i32
          %dma_wait3A_1081 = arith.constant 5 : i32
          %dma_wait3A_1082 = arith.constant 104 : i32
          %dma_wait3A_1083 = arith.constant 0 : i32
          %dma_wait3A_1084 = tpu.memref_slice %arg9[%dma_wait3A_1082, %dma_wait3A_1083] : memref<128x129xf32, #tpu.memory_space<vmem>> -> memref<8x128xf32, #tpu.memory_space<vmem>>
          %dma_wait3A_1085 = arith.constant 0 : i32
          %dma_wait3A_1086 = arith.constant 0 : i32
          %dma_wait3A_1087 = tpu.memref_slice %arg4[%add3A_1080, %dma_wait3A_1081, %add3A, %dma_wait3A_1085, %dma_wait3A_1086] : memref<50x8x32x8x128xf32, #tpu.memory_space<hbm>> -> memref<1x1x1x8x128xf32, #tpu.memory_space<hbm>>
          %dma_wait3A_1088 = tpu.memref_squeeze %dma_wait3A_1087 : memref<1x1x1x8x128xf32, #tpu.memory_space<hbm>> -> memref<8x128xf32, #tpu.memory_space<hbm>>
          %dma_wait3A_1089 = arith.constant 0 : i32
          %dma_wait3A_1090 = arith.constant 0 : i32
          %dma_wait3A_1091 = tpu.memref_slice %arg4[%add3A_1080, %dma_wait3A_1081, %add3A, %dma_wait3A_1089, %dma_wait3A_1090] : memref<50x8x32x8x128xf32, #tpu.memory_space<hbm>> -> memref<1x1x1x8x128xf32, #tpu.memory_space<hbm>>
          %dma_wait3A_1092 = tpu.memref_squeeze %dma_wait3A_1091 : memref<1x1x1x8x128xf32, #tpu.memory_space<hbm>> -> memref<8x128xf32, #tpu.memory_space<hbm>>
          %dma_wait3A_1093 = arith.constant 104 : i32
          %dma_wait3A_1094 = arith.constant 0 : i32
          %dma_wait3A_1095 = tpu.memref_slice %arg9[%dma_wait3A_1093, %dma_wait3A_1094] : memref<128x129xf32, #tpu.memory_space<vmem>> -> memref<8x128xf32, #tpu.memory_space<vmem>>
          tpu.wait_dma2 semaphore(%arg13 : memref<!tpu.dma_semaphore, #tpu.memory_space<semaphore_mem>>) src(%dma_wait3A_1095 : memref<8x128xf32, #tpu.memory_space<vmem>>) dst(%dma_wait3A_1092 : memref<8x128xf32, #tpu.memory_space<hbm>>)
          %add3A_1096 = arith.constant 1 : i32
          %add3A_1097 = arith.addi %mul3A_857, %add3A_1096 : i32
          %dma_wait3A_1098 = arith.constant 6 : i32
          %dma_wait3A_1099 = arith.constant 112 : i32
          %dma_wait3A_1100 = arith.constant 0 : i32
          %dma_wait3A_1101 = tpu.memref_slice %arg9[%dma_wait3A_1099, %dma_wait3A_1100] : memref<128x129xf32, #tpu.memory_space<vmem>> -> memref<8x128xf32, #tpu.memory_space<vmem>>
          %dma_wait3A_1102 = arith.constant 0 : i32
          %dma_wait3A_1103 = arith.constant 0 : i32
          %dma_wait3A_1104 = tpu.memref_slice %arg4[%add3A_1097, %dma_wait3A_1098, %add3A, %dma_wait3A_1102, %dma_wait3A_1103] : memref<50x8x32x8x128xf32, #tpu.memory_space<hbm>> -> memref<1x1x1x8x128xf32, #tpu.memory_space<hbm>>
          %dma_wait3A_1105 = tpu.memref_squeeze %dma_wait3A_1104 : memref<1x1x1x8x128xf32, #tpu.memory_space<hbm>> -> memref<8x128xf32, #tpu.memory_space<hbm>>
          %dma_wait3A_1106 = arith.constant 0 : i32
          %dma_wait3A_1107 = arith.constant 0 : i32
          %dma_wait3A_1108 = tpu.memref_slice %arg4[%add3A_1097, %dma_wait3A_1098, %add3A, %dma_wait3A_1106, %dma_wait3A_1107] : memref<50x8x32x8x128xf32, #tpu.memory_space<hbm>> -> memref<1x1x1x8x128xf32, #tpu.memory_space<hbm>>
          %dma_wait3A_1109 = tpu.memref_squeeze %dma_wait3A_1108 : memref<1x1x1x8x128xf32, #tpu.memory_space<hbm>> -> memref<8x128xf32, #tpu.memory_space<hbm>>
          %dma_wait3A_1110 = arith.constant 112 : i32
          %dma_wait3A_1111 = arith.constant 0 : i32
          %dma_wait3A_1112 = tpu.memref_slice %arg9[%dma_wait3A_1110, %dma_wait3A_1111] : memref<128x129xf32, #tpu.memory_space<vmem>> -> memref<8x128xf32, #tpu.memory_space<vmem>>
          tpu.wait_dma2 semaphore(%arg13 : memref<!tpu.dma_semaphore, #tpu.memory_space<semaphore_mem>>) src(%dma_wait3A_1112 : memref<8x128xf32, #tpu.memory_space<vmem>>) dst(%dma_wait3A_1109 : memref<8x128xf32, #tpu.memory_space<hbm>>)
          %add3A_1113 = arith.constant 1 : i32
          %add3A_1114 = arith.addi %mul3A_857, %add3A_1113 : i32
          %dma_wait3A_1115 = arith.constant 7 : i32
          %dma_wait3A_1116 = arith.constant 120 : i32
          %dma_wait3A_1117 = arith.constant 0 : i32
          %dma_wait3A_1118 = tpu.memref_slice %arg9[%dma_wait3A_1116, %dma_wait3A_1117] : memref<128x129xf32, #tpu.memory_space<vmem>> -> memref<8x128xf32, #tpu.memory_space<vmem>>
          %dma_wait3A_1119 = arith.constant 0 : i32
          %dma_wait3A_1120 = arith.constant 0 : i32
          %dma_wait3A_1121 = tpu.memref_slice %arg4[%add3A_1114, %dma_wait3A_1115, %add3A, %dma_wait3A_1119, %dma_wait3A_1120] : memref<50x8x32x8x128xf32, #tpu.memory_space<hbm>> -> memref<1x1x1x8x128xf32, #tpu.memory_space<hbm>>
          %dma_wait3A_1122 = tpu.memref_squeeze %dma_wait3A_1121 : memref<1x1x1x8x128xf32, #tpu.memory_space<hbm>> -> memref<8x128xf32, #tpu.memory_space<hbm>>
          %dma_wait3A_1123 = arith.constant 0 : i32
          %dma_wait3A_1124 = arith.constant 0 : i32
          %dma_wait3A_1125 = tpu.memref_slice %arg4[%add3A_1114, %dma_wait3A_1115, %add3A, %dma_wait3A_1123, %dma_wait3A_1124] : memref<50x8x32x8x128xf32, #tpu.memory_space<hbm>> -> memref<1x1x1x8x128xf32, #tpu.memory_space<hbm>>
          %dma_wait3A_1126 = tpu.memref_squeeze %dma_wait3A_1125 : memref<1x1x1x8x128xf32, #tpu.memory_space<hbm>> -> memref<8x128xf32, #tpu.memory_space<hbm>>
          %dma_wait3A_1127 = arith.constant 120 : i32
          %dma_wait3A_1128 = arith.constant 0 : i32
          %dma_wait3A_1129 = tpu.memref_slice %arg9[%dma_wait3A_1127, %dma_wait3A_1128] : memref<128x129xf32, #tpu.memory_space<vmem>> -> memref<8x128xf32, #tpu.memory_space<vmem>>
          tpu.wait_dma2 semaphore(%arg13 : memref<!tpu.dma_semaphore, #tpu.memory_space<semaphore_mem>>) src(%dma_wait3A_1129 : memref<8x128xf32, #tpu.memory_space<vmem>>) dst(%dma_wait3A_1126 : memref<8x128xf32, #tpu.memory_space<hbm>>)
        } else {
        }
        %parallel_loop3A = arith.constant 0 : i32
        %parallel_loop3A_579 = arith.constant 256 : i32
        %parallel_loop3A_580 = arith.constant 1 : i32
        scf.for %parallel_loop3A_855 = %parallel_loop3A to %parallel_loop3A_579 step %parallel_loop3A_580  : i32 {
          %parallel_loop3A_856 = arith.constant 7 : i32
          %parallel_loop3A_857 = arith.shrsi %parallel_loop3A_855, %parallel_loop3A_856 : i32
          %parallel_loop3A_858 = arith.constant 127 : i32
          %parallel_loop3A_859 = arith.andi %parallel_loop3A_855, %parallel_loop3A_858 : i32
          %parallel_loop3A_860 = arith.index_cast %parallel_loop3A_855 : i32 to index
          %parallel_loop3A_861 = arith.constant 0 : index
          %parallel_loop3A_862 = tpu.vector_load %arg7[%parallel_loop3A_860, %parallel_loop3A_861] {strides = array<i32>} : memref<256x64xf32, #tpu.memory_space<vmem>>, vector<16xf32>,
          %parallel_loop3A_863 = arith.constant 0 : i32
          %parallel_loop3A_864 = vector.broadcast %parallel_loop3A_863 : i32 to vector<16xi32>
          %parallel_loop3A_865 = arith.addi %parallel_loop3A_864, %iota3A : vector<16xi32>
          %parallel_loop3A_866 = arith.constant 64 : i32
          %parallel_loop3A_867 = arith.muli %parallel_loop3A_857, %parallel_loop3A_866 : i32
          %parallel_loop3A_868 = vector.broadcast %parallel_loop3A_867 : i32 to vector<16xi32>
          %parallel_loop3A_869 = arith.addi %parallel_loop3A_865, %parallel_loop3A_868 : vector<16xi32>
          %parallel_loop3A_870 = arith.constant 0 : i32
          %parallel_loop3A_871 = vector.broadcast %parallel_loop3A_870 : i32 to vector<16xi32>
          %parallel_loop3A_872 = arith.muli %iota3A, %parallel_loop3A_871 : vector<16xi32>
          %parallel_loop3A_873 = vector.broadcast %parallel_loop3A_859 : i32 to vector<16xi32>
          %parallel_loop3A_874 = arith.addi %parallel_loop3A_872, %parallel_loop3A_873 : vector<16xi32>
          tpu.vector_store_idx %arg9[%parallel_loop3A_869, %parallel_loop3A_874], %parallel_loop3A_862 : memref<128x129xf32, #tpu.memory_space<vmem>>[vector<16xi32>, vector<16xi32>], vector<16xf32>,
          %parallel_loop3A_875 = arith.index_cast %parallel_loop3A_855 : i32 to index
          %parallel_loop3A_876 = arith.constant 16 : index
          %parallel_loop3A_877 = tpu.vector_load %arg7[%parallel_loop3A_875, %parallel_loop3A_876] {strides = array<i32>} : memref<256x64xf32, #tpu.memory_space<vmem>>, vector<16xf32>,
          %parallel_loop3A_878 = arith.constant 16 : i32
          %parallel_loop3A_879 = vector.broadcast %parallel_loop3A_878 : i32 to vector<16xi32>
          %parallel_loop3A_880 = arith.addi %parallel_loop3A_879, %iota3A : vector<16xi32>
          %parallel_loop3A_881 = arith.constant 64 : i32
          %parallel_loop3A_882 = arith.muli %parallel_loop3A_857, %parallel_loop3A_881 : i32
          %parallel_loop3A_883 = vector.broadcast %parallel_loop3A_882 : i32 to vector<16xi32>
          %parallel_loop3A_884 = arith.addi %parallel_loop3A_880, %parallel_loop3A_883 : vector<16xi32>
          %parallel_loop3A_885 = arith.constant 0 : i32
          %parallel_loop3A_886 = vector.broadcast %parallel_loop3A_885 : i32 to vector<16xi32>
          %parallel_loop3A_887 = arith.muli %iota3A, %parallel_loop3A_886 : vector<16xi32>
          %parallel_loop3A_888 = vector.broadcast %parallel_loop3A_859 : i32 to vector<16xi32>
          %parallel_loop3A_889 = arith.addi %parallel_loop3A_887, %parallel_loop3A_888 : vector<16xi32>
          tpu.vector_store_idx %arg9[%parallel_loop3A_884, %parallel_loop3A_889], %parallel_loop3A_877 : memref<128x129xf32, #tpu.memory_space<vmem>>[vector<16xi32>, vector<16xi32>], vector<16xf32>,
          %parallel_loop3A_890 = arith.index_cast %parallel_loop3A_855 : i32 to index
          %parallel_loop3A_891 = arith.constant 32 : index
          %parallel_loop3A_892 = tpu.vector_load %arg7[%parallel_loop3A_890, %parallel_loop3A_891] {strides = array<i32>} : memref<256x64xf32, #tpu.memory_space<vmem>>, vector<16xf32>,
          %parallel_loop3A_893 = arith.constant 32 : i32
          %parallel_loop3A_894 = vector.broadcast %parallel_loop3A_893 : i32 to vector<16xi32>
          %parallel_loop3A_895 = arith.addi %parallel_loop3A_894, %iota3A : vector<16xi32>
          %parallel_loop3A_896 = arith.constant 64 : i32
          %parallel_loop3A_897 = arith.muli %parallel_loop3A_857, %parallel_loop3A_896 : i32
          %parallel_loop3A_898 = vector.broadcast %parallel_loop3A_897 : i32 to vector<16xi32>
          %parallel_loop3A_899 = arith.addi %parallel_loop3A_895, %parallel_loop3A_898 : vector<16xi32>
          %parallel_loop3A_900 = arith.constant 0 : i32
          %parallel_loop3A_901 = vector.broadcast %parallel_loop3A_900 : i32 to vector<16xi32>
          %parallel_loop3A_902 = arith.muli %iota3A, %parallel_loop3A_901 : vector<16xi32>
          %parallel_loop3A_903 = vector.broadcast %parallel_loop3A_859 : i32 to vector<16xi32>
          %parallel_loop3A_904 = arith.addi %parallel_loop3A_902, %parallel_loop3A_903 : vector<16xi32>
          tpu.vector_store_idx %arg9[%parallel_loop3A_899, %parallel_loop3A_904], %parallel_loop3A_892 : memref<128x129xf32, #tpu.memory_space<vmem>>[vector<16xi32>, vector<16xi32>], vector<16xf32>,
          %parallel_loop3A_905 = arith.index_cast %parallel_loop3A_855 : i32 to index
          %parallel_loop3A_906 = arith.constant 48 : index
          %parallel_loop3A_907 = tpu.vector_load %arg7[%parallel_loop3A_905, %parallel_loop3A_906] {strides = array<i32>} : memref<256x64xf32, #tpu.memory_space<vmem>>, vector<16xf32>,
          %parallel_loop3A_908 = arith.constant 48 : i32
          %parallel_loop3A_909 = vector.broadcast %parallel_loop3A_908 : i32 to vector<16xi32>
          %parallel_loop3A_910 = arith.addi %parallel_loop3A_909, %iota3A : vector<16xi32>
          %parallel_loop3A_911 = arith.constant 64 : i32
          %parallel_loop3A_912 = arith.muli %parallel_loop3A_857, %parallel_loop3A_911 : i32
          %parallel_loop3A_913 = vector.broadcast %parallel_loop3A_912 : i32 to vector<16xi32>
          %parallel_loop3A_914 = arith.addi %parallel_loop3A_910, %parallel_loop3A_913 : vector<16xi32>
          %parallel_loop3A_915 = arith.constant 0 : i32
          %parallel_loop3A_916 = vector.broadcast %parallel_loop3A_915 : i32 to vector<16xi32>
          %parallel_loop3A_917 = arith.muli %iota3A, %parallel_loop3A_916 : vector<16xi32>
          %parallel_loop3A_918 = vector.broadcast %parallel_loop3A_859 : i32 to vector<16xi32>
          %parallel_loop3A_919 = arith.addi %parallel_loop3A_917, %parallel_loop3A_918 : vector<16xi32>
          tpu.vector_store_idx %arg9[%parallel_loop3A_914, %parallel_loop3A_919], %parallel_loop3A_907 : memref<128x129xf32, #tpu.memory_space<vmem>>[vector<16xi32>, vector<16xi32>], vector<16xf32>,
        } {sc.loop_unroll_factor = 4 : i64, sc.parallel_access}
        %mul3A_581 = arith.constant 2 : i32
        %mul3A_582 = arith.muli %scan3A_538, %mul3A_581 : i32
        %add3A_583 = arith.constant 0 : i32
        %add3A_584 = arith.addi %mul3A_582, %add3A_583 : i32
        %dma_start3A_585 = arith.constant 0 : i32
        %dma_start3A_586 = arith.constant 0 : i32
        %dma_start3A_587 = arith.constant 0 : i32
        %dma_start3A_588 = tpu.memref_slice %arg9[%dma_start3A_586, %dma_start3A_587] : memref<128x129xf32, #tpu.memory_space<vmem>> -> memref<8x128xf32, #tpu.memory_space<vmem>>
        %dma_start3A_589 = arith.constant 0 : i32
        %dma_start3A_590 = arith.constant 0 : i32
        %dma_start3A_591 = tpu.memref_slice %arg4[%add3A_584, %dma_start3A_585, %add3A, %dma_start3A_589, %dma_start3A_590] : memref<50x8x32x8x128xf32, #tpu.memory_space<hbm>> -> memref<1x1x1x8x128xf32, #tpu.memory_space<hbm>>
        %dma_start3A_592 = tpu.memref_squeeze %dma_start3A_591 : memref<1x1x1x8x128xf32, #tpu.memory_space<hbm>> -> memref<8x128xf32, #tpu.memory_space<hbm>>
        %dma_start3A_593 = arith.constant 0 : i32
        %dma_start3A_594 = arith.constant 0 : i32
        %dma_start3A_595 = tpu.memref_slice %arg4[%add3A_584, %dma_start3A_585, %add3A, %dma_start3A_593, %dma_start3A_594] : memref<50x8x32x8x128xf32, #tpu.memory_space<hbm>> -> memref<1x1x1x8x128xf32, #tpu.memory_space<hbm>>
        %dma_start3A_596 = tpu.memref_squeeze %dma_start3A_595 : memref<1x1x1x8x128xf32, #tpu.memory_space<hbm>> -> memref<8x128xf32, #tpu.memory_space<hbm>>
        %dma_start3A_597 = arith.constant 0 : i32
        %dma_start3A_598 = arith.constant 0 : i32
        %dma_start3A_599 = tpu.memref_slice %arg9[%dma_start3A_597, %dma_start3A_598] : memref<128x129xf32, #tpu.memory_space<vmem>> -> memref<8x128xf32, #tpu.memory_space<vmem>>
        tpu.enqueue_dma source(%dma_start3A_599 : memref<8x128xf32, #tpu.memory_space<vmem>>) target(%dma_start3A_596 : memref<8x128xf32, #tpu.memory_space<hbm>>) target_semaphore(%arg13 : memref<!tpu.dma_semaphore, #tpu.memory_space<semaphore_mem>>)
        %add3A_600 = arith.constant 0 : i32
        %add3A_601 = arith.addi %mul3A_582, %add3A_600 : i32
        %dma_start3A_602 = arith.constant 1 : i32
        %dma_start3A_603 = arith.constant 8 : i32
        %dma_start3A_604 = arith.constant 0 : i32
        %dma_start3A_605 = tpu.memref_slice %arg9[%dma_start3A_603, %dma_start3A_604] : memref<128x129xf32, #tpu.memory_space<vmem>> -> memref<8x128xf32, #tpu.memory_space<vmem>>
        %dma_start3A_606 = arith.constant 0 : i32
        %dma_start3A_607 = arith.constant 0 : i32
        %dma_start3A_608 = tpu.memref_slice %arg4[%add3A_601, %dma_start3A_602, %add3A, %dma_start3A_606, %dma_start3A_607] : memref<50x8x32x8x128xf32, #tpu.memory_space<hbm>> -> memref<1x1x1x8x128xf32, #tpu.memory_space<hbm>>
        %dma_start3A_609 = tpu.memref_squeeze %dma_start3A_608 : memref<1x1x1x8x128xf32, #tpu.memory_space<hbm>> -> memref<8x128xf32, #tpu.memory_space<hbm>>
        %dma_start3A_610 = arith.constant 0 : i32
        %dma_start3A_611 = arith.constant 0 : i32
        %dma_start3A_612 = tpu.memref_slice %arg4[%add3A_601, %dma_start3A_602, %add3A, %dma_start3A_610, %dma_start3A_611] : memref<50x8x32x8x128xf32, #tpu.memory_space<hbm>> -> memref<1x1x1x8x128xf32, #tpu.memory_space<hbm>>
        %dma_start3A_613 = tpu.memref_squeeze %dma_start3A_612 : memref<1x1x1x8x128xf32, #tpu.memory_space<hbm>> -> memref<8x128xf32, #tpu.memory_space<hbm>>
        %dma_start3A_614 = arith.constant 8 : i32
        %dma_start3A_615 = arith.constant 0 : i32
        %dma_start3A_616 = tpu.memref_slice %arg9[%dma_start3A_614, %dma_start3A_615] : memref<128x129xf32, #tpu.memory_space<vmem>> -> memref<8x128xf32, #tpu.memory_space<vmem>>
        tpu.enqueue_dma source(%dma_start3A_616 : memref<8x128xf32, #tpu.memory_space<vmem>>) target(%dma_start3A_613 : memref<8x128xf32, #tpu.memory_space<hbm>>) target_semaphore(%arg13 : memref<!tpu.dma_semaphore, #tpu.memory_space<semaphore_mem>>)
        %add3A_617 = arith.constant 0 : i32
        %add3A_618 = arith.addi %mul3A_582, %add3A_617 : i32
        %dma_start3A_619 = arith.constant 2 : i32
        %dma_start3A_620 = arith.constant 16 : i32
        %dma_start3A_621 = arith.constant 0 : i32
        %dma_start3A_622 = tpu.memref_slice %arg9[%dma_start3A_620, %dma_start3A_621] : memref<128x129xf32, #tpu.memory_space<vmem>> -> memref<8x128xf32, #tpu.memory_space<vmem>>
        %dma_start3A_623 = arith.constant 0 : i32
        %dma_start3A_624 = arith.constant 0 : i32
        %dma_start3A_625 = tpu.memref_slice %arg4[%add3A_618, %dma_start3A_619, %add3A, %dma_start3A_623, %dma_start3A_624] : memref<50x8x32x8x128xf32, #tpu.memory_space<hbm>> -> memref<1x1x1x8x128xf32, #tpu.memory_space<hbm>>
        %dma_start3A_626 = tpu.memref_squeeze %dma_start3A_625 : memref<1x1x1x8x128xf32, #tpu.memory_space<hbm>> -> memref<8x128xf32, #tpu.memory_space<hbm>>
        %dma_start3A_627 = arith.constant 0 : i32
        %dma_start3A_628 = arith.constant 0 : i32
        %dma_start3A_629 = tpu.memref_slice %arg4[%add3A_618, %dma_start3A_619, %add3A, %dma_start3A_627, %dma_start3A_628] : memref<50x8x32x8x128xf32, #tpu.memory_space<hbm>> -> memref<1x1x1x8x128xf32, #tpu.memory_space<hbm>>
        %dma_start3A_630 = tpu.memref_squeeze %dma_start3A_629 : memref<1x1x1x8x128xf32, #tpu.memory_space<hbm>> -> memref<8x128xf32, #tpu.memory_space<hbm>>
        %dma_start3A_631 = arith.constant 16 : i32
        %dma_start3A_632 = arith.constant 0 : i32
        %dma_start3A_633 = tpu.memref_slice %arg9[%dma_start3A_631, %dma_start3A_632] : memref<128x129xf32, #tpu.memory_space<vmem>> -> memref<8x128xf32, #tpu.memory_space<vmem>>
        tpu.enqueue_dma source(%dma_start3A_633 : memref<8x128xf32, #tpu.memory_space<vmem>>) target(%dma_start3A_630 : memref<8x128xf32, #tpu.memory_space<hbm>>) target_semaphore(%arg13 : memref<!tpu.dma_semaphore, #tpu.memory_space<semaphore_mem>>)
        %add3A_634 = arith.constant 0 : i32
        %add3A_635 = arith.addi %mul3A_582, %add3A_634 : i32
        %dma_start3A_636 = arith.constant 3 : i32
        %dma_start3A_637 = arith.constant 24 : i32
        %dma_start3A_638 = arith.constant 0 : i32
        %dma_start3A_639 = tpu.memref_slice %arg9[%dma_start3A_637, %dma_start3A_638] : memref<128x129xf32, #tpu.memory_space<vmem>> -> memref<8x128xf32, #tpu.memory_space<vmem>>
        %dma_start3A_640 = arith.constant 0 : i32
        %dma_start3A_641 = arith.constant 0 : i32
        %dma_start3A_642 = tpu.memref_slice %arg4[%add3A_635, %dma_start3A_636, %add3A, %dma_start3A_640, %dma_start3A_641] : memref<50x8x32x8x128xf32, #tpu.memory_space<hbm>> -> memref<1x1x1x8x128xf32, #tpu.memory_space<hbm>>
        %dma_start3A_643 = tpu.memref_squeeze %dma_start3A_642 : memref<1x1x1x8x128xf32, #tpu.memory_space<hbm>> -> memref<8x128xf32, #tpu.memory_space<hbm>>
        %dma_start3A_644 = arith.constant 0 : i32
        %dma_start3A_645 = arith.constant 0 : i32
        %dma_start3A_646 = tpu.memref_slice %arg4[%add3A_635, %dma_start3A_636, %add3A, %dma_start3A_644, %dma_start3A_645] : memref<50x8x32x8x128xf32, #tpu.memory_space<hbm>> -> memref<1x1x1x8x128xf32, #tpu.memory_space<hbm>>
        %dma_start3A_647 = tpu.memref_squeeze %dma_start3A_646 : memref<1x1x1x8x128xf32, #tpu.memory_space<hbm>> -> memref<8x128xf32, #tpu.memory_space<hbm>>
        %dma_start3A_648 = arith.constant 24 : i32
        %dma_start3A_649 = arith.constant 0 : i32
        %dma_start3A_650 = tpu.memref_slice %arg9[%dma_start3A_648, %dma_start3A_649] : memref<128x129xf32, #tpu.memory_space<vmem>> -> memref<8x128xf32, #tpu.memory_space<vmem>>
        tpu.enqueue_dma source(%dma_start3A_650 : memref<8x128xf32, #tpu.memory_space<vmem>>) target(%dma_start3A_647 : memref<8x128xf32, #tpu.memory_space<hbm>>) target_semaphore(%arg13 : memref<!tpu.dma_semaphore, #tpu.memory_space<semaphore_mem>>)
        %add3A_651 = arith.constant 0 : i32
        %add3A_652 = arith.addi %mul3A_582, %add3A_651 : i32
        %dma_start3A_653 = arith.constant 4 : i32
        %dma_start3A_654 = arith.constant 32 : i32
        %dma_start3A_655 = arith.constant 0 : i32
        %dma_start3A_656 = tpu.memref_slice %arg9[%dma_start3A_654, %dma_start3A_655] : memref<128x129xf32, #tpu.memory_space<vmem>> -> memref<8x128xf32, #tpu.memory_space<vmem>>
        %dma_start3A_657 = arith.constant 0 : i32
        %dma_start3A_658 = arith.constant 0 : i32
        %dma_start3A_659 = tpu.memref_slice %arg4[%add3A_652, %dma_start3A_653, %add3A, %dma_start3A_657, %dma_start3A_658] : memref<50x8x32x8x128xf32, #tpu.memory_space<hbm>> -> memref<1x1x1x8x128xf32, #tpu.memory_space<hbm>>
        %dma_start3A_660 = tpu.memref_squeeze %dma_start3A_659 : memref<1x1x1x8x128xf32, #tpu.memory_space<hbm>> -> memref<8x128xf32, #tpu.memory_space<hbm>>
        %dma_start3A_661 = arith.constant 0 : i32
        %dma_start3A_662 = arith.constant 0 : i32
        %dma_start3A_663 = tpu.memref_slice %arg4[%add3A_652, %dma_start3A_653, %add3A, %dma_start3A_661, %dma_start3A_662] : memref<50x8x32x8x128xf32, #tpu.memory_space<hbm>> -> memref<1x1x1x8x128xf32, #tpu.memory_space<hbm>>
        %dma_start3A_664 = tpu.memref_squeeze %dma_start3A_663 : memref<1x1x1x8x128xf32, #tpu.memory_space<hbm>> -> memref<8x128xf32, #tpu.memory_space<hbm>>
        %dma_start3A_665 = arith.constant 32 : i32
        %dma_start3A_666 = arith.constant 0 : i32
        %dma_start3A_667 = tpu.memref_slice %arg9[%dma_start3A_665, %dma_start3A_666] : memref<128x129xf32, #tpu.memory_space<vmem>> -> memref<8x128xf32, #tpu.memory_space<vmem>>
        tpu.enqueue_dma source(%dma_start3A_667 : memref<8x128xf32, #tpu.memory_space<vmem>>) target(%dma_start3A_664 : memref<8x128xf32, #tpu.memory_space<hbm>>) target_semaphore(%arg13 : memref<!tpu.dma_semaphore, #tpu.memory_space<semaphore_mem>>)
        %add3A_668 = arith.constant 0 : i32
        %add3A_669 = arith.addi %mul3A_582, %add3A_668 : i32
        %dma_start3A_670 = arith.constant 5 : i32
        %dma_start3A_671 = arith.constant 40 : i32
        %dma_start3A_672 = arith.constant 0 : i32
        %dma_start3A_673 = tpu.memref_slice %arg9[%dma_start3A_671, %dma_start3A_672] : memref<128x129xf32, #tpu.memory_space<vmem>> -> memref<8x128xf32, #tpu.memory_space<vmem>>
        %dma_start3A_674 = arith.constant 0 : i32
        %dma_start3A_675 = arith.constant 0 : i32
        %dma_start3A_676 = tpu.memref_slice %arg4[%add3A_669, %dma_start3A_670, %add3A, %dma_start3A_674, %dma_start3A_675] : memref<50x8x32x8x128xf32, #tpu.memory_space<hbm>> -> memref<1x1x1x8x128xf32, #tpu.memory_space<hbm>>
        %dma_start3A_677 = tpu.memref_squeeze %dma_start3A_676 : memref<1x1x1x8x128xf32, #tpu.memory_space<hbm>> -> memref<8x128xf32, #tpu.memory_space<hbm>>
        %dma_start3A_678 = arith.constant 0 : i32
        %dma_start3A_679 = arith.constant 0 : i32
        %dma_start3A_680 = tpu.memref_slice %arg4[%add3A_669, %dma_start3A_670, %add3A, %dma_start3A_678, %dma_start3A_679] : memref<50x8x32x8x128xf32, #tpu.memory_space<hbm>> -> memref<1x1x1x8x128xf32, #tpu.memory_space<hbm>>
        %dma_start3A_681 = tpu.memref_squeeze %dma_start3A_680 : memref<1x1x1x8x128xf32, #tpu.memory_space<hbm>> -> memref<8x128xf32, #tpu.memory_space<hbm>>
        %dma_start3A_682 = arith.constant 40 : i32
        %dma_start3A_683 = arith.constant 0 : i32
        %dma_start3A_684 = tpu.memref_slice %arg9[%dma_start3A_682, %dma_start3A_683] : memref<128x129xf32, #tpu.memory_space<vmem>> -> memref<8x128xf32, #tpu.memory_space<vmem>>
        tpu.enqueue_dma source(%dma_start3A_684 : memref<8x128xf32, #tpu.memory_space<vmem>>) target(%dma_start3A_681 : memref<8x128xf32, #tpu.memory_space<hbm>>) target_semaphore(%arg13 : memref<!tpu.dma_semaphore, #tpu.memory_space<semaphore_mem>>)
        %add3A_685 = arith.constant 0 : i32
        %add3A_686 = arith.addi %mul3A_582, %add3A_685 : i32
        %dma_start3A_687 = arith.constant 6 : i32
        %dma_start3A_688 = arith.constant 48 : i32
        %dma_start3A_689 = arith.constant 0 : i32
        %dma_start3A_690 = tpu.memref_slice %arg9[%dma_start3A_688, %dma_start3A_689] : memref<128x129xf32, #tpu.memory_space<vmem>> -> memref<8x128xf32, #tpu.memory_space<vmem>>
        %dma_start3A_691 = arith.constant 0 : i32
        %dma_start3A_692 = arith.constant 0 : i32
        %dma_start3A_693 = tpu.memref_slice %arg4[%add3A_686, %dma_start3A_687, %add3A, %dma_start3A_691, %dma_start3A_692] : memref<50x8x32x8x128xf32, #tpu.memory_space<hbm>> -> memref<1x1x1x8x128xf32, #tpu.memory_space<hbm>>
        %dma_start3A_694 = tpu.memref_squeeze %dma_start3A_693 : memref<1x1x1x8x128xf32, #tpu.memory_space<hbm>> -> memref<8x128xf32, #tpu.memory_space<hbm>>
        %dma_start3A_695 = arith.constant 0 : i32
        %dma_start3A_696 = arith.constant 0 : i32
        %dma_start3A_697 = tpu.memref_slice %arg4[%add3A_686, %dma_start3A_687, %add3A, %dma_start3A_695, %dma_start3A_696] : memref<50x8x32x8x128xf32, #tpu.memory_space<hbm>> -> memref<1x1x1x8x128xf32, #tpu.memory_space<hbm>>
        %dma_start3A_698 = tpu.memref_squeeze %dma_start3A_697 : memref<1x1x1x8x128xf32, #tpu.memory_space<hbm>> -> memref<8x128xf32, #tpu.memory_space<hbm>>
        %dma_start3A_699 = arith.constant 48 : i32
        %dma_start3A_700 = arith.constant 0 : i32
        %dma_start3A_701 = tpu.memref_slice %arg9[%dma_start3A_699, %dma_start3A_700] : memref<128x129xf32, #tpu.memory_space<vmem>> -> memref<8x128xf32, #tpu.memory_space<vmem>>
        tpu.enqueue_dma source(%dma_start3A_701 : memref<8x128xf32, #tpu.memory_space<vmem>>) target(%dma_start3A_698 : memref<8x128xf32, #tpu.memory_space<hbm>>) target_semaphore(%arg13 : memref<!tpu.dma_semaphore, #tpu.memory_space<semaphore_mem>>)
        %add3A_702 = arith.constant 0 : i32
        %add3A_703 = arith.addi %mul3A_582, %add3A_702 : i32
        %dma_start3A_704 = arith.constant 7 : i32
        %dma_start3A_705 = arith.constant 56 : i32
        %dma_start3A_706 = arith.constant 0 : i32
        %dma_start3A_707 = tpu.memref_slice %arg9[%dma_start3A_705, %dma_start3A_706] : memref<128x129xf32, #tpu.memory_space<vmem>> -> memref<8x128xf32, #tpu.memory_space<vmem>>
        %dma_start3A_708 = arith.constant 0 : i32
        %dma_start3A_709 = arith.constant 0 : i32
        %dma_start3A_710 = tpu.memref_slice %arg4[%add3A_703, %dma_start3A_704, %add3A, %dma_start3A_708, %dma_start3A_709] : memref<50x8x32x8x128xf32, #tpu.memory_space<hbm>> -> memref<1x1x1x8x128xf32, #tpu.memory_space<hbm>>
        %dma_start3A_711 = tpu.memref_squeeze %dma_start3A_710 : memref<1x1x1x8x128xf32, #tpu.memory_space<hbm>> -> memref<8x128xf32, #tpu.memory_space<hbm>>
        %dma_start3A_712 = arith.constant 0 : i32
        %dma_start3A_713 = arith.constant 0 : i32
        %dma_start3A_714 = tpu.memref_slice %arg4[%add3A_703, %dma_start3A_704, %add3A, %dma_start3A_712, %dma_start3A_713] : memref<50x8x32x8x128xf32, #tpu.memory_space<hbm>> -> memref<1x1x1x8x128xf32, #tpu.memory_space<hbm>>
        %dma_start3A_715 = tpu.memref_squeeze %dma_start3A_714 : memref<1x1x1x8x128xf32, #tpu.memory_space<hbm>> -> memref<8x128xf32, #tpu.memory_space<hbm>>
        %dma_start3A_716 = arith.constant 56 : i32
        %dma_start3A_717 = arith.constant 0 : i32
        %dma_start3A_718 = tpu.memref_slice %arg9[%dma_start3A_716, %dma_start3A_717] : memref<128x129xf32, #tpu.memory_space<vmem>> -> memref<8x128xf32, #tpu.memory_space<vmem>>
        tpu.enqueue_dma source(%dma_start3A_718 : memref<8x128xf32, #tpu.memory_space<vmem>>) target(%dma_start3A_715 : memref<8x128xf32, #tpu.memory_space<hbm>>) target_semaphore(%arg13 : memref<!tpu.dma_semaphore, #tpu.memory_space<semaphore_mem>>)
        %add3A_719 = arith.constant 1 : i32
        %add3A_720 = arith.addi %mul3A_582, %add3A_719 : i32
        %dma_start3A_721 = arith.constant 0 : i32
        %dma_start3A_722 = arith.constant 64 : i32
        %dma_start3A_723 = arith.constant 0 : i32
        %dma_start3A_724 = tpu.memref_slice %arg9[%dma_start3A_722, %dma_start3A_723] : memref<128x129xf32, #tpu.memory_space<vmem>> -> memref<8x128xf32, #tpu.memory_space<vmem>>
        %dma_start3A_725 = arith.constant 0 : i32
        %dma_start3A_726 = arith.constant 0 : i32
        %dma_start3A_727 = tpu.memref_slice %arg4[%add3A_720, %dma_start3A_721, %add3A, %dma_start3A_725, %dma_start3A_726] : memref<50x8x32x8x128xf32, #tpu.memory_space<hbm>> -> memref<1x1x1x8x128xf32, #tpu.memory_space<hbm>>
        %dma_start3A_728 = tpu.memref_squeeze %dma_start3A_727 : memref<1x1x1x8x128xf32, #tpu.memory_space<hbm>> -> memref<8x128xf32, #tpu.memory_space<hbm>>
        %dma_start3A_729 = arith.constant 0 : i32
        %dma_start3A_730 = arith.constant 0 : i32
        %dma_start3A_731 = tpu.memref_slice %arg4[%add3A_720, %dma_start3A_721, %add3A, %dma_start3A_729, %dma_start3A_730] : memref<50x8x32x8x128xf32, #tpu.memory_space<hbm>> -> memref<1x1x1x8x128xf32, #tpu.memory_space<hbm>>
        %dma_start3A_732 = tpu.memref_squeeze %dma_start3A_731 : memref<1x1x1x8x128xf32, #tpu.memory_space<hbm>> -> memref<8x128xf32, #tpu.memory_space<hbm>>
        %dma_start3A_733 = arith.constant 64 : i32
        %dma_start3A_734 = arith.constant 0 : i32
        %dma_start3A_735 = tpu.memref_slice %arg9[%dma_start3A_733, %dma_start3A_734] : memref<128x129xf32, #tpu.memory_space<vmem>> -> memref<8x128xf32, #tpu.memory_space<vmem>>
        tpu.enqueue_dma source(%dma_start3A_735 : memref<8x128xf32, #tpu.memory_space<vmem>>) target(%dma_start3A_732 : memref<8x128xf32, #tpu.memory_space<hbm>>) target_semaphore(%arg13 : memref<!tpu.dma_semaphore, #tpu.memory_space<semaphore_mem>>)
        %add3A_736 = arith.constant 1 : i32
        %add3A_737 = arith.addi %mul3A_582, %add3A_736 : i32
        %dma_start3A_738 = arith.constant 1 : i32
        %dma_start3A_739 = arith.constant 72 : i32
        %dma_start3A_740 = arith.constant 0 : i32
        %dma_start3A_741 = tpu.memref_slice %arg9[%dma_start3A_739, %dma_start3A_740] : memref<128x129xf32, #tpu.memory_space<vmem>> -> memref<8x128xf32, #tpu.memory_space<vmem>>
        %dma_start3A_742 = arith.constant 0 : i32
        %dma_start3A_743 = arith.constant 0 : i32
        %dma_start3A_744 = tpu.memref_slice %arg4[%add3A_737, %dma_start3A_738, %add3A, %dma_start3A_742, %dma_start3A_743] : memref<50x8x32x8x128xf32, #tpu.memory_space<hbm>> -> memref<1x1x1x8x128xf32, #tpu.memory_space<hbm>>
        %dma_start3A_745 = tpu.memref_squeeze %dma_start3A_744 : memref<1x1x1x8x128xf32, #tpu.memory_space<hbm>> -> memref<8x128xf32, #tpu.memory_space<hbm>>
        %dma_start3A_746 = arith.constant 0 : i32
        %dma_start3A_747 = arith.constant 0 : i32
        %dma_start3A_748 = tpu.memref_slice %arg4[%add3A_737, %dma_start3A_738, %add3A, %dma_start3A_746, %dma_start3A_747] : memref<50x8x32x8x128xf32, #tpu.memory_space<hbm>> -> memref<1x1x1x8x128xf32, #tpu.memory_space<hbm>>
        %dma_start3A_749 = tpu.memref_squeeze %dma_start3A_748 : memref<1x1x1x8x128xf32, #tpu.memory_space<hbm>> -> memref<8x128xf32, #tpu.memory_space<hbm>>
        %dma_start3A_750 = arith.constant 72 : i32
        %dma_start3A_751 = arith.constant 0 : i32
        %dma_start3A_752 = tpu.memref_slice %arg9[%dma_start3A_750, %dma_start3A_751] : memref<128x129xf32, #tpu.memory_space<vmem>> -> memref<8x128xf32, #tpu.memory_space<vmem>>
        tpu.enqueue_dma source(%dma_start3A_752 : memref<8x128xf32, #tpu.memory_space<vmem>>) target(%dma_start3A_749 : memref<8x128xf32, #tpu.memory_space<hbm>>) target_semaphore(%arg13 : memref<!tpu.dma_semaphore, #tpu.memory_space<semaphore_mem>>)
        %add3A_753 = arith.constant 1 : i32
        %add3A_754 = arith.addi %mul3A_582, %add3A_753 : i32
        %dma_start3A_755 = arith.constant 2 : i32
        %dma_start3A_756 = arith.constant 80 : i32
        %dma_start3A_757 = arith.constant 0 : i32
        %dma_start3A_758 = tpu.memref_slice %arg9[%dma_start3A_756, %dma_start3A_757] : memref<128x129xf32, #tpu.memory_space<vmem>> -> memref<8x128xf32, #tpu.memory_space<vmem>>
        %dma_start3A_759 = arith.constant 0 : i32
        %dma_start3A_760 = arith.constant 0 : i32
        %dma_start3A_761 = tpu.memref_slice %arg4[%add3A_754, %dma_start3A_755, %add3A, %dma_start3A_759, %dma_start3A_760] : memref<50x8x32x8x128xf32, #tpu.memory_space<hbm>> -> memref<1x1x1x8x128xf32, #tpu.memory_space<hbm>>
        %dma_start3A_762 = tpu.memref_squeeze %dma_start3A_761 : memref<1x1x1x8x128xf32, #tpu.memory_space<hbm>> -> memref<8x128xf32, #tpu.memory_space<hbm>>
        %dma_start3A_763 = arith.constant 0 : i32
        %dma_start3A_764 = arith.constant 0 : i32
        %dma_start3A_765 = tpu.memref_slice %arg4[%add3A_754, %dma_start3A_755, %add3A, %dma_start3A_763, %dma_start3A_764] : memref<50x8x32x8x128xf32, #tpu.memory_space<hbm>> -> memref<1x1x1x8x128xf32, #tpu.memory_space<hbm>>
        %dma_start3A_766 = tpu.memref_squeeze %dma_start3A_765 : memref<1x1x1x8x128xf32, #tpu.memory_space<hbm>> -> memref<8x128xf32, #tpu.memory_space<hbm>>
        %dma_start3A_767 = arith.constant 80 : i32
        %dma_start3A_768 = arith.constant 0 : i32
        %dma_start3A_769 = tpu.memref_slice %arg9[%dma_start3A_767, %dma_start3A_768] : memref<128x129xf32, #tpu.memory_space<vmem>> -> memref<8x128xf32, #tpu.memory_space<vmem>>
        tpu.enqueue_dma source(%dma_start3A_769 : memref<8x128xf32, #tpu.memory_space<vmem>>) target(%dma_start3A_766 : memref<8x128xf32, #tpu.memory_space<hbm>>) target_semaphore(%arg13 : memref<!tpu.dma_semaphore, #tpu.memory_space<semaphore_mem>>)
        %add3A_770 = arith.constant 1 : i32
        %add3A_771 = arith.addi %mul3A_582, %add3A_770 : i32
        %dma_start3A_772 = arith.constant 3 : i32
        %dma_start3A_773 = arith.constant 88 : i32
        %dma_start3A_774 = arith.constant 0 : i32
        %dma_start3A_775 = tpu.memref_slice %arg9[%dma_start3A_773, %dma_start3A_774] : memref<128x129xf32, #tpu.memory_space<vmem>> -> memref<8x128xf32, #tpu.memory_space<vmem>>
        %dma_start3A_776 = arith.constant 0 : i32
        %dma_start3A_777 = arith.constant 0 : i32
        %dma_start3A_778 = tpu.memref_slice %arg4[%add3A_771, %dma_start3A_772, %add3A, %dma_start3A_776, %dma_start3A_777] : memref<50x8x32x8x128xf32, #tpu.memory_space<hbm>> -> memref<1x1x1x8x128xf32, #tpu.memory_space<hbm>>
        %dma_start3A_779 = tpu.memref_squeeze %dma_start3A_778 : memref<1x1x1x8x128xf32, #tpu.memory_space<hbm>> -> memref<8x128xf32, #tpu.memory_space<hbm>>
        %dma_start3A_780 = arith.constant 0 : i32
        %dma_start3A_781 = arith.constant 0 : i32
        %dma_start3A_782 = tpu.memref_slice %arg4[%add3A_771, %dma_start3A_772, %add3A, %dma_start3A_780, %dma_start3A_781] : memref<50x8x32x8x128xf32, #tpu.memory_space<hbm>> -> memref<1x1x1x8x128xf32, #tpu.memory_space<hbm>>
        %dma_start3A_783 = tpu.memref_squeeze %dma_start3A_782 : memref<1x1x1x8x128xf32, #tpu.memory_space<hbm>> -> memref<8x128xf32, #tpu.memory_space<hbm>>
        %dma_start3A_784 = arith.constant 88 : i32
        %dma_start3A_785 = arith.constant 0 : i32
        %dma_start3A_786 = tpu.memref_slice %arg9[%dma_start3A_784, %dma_start3A_785] : memref<128x129xf32, #tpu.memory_space<vmem>> -> memref<8x128xf32, #tpu.memory_space<vmem>>
        tpu.enqueue_dma source(%dma_start3A_786 : memref<8x128xf32, #tpu.memory_space<vmem>>) target(%dma_start3A_783 : memref<8x128xf32, #tpu.memory_space<hbm>>) target_semaphore(%arg13 : memref<!tpu.dma_semaphore, #tpu.memory_space<semaphore_mem>>)
        %add3A_787 = arith.constant 1 : i32
        %add3A_788 = arith.addi %mul3A_582, %add3A_787 : i32
        %dma_start3A_789 = arith.constant 4 : i32
        %dma_start3A_790 = arith.constant 96 : i32
        %dma_start3A_791 = arith.constant 0 : i32
        %dma_start3A_792 = tpu.memref_slice %arg9[%dma_start3A_790, %dma_start3A_791] : memref<128x129xf32, #tpu.memory_space<vmem>> -> memref<8x128xf32, #tpu.memory_space<vmem>>
        %dma_start3A_793 = arith.constant 0 : i32
        %dma_start3A_794 = arith.constant 0 : i32
        %dma_start3A_795 = tpu.memref_slice %arg4[%add3A_788, %dma_start3A_789, %add3A, %dma_start3A_793, %dma_start3A_794] : memref<50x8x32x8x128xf32, #tpu.memory_space<hbm>> -> memref<1x1x1x8x128xf32, #tpu.memory_space<hbm>>
        %dma_start3A_796 = tpu.memref_squeeze %dma_start3A_795 : memref<1x1x1x8x128xf32, #tpu.memory_space<hbm>> -> memref<8x128xf32, #tpu.memory_space<hbm>>
        %dma_start3A_797 = arith.constant 0 : i32
        %dma_start3A_798 = arith.constant 0 : i32
        %dma_start3A_799 = tpu.memref_slice %arg4[%add3A_788, %dma_start3A_789, %add3A, %dma_start3A_797, %dma_start3A_798] : memref<50x8x32x8x128xf32, #tpu.memory_space<hbm>> -> memref<1x1x1x8x128xf32, #tpu.memory_space<hbm>>
        %dma_start3A_800 = tpu.memref_squeeze %dma_start3A_799 : memref<1x1x1x8x128xf32, #tpu.memory_space<hbm>> -> memref<8x128xf32, #tpu.memory_space<hbm>>
        %dma_start3A_801 = arith.constant 96 : i32
        %dma_start3A_802 = arith.constant 0 : i32
        %dma_start3A_803 = tpu.memref_slice %arg9[%dma_start3A_801, %dma_start3A_802] : memref<128x129xf32, #tpu.memory_space<vmem>> -> memref<8x128xf32, #tpu.memory_space<vmem>>
        tpu.enqueue_dma source(%dma_start3A_803 : memref<8x128xf32, #tpu.memory_space<vmem>>) target(%dma_start3A_800 : memref<8x128xf32, #tpu.memory_space<hbm>>) target_semaphore(%arg13 : memref<!tpu.dma_semaphore, #tpu.memory_space<semaphore_mem>>)
        %add3A_804 = arith.constant 1 : i32
        %add3A_805 = arith.addi %mul3A_582, %add3A_804 : i32
        %dma_start3A_806 = arith.constant 5 : i32
        %dma_start3A_807 = arith.constant 104 : i32
        %dma_start3A_808 = arith.constant 0 : i32
        %dma_start3A_809 = tpu.memref_slice %arg9[%dma_start3A_807, %dma_start3A_808] : memref<128x129xf32, #tpu.memory_space<vmem>> -> memref<8x128xf32, #tpu.memory_space<vmem>>
        %dma_start3A_810 = arith.constant 0 : i32
        %dma_start3A_811 = arith.constant 0 : i32
        %dma_start3A_812 = tpu.memref_slice %arg4[%add3A_805, %dma_start3A_806, %add3A, %dma_start3A_810, %dma_start3A_811] : memref<50x8x32x8x128xf32, #tpu.memory_space<hbm>> -> memref<1x1x1x8x128xf32, #tpu.memory_space<hbm>>
        %dma_start3A_813 = tpu.memref_squeeze %dma_start3A_812 : memref<1x1x1x8x128xf32, #tpu.memory_space<hbm>> -> memref<8x128xf32, #tpu.memory_space<hbm>>
        %dma_start3A_814 = arith.constant 0 : i32
        %dma_start3A_815 = arith.constant 0 : i32
        %dma_start3A_816 = tpu.memref_slice %arg4[%add3A_805, %dma_start3A_806, %add3A, %dma_start3A_814, %dma_start3A_815] : memref<50x8x32x8x128xf32, #tpu.memory_space<hbm>> -> memref<1x1x1x8x128xf32, #tpu.memory_space<hbm>>
        %dma_start3A_817 = tpu.memref_squeeze %dma_start3A_816 : memref<1x1x1x8x128xf32, #tpu.memory_space<hbm>> -> memref<8x128xf32, #tpu.memory_space<hbm>>
        %dma_start3A_818 = arith.constant 104 : i32
        %dma_start3A_819 = arith.constant 0 : i32
        %dma_start3A_820 = tpu.memref_slice %arg9[%dma_start3A_818, %dma_start3A_819] : memref<128x129xf32, #tpu.memory_space<vmem>> -> memref<8x128xf32, #tpu.memory_space<vmem>>
        tpu.enqueue_dma source(%dma_start3A_820 : memref<8x128xf32, #tpu.memory_space<vmem>>) target(%dma_start3A_817 : memref<8x128xf32, #tpu.memory_space<hbm>>) target_semaphore(%arg13 : memref<!tpu.dma_semaphore, #tpu.memory_space<semaphore_mem>>)
        %add3A_821 = arith.constant 1 : i32
        %add3A_822 = arith.addi %mul3A_582, %add3A_821 : i32
        %dma_start3A_823 = arith.constant 6 : i32
        %dma_start3A_824 = arith.constant 112 : i32
        %dma_start3A_825 = arith.constant 0 : i32
        %dma_start3A_826 = tpu.memref_slice %arg9[%dma_start3A_824, %dma_start3A_825] : memref<128x129xf32, #tpu.memory_space<vmem>> -> memref<8x128xf32, #tpu.memory_space<vmem>>
        %dma_start3A_827 = arith.constant 0 : i32
        %dma_start3A_828 = arith.constant 0 : i32
        %dma_start3A_829 = tpu.memref_slice %arg4[%add3A_822, %dma_start3A_823, %add3A, %dma_start3A_827, %dma_start3A_828] : memref<50x8x32x8x128xf32, #tpu.memory_space<hbm>> -> memref<1x1x1x8x128xf32, #tpu.memory_space<hbm>>
        %dma_start3A_830 = tpu.memref_squeeze %dma_start3A_829 : memref<1x1x1x8x128xf32, #tpu.memory_space<hbm>> -> memref<8x128xf32, #tpu.memory_space<hbm>>
        %dma_start3A_831 = arith.constant 0 : i32
        %dma_start3A_832 = arith.constant 0 : i32
        %dma_start3A_833 = tpu.memref_slice %arg4[%add3A_822, %dma_start3A_823, %add3A, %dma_start3A_831, %dma_start3A_832] : memref<50x8x32x8x128xf32, #tpu.memory_space<hbm>> -> memref<1x1x1x8x128xf32, #tpu.memory_space<hbm>>
        %dma_start3A_834 = tpu.memref_squeeze %dma_start3A_833 : memref<1x1x1x8x128xf32, #tpu.memory_space<hbm>> -> memref<8x128xf32, #tpu.memory_space<hbm>>
        %dma_start3A_835 = arith.constant 112 : i32
        %dma_start3A_836 = arith.constant 0 : i32
        %dma_start3A_837 = tpu.memref_slice %arg9[%dma_start3A_835, %dma_start3A_836] : memref<128x129xf32, #tpu.memory_space<vmem>> -> memref<8x128xf32, #tpu.memory_space<vmem>>
        tpu.enqueue_dma source(%dma_start3A_837 : memref<8x128xf32, #tpu.memory_space<vmem>>) target(%dma_start3A_834 : memref<8x128xf32, #tpu.memory_space<hbm>>) target_semaphore(%arg13 : memref<!tpu.dma_semaphore, #tpu.memory_space<semaphore_mem>>)
        %add3A_838 = arith.constant 1 : i32
        %add3A_839 = arith.addi %mul3A_582, %add3A_838 : i32
        %dma_start3A_840 = arith.constant 7 : i32
        %dma_start3A_841 = arith.constant 120 : i32
        %dma_start3A_842 = arith.constant 0 : i32
        %dma_start3A_843 = tpu.memref_slice %arg9[%dma_start3A_841, %dma_start3A_842] : memref<128x129xf32, #tpu.memory_space<vmem>> -> memref<8x128xf32, #tpu.memory_space<vmem>>
        %dma_start3A_844 = arith.constant 0 : i32
        %dma_start3A_845 = arith.constant 0 : i32
        %dma_start3A_846 = tpu.memref_slice %arg4[%add3A_839, %dma_start3A_840, %add3A, %dma_start3A_844, %dma_start3A_845] : memref<50x8x32x8x128xf32, #tpu.memory_space<hbm>> -> memref<1x1x1x8x128xf32, #tpu.memory_space<hbm>>
        %dma_start3A_847 = tpu.memref_squeeze %dma_start3A_846 : memref<1x1x1x8x128xf32, #tpu.memory_space<hbm>> -> memref<8x128xf32, #tpu.memory_space<hbm>>
        %dma_start3A_848 = arith.constant 0 : i32
        %dma_start3A_849 = arith.constant 0 : i32
        %dma_start3A_850 = tpu.memref_slice %arg4[%add3A_839, %dma_start3A_840, %add3A, %dma_start3A_848, %dma_start3A_849] : memref<50x8x32x8x128xf32, #tpu.memory_space<hbm>> -> memref<1x1x1x8x128xf32, #tpu.memory_space<hbm>>
        %dma_start3A_851 = tpu.memref_squeeze %dma_start3A_850 : memref<1x1x1x8x128xf32, #tpu.memory_space<hbm>> -> memref<8x128xf32, #tpu.memory_space<hbm>>
        %dma_start3A_852 = arith.constant 120 : i32
        %dma_start3A_853 = arith.constant 0 : i32
        %dma_start3A_854 = tpu.memref_slice %arg9[%dma_start3A_852, %dma_start3A_853] : memref<128x129xf32, #tpu.memory_space<vmem>> -> memref<8x128xf32, #tpu.memory_space<vmem>>
        tpu.enqueue_dma source(%dma_start3A_854 : memref<8x128xf32, #tpu.memory_space<vmem>>) target(%dma_start3A_851 : memref<8x128xf32, #tpu.memory_space<hbm>>) target_semaphore(%arg13 : memref<!tpu.dma_semaphore, #tpu.memory_space<semaphore_mem>>)
      } else {
      }
    }
    %scan3A_26 = arith.constant 25 : i32
    %dma_wait3A = arith.constant 46 : i32
    %dma_wait3A_27 = arith.constant 0 : i32
    %dma_wait3A_28 = arith.constant 0 : i32
    %dma_wait3A_29 = arith.constant 0 : i32
    %dma_wait3A_30 = tpu.memref_slice %arg9[%dma_wait3A_28, %dma_wait3A_29] : memref<128x129xf32, #tpu.memory_space<vmem>> -> memref<8x128xf32, #tpu.memory_space<vmem>>
    %dma_wait3A_31 = arith.constant 0 : i32
    %dma_wait3A_32 = arith.constant 0 : i32
    %dma_wait3A_33 = tpu.memref_slice %arg4[%dma_wait3A, %dma_wait3A_27, %add3A, %dma_wait3A_31, %dma_wait3A_32] : memref<50x8x32x8x128xf32, #tpu.memory_space<hbm>> -> memref<1x1x1x8x128xf32, #tpu.memory_space<hbm>>
    %dma_wait3A_34 = tpu.memref_squeeze %dma_wait3A_33 : memref<1x1x1x8x128xf32, #tpu.memory_space<hbm>> -> memref<8x128xf32, #tpu.memory_space<hbm>>
    %dma_wait3A_35 = arith.constant 0 : i32
    %dma_wait3A_36 = arith.constant 0 : i32
    %dma_wait3A_37 = tpu.memref_slice %arg4[%dma_wait3A, %dma_wait3A_27, %add3A, %dma_wait3A_35, %dma_wait3A_36] : memref<50x8x32x8x128xf32, #tpu.memory_space<hbm>> -> memref<1x1x1x8x128xf32, #tpu.memory_space<hbm>>
    %dma_wait3A_38 = tpu.memref_squeeze %dma_wait3A_37 : memref<1x1x1x8x128xf32, #tpu.memory_space<hbm>> -> memref<8x128xf32, #tpu.memory_space<hbm>>
    %dma_wait3A_39 = arith.constant 0 : i32
    %dma_wait3A_40 = arith.constant 0 : i32
    %dma_wait3A_41 = tpu.memref_slice %arg9[%dma_wait3A_39, %dma_wait3A_40] : memref<128x129xf32, #tpu.memory_space<vmem>> -> memref<8x128xf32, #tpu.memory_space<vmem>>
    tpu.wait_dma2 semaphore(%arg13 : memref<!tpu.dma_semaphore, #tpu.memory_space<semaphore_mem>>) src(%dma_wait3A_41 : memref<8x128xf32, #tpu.memory_space<vmem>>) dst(%dma_wait3A_38 : memref<8x128xf32, #tpu.memory_space<hbm>>)
    %dma_wait3A_42 = arith.constant 46 : i32
    %dma_wait3A_43 = arith.constant 1 : i32
    %dma_wait3A_44 = arith.constant 8 : i32
    %dma_wait3A_45 = arith.constant 0 : i32
    %dma_wait3A_46 = tpu.memref_slice %arg9[%dma_wait3A_44, %dma_wait3A_45] : memref<128x129xf32, #tpu.memory_space<vmem>> -> memref<8x128xf32, #tpu.memory_space<vmem>>
    %dma_wait3A_47 = arith.constant 0 : i32
    %dma_wait3A_48 = arith.constant 0 : i32
    %dma_wait3A_49 = tpu.memref_slice %arg4[%dma_wait3A_42, %dma_wait3A_43, %add3A, %dma_wait3A_47, %dma_wait3A_48] : memref<50x8x32x8x128xf32, #tpu.memory_space<hbm>> -> memref<1x1x1x8x128xf32, #tpu.memory_space<hbm>>
    %dma_wait3A_50 = tpu.memref_squeeze %dma_wait3A_49 : memref<1x1x1x8x128xf32, #tpu.memory_space<hbm>> -> memref<8x128xf32, #tpu.memory_space<hbm>>
    %dma_wait3A_51 = arith.constant 0 : i32
    %dma_wait3A_52 = arith.constant 0 : i32
    %dma_wait3A_53 = tpu.memref_slice %arg4[%dma_wait3A_42, %dma_wait3A_43, %add3A, %dma_wait3A_51, %dma_wait3A_52] : memref<50x8x32x8x128xf32, #tpu.memory_space<hbm>> -> memref<1x1x1x8x128xf32, #tpu.memory_space<hbm>>
    %dma_wait3A_54 = tpu.memref_squeeze %dma_wait3A_53 : memref<1x1x1x8x128xf32, #tpu.memory_space<hbm>> -> memref<8x128xf32, #tpu.memory_space<hbm>>
    %dma_wait3A_55 = arith.constant 8 : i32
    %dma_wait3A_56 = arith.constant 0 : i32
    %dma_wait3A_57 = tpu.memref_slice %arg9[%dma_wait3A_55, %dma_wait3A_56] : memref<128x129xf32, #tpu.memory_space<vmem>> -> memref<8x128xf32, #tpu.memory_space<vmem>>
    tpu.wait_dma2 semaphore(%arg13 : memref<!tpu.dma_semaphore, #tpu.memory_space<semaphore_mem>>) src(%dma_wait3A_57 : memref<8x128xf32, #tpu.memory_space<vmem>>) dst(%dma_wait3A_54 : memref<8x128xf32, #tpu.memory_space<hbm>>)
    %dma_wait3A_58 = arith.constant 46 : i32
    %dma_wait3A_59 = arith.constant 2 : i32
    %dma_wait3A_60 = arith.constant 16 : i32
    %dma_wait3A_61 = arith.constant 0 : i32
    %dma_wait3A_62 = tpu.memref_slice %arg9[%dma_wait3A_60, %dma_wait3A_61] : memref<128x129xf32, #tpu.memory_space<vmem>> -> memref<8x128xf32, #tpu.memory_space<vmem>>
    %dma_wait3A_63 = arith.constant 0 : i32
    %dma_wait3A_64 = arith.constant 0 : i32
    %dma_wait3A_65 = tpu.memref_slice %arg4[%dma_wait3A_58, %dma_wait3A_59, %add3A, %dma_wait3A_63, %dma_wait3A_64] : memref<50x8x32x8x128xf32, #tpu.memory_space<hbm>> -> memref<1x1x1x8x128xf32, #tpu.memory_space<hbm>>
    %dma_wait3A_66 = tpu.memref_squeeze %dma_wait3A_65 : memref<1x1x1x8x128xf32, #tpu.memory_space<hbm>> -> memref<8x128xf32, #tpu.memory_space<hbm>>
    %dma_wait3A_67 = arith.constant 0 : i32
    %dma_wait3A_68 = arith.constant 0 : i32
    %dma_wait3A_69 = tpu.memref_slice %arg4[%dma_wait3A_58, %dma_wait3A_59, %add3A, %dma_wait3A_67, %dma_wait3A_68] : memref<50x8x32x8x128xf32, #tpu.memory_space<hbm>> -> memref<1x1x1x8x128xf32, #tpu.memory_space<hbm>>
    %dma_wait3A_70 = tpu.memref_squeeze %dma_wait3A_69 : memref<1x1x1x8x128xf32, #tpu.memory_space<hbm>> -> memref<8x128xf32, #tpu.memory_space<hbm>>
    %dma_wait3A_71 = arith.constant 16 : i32
    %dma_wait3A_72 = arith.constant 0 : i32
    %dma_wait3A_73 = tpu.memref_slice %arg9[%dma_wait3A_71, %dma_wait3A_72] : memref<128x129xf32, #tpu.memory_space<vmem>> -> memref<8x128xf32, #tpu.memory_space<vmem>>
    tpu.wait_dma2 semaphore(%arg13 : memref<!tpu.dma_semaphore, #tpu.memory_space<semaphore_mem>>) src(%dma_wait3A_73 : memref<8x128xf32, #tpu.memory_space<vmem>>) dst(%dma_wait3A_70 : memref<8x128xf32, #tpu.memory_space<hbm>>)
    %dma_wait3A_74 = arith.constant 46 : i32
    %dma_wait3A_75 = arith.constant 3 : i32
    %dma_wait3A_76 = arith.constant 24 : i32
    %dma_wait3A_77 = arith.constant 0 : i32
    %dma_wait3A_78 = tpu.memref_slice %arg9[%dma_wait3A_76, %dma_wait3A_77] : memref<128x129xf32, #tpu.memory_space<vmem>> -> memref<8x128xf32, #tpu.memory_space<vmem>>
    %dma_wait3A_79 = arith.constant 0 : i32
    %dma_wait3A_80 = arith.constant 0 : i32
    %dma_wait3A_81 = tpu.memref_slice %arg4[%dma_wait3A_74, %dma_wait3A_75, %add3A, %dma_wait3A_79, %dma_wait3A_80] : memref<50x8x32x8x128xf32, #tpu.memory_space<hbm>> -> memref<1x1x1x8x128xf32, #tpu.memory_space<hbm>>
    %dma_wait3A_82 = tpu.memref_squeeze %dma_wait3A_81 : memref<1x1x1x8x128xf32, #tpu.memory_space<hbm>> -> memref<8x128xf32, #tpu.memory_space<hbm>>
    %dma_wait3A_83 = arith.constant 0 : i32
    %dma_wait3A_84 = arith.constant 0 : i32
    %dma_wait3A_85 = tpu.memref_slice %arg4[%dma_wait3A_74, %dma_wait3A_75, %add3A, %dma_wait3A_83, %dma_wait3A_84] : memref<50x8x32x8x128xf32, #tpu.memory_space<hbm>> -> memref<1x1x1x8x128xf32, #tpu.memory_space<hbm>>
    %dma_wait3A_86 = tpu.memref_squeeze %dma_wait3A_85 : memref<1x1x1x8x128xf32, #tpu.memory_space<hbm>> -> memref<8x128xf32, #tpu.memory_space<hbm>>
    %dma_wait3A_87 = arith.constant 24 : i32
    %dma_wait3A_88 = arith.constant 0 : i32
    %dma_wait3A_89 = tpu.memref_slice %arg9[%dma_wait3A_87, %dma_wait3A_88] : memref<128x129xf32, #tpu.memory_space<vmem>> -> memref<8x128xf32, #tpu.memory_space<vmem>>
    tpu.wait_dma2 semaphore(%arg13 : memref<!tpu.dma_semaphore, #tpu.memory_space<semaphore_mem>>) src(%dma_wait3A_89 : memref<8x128xf32, #tpu.memory_space<vmem>>) dst(%dma_wait3A_86 : memref<8x128xf32, #tpu.memory_space<hbm>>)
    %dma_wait3A_90 = arith.constant 46 : i32
    %dma_wait3A_91 = arith.constant 4 : i32
    %dma_wait3A_92 = arith.constant 32 : i32
    %dma_wait3A_93 = arith.constant 0 : i32
    %dma_wait3A_94 = tpu.memref_slice %arg9[%dma_wait3A_92, %dma_wait3A_93] : memref<128x129xf32, #tpu.memory_space<vmem>> -> memref<8x128xf32, #tpu.memory_space<vmem>>
    %dma_wait3A_95 = arith.constant 0 : i32
    %dma_wait3A_96 = arith.constant 0 : i32
    %dma_wait3A_97 = tpu.memref_slice %arg4[%dma_wait3A_90, %dma_wait3A_91, %add3A, %dma_wait3A_95, %dma_wait3A_96] : memref<50x8x32x8x128xf32, #tpu.memory_space<hbm>> -> memref<1x1x1x8x128xf32, #tpu.memory_space<hbm>>
    %dma_wait3A_98 = tpu.memref_squeeze %dma_wait3A_97 : memref<1x1x1x8x128xf32, #tpu.memory_space<hbm>> -> memref<8x128xf32, #tpu.memory_space<hbm>>
    %dma_wait3A_99 = arith.constant 0 : i32
    %dma_wait3A_100 = arith.constant 0 : i32
    %dma_wait3A_101 = tpu.memref_slice %arg4[%dma_wait3A_90, %dma_wait3A_91, %add3A, %dma_wait3A_99, %dma_wait3A_100] : memref<50x8x32x8x128xf32, #tpu.memory_space<hbm>> -> memref<1x1x1x8x128xf32, #tpu.memory_space<hbm>>
    %dma_wait3A_102 = tpu.memref_squeeze %dma_wait3A_101 : memref<1x1x1x8x128xf32, #tpu.memory_space<hbm>> -> memref<8x128xf32, #tpu.memory_space<hbm>>
    %dma_wait3A_103 = arith.constant 32 : i32
    %dma_wait3A_104 = arith.constant 0 : i32
    %dma_wait3A_105 = tpu.memref_slice %arg9[%dma_wait3A_103, %dma_wait3A_104] : memref<128x129xf32, #tpu.memory_space<vmem>> -> memref<8x128xf32, #tpu.memory_space<vmem>>
    tpu.wait_dma2 semaphore(%arg13 : memref<!tpu.dma_semaphore, #tpu.memory_space<semaphore_mem>>) src(%dma_wait3A_105 : memref<8x128xf32, #tpu.memory_space<vmem>>) dst(%dma_wait3A_102 : memref<8x128xf32, #tpu.memory_space<hbm>>)
    %dma_wait3A_106 = arith.constant 46 : i32
    %dma_wait3A_107 = arith.constant 5 : i32
    %dma_wait3A_108 = arith.constant 40 : i32
    %dma_wait3A_109 = arith.constant 0 : i32
    %dma_wait3A_110 = tpu.memref_slice %arg9[%dma_wait3A_108, %dma_wait3A_109] : memref<128x129xf32, #tpu.memory_space<vmem>> -> memref<8x128xf32, #tpu.memory_space<vmem>>
    %dma_wait3A_111 = arith.constant 0 : i32
    %dma_wait3A_112 = arith.constant 0 : i32
    %dma_wait3A_113 = tpu.memref_slice %arg4[%dma_wait3A_106, %dma_wait3A_107, %add3A, %dma_wait3A_111, %dma_wait3A_112] : memref<50x8x32x8x128xf32, #tpu.memory_space<hbm>> -> memref<1x1x1x8x128xf32, #tpu.memory_space<hbm>>
    %dma_wait3A_114 = tpu.memref_squeeze %dma_wait3A_113 : memref<1x1x1x8x128xf32, #tpu.memory_space<hbm>> -> memref<8x128xf32, #tpu.memory_space<hbm>>
    %dma_wait3A_115 = arith.constant 0 : i32
    %dma_wait3A_116 = arith.constant 0 : i32
    %dma_wait3A_117 = tpu.memref_slice %arg4[%dma_wait3A_106, %dma_wait3A_107, %add3A, %dma_wait3A_115, %dma_wait3A_116] : memref<50x8x32x8x128xf32, #tpu.memory_space<hbm>> -> memref<1x1x1x8x128xf32, #tpu.memory_space<hbm>>
    %dma_wait3A_118 = tpu.memref_squeeze %dma_wait3A_117 : memref<1x1x1x8x128xf32, #tpu.memory_space<hbm>> -> memref<8x128xf32, #tpu.memory_space<hbm>>
    %dma_wait3A_119 = arith.constant 40 : i32
    %dma_wait3A_120 = arith.constant 0 : i32
    %dma_wait3A_121 = tpu.memref_slice %arg9[%dma_wait3A_119, %dma_wait3A_120] : memref<128x129xf32, #tpu.memory_space<vmem>> -> memref<8x128xf32, #tpu.memory_space<vmem>>
    tpu.wait_dma2 semaphore(%arg13 : memref<!tpu.dma_semaphore, #tpu.memory_space<semaphore_mem>>) src(%dma_wait3A_121 : memref<8x128xf32, #tpu.memory_space<vmem>>) dst(%dma_wait3A_118 : memref<8x128xf32, #tpu.memory_space<hbm>>)
    %dma_wait3A_122 = arith.constant 46 : i32
    %dma_wait3A_123 = arith.constant 6 : i32
    %dma_wait3A_124 = arith.constant 48 : i32
    %dma_wait3A_125 = arith.constant 0 : i32
    %dma_wait3A_126 = tpu.memref_slice %arg9[%dma_wait3A_124, %dma_wait3A_125] : memref<128x129xf32, #tpu.memory_space<vmem>> -> memref<8x128xf32, #tpu.memory_space<vmem>>
    %dma_wait3A_127 = arith.constant 0 : i32
    %dma_wait3A_128 = arith.constant 0 : i32
    %dma_wait3A_129 = tpu.memref_slice %arg4[%dma_wait3A_122, %dma_wait3A_123, %add3A, %dma_wait3A_127, %dma_wait3A_128] : memref<50x8x32x8x128xf32, #tpu.memory_space<hbm>> -> memref<1x1x1x8x128xf32, #tpu.memory_space<hbm>>
    %dma_wait3A_130 = tpu.memref_squeeze %dma_wait3A_129 : memref<1x1x1x8x128xf32, #tpu.memory_space<hbm>> -> memref<8x128xf32, #tpu.memory_space<hbm>>
    %dma_wait3A_131 = arith.constant 0 : i32
    %dma_wait3A_132 = arith.constant 0 : i32
    %dma_wait3A_133 = tpu.memref_slice %arg4[%dma_wait3A_122, %dma_wait3A_123, %add3A, %dma_wait3A_131, %dma_wait3A_132] : memref<50x8x32x8x128xf32, #tpu.memory_space<hbm>> -> memref<1x1x1x8x128xf32, #tpu.memory_space<hbm>>
    %dma_wait3A_134 = tpu.memref_squeeze %dma_wait3A_133 : memref<1x1x1x8x128xf32, #tpu.memory_space<hbm>> -> memref<8x128xf32, #tpu.memory_space<hbm>>
    %dma_wait3A_135 = arith.constant 48 : i32
    %dma_wait3A_136 = arith.constant 0 : i32
    %dma_wait3A_137 = tpu.memref_slice %arg9[%dma_wait3A_135, %dma_wait3A_136] : memref<128x129xf32, #tpu.memory_space<vmem>> -> memref<8x128xf32, #tpu.memory_space<vmem>>
    tpu.wait_dma2 semaphore(%arg13 : memref<!tpu.dma_semaphore, #tpu.memory_space<semaphore_mem>>) src(%dma_wait3A_137 : memref<8x128xf32, #tpu.memory_space<vmem>>) dst(%dma_wait3A_134 : memref<8x128xf32, #tpu.memory_space<hbm>>)
    %dma_wait3A_138 = arith.constant 46 : i32
    %dma_wait3A_139 = arith.constant 7 : i32
    %dma_wait3A_140 = arith.constant 56 : i32
    %dma_wait3A_141 = arith.constant 0 : i32
    %dma_wait3A_142 = tpu.memref_slice %arg9[%dma_wait3A_140, %dma_wait3A_141] : memref<128x129xf32, #tpu.memory_space<vmem>> -> memref<8x128xf32, #tpu.memory_space<vmem>>
    %dma_wait3A_143 = arith.constant 0 : i32
    %dma_wait3A_144 = arith.constant 0 : i32
    %dma_wait3A_145 = tpu.memref_slice %arg4[%dma_wait3A_138, %dma_wait3A_139, %add3A, %dma_wait3A_143, %dma_wait3A_144] : memref<50x8x32x8x128xf32, #tpu.memory_space<hbm>> -> memref<1x1x1x8x128xf32, #tpu.memory_space<hbm>>
    %dma_wait3A_146 = tpu.memref_squeeze %dma_wait3A_145 : memref<1x1x1x8x128xf32, #tpu.memory_space<hbm>> -> memref<8x128xf32, #tpu.memory_space<hbm>>
    %dma_wait3A_147 = arith.constant 0 : i32
    %dma_wait3A_148 = arith.constant 0 : i32
    %dma_wait3A_149 = tpu.memref_slice %arg4[%dma_wait3A_138, %dma_wait3A_139, %add3A, %dma_wait3A_147, %dma_wait3A_148] : memref<50x8x32x8x128xf32, #tpu.memory_space<hbm>> -> memref<1x1x1x8x128xf32, #tpu.memory_space<hbm>>
    %dma_wait3A_150 = tpu.memref_squeeze %dma_wait3A_149 : memref<1x1x1x8x128xf32, #tpu.memory_space<hbm>> -> memref<8x128xf32, #tpu.memory_space<hbm>>
    %dma_wait3A_151 = arith.constant 56 : i32
    %dma_wait3A_152 = arith.constant 0 : i32
    %dma_wait3A_153 = tpu.memref_slice %arg9[%dma_wait3A_151, %dma_wait3A_152] : memref<128x129xf32, #tpu.memory_space<vmem>> -> memref<8x128xf32, #tpu.memory_space<vmem>>
    tpu.wait_dma2 semaphore(%arg13 : memref<!tpu.dma_semaphore, #tpu.memory_space<semaphore_mem>>) src(%dma_wait3A_153 : memref<8x128xf32, #tpu.memory_space<vmem>>) dst(%dma_wait3A_150 : memref<8x128xf32, #tpu.memory_space<hbm>>)
    %dma_wait3A_154 = arith.constant 47 : i32
    %dma_wait3A_155 = arith.constant 0 : i32
    %dma_wait3A_156 = arith.constant 64 : i32
    %dma_wait3A_157 = arith.constant 0 : i32
    %dma_wait3A_158 = tpu.memref_slice %arg9[%dma_wait3A_156, %dma_wait3A_157] : memref<128x129xf32, #tpu.memory_space<vmem>> -> memref<8x128xf32, #tpu.memory_space<vmem>>
    %dma_wait3A_159 = arith.constant 0 : i32
    %dma_wait3A_160 = arith.constant 0 : i32
    %dma_wait3A_161 = tpu.memref_slice %arg4[%dma_wait3A_154, %dma_wait3A_155, %add3A, %dma_wait3A_159, %dma_wait3A_160] : memref<50x8x32x8x128xf32, #tpu.memory_space<hbm>> -> memref<1x1x1x8x128xf32, #tpu.memory_space<hbm>>
    %dma_wait3A_162 = tpu.memref_squeeze %dma_wait3A_161 : memref<1x1x1x8x128xf32, #tpu.memory_space<hbm>> -> memref<8x128xf32, #tpu.memory_space<hbm>>
    %dma_wait3A_163 = arith.constant 0 : i32
    %dma_wait3A_164 = arith.constant 0 : i32
    %dma_wait3A_165 = tpu.memref_slice %arg4[%dma_wait3A_154, %dma_wait3A_155, %add3A, %dma_wait3A_163, %dma_wait3A_164] : memref<50x8x32x8x128xf32, #tpu.memory_space<hbm>> -> memref<1x1x1x8x128xf32, #tpu.memory_space<hbm>>
    %dma_wait3A_166 = tpu.memref_squeeze %dma_wait3A_165 : memref<1x1x1x8x128xf32, #tpu.memory_space<hbm>> -> memref<8x128xf32, #tpu.memory_space<hbm>>
    %dma_wait3A_167 = arith.constant 64 : i32
    %dma_wait3A_168 = arith.constant 0 : i32
    %dma_wait3A_169 = tpu.memref_slice %arg9[%dma_wait3A_167, %dma_wait3A_168] : memref<128x129xf32, #tpu.memory_space<vmem>> -> memref<8x128xf32, #tpu.memory_space<vmem>>
    tpu.wait_dma2 semaphore(%arg13 : memref<!tpu.dma_semaphore, #tpu.memory_space<semaphore_mem>>) src(%dma_wait3A_169 : memref<8x128xf32, #tpu.memory_space<vmem>>) dst(%dma_wait3A_166 : memref<8x128xf32, #tpu.memory_space<hbm>>)
    %dma_wait3A_170 = arith.constant 47 : i32
    %dma_wait3A_171 = arith.constant 1 : i32
    %dma_wait3A_172 = arith.constant 72 : i32
    %dma_wait3A_173 = arith.constant 0 : i32
    %dma_wait3A_174 = tpu.memref_slice %arg9[%dma_wait3A_172, %dma_wait3A_173] : memref<128x129xf32, #tpu.memory_space<vmem>> -> memref<8x128xf32, #tpu.memory_space<vmem>>
    %dma_wait3A_175 = arith.constant 0 : i32
    %dma_wait3A_176 = arith.constant 0 : i32
    %dma_wait3A_177 = tpu.memref_slice %arg4[%dma_wait3A_170, %dma_wait3A_171, %add3A, %dma_wait3A_175, %dma_wait3A_176] : memref<50x8x32x8x128xf32, #tpu.memory_space<hbm>> -> memref<1x1x1x8x128xf32, #tpu.memory_space<hbm>>
    %dma_wait3A_178 = tpu.memref_squeeze %dma_wait3A_177 : memref<1x1x1x8x128xf32, #tpu.memory_space<hbm>> -> memref<8x128xf32, #tpu.memory_space<hbm>>
    %dma_wait3A_179 = arith.constant 0 : i32
    %dma_wait3A_180 = arith.constant 0 : i32
    %dma_wait3A_181 = tpu.memref_slice %arg4[%dma_wait3A_170, %dma_wait3A_171, %add3A, %dma_wait3A_179, %dma_wait3A_180] : memref<50x8x32x8x128xf32, #tpu.memory_space<hbm>> -> memref<1x1x1x8x128xf32, #tpu.memory_space<hbm>>
    %dma_wait3A_182 = tpu.memref_squeeze %dma_wait3A_181 : memref<1x1x1x8x128xf32, #tpu.memory_space<hbm>> -> memref<8x128xf32, #tpu.memory_space<hbm>>
    %dma_wait3A_183 = arith.constant 72 : i32
    %dma_wait3A_184 = arith.constant 0 : i32
    %dma_wait3A_185 = tpu.memref_slice %arg9[%dma_wait3A_183, %dma_wait3A_184] : memref<128x129xf32, #tpu.memory_space<vmem>> -> memref<8x128xf32, #tpu.memory_space<vmem>>
    tpu.wait_dma2 semaphore(%arg13 : memref<!tpu.dma_semaphore, #tpu.memory_space<semaphore_mem>>) src(%dma_wait3A_185 : memref<8x128xf32, #tpu.memory_space<vmem>>) dst(%dma_wait3A_182 : memref<8x128xf32, #tpu.memory_space<hbm>>)
    %dma_wait3A_186 = arith.constant 47 : i32
    %dma_wait3A_187 = arith.constant 2 : i32
    %dma_wait3A_188 = arith.constant 80 : i32
    %dma_wait3A_189 = arith.constant 0 : i32
    %dma_wait3A_190 = tpu.memref_slice %arg9[%dma_wait3A_188, %dma_wait3A_189] : memref<128x129xf32, #tpu.memory_space<vmem>> -> memref<8x128xf32, #tpu.memory_space<vmem>>
    %dma_wait3A_191 = arith.constant 0 : i32
    %dma_wait3A_192 = arith.constant 0 : i32
    %dma_wait3A_193 = tpu.memref_slice %arg4[%dma_wait3A_186, %dma_wait3A_187, %add3A, %dma_wait3A_191, %dma_wait3A_192] : memref<50x8x32x8x128xf32, #tpu.memory_space<hbm>> -> memref<1x1x1x8x128xf32, #tpu.memory_space<hbm>>
    %dma_wait3A_194 = tpu.memref_squeeze %dma_wait3A_193 : memref<1x1x1x8x128xf32, #tpu.memory_space<hbm>> -> memref<8x128xf32, #tpu.memory_space<hbm>>
    %dma_wait3A_195 = arith.constant 0 : i32
    %dma_wait3A_196 = arith.constant 0 : i32
    %dma_wait3A_197 = tpu.memref_slice %arg4[%dma_wait3A_186, %dma_wait3A_187, %add3A, %dma_wait3A_195, %dma_wait3A_196] : memref<50x8x32x8x128xf32, #tpu.memory_space<hbm>> -> memref<1x1x1x8x128xf32, #tpu.memory_space<hbm>>
    %dma_wait3A_198 = tpu.memref_squeeze %dma_wait3A_197 : memref<1x1x1x8x128xf32, #tpu.memory_space<hbm>> -> memref<8x128xf32, #tpu.memory_space<hbm>>
    %dma_wait3A_199 = arith.constant 80 : i32
    %dma_wait3A_200 = arith.constant 0 : i32
    %dma_wait3A_201 = tpu.memref_slice %arg9[%dma_wait3A_199, %dma_wait3A_200] : memref<128x129xf32, #tpu.memory_space<vmem>> -> memref<8x128xf32, #tpu.memory_space<vmem>>
    tpu.wait_dma2 semaphore(%arg13 : memref<!tpu.dma_semaphore, #tpu.memory_space<semaphore_mem>>) src(%dma_wait3A_201 : memref<8x128xf32, #tpu.memory_space<vmem>>) dst(%dma_wait3A_198 : memref<8x128xf32, #tpu.memory_space<hbm>>)
    %dma_wait3A_202 = arith.constant 47 : i32
    %dma_wait3A_203 = arith.constant 3 : i32
    %dma_wait3A_204 = arith.constant 88 : i32
    %dma_wait3A_205 = arith.constant 0 : i32
    %dma_wait3A_206 = tpu.memref_slice %arg9[%dma_wait3A_204, %dma_wait3A_205] : memref<128x129xf32, #tpu.memory_space<vmem>> -> memref<8x128xf32, #tpu.memory_space<vmem>>
    %dma_wait3A_207 = arith.constant 0 : i32
    %dma_wait3A_208 = arith.constant 0 : i32
    %dma_wait3A_209 = tpu.memref_slice %arg4[%dma_wait3A_202, %dma_wait3A_203, %add3A, %dma_wait3A_207, %dma_wait3A_208] : memref<50x8x32x8x128xf32, #tpu.memory_space<hbm>> -> memref<1x1x1x8x128xf32, #tpu.memory_space<hbm>>
    %dma_wait3A_210 = tpu.memref_squeeze %dma_wait3A_209 : memref<1x1x1x8x128xf32, #tpu.memory_space<hbm>> -> memref<8x128xf32, #tpu.memory_space<hbm>>
    %dma_wait3A_211 = arith.constant 0 : i32
    %dma_wait3A_212 = arith.constant 0 : i32
    %dma_wait3A_213 = tpu.memref_slice %arg4[%dma_wait3A_202, %dma_wait3A_203, %add3A, %dma_wait3A_211, %dma_wait3A_212] : memref<50x8x32x8x128xf32, #tpu.memory_space<hbm>> -> memref<1x1x1x8x128xf32, #tpu.memory_space<hbm>>
    %dma_wait3A_214 = tpu.memref_squeeze %dma_wait3A_213 : memref<1x1x1x8x128xf32, #tpu.memory_space<hbm>> -> memref<8x128xf32, #tpu.memory_space<hbm>>
    %dma_wait3A_215 = arith.constant 88 : i32
    %dma_wait3A_216 = arith.constant 0 : i32
    %dma_wait3A_217 = tpu.memref_slice %arg9[%dma_wait3A_215, %dma_wait3A_216] : memref<128x129xf32, #tpu.memory_space<vmem>> -> memref<8x128xf32, #tpu.memory_space<vmem>>
    tpu.wait_dma2 semaphore(%arg13 : memref<!tpu.dma_semaphore, #tpu.memory_space<semaphore_mem>>) src(%dma_wait3A_217 : memref<8x128xf32, #tpu.memory_space<vmem>>) dst(%dma_wait3A_214 : memref<8x128xf32, #tpu.memory_space<hbm>>)
    %dma_wait3A_218 = arith.constant 47 : i32
    %dma_wait3A_219 = arith.constant 4 : i32
    %dma_wait3A_220 = arith.constant 96 : i32
    %dma_wait3A_221 = arith.constant 0 : i32
    %dma_wait3A_222 = tpu.memref_slice %arg9[%dma_wait3A_220, %dma_wait3A_221] : memref<128x129xf32, #tpu.memory_space<vmem>> -> memref<8x128xf32, #tpu.memory_space<vmem>>
    %dma_wait3A_223 = arith.constant 0 : i32
    %dma_wait3A_224 = arith.constant 0 : i32
    %dma_wait3A_225 = tpu.memref_slice %arg4[%dma_wait3A_218, %dma_wait3A_219, %add3A, %dma_wait3A_223, %dma_wait3A_224] : memref<50x8x32x8x128xf32, #tpu.memory_space<hbm>> -> memref<1x1x1x8x128xf32, #tpu.memory_space<hbm>>
    %dma_wait3A_226 = tpu.memref_squeeze %dma_wait3A_225 : memref<1x1x1x8x128xf32, #tpu.memory_space<hbm>> -> memref<8x128xf32, #tpu.memory_space<hbm>>
    %dma_wait3A_227 = arith.constant 0 : i32
    %dma_wait3A_228 = arith.constant 0 : i32
    %dma_wait3A_229 = tpu.memref_slice %arg4[%dma_wait3A_218, %dma_wait3A_219, %add3A, %dma_wait3A_227, %dma_wait3A_228] : memref<50x8x32x8x128xf32, #tpu.memory_space<hbm>> -> memref<1x1x1x8x128xf32, #tpu.memory_space<hbm>>
    %dma_wait3A_230 = tpu.memref_squeeze %dma_wait3A_229 : memref<1x1x1x8x128xf32, #tpu.memory_space<hbm>> -> memref<8x128xf32, #tpu.memory_space<hbm>>
    %dma_wait3A_231 = arith.constant 96 : i32
    %dma_wait3A_232 = arith.constant 0 : i32
    %dma_wait3A_233 = tpu.memref_slice %arg9[%dma_wait3A_231, %dma_wait3A_232] : memref<128x129xf32, #tpu.memory_space<vmem>> -> memref<8x128xf32, #tpu.memory_space<vmem>>
    tpu.wait_dma2 semaphore(%arg13 : memref<!tpu.dma_semaphore, #tpu.memory_space<semaphore_mem>>) src(%dma_wait3A_233 : memref<8x128xf32, #tpu.memory_space<vmem>>) dst(%dma_wait3A_230 : memref<8x128xf32, #tpu.memory_space<hbm>>)
    %dma_wait3A_234 = arith.constant 47 : i32
    %dma_wait3A_235 = arith.constant 5 : i32
    %dma_wait3A_236 = arith.constant 104 : i32
    %dma_wait3A_237 = arith.constant 0 : i32
    %dma_wait3A_238 = tpu.memref_slice %arg9[%dma_wait3A_236, %dma_wait3A_237] : memref<128x129xf32, #tpu.memory_space<vmem>> -> memref<8x128xf32, #tpu.memory_space<vmem>>
    %dma_wait3A_239 = arith.constant 0 : i32
    %dma_wait3A_240 = arith.constant 0 : i32
    %dma_wait3A_241 = tpu.memref_slice %arg4[%dma_wait3A_234, %dma_wait3A_235, %add3A, %dma_wait3A_239, %dma_wait3A_240] : memref<50x8x32x8x128xf32, #tpu.memory_space<hbm>> -> memref<1x1x1x8x128xf32, #tpu.memory_space<hbm>>
    %dma_wait3A_242 = tpu.memref_squeeze %dma_wait3A_241 : memref<1x1x1x8x128xf32, #tpu.memory_space<hbm>> -> memref<8x128xf32, #tpu.memory_space<hbm>>
    %dma_wait3A_243 = arith.constant 0 : i32
    %dma_wait3A_244 = arith.constant 0 : i32
    %dma_wait3A_245 = tpu.memref_slice %arg4[%dma_wait3A_234, %dma_wait3A_235, %add3A, %dma_wait3A_243, %dma_wait3A_244] : memref<50x8x32x8x128xf32, #tpu.memory_space<hbm>> -> memref<1x1x1x8x128xf32, #tpu.memory_space<hbm>>
    %dma_wait3A_246 = tpu.memref_squeeze %dma_wait3A_245 : memref<1x1x1x8x128xf32, #tpu.memory_space<hbm>> -> memref<8x128xf32, #tpu.memory_space<hbm>>
    %dma_wait3A_247 = arith.constant 104 : i32
    %dma_wait3A_248 = arith.constant 0 : i32
    %dma_wait3A_249 = tpu.memref_slice %arg9[%dma_wait3A_247, %dma_wait3A_248] : memref<128x129xf32, #tpu.memory_space<vmem>> -> memref<8x128xf32, #tpu.memory_space<vmem>>
    tpu.wait_dma2 semaphore(%arg13 : memref<!tpu.dma_semaphore, #tpu.memory_space<semaphore_mem>>) src(%dma_wait3A_249 : memref<8x128xf32, #tpu.memory_space<vmem>>) dst(%dma_wait3A_246 : memref<8x128xf32, #tpu.memory_space<hbm>>)
    %dma_wait3A_250 = arith.constant 47 : i32
    %dma_wait3A_251 = arith.constant 6 : i32
    %dma_wait3A_252 = arith.constant 112 : i32
    %dma_wait3A_253 = arith.constant 0 : i32
    %dma_wait3A_254 = tpu.memref_slice %arg9[%dma_wait3A_252, %dma_wait3A_253] : memref<128x129xf32, #tpu.memory_space<vmem>> -> memref<8x128xf32, #tpu.memory_space<vmem>>
    %dma_wait3A_255 = arith.constant 0 : i32
    %dma_wait3A_256 = arith.constant 0 : i32
    %dma_wait3A_257 = tpu.memref_slice %arg4[%dma_wait3A_250, %dma_wait3A_251, %add3A, %dma_wait3A_255, %dma_wait3A_256] : memref<50x8x32x8x128xf32, #tpu.memory_space<hbm>> -> memref<1x1x1x8x128xf32, #tpu.memory_space<hbm>>
    %dma_wait3A_258 = tpu.memref_squeeze %dma_wait3A_257 : memref<1x1x1x8x128xf32, #tpu.memory_space<hbm>> -> memref<8x128xf32, #tpu.memory_space<hbm>>
    %dma_wait3A_259 = arith.constant 0 : i32
    %dma_wait3A_260 = arith.constant 0 : i32
    %dma_wait3A_261 = tpu.memref_slice %arg4[%dma_wait3A_250, %dma_wait3A_251, %add3A, %dma_wait3A_259, %dma_wait3A_260] : memref<50x8x32x8x128xf32, #tpu.memory_space<hbm>> -> memref<1x1x1x8x128xf32, #tpu.memory_space<hbm>>
    %dma_wait3A_262 = tpu.memref_squeeze %dma_wait3A_261 : memref<1x1x1x8x128xf32, #tpu.memory_space<hbm>> -> memref<8x128xf32, #tpu.memory_space<hbm>>
    %dma_wait3A_263 = arith.constant 112 : i32
    %dma_wait3A_264 = arith.constant 0 : i32
    %dma_wait3A_265 = tpu.memref_slice %arg9[%dma_wait3A_263, %dma_wait3A_264] : memref<128x129xf32, #tpu.memory_space<vmem>> -> memref<8x128xf32, #tpu.memory_space<vmem>>
    tpu.wait_dma2 semaphore(%arg13 : memref<!tpu.dma_semaphore, #tpu.memory_space<semaphore_mem>>) src(%dma_wait3A_265 : memref<8x128xf32, #tpu.memory_space<vmem>>) dst(%dma_wait3A_262 : memref<8x128xf32, #tpu.memory_space<hbm>>)
    %dma_wait3A_266 = arith.constant 47 : i32
    %dma_wait3A_267 = arith.constant 7 : i32
    %dma_wait3A_268 = arith.constant 120 : i32
    %dma_wait3A_269 = arith.constant 0 : i32
    %dma_wait3A_270 = tpu.memref_slice %arg9[%dma_wait3A_268, %dma_wait3A_269] : memref<128x129xf32, #tpu.memory_space<vmem>> -> memref<8x128xf32, #tpu.memory_space<vmem>>
    %dma_wait3A_271 = arith.constant 0 : i32
    %dma_wait3A_272 = arith.constant 0 : i32
    %dma_wait3A_273 = tpu.memref_slice %arg4[%dma_wait3A_266, %dma_wait3A_267, %add3A, %dma_wait3A_271, %dma_wait3A_272] : memref<50x8x32x8x128xf32, #tpu.memory_space<hbm>> -> memref<1x1x1x8x128xf32, #tpu.memory_space<hbm>>
    %dma_wait3A_274 = tpu.memref_squeeze %dma_wait3A_273 : memref<1x1x1x8x128xf32, #tpu.memory_space<hbm>> -> memref<8x128xf32, #tpu.memory_space<hbm>>
    %dma_wait3A_275 = arith.constant 0 : i32
    %dma_wait3A_276 = arith.constant 0 : i32
    %dma_wait3A_277 = tpu.memref_slice %arg4[%dma_wait3A_266, %dma_wait3A_267, %add3A, %dma_wait3A_275, %dma_wait3A_276] : memref<50x8x32x8x128xf32, #tpu.memory_space<hbm>> -> memref<1x1x1x8x128xf32, #tpu.memory_space<hbm>>
    %dma_wait3A_278 = tpu.memref_squeeze %dma_wait3A_277 : memref<1x1x1x8x128xf32, #tpu.memory_space<hbm>> -> memref<8x128xf32, #tpu.memory_space<hbm>>
    %dma_wait3A_279 = arith.constant 120 : i32
    %dma_wait3A_280 = arith.constant 0 : i32
    %dma_wait3A_281 = tpu.memref_slice %arg9[%dma_wait3A_279, %dma_wait3A_280] : memref<128x129xf32, #tpu.memory_space<vmem>> -> memref<8x128xf32, #tpu.memory_space<vmem>>
    tpu.wait_dma2 semaphore(%arg13 : memref<!tpu.dma_semaphore, #tpu.memory_space<semaphore_mem>>) src(%dma_wait3A_281 : memref<8x128xf32, #tpu.memory_space<vmem>>) dst(%dma_wait3A_278 : memref<8x128xf32, #tpu.memory_space<hbm>>)
    %dma_wait3A_282 = arith.constant 48 : i32
    %dma_wait3A_283 = arith.constant 0 : i32
    %dma_wait3A_284 = arith.constant 0 : i32
    %dma_wait3A_285 = arith.constant 0 : i32
    %dma_wait3A_286 = tpu.memref_slice %arg8[%dma_wait3A_284, %dma_wait3A_285] : memref<128x129xf32, #tpu.memory_space<vmem>> -> memref<8x128xf32, #tpu.memory_space<vmem>>
    %dma_wait3A_287 = arith.constant 0 : i32
    %dma_wait3A_288 = arith.constant 0 : i32
    %dma_wait3A_289 = tpu.memref_slice %arg4[%dma_wait3A_282, %dma_wait3A_283, %add3A, %dma_wait3A_287, %dma_wait3A_288] : memref<50x8x32x8x128xf32, #tpu.memory_space<hbm>> -> memref<1x1x1x8x128xf32, #tpu.memory_space<hbm>>
    %dma_wait3A_290 = tpu.memref_squeeze %dma_wait3A_289 : memref<1x1x1x8x128xf32, #tpu.memory_space<hbm>> -> memref<8x128xf32, #tpu.memory_space<hbm>>
    %dma_wait3A_291 = arith.constant 0 : i32
    %dma_wait3A_292 = arith.constant 0 : i32
    %dma_wait3A_293 = tpu.memref_slice %arg4[%dma_wait3A_282, %dma_wait3A_283, %add3A, %dma_wait3A_291, %dma_wait3A_292] : memref<50x8x32x8x128xf32, #tpu.memory_space<hbm>> -> memref<1x1x1x8x128xf32, #tpu.memory_space<hbm>>
    %dma_wait3A_294 = tpu.memref_squeeze %dma_wait3A_293 : memref<1x1x1x8x128xf32, #tpu.memory_space<hbm>> -> memref<8x128xf32, #tpu.memory_space<hbm>>
    %dma_wait3A_295 = arith.constant 0 : i32
    %dma_wait3A_296 = arith.constant 0 : i32
    %dma_wait3A_297 = tpu.memref_slice %arg8[%dma_wait3A_295, %dma_wait3A_296] : memref<128x129xf32, #tpu.memory_space<vmem>> -> memref<8x128xf32, #tpu.memory_space<vmem>>
    tpu.wait_dma2 semaphore(%arg12 : memref<!tpu.dma_semaphore, #tpu.memory_space<semaphore_mem>>) src(%dma_wait3A_297 : memref<8x128xf32, #tpu.memory_space<vmem>>) dst(%dma_wait3A_294 : memref<8x128xf32, #tpu.memory_space<hbm>>)
    %dma_wait3A_298 = arith.constant 48 : i32
    %dma_wait3A_299 = arith.constant 1 : i32
    %dma_wait3A_300 = arith.constant 8 : i32
    %dma_wait3A_301 = arith.constant 0 : i32
    %dma_wait3A_302 = tpu.memref_slice %arg8[%dma_wait3A_300, %dma_wait3A_301] : memref<128x129xf32, #tpu.memory_space<vmem>> -> memref<8x128xf32, #tpu.memory_space<vmem>>
    %dma_wait3A_303 = arith.constant 0 : i32
    %dma_wait3A_304 = arith.constant 0 : i32
    %dma_wait3A_305 = tpu.memref_slice %arg4[%dma_wait3A_298, %dma_wait3A_299, %add3A, %dma_wait3A_303, %dma_wait3A_304] : memref<50x8x32x8x128xf32, #tpu.memory_space<hbm>> -> memref<1x1x1x8x128xf32, #tpu.memory_space<hbm>>
    %dma_wait3A_306 = tpu.memref_squeeze %dma_wait3A_305 : memref<1x1x1x8x128xf32, #tpu.memory_space<hbm>> -> memref<8x128xf32, #tpu.memory_space<hbm>>
    %dma_wait3A_307 = arith.constant 0 : i32
    %dma_wait3A_308 = arith.constant 0 : i32
    %dma_wait3A_309 = tpu.memref_slice %arg4[%dma_wait3A_298, %dma_wait3A_299, %add3A, %dma_wait3A_307, %dma_wait3A_308] : memref<50x8x32x8x128xf32, #tpu.memory_space<hbm>> -> memref<1x1x1x8x128xf32, #tpu.memory_space<hbm>>
    %dma_wait3A_310 = tpu.memref_squeeze %dma_wait3A_309 : memref<1x1x1x8x128xf32, #tpu.memory_space<hbm>> -> memref<8x128xf32, #tpu.memory_space<hbm>>
    %dma_wait3A_311 = arith.constant 8 : i32
    %dma_wait3A_312 = arith.constant 0 : i32
    %dma_wait3A_313 = tpu.memref_slice %arg8[%dma_wait3A_311, %dma_wait3A_312] : memref<128x129xf32, #tpu.memory_space<vmem>> -> memref<8x128xf32, #tpu.memory_space<vmem>>
    tpu.wait_dma2 semaphore(%arg12 : memref<!tpu.dma_semaphore, #tpu.memory_space<semaphore_mem>>) src(%dma_wait3A_313 : memref<8x128xf32, #tpu.memory_space<vmem>>) dst(%dma_wait3A_310 : memref<8x128xf32, #tpu.memory_space<hbm>>)
    %dma_wait3A_314 = arith.constant 48 : i32
    %dma_wait3A_315 = arith.constant 2 : i32
    %dma_wait3A_316 = arith.constant 16 : i32
    %dma_wait3A_317 = arith.constant 0 : i32
    %dma_wait3A_318 = tpu.memref_slice %arg8[%dma_wait3A_316, %dma_wait3A_317] : memref<128x129xf32, #tpu.memory_space<vmem>> -> memref<8x128xf32, #tpu.memory_space<vmem>>
    %dma_wait3A_319 = arith.constant 0 : i32
    %dma_wait3A_320 = arith.constant 0 : i32
    %dma_wait3A_321 = tpu.memref_slice %arg4[%dma_wait3A_314, %dma_wait3A_315, %add3A, %dma_wait3A_319, %dma_wait3A_320] : memref<50x8x32x8x128xf32, #tpu.memory_space<hbm>> -> memref<1x1x1x8x128xf32, #tpu.memory_space<hbm>>
    %dma_wait3A_322 = tpu.memref_squeeze %dma_wait3A_321 : memref<1x1x1x8x128xf32, #tpu.memory_space<hbm>> -> memref<8x128xf32, #tpu.memory_space<hbm>>
    %dma_wait3A_323 = arith.constant 0 : i32
    %dma_wait3A_324 = arith.constant 0 : i32
    %dma_wait3A_325 = tpu.memref_slice %arg4[%dma_wait3A_314, %dma_wait3A_315, %add3A, %dma_wait3A_323, %dma_wait3A_324] : memref<50x8x32x8x128xf32, #tpu.memory_space<hbm>> -> memref<1x1x1x8x128xf32, #tpu.memory_space<hbm>>
    %dma_wait3A_326 = tpu.memref_squeeze %dma_wait3A_325 : memref<1x1x1x8x128xf32, #tpu.memory_space<hbm>> -> memref<8x128xf32, #tpu.memory_space<hbm>>
    %dma_wait3A_327 = arith.constant 16 : i32
    %dma_wait3A_328 = arith.constant 0 : i32
    %dma_wait3A_329 = tpu.memref_slice %arg8[%dma_wait3A_327, %dma_wait3A_328] : memref<128x129xf32, #tpu.memory_space<vmem>> -> memref<8x128xf32, #tpu.memory_space<vmem>>
    tpu.wait_dma2 semaphore(%arg12 : memref<!tpu.dma_semaphore, #tpu.memory_space<semaphore_mem>>) src(%dma_wait3A_329 : memref<8x128xf32, #tpu.memory_space<vmem>>) dst(%dma_wait3A_326 : memref<8x128xf32, #tpu.memory_space<hbm>>)
    %dma_wait3A_330 = arith.constant 48 : i32
    %dma_wait3A_331 = arith.constant 3 : i32
    %dma_wait3A_332 = arith.constant 24 : i32
    %dma_wait3A_333 = arith.constant 0 : i32
    %dma_wait3A_334 = tpu.memref_slice %arg8[%dma_wait3A_332, %dma_wait3A_333] : memref<128x129xf32, #tpu.memory_space<vmem>> -> memref<8x128xf32, #tpu.memory_space<vmem>>
    %dma_wait3A_335 = arith.constant 0 : i32
    %dma_wait3A_336 = arith.constant 0 : i32
    %dma_wait3A_337 = tpu.memref_slice %arg4[%dma_wait3A_330, %dma_wait3A_331, %add3A, %dma_wait3A_335, %dma_wait3A_336] : memref<50x8x32x8x128xf32, #tpu.memory_space<hbm>> -> memref<1x1x1x8x128xf32, #tpu.memory_space<hbm>>
    %dma_wait3A_338 = tpu.memref_squeeze %dma_wait3A_337 : memref<1x1x1x8x128xf32, #tpu.memory_space<hbm>> -> memref<8x128xf32, #tpu.memory_space<hbm>>
    %dma_wait3A_339 = arith.constant 0 : i32
    %dma_wait3A_340 = arith.constant 0 : i32
    %dma_wait3A_341 = tpu.memref_slice %arg4[%dma_wait3A_330, %dma_wait3A_331, %add3A, %dma_wait3A_339, %dma_wait3A_340] : memref<50x8x32x8x128xf32, #tpu.memory_space<hbm>> -> memref<1x1x1x8x128xf32, #tpu.memory_space<hbm>>
    %dma_wait3A_342 = tpu.memref_squeeze %dma_wait3A_341 : memref<1x1x1x8x128xf32, #tpu.memory_space<hbm>> -> memref<8x128xf32, #tpu.memory_space<hbm>>
    %dma_wait3A_343 = arith.constant 24 : i32
    %dma_wait3A_344 = arith.constant 0 : i32
    %dma_wait3A_345 = tpu.memref_slice %arg8[%dma_wait3A_343, %dma_wait3A_344] : memref<128x129xf32, #tpu.memory_space<vmem>> -> memref<8x128xf32, #tpu.memory_space<vmem>>
    tpu.wait_dma2 semaphore(%arg12 : memref<!tpu.dma_semaphore, #tpu.memory_space<semaphore_mem>>) src(%dma_wait3A_345 : memref<8x128xf32, #tpu.memory_space<vmem>>) dst(%dma_wait3A_342 : memref<8x128xf32, #tpu.memory_space<hbm>>)
    %dma_wait3A_346 = arith.constant 48 : i32
    %dma_wait3A_347 = arith.constant 4 : i32
    %dma_wait3A_348 = arith.constant 32 : i32
    %dma_wait3A_349 = arith.constant 0 : i32
    %dma_wait3A_350 = tpu.memref_slice %arg8[%dma_wait3A_348, %dma_wait3A_349] : memref<128x129xf32, #tpu.memory_space<vmem>> -> memref<8x128xf32, #tpu.memory_space<vmem>>
    %dma_wait3A_351 = arith.constant 0 : i32
    %dma_wait3A_352 = arith.constant 0 : i32
    %dma_wait3A_353 = tpu.memref_slice %arg4[%dma_wait3A_346, %dma_wait3A_347, %add3A, %dma_wait3A_351, %dma_wait3A_352] : memref<50x8x32x8x128xf32, #tpu.memory_space<hbm>> -> memref<1x1x1x8x128xf32, #tpu.memory_space<hbm>>
    %dma_wait3A_354 = tpu.memref_squeeze %dma_wait3A_353 : memref<1x1x1x8x128xf32, #tpu.memory_space<hbm>> -> memref<8x128xf32, #tpu.memory_space<hbm>>
    %dma_wait3A_355 = arith.constant 0 : i32
    %dma_wait3A_356 = arith.constant 0 : i32
    %dma_wait3A_357 = tpu.memref_slice %arg4[%dma_wait3A_346, %dma_wait3A_347, %add3A, %dma_wait3A_355, %dma_wait3A_356] : memref<50x8x32x8x128xf32, #tpu.memory_space<hbm>> -> memref<1x1x1x8x128xf32, #tpu.memory_space<hbm>>
    %dma_wait3A_358 = tpu.memref_squeeze %dma_wait3A_357 : memref<1x1x1x8x128xf32, #tpu.memory_space<hbm>> -> memref<8x128xf32, #tpu.memory_space<hbm>>
    %dma_wait3A_359 = arith.constant 32 : i32
    %dma_wait3A_360 = arith.constant 0 : i32
    %dma_wait3A_361 = tpu.memref_slice %arg8[%dma_wait3A_359, %dma_wait3A_360] : memref<128x129xf32, #tpu.memory_space<vmem>> -> memref<8x128xf32, #tpu.memory_space<vmem>>
    tpu.wait_dma2 semaphore(%arg12 : memref<!tpu.dma_semaphore, #tpu.memory_space<semaphore_mem>>) src(%dma_wait3A_361 : memref<8x128xf32, #tpu.memory_space<vmem>>) dst(%dma_wait3A_358 : memref<8x128xf32, #tpu.memory_space<hbm>>)
    %dma_wait3A_362 = arith.constant 48 : i32
    %dma_wait3A_363 = arith.constant 5 : i32
    %dma_wait3A_364 = arith.constant 40 : i32
    %dma_wait3A_365 = arith.constant 0 : i32
    %dma_wait3A_366 = tpu.memref_slice %arg8[%dma_wait3A_364, %dma_wait3A_365] : memref<128x129xf32, #tpu.memory_space<vmem>> -> memref<8x128xf32, #tpu.memory_space<vmem>>
    %dma_wait3A_367 = arith.constant 0 : i32
    %dma_wait3A_368 = arith.constant 0 : i32
    %dma_wait3A_369 = tpu.memref_slice %arg4[%dma_wait3A_362, %dma_wait3A_363, %add3A, %dma_wait3A_367, %dma_wait3A_368] : memref<50x8x32x8x128xf32, #tpu.memory_space<hbm>> -> memref<1x1x1x8x128xf32, #tpu.memory_space<hbm>>
    %dma_wait3A_370 = tpu.memref_squeeze %dma_wait3A_369 : memref<1x1x1x8x128xf32, #tpu.memory_space<hbm>> -> memref<8x128xf32, #tpu.memory_space<hbm>>
    %dma_wait3A_371 = arith.constant 0 : i32
    %dma_wait3A_372 = arith.constant 0 : i32
    %dma_wait3A_373 = tpu.memref_slice %arg4[%dma_wait3A_362, %dma_wait3A_363, %add3A, %dma_wait3A_371, %dma_wait3A_372] : memref<50x8x32x8x128xf32, #tpu.memory_space<hbm>> -> memref<1x1x1x8x128xf32, #tpu.memory_space<hbm>>
    %dma_wait3A_374 = tpu.memref_squeeze %dma_wait3A_373 : memref<1x1x1x8x128xf32, #tpu.memory_space<hbm>> -> memref<8x128xf32, #tpu.memory_space<hbm>>
    %dma_wait3A_375 = arith.constant 40 : i32
    %dma_wait3A_376 = arith.constant 0 : i32
    %dma_wait3A_377 = tpu.memref_slice %arg8[%dma_wait3A_375, %dma_wait3A_376] : memref<128x129xf32, #tpu.memory_space<vmem>> -> memref<8x128xf32, #tpu.memory_space<vmem>>
    tpu.wait_dma2 semaphore(%arg12 : memref<!tpu.dma_semaphore, #tpu.memory_space<semaphore_mem>>) src(%dma_wait3A_377 : memref<8x128xf32, #tpu.memory_space<vmem>>) dst(%dma_wait3A_374 : memref<8x128xf32, #tpu.memory_space<hbm>>)
    %dma_wait3A_378 = arith.constant 48 : i32
    %dma_wait3A_379 = arith.constant 6 : i32
    %dma_wait3A_380 = arith.constant 48 : i32
    %dma_wait3A_381 = arith.constant 0 : i32
    %dma_wait3A_382 = tpu.memref_slice %arg8[%dma_wait3A_380, %dma_wait3A_381] : memref<128x129xf32, #tpu.memory_space<vmem>> -> memref<8x128xf32, #tpu.memory_space<vmem>>
    %dma_wait3A_383 = arith.constant 0 : i32
    %dma_wait3A_384 = arith.constant 0 : i32
    %dma_wait3A_385 = tpu.memref_slice %arg4[%dma_wait3A_378, %dma_wait3A_379, %add3A, %dma_wait3A_383, %dma_wait3A_384] : memref<50x8x32x8x128xf32, #tpu.memory_space<hbm>> -> memref<1x1x1x8x128xf32, #tpu.memory_space<hbm>>
    %dma_wait3A_386 = tpu.memref_squeeze %dma_wait3A_385 : memref<1x1x1x8x128xf32, #tpu.memory_space<hbm>> -> memref<8x128xf32, #tpu.memory_space<hbm>>
    %dma_wait3A_387 = arith.constant 0 : i32
    %dma_wait3A_388 = arith.constant 0 : i32
    %dma_wait3A_389 = tpu.memref_slice %arg4[%dma_wait3A_378, %dma_wait3A_379, %add3A, %dma_wait3A_387, %dma_wait3A_388] : memref<50x8x32x8x128xf32, #tpu.memory_space<hbm>> -> memref<1x1x1x8x128xf32, #tpu.memory_space<hbm>>
    %dma_wait3A_390 = tpu.memref_squeeze %dma_wait3A_389 : memref<1x1x1x8x128xf32, #tpu.memory_space<hbm>> -> memref<8x128xf32, #tpu.memory_space<hbm>>
    %dma_wait3A_391 = arith.constant 48 : i32
    %dma_wait3A_392 = arith.constant 0 : i32
    %dma_wait3A_393 = tpu.memref_slice %arg8[%dma_wait3A_391, %dma_wait3A_392] : memref<128x129xf32, #tpu.memory_space<vmem>> -> memref<8x128xf32, #tpu.memory_space<vmem>>
    tpu.wait_dma2 semaphore(%arg12 : memref<!tpu.dma_semaphore, #tpu.memory_space<semaphore_mem>>) src(%dma_wait3A_393 : memref<8x128xf32, #tpu.memory_space<vmem>>) dst(%dma_wait3A_390 : memref<8x128xf32, #tpu.memory_space<hbm>>)
    %dma_wait3A_394 = arith.constant 48 : i32
    %dma_wait3A_395 = arith.constant 7 : i32
    %dma_wait3A_396 = arith.constant 56 : i32
    %dma_wait3A_397 = arith.constant 0 : i32
    %dma_wait3A_398 = tpu.memref_slice %arg8[%dma_wait3A_396, %dma_wait3A_397] : memref<128x129xf32, #tpu.memory_space<vmem>> -> memref<8x128xf32, #tpu.memory_space<vmem>>
    %dma_wait3A_399 = arith.constant 0 : i32
    %dma_wait3A_400 = arith.constant 0 : i32
    %dma_wait3A_401 = tpu.memref_slice %arg4[%dma_wait3A_394, %dma_wait3A_395, %add3A, %dma_wait3A_399, %dma_wait3A_400] : memref<50x8x32x8x128xf32, #tpu.memory_space<hbm>> -> memref<1x1x1x8x128xf32, #tpu.memory_space<hbm>>
    %dma_wait3A_402 = tpu.memref_squeeze %dma_wait3A_401 : memref<1x1x1x8x128xf32, #tpu.memory_space<hbm>> -> memref<8x128xf32, #tpu.memory_space<hbm>>
    %dma_wait3A_403 = arith.constant 0 : i32
    %dma_wait3A_404 = arith.constant 0 : i32
    %dma_wait3A_405 = tpu.memref_slice %arg4[%dma_wait3A_394, %dma_wait3A_395, %add3A, %dma_wait3A_403, %dma_wait3A_404] : memref<50x8x32x8x128xf32, #tpu.memory_space<hbm>> -> memref<1x1x1x8x128xf32, #tpu.memory_space<hbm>>
    %dma_wait3A_406 = tpu.memref_squeeze %dma_wait3A_405 : memref<1x1x1x8x128xf32, #tpu.memory_space<hbm>> -> memref<8x128xf32, #tpu.memory_space<hbm>>
    %dma_wait3A_407 = arith.constant 56 : i32
    %dma_wait3A_408 = arith.constant 0 : i32
    %dma_wait3A_409 = tpu.memref_slice %arg8[%dma_wait3A_407, %dma_wait3A_408] : memref<128x129xf32, #tpu.memory_space<vmem>> -> memref<8x128xf32, #tpu.memory_space<vmem>>
    tpu.wait_dma2 semaphore(%arg12 : memref<!tpu.dma_semaphore, #tpu.memory_space<semaphore_mem>>) src(%dma_wait3A_409 : memref<8x128xf32, #tpu.memory_space<vmem>>) dst(%dma_wait3A_406 : memref<8x128xf32, #tpu.memory_space<hbm>>)
    %dma_wait3A_410 = arith.constant 49 : i32
    %dma_wait3A_411 = arith.constant 0 : i32
    %dma_wait3A_412 = arith.constant 64 : i32
    %dma_wait3A_413 = arith.constant 0 : i32
    %dma_wait3A_414 = tpu.memref_slice %arg8[%dma_wait3A_412, %dma_wait3A_413] : memref<128x129xf32, #tpu.memory_space<vmem>> -> memref<8x128xf32, #tpu.memory_space<vmem>>
    %dma_wait3A_415 = arith.constant 0 : i32
    %dma_wait3A_416 = arith.constant 0 : i32
    %dma_wait3A_417 = tpu.memref_slice %arg4[%dma_wait3A_410, %dma_wait3A_411, %add3A, %dma_wait3A_415, %dma_wait3A_416] : memref<50x8x32x8x128xf32, #tpu.memory_space<hbm>> -> memref<1x1x1x8x128xf32, #tpu.memory_space<hbm>>
    %dma_wait3A_418 = tpu.memref_squeeze %dma_wait3A_417 : memref<1x1x1x8x128xf32, #tpu.memory_space<hbm>> -> memref<8x128xf32, #tpu.memory_space<hbm>>
    %dma_wait3A_419 = arith.constant 0 : i32
    %dma_wait3A_420 = arith.constant 0 : i32
    %dma_wait3A_421 = tpu.memref_slice %arg4[%dma_wait3A_410, %dma_wait3A_411, %add3A, %dma_wait3A_419, %dma_wait3A_420] : memref<50x8x32x8x128xf32, #tpu.memory_space<hbm>> -> memref<1x1x1x8x128xf32, #tpu.memory_space<hbm>>
    %dma_wait3A_422 = tpu.memref_squeeze %dma_wait3A_421 : memref<1x1x1x8x128xf32, #tpu.memory_space<hbm>> -> memref<8x128xf32, #tpu.memory_space<hbm>>
    %dma_wait3A_423 = arith.constant 64 : i32
    %dma_wait3A_424 = arith.constant 0 : i32
    %dma_wait3A_425 = tpu.memref_slice %arg8[%dma_wait3A_423, %dma_wait3A_424] : memref<128x129xf32, #tpu.memory_space<vmem>> -> memref<8x128xf32, #tpu.memory_space<vmem>>
    tpu.wait_dma2 semaphore(%arg12 : memref<!tpu.dma_semaphore, #tpu.memory_space<semaphore_mem>>) src(%dma_wait3A_425 : memref<8x128xf32, #tpu.memory_space<vmem>>) dst(%dma_wait3A_422 : memref<8x128xf32, #tpu.memory_space<hbm>>)
    %dma_wait3A_426 = arith.constant 49 : i32
    %dma_wait3A_427 = arith.constant 1 : i32
    %dma_wait3A_428 = arith.constant 72 : i32
    %dma_wait3A_429 = arith.constant 0 : i32
    %dma_wait3A_430 = tpu.memref_slice %arg8[%dma_wait3A_428, %dma_wait3A_429] : memref<128x129xf32, #tpu.memory_space<vmem>> -> memref<8x128xf32, #tpu.memory_space<vmem>>
    %dma_wait3A_431 = arith.constant 0 : i32
    %dma_wait3A_432 = arith.constant 0 : i32
    %dma_wait3A_433 = tpu.memref_slice %arg4[%dma_wait3A_426, %dma_wait3A_427, %add3A, %dma_wait3A_431, %dma_wait3A_432] : memref<50x8x32x8x128xf32, #tpu.memory_space<hbm>> -> memref<1x1x1x8x128xf32, #tpu.memory_space<hbm>>
    %dma_wait3A_434 = tpu.memref_squeeze %dma_wait3A_433 : memref<1x1x1x8x128xf32, #tpu.memory_space<hbm>> -> memref<8x128xf32, #tpu.memory_space<hbm>>
    %dma_wait3A_435 = arith.constant 0 : i32
    %dma_wait3A_436 = arith.constant 0 : i32
    %dma_wait3A_437 = tpu.memref_slice %arg4[%dma_wait3A_426, %dma_wait3A_427, %add3A, %dma_wait3A_435, %dma_wait3A_436] : memref<50x8x32x8x128xf32, #tpu.memory_space<hbm>> -> memref<1x1x1x8x128xf32, #tpu.memory_space<hbm>>
    %dma_wait3A_438 = tpu.memref_squeeze %dma_wait3A_437 : memref<1x1x1x8x128xf32, #tpu.memory_space<hbm>> -> memref<8x128xf32, #tpu.memory_space<hbm>>
    %dma_wait3A_439 = arith.constant 72 : i32
    %dma_wait3A_440 = arith.constant 0 : i32
    %dma_wait3A_441 = tpu.memref_slice %arg8[%dma_wait3A_439, %dma_wait3A_440] : memref<128x129xf32, #tpu.memory_space<vmem>> -> memref<8x128xf32, #tpu.memory_space<vmem>>
    tpu.wait_dma2 semaphore(%arg12 : memref<!tpu.dma_semaphore, #tpu.memory_space<semaphore_mem>>) src(%dma_wait3A_441 : memref<8x128xf32, #tpu.memory_space<vmem>>) dst(%dma_wait3A_438 : memref<8x128xf32, #tpu.memory_space<hbm>>)
    %dma_wait3A_442 = arith.constant 49 : i32
    %dma_wait3A_443 = arith.constant 2 : i32
    %dma_wait3A_444 = arith.constant 80 : i32
    %dma_wait3A_445 = arith.constant 0 : i32
    %dma_wait3A_446 = tpu.memref_slice %arg8[%dma_wait3A_444, %dma_wait3A_445] : memref<128x129xf32, #tpu.memory_space<vmem>> -> memref<8x128xf32, #tpu.memory_space<vmem>>
    %dma_wait3A_447 = arith.constant 0 : i32
    %dma_wait3A_448 = arith.constant 0 : i32
    %dma_wait3A_449 = tpu.memref_slice %arg4[%dma_wait3A_442, %dma_wait3A_443, %add3A, %dma_wait3A_447, %dma_wait3A_448] : memref<50x8x32x8x128xf32, #tpu.memory_space<hbm>> -> memref<1x1x1x8x128xf32, #tpu.memory_space<hbm>>
    %dma_wait3A_450 = tpu.memref_squeeze %dma_wait3A_449 : memref<1x1x1x8x128xf32, #tpu.memory_space<hbm>> -> memref<8x128xf32, #tpu.memory_space<hbm>>
    %dma_wait3A_451 = arith.constant 0 : i32
    %dma_wait3A_452 = arith.constant 0 : i32
    %dma_wait3A_453 = tpu.memref_slice %arg4[%dma_wait3A_442, %dma_wait3A_443, %add3A, %dma_wait3A_451, %dma_wait3A_452] : memref<50x8x32x8x128xf32, #tpu.memory_space<hbm>> -> memref<1x1x1x8x128xf32, #tpu.memory_space<hbm>>
    %dma_wait3A_454 = tpu.memref_squeeze %dma_wait3A_453 : memref<1x1x1x8x128xf32, #tpu.memory_space<hbm>> -> memref<8x128xf32, #tpu.memory_space<hbm>>
    %dma_wait3A_455 = arith.constant 80 : i32
    %dma_wait3A_456 = arith.constant 0 : i32
    %dma_wait3A_457 = tpu.memref_slice %arg8[%dma_wait3A_455, %dma_wait3A_456] : memref<128x129xf32, #tpu.memory_space<vmem>> -> memref<8x128xf32, #tpu.memory_space<vmem>>
    tpu.wait_dma2 semaphore(%arg12 : memref<!tpu.dma_semaphore, #tpu.memory_space<semaphore_mem>>) src(%dma_wait3A_457 : memref<8x128xf32, #tpu.memory_space<vmem>>) dst(%dma_wait3A_454 : memref<8x128xf32, #tpu.memory_space<hbm>>)
    %dma_wait3A_458 = arith.constant 49 : i32
    %dma_wait3A_459 = arith.constant 3 : i32
    %dma_wait3A_460 = arith.constant 88 : i32
    %dma_wait3A_461 = arith.constant 0 : i32
    %dma_wait3A_462 = tpu.memref_slice %arg8[%dma_wait3A_460, %dma_wait3A_461] : memref<128x129xf32, #tpu.memory_space<vmem>> -> memref<8x128xf32, #tpu.memory_space<vmem>>
    %dma_wait3A_463 = arith.constant 0 : i32
    %dma_wait3A_464 = arith.constant 0 : i32
    %dma_wait3A_465 = tpu.memref_slice %arg4[%dma_wait3A_458, %dma_wait3A_459, %add3A, %dma_wait3A_463, %dma_wait3A_464] : memref<50x8x32x8x128xf32, #tpu.memory_space<hbm>> -> memref<1x1x1x8x128xf32, #tpu.memory_space<hbm>>
    %dma_wait3A_466 = tpu.memref_squeeze %dma_wait3A_465 : memref<1x1x1x8x128xf32, #tpu.memory_space<hbm>> -> memref<8x128xf32, #tpu.memory_space<hbm>>
    %dma_wait3A_467 = arith.constant 0 : i32
    %dma_wait3A_468 = arith.constant 0 : i32
    %dma_wait3A_469 = tpu.memref_slice %arg4[%dma_wait3A_458, %dma_wait3A_459, %add3A, %dma_wait3A_467, %dma_wait3A_468] : memref<50x8x32x8x128xf32, #tpu.memory_space<hbm>> -> memref<1x1x1x8x128xf32, #tpu.memory_space<hbm>>
    %dma_wait3A_470 = tpu.memref_squeeze %dma_wait3A_469 : memref<1x1x1x8x128xf32, #tpu.memory_space<hbm>> -> memref<8x128xf32, #tpu.memory_space<hbm>>
    %dma_wait3A_471 = arith.constant 88 : i32
    %dma_wait3A_472 = arith.constant 0 : i32
    %dma_wait3A_473 = tpu.memref_slice %arg8[%dma_wait3A_471, %dma_wait3A_472] : memref<128x129xf32, #tpu.memory_space<vmem>> -> memref<8x128xf32, #tpu.memory_space<vmem>>
    tpu.wait_dma2 semaphore(%arg12 : memref<!tpu.dma_semaphore, #tpu.memory_space<semaphore_mem>>) src(%dma_wait3A_473 : memref<8x128xf32, #tpu.memory_space<vmem>>) dst(%dma_wait3A_470 : memref<8x128xf32, #tpu.memory_space<hbm>>)
    %dma_wait3A_474 = arith.constant 49 : i32
    %dma_wait3A_475 = arith.constant 4 : i32
    %dma_wait3A_476 = arith.constant 96 : i32
    %dma_wait3A_477 = arith.constant 0 : i32
    %dma_wait3A_478 = tpu.memref_slice %arg8[%dma_wait3A_476, %dma_wait3A_477] : memref<128x129xf32, #tpu.memory_space<vmem>> -> memref<8x128xf32, #tpu.memory_space<vmem>>
    %dma_wait3A_479 = arith.constant 0 : i32
    %dma_wait3A_480 = arith.constant 0 : i32
    %dma_wait3A_481 = tpu.memref_slice %arg4[%dma_wait3A_474, %dma_wait3A_475, %add3A, %dma_wait3A_479, %dma_wait3A_480] : memref<50x8x32x8x128xf32, #tpu.memory_space<hbm>> -> memref<1x1x1x8x128xf32, #tpu.memory_space<hbm>>
    %dma_wait3A_482 = tpu.memref_squeeze %dma_wait3A_481 : memref<1x1x1x8x128xf32, #tpu.memory_space<hbm>> -> memref<8x128xf32, #tpu.memory_space<hbm>>
    %dma_wait3A_483 = arith.constant 0 : i32
    %dma_wait3A_484 = arith.constant 0 : i32
    %dma_wait3A_485 = tpu.memref_slice %arg4[%dma_wait3A_474, %dma_wait3A_475, %add3A, %dma_wait3A_483, %dma_wait3A_484] : memref<50x8x32x8x128xf32, #tpu.memory_space<hbm>> -> memref<1x1x1x8x128xf32, #tpu.memory_space<hbm>>
    %dma_wait3A_486 = tpu.memref_squeeze %dma_wait3A_485 : memref<1x1x1x8x128xf32, #tpu.memory_space<hbm>> -> memref<8x128xf32, #tpu.memory_space<hbm>>
    %dma_wait3A_487 = arith.constant 96 : i32
    %dma_wait3A_488 = arith.constant 0 : i32
    %dma_wait3A_489 = tpu.memref_slice %arg8[%dma_wait3A_487, %dma_wait3A_488] : memref<128x129xf32, #tpu.memory_space<vmem>> -> memref<8x128xf32, #tpu.memory_space<vmem>>
    tpu.wait_dma2 semaphore(%arg12 : memref<!tpu.dma_semaphore, #tpu.memory_space<semaphore_mem>>) src(%dma_wait3A_489 : memref<8x128xf32, #tpu.memory_space<vmem>>) dst(%dma_wait3A_486 : memref<8x128xf32, #tpu.memory_space<hbm>>)
    %dma_wait3A_490 = arith.constant 49 : i32
    %dma_wait3A_491 = arith.constant 5 : i32
    %dma_wait3A_492 = arith.constant 104 : i32
    %dma_wait3A_493 = arith.constant 0 : i32
    %dma_wait3A_494 = tpu.memref_slice %arg8[%dma_wait3A_492, %dma_wait3A_493] : memref<128x129xf32, #tpu.memory_space<vmem>> -> memref<8x128xf32, #tpu.memory_space<vmem>>
    %dma_wait3A_495 = arith.constant 0 : i32
    %dma_wait3A_496 = arith.constant 0 : i32
    %dma_wait3A_497 = tpu.memref_slice %arg4[%dma_wait3A_490, %dma_wait3A_491, %add3A, %dma_wait3A_495, %dma_wait3A_496] : memref<50x8x32x8x128xf32, #tpu.memory_space<hbm>> -> memref<1x1x1x8x128xf32, #tpu.memory_space<hbm>>
    %dma_wait3A_498 = tpu.memref_squeeze %dma_wait3A_497 : memref<1x1x1x8x128xf32, #tpu.memory_space<hbm>> -> memref<8x128xf32, #tpu.memory_space<hbm>>
    %dma_wait3A_499 = arith.constant 0 : i32
    %dma_wait3A_500 = arith.constant 0 : i32
    %dma_wait3A_501 = tpu.memref_slice %arg4[%dma_wait3A_490, %dma_wait3A_491, %add3A, %dma_wait3A_499, %dma_wait3A_500] : memref<50x8x32x8x128xf32, #tpu.memory_space<hbm>> -> memref<1x1x1x8x128xf32, #tpu.memory_space<hbm>>
    %dma_wait3A_502 = tpu.memref_squeeze %dma_wait3A_501 : memref<1x1x1x8x128xf32, #tpu.memory_space<hbm>> -> memref<8x128xf32, #tpu.memory_space<hbm>>
    %dma_wait3A_503 = arith.constant 104 : i32
    %dma_wait3A_504 = arith.constant 0 : i32
    %dma_wait3A_505 = tpu.memref_slice %arg8[%dma_wait3A_503, %dma_wait3A_504] : memref<128x129xf32, #tpu.memory_space<vmem>> -> memref<8x128xf32, #tpu.memory_space<vmem>>
    tpu.wait_dma2 semaphore(%arg12 : memref<!tpu.dma_semaphore, #tpu.memory_space<semaphore_mem>>) src(%dma_wait3A_505 : memref<8x128xf32, #tpu.memory_space<vmem>>) dst(%dma_wait3A_502 : memref<8x128xf32, #tpu.memory_space<hbm>>)
    %dma_wait3A_506 = arith.constant 49 : i32
    %dma_wait3A_507 = arith.constant 6 : i32
    %dma_wait3A_508 = arith.constant 112 : i32
    %dma_wait3A_509 = arith.constant 0 : i32
    %dma_wait3A_510 = tpu.memref_slice %arg8[%dma_wait3A_508, %dma_wait3A_509] : memref<128x129xf32, #tpu.memory_space<vmem>> -> memref<8x128xf32, #tpu.memory_space<vmem>>
    %dma_wait3A_511 = arith.constant 0 : i32
    %dma_wait3A_512 = arith.constant 0 : i32
    %dma_wait3A_513 = tpu.memref_slice %arg4[%dma_wait3A_506, %dma_wait3A_507, %add3A, %dma_wait3A_511, %dma_wait3A_512] : memref<50x8x32x8x128xf32, #tpu.memory_space<hbm>> -> memref<1x1x1x8x128xf32, #tpu.memory_space<hbm>>
    %dma_wait3A_514 = tpu.memref_squeeze %dma_wait3A_513 : memref<1x1x1x8x128xf32, #tpu.memory_space<hbm>> -> memref<8x128xf32, #tpu.memory_space<hbm>>
    %dma_wait3A_515 = arith.constant 0 : i32
    %dma_wait3A_516 = arith.constant 0 : i32
    %dma_wait3A_517 = tpu.memref_slice %arg4[%dma_wait3A_506, %dma_wait3A_507, %add3A, %dma_wait3A_515, %dma_wait3A_516] : memref<50x8x32x8x128xf32, #tpu.memory_space<hbm>> -> memref<1x1x1x8x128xf32, #tpu.memory_space<hbm>>
    %dma_wait3A_518 = tpu.memref_squeeze %dma_wait3A_517 : memref<1x1x1x8x128xf32, #tpu.memory_space<hbm>> -> memref<8x128xf32, #tpu.memory_space<hbm>>
    %dma_wait3A_519 = arith.constant 112 : i32
    %dma_wait3A_520 = arith.constant 0 : i32
    %dma_wait3A_521 = tpu.memref_slice %arg8[%dma_wait3A_519, %dma_wait3A_520] : memref<128x129xf32, #tpu.memory_space<vmem>> -> memref<8x128xf32, #tpu.memory_space<vmem>>
    tpu.wait_dma2 semaphore(%arg12 : memref<!tpu.dma_semaphore, #tpu.memory_space<semaphore_mem>>) src(%dma_wait3A_521 : memref<8x128xf32, #tpu.memory_space<vmem>>) dst(%dma_wait3A_518 : memref<8x128xf32, #tpu.memory_space<hbm>>)
    %dma_wait3A_522 = arith.constant 49 : i32
    %dma_wait3A_523 = arith.constant 7 : i32
    %dma_wait3A_524 = arith.constant 120 : i32
    %dma_wait3A_525 = arith.constant 0 : i32
    %dma_wait3A_526 = tpu.memref_slice %arg8[%dma_wait3A_524, %dma_wait3A_525] : memref<128x129xf32, #tpu.memory_space<vmem>> -> memref<8x128xf32, #tpu.memory_space<vmem>>
    %dma_wait3A_527 = arith.constant 0 : i32
    %dma_wait3A_528 = arith.constant 0 : i32
    %dma_wait3A_529 = tpu.memref_slice %arg4[%dma_wait3A_522, %dma_wait3A_523, %add3A, %dma_wait3A_527, %dma_wait3A_528] : memref<50x8x32x8x128xf32, #tpu.memory_space<hbm>> -> memref<1x1x1x8x128xf32, #tpu.memory_space<hbm>>
    %dma_wait3A_530 = tpu.memref_squeeze %dma_wait3A_529 : memref<1x1x1x8x128xf32, #tpu.memory_space<hbm>> -> memref<8x128xf32, #tpu.memory_space<hbm>>
    %dma_wait3A_531 = arith.constant 0 : i32
    %dma_wait3A_532 = arith.constant 0 : i32
    %dma_wait3A_533 = tpu.memref_slice %arg4[%dma_wait3A_522, %dma_wait3A_523, %add3A, %dma_wait3A_531, %dma_wait3A_532] : memref<50x8x32x8x128xf32, #tpu.memory_space<hbm>> -> memref<1x1x1x8x128xf32, #tpu.memory_space<hbm>>
    %dma_wait3A_534 = tpu.memref_squeeze %dma_wait3A_533 : memref<1x1x1x8x128xf32, #tpu.memory_space<hbm>> -> memref<8x128xf32, #tpu.memory_space<hbm>>
    %dma_wait3A_535 = arith.constant 120 : i32
    %dma_wait3A_536 = arith.constant 0 : i32
    %dma_wait3A_537 = tpu.memref_slice %arg8[%dma_wait3A_535, %dma_wait3A_536] : memref<128x129xf32, #tpu.memory_space<vmem>> -> memref<8x128xf32, #tpu.memory_space<vmem>>
    tpu.wait_dma2 semaphore(%arg12 : memref<!tpu.dma_semaphore, #tpu.memory_space<semaphore_mem>>) src(%dma_wait3A_537 : memref<8x128xf32, #tpu.memory_space<vmem>>) dst(%dma_wait3A_534 : memref<8x128xf32, #tpu.memory_space<hbm>>)
    return
  }
}

</mosaic_0001>

<sc_bundles>
// kernel: _lookup.3.cloned.1.call-start
scs
__scs_entry_jumppad:
0x0: {  	(pc) =	sbr.rel $0x88, $3  }
0x1: {  	(tag) =	ssettag $0x0;
	lr =	simm.s32 $0x1  }
0x2: {  	[smem:$0x3F9F] =	sst lr;
	_ =	strace $0xD0000000  }
0x3: {  	_ = 	snop  }
0x4: {  	_ = 	snop  }
0x5: {  	_ = 	snop  }
0x6: {  	_ = 	snop  }
0x7: {  	_ = 	snop  }
__scs_overlays_trampoline_lowered:
0x8: {  	[smem:$0x3FAE] =	sst s0  }
0x9: {  	[smem:$0x3FAF] =	sst s1  }
0xa: {  	[smem:$0x3FB0] =	sst s2  }
0xb: {  	[smem:$0x3FB1] =	sst s3  }
0xc: {  	[smem:$0x3FB2] =	sst s4  }
0xd: {  	[smem:$0x3FB3] =	sst s5  }
0xe: {  	[smem:$0x3FB4] =	sst s6  }
0xf: {  	[smem:$0x3FB5] =	sst s7  }
0x10: {  	[smem:$0x3FB6] =	sst s8  }
0x11: {  	[smem:$0x3FB7] =	sst s9;
	s0 =	simm.s32 @!p0 $0x0  }
0x12: {  	s1 =	sld [smem:$0x3F9D];
	s0 =	simm.s32 @p0 $0x1  }
0x13: {  	[smem:$0x3FB8] =	sst s0;
	s0 =	simm.s32 @!p1 $0x0  }
0x14: {  	s2 =	sld [smem:$0x3F9C];
	s0 =	simm.s32 @p1 $0x1  }
0x15: {  	[smem:$0x3FB9] =	sst s0;
	s0 =	simm.s32 @!p2 $0x0  }
0x16: {  	s3 =	sld [smem:$0x3FDB];
	s0 =	simm.s32 @p2 $0x1  }
0x17: {  	s4 =	simm.s32 $0x1BF5;
	[smem:$0x3FBB] =	sst s0  }
0x18: {  	s0 =	sld [smem:$0x3F9E];
	_ =	swait.ge [sflag:s4], $0x0  }
0x19: {  	s7 =	sld [smem:$0x3F9F]  }
0x1a: {  	s8 =	sadd.s32 $0xFFFFE003, lr  }
0x1b: {  	s9 =	sadd.s32 $0xFFFFFEF7, lr;
	s5 =	simm.s32 $0xFFFFFFFF;
	p2 =	slt.u32 s8, $0xFFFFF086  }
0x1c: {  	p1 =	slt.u32 s9, $0xF7A;
	s5 =	simm.s32 @!p2 $0x0  }
0x1d: {  	s5 =	simm.s32 @p1 $0x1;
	p0 =	seq.s32 s7, s2  }
0x1e: {  	s7 =	smul.u32 @!p0 $0xF7A, s2;
	p2 =	seq.s32 @!p0 s5, $0x0  }
0x1f: {  	s9 =	smul.u32 $0xF7A, s1;
	s8 =	simm.s32 @!p0 $0x1BF5;
	p2 =	por !p2, p0  }
0x20: {  	[sflag:s8] =	ssyncset.s32 @!p0 $0xFFFFF086;
	s6 =	sadd.s32 @!p0 s3, s7;
	s7 =	simm.s32 @!p0 $0x108  }
0x21: {  	s3 =	sadd.s32 s3, s9;
	s6 =	sadd.s32 @!p0 $0x88, s6;
	s7 =	simm.s32 @p2 $0x1082  }
0x22: {  	[simem:s7], [sflag:s8] =	dma.local @!p0 [hbm:s6], $0xF7A  }
0x23: {  	s9 =	sor.u32 $0xD0000000, s2;
	s6 =	simm.s32 $0x108;
	_ =	swait.ge @!p0 [sflag:s8], $0x0  }
0x24: {  	s3 =	sadd.s32 $0x88, s3;
	s6 =	simm.s32 @!p1 $0x1082;
	[sflag:s4] =	ssyncset.s32 $0xFFFFF086  }
0x25: {  	[simem:s6], [sflag:s4] =	dma.local [hbm:s3], $0xF7A  }
0x26: {  	[smem:$0x3F9F] =	sst s1;
	(tag) =	ssettag s2;
	_ =	strace s9  }
0x27: {  	s1 =	sld [smem:$0x3FAF]  }
0x28: {  	s2 =	sld [smem:$0x3FB0]  }
0x29: {  	s4 =	sld [smem:$0x3FB2]  }
0x2a: {  	p0 =	seq.s32 s5, $0x0;
	s5 =	sld [smem:$0x3FB3]  }
0x2b: {  	s6 =	sld [smem:$0x3FB4]  }
0x2c: {  	s7 =	sld [smem:$0x3FB5]  }
0x2d: {  	s3 =	simm.s32 $0x108;
	s8 =	sld [smem:$0x3FB6]  }
0x2e: {  	s3 =	simm.s32 @!p0 $0x1082;
	s9 =	sld [smem:$0x3FB7]  }
0x2f: {  	lr =	sadd.s32 s0, s3;
	s0 =	sld [smem:$0x3FAE]  }
0x30: {  	s3 =	sld [smem:$0x3FB1]  }
0x31: {  	[smem:$0x3FBA] =	sst s10  }
0x32: {  	s10 =	sld [smem:$0x3FB8];
	_ =	sdelay $0x3  }
0x33: {  	p0 =	seq.s32 s10, $0x1;
	s10 =	sld [smem:$0x3FBA];
	_ =	sdelay $0x3  }
0x34: {  	[smem:$0x3FBA] =	sst s10  }
0x35: {  	s10 =	sld [smem:$0x3FB9];
	_ =	sdelay $0x3  }
0x36: {  	p1 =	seq.s32 s10, $0x1;
	s10 =	sld [smem:$0x3FBA];
	_ =	sdelay $0x3  }
0x37: {  	[smem:$0x3FBA] =	sst s10  }
0x38: {  	s10 =	sld [smem:$0x3FBB]  }
0x39: {  	_ = 	snop;
	(pc) =	sbr.ind lr, $3  }
0x3a: {  	_ = 	snop  }
0x3b: {  	_ = 	snop  }
0x3c: {  	p2 =	seq.s32 s10, $0x1;
	s10 =	sld [smem:$0x3FBA]  }
0x3d: {  	_ =	shalt  }
0x3e: {  	_ =	shalt  }
0x3f: {  	_ =	shalt  }
0x40: {  	_ =	shalt  }
0x41: {  	_ =	shalt  }
0x42: {  	_ =	shalt  }
0x43: {  	_ =	shalt  }
0x44: {  	_ =	shalt  }
0x45: {  	_ =	shalt  }
0x46: {  	_ =	shalt  }
0x47: {  	_ =	shalt  }
0x48: {  	_ =	shalt  }
0x49: {  	_ =	shalt  }
0x4a: {  	_ =	shalt  }
0x4b: {  	_ =	shalt  }
0x4c: {  	_ =	shalt  }
0x4d: {  	_ =	shalt  }
0x4e: {  	_ =	shalt  }
0x4f: {  	_ =	shalt  }
0x50: {  	_ =	shalt  }
0x51: {  	_ =	shalt  }
0x52: {  	_ =	shalt  }
0x53: {  	_ =	shalt  }
0x54: {  	_ =	shalt  }
0x55: {  	_ =	shalt  }
0x56: {  	_ =	shalt  }
0x57: {  	_ =	shalt  }
0x58: {  	_ =	shalt  }
0x59: {  	_ =	shalt  }
0x5a: {  	_ =	shalt  }
0x5b: {  	_ =	shalt  }
0x5c: {  	_ =	shalt  }
0x5d: {  	_ =	shalt  }
0x5e: {  	_ =	shalt  }
0x5f: {  	_ =	shalt  }
0x60: {  	_ =	shalt  }
0x61: {  	_ =	shalt  }
0x62: {  	_ =	shalt  }
0x63: {  	_ =	shalt  }
0x64: {  	_ =	shalt  }
0x65: {  	_ =	shalt  }
0x66: {  	_ =	shalt  }
0x67: {  	_ =	shalt  }
0x68: {  	_ =	shalt  }
0x69: {  	_ =	shalt  }
0x6a: {  	_ =	shalt  }
0x6b: {  	_ =	shalt  }
0x6c: {  	_ =	shalt  }
0x6d: {  	_ =	shalt  }
0x6e: {  	_ =	shalt  }
0x6f: {  	_ =	shalt  }
0x70: {  	_ =	shalt  }
0x71: {  	_ =	shalt  }
0x72: {  	_ =	shalt  }
0x73: {  	_ =	shalt  }
0x74: {  	_ =	shalt  }
0x75: {  	_ =	shalt  }
0x76: {  	_ =	shalt  }
0x77: {  	_ =	shalt  }
0x78: {  	_ =	shalt  }
0x79: {  	_ =	shalt  }
0x7a: {  	_ =	shalt  }
0x7b: {  	_ =	shalt  }
0x7c: {  	_ =	shalt  }
0x7d: {  	_ =	shalt  }
0x7e: {  	_ =	shalt  }
0x7f: {  	_ =	shalt  }
0x80: {  	_ =	shalt  }
0x81: {  	_ =	shalt  }
0x82: {  	_ =	shalt  }
0x83: {  	_ =	shalt  }
0x84: {  	_ =	shalt  }
0x85: {  	_ =	shalt  }
0x86: {  	_ =	shalt  }
0x87: {  	_ =	shalt  }
.Lfunc_end0:
.L_simem_size_0:
called_computation_lowered:
.L_overlay_start_0:
0x88: {  	s2 =	sld [smem:$0x3FD9]  }
0x89: {  	s3 =	sld [smem:$0x3FFE];
	_ =	sdelay $0x1  }
0x8a: {  	s1 =	srdreg.scid  }
0x8b: {  	s0 =	sand.u32 $0x1, s1  }
0x8c: {  	s17 =	sshll.u32 s0, $0xA;
	s2 =	sadd.s32 s3, s2  }
0x8d: {  	s2 =	sadd.s32 s2, s17  }
0x8e: {  	[smem:$0x3FC6] =	sst s2  }
0x8f: {  	_ = 	snop  }
0x90: {  	s2 =	sld [smem:$0x3FD0];
	(tm) =	ssettm $0x1  }
0x91: {  	s18 =	sld [smem:$0x3FFB];
	_ =	sdelay $0x3  }
0x92: {  	_ =	strace s18  }
0x93: {  	s3 =	sld [smem:$0x3FFC];
	_ =	sdelay $0x3  }
0x94: {  	_ =	strace s3  }
0x95: {  	s3 =	sld [smem:$0x3FFD];
	_ =	sdelay $0x3  }
0x96: {  	_ =	strace s3  }
0x97: {  	_ =	strace $0x8FFFFFFF  }
0x98: {  	s19 =	sld [smem:$0x3FDB];
	_ =	sdelay $0x1  }
0x99: {  	s4 =	simm.s32 $_scs_section_size  }
0x9a: {  	s5 =	simm.s32 $_size__tile_overlayer_lowered;
	s6 =	simm.s32 $_tile_overlayer_lowered  }
0x9b: {  	s22 =	simm.s32 $0x1BFF;
	s21 =	sshll.u32 s6, $0x1;
	s3 =	sadd.s32 s4, s19  }
0x9c: {  	s7 =	simm.s32 $0x0;
	s20 =	sshll.u32 s5, $0x1;
	s5 =	sadd.s32 s21, s3  }
0x9d: {  	[timem:s7], [sflag:s22] =	dma.local [hbm:s5], s20  }
0x9e: {  	_ =	swait.ge [sflag:s22], s20  }
0x9f: {  	s4 =	ssub.s32 $0x0, s20;
	[sflag:s22] =	ssyncset.done $0x0  }
0xa0: {  	[sflag:s22] =	ssyncadd.s32 s4;
	_ =	sdelay $0x1  }
0xa1: {  	s23 =	simm.s32 $0x1B8B  }
0xa2: {  	_ =	swait.ge [sflag:s23], $0x1  }
0xa3: {  	[sflag:s23] =	ssyncset.done $0x0  }
0xa4: {  	s25 =	simm.s32 $0x1B8E;
	s24 =	sld [smem:$0x3FFE];
	[sflag:s23] =	ssyncadd.s32 $0xFFFFFFFF  }
0xa5: {  	s26 =	simm.s32 $execute0_lowered;
	[smem:$0x3FD2] =	sst s25  }
0xa6: {  	s5 =	sshll.u32 s26, $0x1;
	_ =	strace $0x80000046;
	[dreg:$0x1] =	wrdreg $0xFFFFFFFF  }
0xa7: {  	s28 =	simm.s32 $_size_execute0_lowered;
	s3 =	sadd.s32 s3, s5;
	[dreg:$0x0] =	wrdreg $0x0  }
0xa8: {  	s5 =	sshll.u32 s28, $0x1;
	[dreg:$0x2] =	wrdreg s3  }
0xa9: {  	[dreg:$0x3] =	wrdreg s5  }
0xaa: {  	[dreg:$0x4] =	wrdreg $0xC0  }
0xab: {  	_ =	task [dreg:s7], $0x5FFFF  }
0xac: {  	[dreg:$0x1] =	wrdreg $0xFFFFFFFF  }
0xad: {  	[dreg:$0x0] =	wrdreg $0x60  }
0xae: {  	[dreg:$0x2] =	wrdreg s24  }
0xaf: {  	[dreg:$0x3] =	wrdreg s2  }
0xb0: {  	[dreg:$0x4] =	wrdreg $0x9  }
0xb1: {  	_ =	task.clear_ibuf [dreg:s7], $0x5FFFF;
	_ =	strace $0x90000046  }
0xb2: {  	s29 =	simm.s32 $0x9;
	_ =	strace $0x80000048  }
0xb3: {  	_ =	swait.ge [sflag:s29], $0x1  }
0xb4: {  	[sflag:s29] =	ssyncadd.s32 $0xFFFFFFFF  }
0xb5: {  	_ =	strace $0x90000048  }
0xb6: {  	_ =	sfence  }
0xb7: {  	s30 =	sld [smem:$0x0];
	_ =	sdelay $0x2  }
0xb8: {  	s31 =	sshll.u32 s1, $0xD;
	s1 =	sshrl.u32 s1, $0x2  }
0xb9: {  	s3 =	sand.u32 $0x4000, s31;
	s1 =	sadd.s32 s1, s30  }
0xba: {  	s0 =	sor.u32 s3, s0;
	s1 =	sshll.u32 s1, $0x11  }
0xbb: {  	s0 =	sor.u32 s1, s0  }
0xbc: {  	s0 =	sadd.s32 $0x8F2B, s0  }
0xbd: {  	[sflag:s0] =	ssyncadd.remote.s32 $0x1  }
0xbe: {  	_ =	sfence.sel $0xFFFF  }
0xbf: {  	[dreg:$0x0] =	wrdreg $0xFFFFFFFF;
	(pc) =	sbr.abs _section_cstart, $3  }
0xc0: {  	[dreg:$0x1] =	wrdreg $0xFFFFFFFF  }
0xc1: {  	_ =	task.clear_ibuf [dreg:s7], $0x2FFFF;
	_ =	strace $0x9FFFFFFF  }
0xc2: {  	(tm) =	ssettm $0x7FFFFFFF  }
0xc3: {  	_ =	shalt  }
tec
execute0_lowered:
.L_overlay_start_1:
0x0: {  	(tag) =	ssettag $0x1  }
0x1: {  	s0 =	rddreg [dreg:$0x0]  }
0x2: {  	s25 =	rddreg [dreg:$0x1]  }
0x3: {  	s1 =	srdreg.scid;
	s2 =	stileid.u32  }
0x4: {  	s3 =	simm.s32 $0x0;
	s30 =	simm.s32 $0x4;
	s31 =	simm.s32 $0xDD00  }
0x5: {  	s1 =	sand.u32 $0x1, s1;
	s2 =	sshll.u32 s2, $0x1;
	[smem:$0x7FF] =	sst s3  }
0x6: {  	s8 =	sadd.s32 $0x1000, s25;
	s9 =	sadd.s32 $0x2000, s25;
	s10 =	sadd.s32 $0x3000, s25  }
0x7: {  	s11 =	sadd.s32 $0x4000, s25;
	s12 =	sadd.s32 $0x5000, s25;
	s13 =	sadd.s32 $0x6000, s25  }
0x8: {  	s14 =	sadd.s32 $0x7000, s25;
	s15 =	sadd.s32 $0x8000, s25;
	s16 =	sadd.s32 $0x9000, s25  }
0x9: {  	s17 =	sadd.s32 $0xA000, s25;
	s18 =	sadd.s32 $0xB000, s25;
	s19 =	sadd.s32 $0xC000, s25  }
0xa: {  	s20 =	sadd.s32 $0xD000, s25;
	s21 =	sadd.s32 $0xE000, s25;
	s29 =	sadd.s32 $0xF000, s25  }
0xb: {  	s2 =	sor.u32 s1, s2;
	_ =	strace $0x80000047;
	s1 =	ssub.s32 $0x2, s1  }
.Ltmp0:
0xc: {  	s4 =	sshll.u32 s2, $0x4;
	s24 =	sshrl.u32 s1, $0x1;
	(pc) =	sbr.rel .LBB2_1-.Ltmp0, $4  }
0xd: {  	v0 =	vlaneseq.u32;
	s28 =	sshll.u32 s2, $0x7;
	s5 =	sadd.s32 s4, s0;
	s4 =	sadd.s32 $0x6800, s0  }
0xe: {  	v0 =	vmul.u32 $0x88, v0;
	s0 =	ssub.s32 s1, s24;
	[dreg:$0x4] =	wrdreg s28;
	s26 =	sadd.s32 $0x400, s5  }
0xf: {  	s2 =	simm.s32 $0x0;
	s0 =	smax.u32 s0, $0x1;
	[dreg:$0x3] =	wrdreg s26  }
0x10: {  	v1 =	vadd.s32 $0x880, v0;
	v2 =	vadd.s32 $0x1100, v0;
	v3 =	vadd.s32 $0x1980, v0;
	s1 =	simm.s32 $0x3;
	[dreg:$0x5] =	wrdreg s0;
	s26 =	simm.s32 $0x9900  }
.LBB2_10:
0x11: {  	_ =	swait.ge [sflag:s30], $0x400  }
0x12: {  	[sflag:s30] =	ssyncset.done $0x0  }
0x13: {  	[sflag:s30] =	ssyncadd.s32 $0xFFFFFC00  }
0x14: {  	_ =	swait.ge [sflag:s30], $0x400  }
0x15: {  	[sflag:s30] =	ssyncset.done $0x0  }
0x16: {  	[sflag:s30] =	ssyncadd.s32 $0xFFFFFC00  }
0x17: {  	_ =	swait.ge [sflag:s30], $0x400  }
0x18: {  	[sflag:s30] =	ssyncset.done $0x0  }
0x19: {  	[sflag:s30] =	ssyncadd.s32 $0xFFFFFC00  }
0x1a: {  	_ =	swait.ge [sflag:s30], $0x400  }
0x1b: {  	[sflag:s30] =	ssyncset.done $0x0  }
0x1c: {  	[sflag:s30] =	ssyncadd.s32 $0xFFFFFC00  }
0x1d: {  	_ =	swait.ge [sflag:s30], $0x400  }
0x1e: {  	[sflag:s30] =	ssyncset.done $0x0  }
0x1f: {  	[sflag:s30] =	ssyncadd.s32 $0xFFFFFC00  }
0x20: {  	_ =	swait.ge [sflag:s30], $0x400  }
0x21: {  	[sflag:s30] =	ssyncset.done $0x0  }
0x22: {  	[sflag:s30] =	ssyncadd.s32 $0xFFFFFC00  }
0x23: {  	_ =	swait.ge [sflag:s30], $0x400  }
0x24: {  	[sflag:s30] =	ssyncset.done $0x0  }
0x25: {  	[sflag:s30] =	ssyncadd.s32 $0xFFFFFC00  }
0x26: {  	_ =	swait.ge [sflag:s30], $0x400  }
0x27: {  	[sflag:s30] =	ssyncset.done $0x0  }
0x28: {  	[sflag:s30] =	ssyncadd.s32 $0xFFFFFC00  }
0x29: {  	_ =	swait.ge [sflag:s30], $0x400  }
0x2a: {  	[sflag:s30] =	ssyncset.done $0x0  }
0x2b: {  	[sflag:s30] =	ssyncadd.s32 $0xFFFFFC00  }
0x2c: {  	_ =	swait.ge [sflag:s30], $0x400  }
0x2d: {  	[sflag:s30] =	ssyncset.done $0x0  }
0x2e: {  	[sflag:s30] =	ssyncadd.s32 $0xFFFFFC00  }
0x2f: {  	_ =	swait.ge [sflag:s30], $0x400  }
0x30: {  	[sflag:s30] =	ssyncset.done $0x0  }
0x31: {  	[sflag:s30] =	ssyncadd.s32 $0xFFFFFC00  }
0x32: {  	_ =	swait.ge [sflag:s30], $0x400  }
0x33: {  	[sflag:s30] =	ssyncset.done $0x0  }
0x34: {  	[sflag:s30] =	ssyncadd.s32 $0xFFFFFC00  }
0x35: {  	_ =	swait.ge [sflag:s30], $0x400  }
0x36: {  	[sflag:s30] =	ssyncset.done $0x0  }
0x37: {  	[sflag:s30] =	ssyncadd.s32 $0xFFFFFC00  }
0x38: {  	_ =	swait.ge [sflag:s30], $0x400  }
0x39: {  	[sflag:s30] =	ssyncset.done $0x0  }
0x3a: {  	[sflag:s30] =	ssyncadd.s32 $0xFFFFFC00  }
0x3b: {  	_ =	swait.ge [sflag:s30], $0x400  }
0x3c: {  	[sflag:s30] =	ssyncset.done $0x0  }
0x3d: {  	[sflag:s30] =	ssyncadd.s32 $0xFFFFFC00  }
0x3e: {  	_ =	swait.ge [sflag:s30], $0x400  }
0x3f: {  	[sflag:s30] =	ssyncset.done $0x0  }
0x40: {  	[sflag:s30] =	ssyncadd.s32 $0xFFFFFC00  }
0x41: {  	_ =	swait.ge [sflag:s1], $0x400  }
0x42: {  	[sflag:s1] =	ssyncset.done $0x0  }
0x43: {  	[sflag:s1] =	ssyncadd.s32 $0xFFFFFC00  }
0x44: {  	_ =	swait.ge [sflag:s1], $0x400  }
0x45: {  	[sflag:s1] =	ssyncset.done $0x0  }
0x46: {  	[sflag:s1] =	ssyncadd.s32 $0xFFFFFC00  }
0x47: {  	_ =	swait.ge [sflag:s1], $0x400  }
0x48: {  	[sflag:s1] =	ssyncset.done $0x0  }
0x49: {  	[sflag:s1] =	ssyncadd.s32 $0xFFFFFC00  }
0x4a: {  	_ =	swait.ge [sflag:s1], $0x400  }
0x4b: {  	[sflag:s1] =	ssyncset.done $0x0  }
0x4c: {  	[sflag:s1] =	ssyncadd.s32 $0xFFFFFC00  }
0x4d: {  	_ =	swait.ge [sflag:s1], $0x400  }
0x4e: {  	[sflag:s1] =	ssyncset.done $0x0  }
0x4f: {  	[sflag:s1] =	ssyncadd.s32 $0xFFFFFC00  }
0x50: {  	_ =	swait.ge [sflag:s1], $0x400  }
0x51: {  	[sflag:s1] =	ssyncset.done $0x0  }
0x52: {  	[sflag:s1] =	ssyncadd.s32 $0xFFFFFC00  }
0x53: {  	_ =	swait.ge [sflag:s1], $0x400  }
0x54: {  	[sflag:s1] =	ssyncset.done $0x0  }
0x55: {  	[sflag:s1] =	ssyncadd.s32 $0xFFFFFC00  }
0x56: {  	_ =	swait.ge [sflag:s1], $0x400  }
0x57: {  	[sflag:s1] =	ssyncset.done $0x0  }
0x58: {  	[sflag:s1] =	ssyncadd.s32 $0xFFFFFC00  }
0x59: {  	_ =	swait.ge [sflag:s1], $0x400  }
0x5a: {  	[sflag:s1] =	ssyncset.done $0x0  }
0x5b: {  	[sflag:s1] =	ssyncadd.s32 $0xFFFFFC00  }
0x5c: {  	_ =	swait.ge [sflag:s1], $0x400  }
0x5d: {  	[sflag:s1] =	ssyncset.done $0x0  }
0x5e: {  	[sflag:s1] =	ssyncadd.s32 $0xFFFFFC00  }
0x5f: {  	_ =	swait.ge [sflag:s1], $0x400  }
0x60: {  	[sflag:s1] =	ssyncset.done $0x0  }
0x61: {  	[sflag:s1] =	ssyncadd.s32 $0xFFFFFC00  }
0x62: {  	_ =	swait.ge [sflag:s1], $0x400  }
0x63: {  	[sflag:s1] =	ssyncset.done $0x0  }
0x64: {  	[sflag:s1] =	ssyncadd.s32 $0xFFFFFC00  }
0x65: {  	_ =	swait.ge [sflag:s1], $0x400  }
0x66: {  	[sflag:s1] =	ssyncset.done $0x0  }
0x67: {  	[sflag:s1] =	ssyncadd.s32 $0xFFFFFC00  }
0x68: {  	_ =	swait.ge [sflag:s1], $0x400  }
0x69: {  	[sflag:s1] =	ssyncset.done $0x0  }
0x6a: {  	[sflag:s1] =	ssyncadd.s32 $0xFFFFFC00  }
0x6b: {  	_ =	swait.ge [sflag:s1], $0x400  }
0x6c: {  	[sflag:s1] =	ssyncset.done $0x0  }
0x6d: {  	[sflag:s1] =	ssyncadd.s32 $0xFFFFFC00  }
0x6e: {  	_ =	swait.ge [sflag:s1], $0x400  }
0x6f: {  	s2 =	rddreg [dreg:$0x6]  }
0x70: {  	s0 =	rddreg [dreg:$0x5];
	s2 =	sadd.s32 $0x1, s2  }
0x71: {  	p0 =	sne.s32 s2, s0  }
.Ltmp1:
0x72: {  	_ = 	snop;
	(pc) =	sbr.rel @!p0 .LBB2_11-.Ltmp1, $3  }
0x73: {  	_ =	sdelay $0x1  }
0x74: {  	[sflag:s1] =	ssyncset.done $0x0  }
0x75: {  	[sflag:s1] =	ssyncadd.s32 $0xFFFFFC00  }
.LBB2_1:
0x76: {  	[dreg:$0x6] =	wrdreg s2  }
0x77: {  	s0 =	rddreg [dreg:$0x3]  }
0x78: {  	s7 =	simm.s32 $0x80;
	s5 =	simm.s32 $0x1000;
	s22 =	simm.s32 $0x5  }
0x79: {  	[tilespmem:s3], [sflag:$0x5] =	stream.strided.gather [hbm4b:s0+s7], $0x1900, s5, s7, $0x38;
	[tilespmem:$0x12100] =	vst v63  }
0x7a: {  	_ =	swait.ge [sflag:s22], $0x1900  }
.Ltmp2:
0x7b: {  	[sflag:s22] =	ssyncset.done $0x0;
	(pc) =	sbr.rel .LBB2_2-.Ltmp2, $4  }
0x7c: {  	s23 =	simm.s32 $0x1900;
	[sflag:s22] =	ssyncadd.s32 $0xFFFFE700  }
0x7d: {  	[tilespmem:s23], [sflag:$0x1] =	stream.indirect.gather [hbm4b:s4+s7], $0x40, s3, s7, $0xb8;
	[tilespmem:$0x12100] =	vst v63  }
0x7e: {  	s24 =	simm.s32 $0x3900;
	s28 =	simm.s32 $0x0  }
0x7f: {  	[tilespmem:s24], [sflag:$0x1] =	stream.indirect.gather [hbm4b:s4+s7], $0x40, s7, s7, $0xb8;
	[tilespmem:$0x12100] =	vst v63  }
.LBB2_9:
0x80: {  	s28 =	sadd.s32 $0x1, s28  }
0x81: {  	p0 =	sne.s32 s28, $0x19  }
.Ltmp3:
0x82: {  	_ = 	snop;
	(pc) =	sbr.rel @!p0 .LBB2_10-.Ltmp3, $1  }
0x83: {  	_ =	sdelay $0x3  }
.LBB2_2:
0x84: {  	s5 =	sand.u32 $0x1, s28  }
0x85: {  	p0 =	seq.s32 s5, $0x1  }
.Ltmp4:
0x86: {  	_ = 	snop;
	(pc) =	sbr.rel @p0 .LBB2_6-.Ltmp4, $1  }
0x87: {  	_ =	sdelay $0x3  }
0x88: {  	s2 =	simm.s32 $0x1  }
0x89: {  	_ =	swait.ge [sflag:s2], $0x2000  }
0x8a: {  	[sflag:s2] =	ssyncset.done $0x0  }
0x8b: {  	p0 =	seq.s32 s28, $0x18;
	[sflag:s2] =	ssyncadd.s32 $0xFFFFE000  }
0x8c: {  	s0 =	sshll.u32 @!p0 s28, $0x8;
	_ =	swait.ge [sflag:s2], $0x2000  }
0x8d: {  	s6 =	simm.s32 @!p0 $0x80;
	s0 =	sand.u32 @!p0 $0x3FFFFF00, s0;
	[sflag:s2] =	ssyncset.done $0x0  }
0x8e: {  	s22 =	simm.s32 @!p0 $0x5900;
	[sflag:s2] =	ssyncadd.s32 $0xFFFFE000;
	s2 =	sadd.s32 @!p0 $0x100, s0  }
0x8f: {  	[tilespmem:s22], [sflag:$0x2] =	stream.indirect.gather @!p0 [hbm4b:s4+s6], $0x40, s2, s6, $0xb8;
	[tilespmem:$0x12100] =	vst v63  }
0x90: {  	p1 =	slt.u32 @!p0 s28, $0x2;
	s0 =	sadd.s32 @!p0 $0x180, s0;
	s2 =	simm.s32 @!p0 $0x7900  }
0x91: {  	[tilespmem:s2], [sflag:$0x2] =	stream.indirect.gather @!p0 [hbm4b:s4+s6], $0x40, s0, s6, $0xb8;
	[tilespmem:$0x12100] =	vst v63  }
0x92: {  	p0 =	por p0, !p1  }
0x93: {  	_ =	swait.ge @p0 [sflag:s1], $0x400  }
0x94: {  	[sflag:s1] =	ssyncset.done @p0 $0x0  }
0x95: {  	[sflag:s1] =	ssyncadd.s32 @p0 $0xFFFFFC00  }
0x96: {  	_ =	swait.ge @p0 [sflag:s1], $0x400  }
0x97: {  	[sflag:s1] =	ssyncset.done @p0 $0x0  }
0x98: {  	[sflag:s1] =	ssyncadd.s32 @p0 $0xFFFFFC00  }
0x99: {  	_ =	swait.ge @p0 [sflag:s1], $0x400  }
0x9a: {  	[sflag:s1] =	ssyncset.done @p0 $0x0  }
0x9b: {  	[sflag:s1] =	ssyncadd.s32 @p0 $0xFFFFFC00  }
0x9c: {  	_ =	swait.ge @p0 [sflag:s1], $0x400  }
0x9d: {  	[sflag:s1] =	ssyncset.done @p0 $0x0  }
0x9e: {  	[sflag:s1] =	ssyncadd.s32 @p0 $0xFFFFFC00  }
0x9f: {  	_ =	swait.ge @p0 [sflag:s1], $0x400  }
0xa0: {  	[sflag:s1] =	ssyncset.done @p0 $0x0  }
0xa1: {  	[sflag:s1] =	ssyncadd.s32 @p0 $0xFFFFFC00  }
0xa2: {  	_ =	swait.ge @p0 [sflag:s1], $0x400  }
0xa3: {  	[sflag:s1] =	ssyncset.done @p0 $0x0  }
0xa4: {  	[sflag:s1] =	ssyncadd.s32 @p0 $0xFFFFFC00  }
0xa5: {  	_ =	swait.ge @p0 [sflag:s1], $0x400  }
0xa6: {  	[sflag:s1] =	ssyncset.done @p0 $0x0  }
0xa7: {  	[sflag:s1] =	ssyncadd.s32 @p0 $0xFFFFFC00  }
0xa8: {  	_ =	swait.ge @p0 [sflag:s1], $0x400  }
0xa9: {  	[sflag:s1] =	ssyncset.done @p0 $0x0  }
0xaa: {  	[sflag:s1] =	ssyncadd.s32 @p0 $0xFFFFFC00  }
0xab: {  	_ =	swait.ge @p0 [sflag:s1], $0x400  }
0xac: {  	[sflag:s1] =	ssyncset.done @p0 $0x0  }
0xad: {  	[sflag:s1] =	ssyncadd.s32 @p0 $0xFFFFFC00  }
0xae: {  	_ =	swait.ge @p0 [sflag:s1], $0x400  }
0xaf: {  	[sflag:s1] =	ssyncset.done @p0 $0x0  }
0xb0: {  	[sflag:s1] =	ssyncadd.s32 @p0 $0xFFFFFC00  }
0xb1: {  	_ =	swait.ge @p0 [sflag:s1], $0x400  }
0xb2: {  	[sflag:s1] =	ssyncset.done @p0 $0x0  }
0xb3: {  	[sflag:s1] =	ssyncadd.s32 @p0 $0xFFFFFC00  }
0xb4: {  	_ =	swait.ge @p0 [sflag:s1], $0x400  }
0xb5: {  	[sflag:s1] =	ssyncset.done @p0 $0x0  }
0xb6: {  	[sflag:s1] =	ssyncadd.s32 @p0 $0xFFFFFC00  }
0xb7: {  	s24 =	smov.u32 s21;
	s21 =	smov.u32 s20;
	_ =	swait.ge @p0 [sflag:s1], $0x400  }
0xb8: {  	s20 =	smov.u32 s19;
	s19 =	smov.u32 s18;
	[sflag:s1] =	ssyncset.done @p0 $0x0  }
0xb9: {  	s18 =	smov.u32 s17;
	s17 =	smov.u32 s16;
	[sflag:s1] =	ssyncadd.s32 @p0 $0xFFFFFC00  }
0xba: {  	s16 =	smov.u32 s15;
	s22 =	simm.s32 $0x0;
	_ =	swait.ge @p0 [sflag:s1], $0x400  }
0xbb: {  	s15 =	smov.u32 s14;
	s23 =	sand.u32 $0x40, s22;
	[sflag:s1] =	ssyncset.done @p0 $0x0  }
0xbc: {  	s14 =	smov.u32 s13;
	s13 =	smov.u32 s12;
	v4 =	vmov s23;
	[sflag:s1] =	ssyncadd.s32 @p0 $0xFFFFFC00  }
0xbd: {  	s12 =	smov.u32 s11;
	s11 =	smov.u32 s10;
	v4 =	vmul.u32 $0x88, v4;
	_ =	swait.ge @p0 [sflag:s1], $0x400  }
0xbe: {  	s10 =	smov.u32 s9;
	s9 =	smov.u32 s8;
	[sflag:s1] =	ssyncset.done @p0 $0x0  }
0xbf: {  	s8 =	smov.u32 s25;
	s25 =	simm.s32 $0x3;
	v10 =	vbroadcast v4, $0x0;
	[sflag:s1] =	ssyncadd.s32 @p0 $0xFFFFFC00  }
0xc0: {  	v4 =	vmov s25;
	_ =	swait.ge @p0 [sflag:s1], $0x400  }
0xc1: {  	v6 =	vmov s22;
	v12 =	vand.u32 $0x78, v4;
	v5 =	vadd.s32 v0, v10;
	[sflag:s1] =	ssyncset.done @p0 $0x0  }
0xc2: {  	s23 =	simm.s32 $0x1980;
	v15 =	vand.u32 $0x4, v6;
	s2 =	simm.s32 $0x1;
	v14 =	vand.u32 $0x7, v4;
	v4 =	vadd.s32 v12, v5;
	[sflag:s1] =	ssyncadd.s32 @p0 $0xFFFFFC00  }
0xc3: {  	v16 =	vand.u32 $0x78, v6;
	v6 =	vmov s2;
	v4 =	vor.u32 v14, v4;
	v7 =	vld [tilespmem:s23+$0x40]  }
0xc4: {  	v18 =	vand.u32 $0x78, v6  }
0xc5: {  	v17 =	vand.u32 $0x5, v6;
	v9 =	vadd.s32 v18, v5  }
0xc6: {  	s6 =	simm.s32 $0x2;
	v6 =	vadd.s32 v16, v5;
	v9 =	vor.u32 v17, v9;
	v20 =	vld [tilespmem:s23+$0xFFFFFFC0]  }
0xc7: {  	v8 =	vmov s6;
	v13 =	vadd.s32 v1, v10;
	v6 =	vor.u32 v15, v6;
	v11 =	vld [tilespmem:s23+$0xFFFFFF80]  }
0xc8: {  	v19 =	vand.u32 $0x78, v8;
	[tilespmem:v4+s26+$0x0] =	vst.idx.msk $0xffff, v7;
	v4 =	vadd.s32 v12, v13  }
0xc9: {  	v24 =	vand.u32 $0x6, v8;
	v5 =	vadd.s32 v19, v5;
	v7 =	vld [tilespmem:s23+$0x50];
	v8 =	vor.u32 v14, v4  }
0xca: {  	s25 =	simm.s32 $0x6;
	v22 =	vadd.s32 v18, v13;
	v5 =	vor.u32 v24, v5;
	v21 =	vld [tilespmem:s23+$0x0];
	v4 =	vadd.s32 v16, v13  }
0xcb: {  	s7 =	simm.s32 $0x4;
	v26 =	vmov s25;
	[tilespmem:v9+s26+$0x0] =	vst.idx.msk $0xffff, v20;
	v23 =	vor.u32 v15, v4;
	v4 =	vadd.s32 v19, v13  }
0xcc: {  	[tilespmem:v6+s26+$0x0] =	vst.idx.msk $0xffff, v11;
	v11 =	vor.u32 v17, v22;
	v25 =	vld [tilespmem:s23+$0xFFFFFFD0];
	v13 =	vmov s7;
	v22 =	vor.u32 v24, v4  }
0xcd: {  	s22 =	simm.s32 $0x5;
	v9 =	vld [tilespmem:s23+$0xFFFFFF90];
	v4 =	vand.u32 $0x4, v13;
	v6 =	vand.u32 $0x78, v13;
	v13 =	vadd.s32 v2, v10  }
0xce: {  	s2 =	sand.u32 $0x40, s6;
	v20 =	vmov s22;
	v27 =	vadd.s32 v16, v13;
	[tilespmem:v8+s26+$0x0] =	vst.idx.msk $0xffff, v7;
	v7 =	vadd.s32 v12, v13  }
0xcf: {  	[tilespmem:v5+s26+$0x0] =	vst.idx.msk $0xffff, v21;
	v5 =	vmov s2;
	v27 =	vor.u32 v15, v27;
	v21 =	vld [tilespmem:s23+$0x60];
	v28 =	vor.u32 v14, v7  }
0xd0: {  	v29 =	vld [tilespmem:s23+$0x10];
	v8 =	vadd.s32 v18, v13;
	v13 =	vadd.s32 v19, v13;
	v7 =	vmul.u32 $0x88, v5  }
0xd1: {  	[tilespmem:v11+s26+$0x0] =	vst.idx.msk $0xffff, v25;
	v25 =	vadd.s32 v3, v10;
	v5 =	vand.u32 $0x5, v20;
	v30 =	vor.u32 v17, v8  }
0xd2: {  	s2 =	simm.s32 $0x7;
	v31 =	vor.u32 v24, v13;
	[tilespmem:v23+s26+$0x0] =	vst.idx.msk $0xffff, v9;
	v9 =	vand.u32 $0x78, v20;
	v13 =	vbroadcast v7, $0x0  }
0xd3: {  	v8 =	vand.u32 $0x78, v26;
	v23 =	vmov s2;
	v12 =	vadd.s32 v12, v25;
	v20 =	vld [tilespmem:s23+$0xFFFFFFA0]  }
0xd4: {  	v11 =	vand.u32 $0x78, v23;
	v7 =	vand.u32 $0x6, v26;
	v26 =	vld [tilespmem:s23+$0xFFFFFFE0];
	v32 =	vadd.s32 v0, v13;
	[tilespmem:v28+s26+$0x0] =	vst.idx.msk $0xffff, v21  }
0xd5: {  	s22 =	simm.s32 $0x1A80;
	[tilespmem:v22+s26+$0x0] =	vst.idx.msk $0xffff, v29;
	v10 =	vand.u32 $0x7, v23;
	v12 =	vor.u32 v14, v12;
	v21 =	vadd.s32 v11, v32;
	v22 =	vld [tilespmem:s23+$0x70]  }
0xd6: {  	v23 =	vadd.s32 v9, v32;
	v28 =	vld [tilespmem:s22+$0x40];
	v21 =	vor.u32 v10, v21  }
0xd7: {  	v29 =	vld [tilespmem:s22+$0xFFFFFFC0];
	v14 =	vadd.s32 v6, v32;
	v32 =	vadd.s32 v8, v32;
	v23 =	vor.u32 v5, v23  }
0xd8: {  	v33 =	vld [tilespmem:s22+$0x0];
	v16 =	vadd.s32 v16, v25;
	v32 =	vor.u32 v7, v32;
	[tilespmem:v27+s26+$0x0] =	vst.idx.msk $0xffff, v20  }
0xd9: {  	v18 =	vadd.s32 v18, v25;
	v14 =	vor.u32 v4, v14;
	v20 =	vld [tilespmem:s22+$0xFFFFFF80];
	[tilespmem:v30+s26+$0x0] =	vst.idx.msk $0xffff, v26  }
0xda: {  	v25 =	vadd.s32 v19, v25;
	v19 =	vadd.s32 v1, v13;
	v26 =	vld [tilespmem:s23+$0x20];
	[tilespmem:v12+s26+$0x0] =	vst.idx.msk $0xffff, v22  }
0xdb: {  	v30 =	vor.u32 v15, v16;
	v34 =	vld [tilespmem:s23+$0xFFFFFFB0];
	v15 =	vadd.s32 v11, v19;
	[tilespmem:v21+s26+$0x0] =	vst.idx.msk $0xffff, v28  }
0xdc: {  	s25 =	simm.s32 $0x8;
	v18 =	vor.u32 v17, v18;
	v35 =	vor.u32 v10, v15;
	[tilespmem:v23+s26+$0x0] =	vst.idx.msk $0xffff, v29;
	v29 =	vld [tilespmem:s22+$0x50]  }
0xdd: {  	v27 =	vmov s25;
	v16 =	vadd.s32 v9, v19;
	v15 =	vld [tilespmem:s23+$0xFFFFFFF0];
	v12 =	vadd.s32 v6, v19;
	[tilespmem:v32+s26+$0x0] =	vst.idx.msk $0xffff, v33  }
0xde: {  	s6 =	simm.s32 $0x9;
	[tilespmem:v14+s26+$0x0] =	vst.idx.msk $0xffff, v20;
	v23 =	vor.u32 v5, v16;
	v16 =	vor.u32 v24, v25;
	v14 =	vand.u32 $0x78, v27;
	v22 =	vld [tilespmem:s22+$0xFFFFFFD0]  }
0xdf: {  	v24 =	vmov s6;
	v21 =	vor.u32 v4, v12;
	v12 =	vadd.s32 v8, v19;
	[tilespmem:v31+s26+$0x0] =	vst.idx.msk $0xffff, v26;
	v26 =	vld [tilespmem:s22+$0xFFFFFF90]  }
0xe0: {  	s0 =	simm.s32 $0x4;
	s7 =	simm.s32 $0xA;
	v19 =	vld [tilespmem:s22+$0x10];
	[tilespmem:v30+s26+$0x0] =	vst.idx.msk $0xffff, v34;
	v20 =	vor.u32 v7, v12;
	v12 =	vand.u32 $0x4, v27;
	v27 =	vadd.s32 v2, v13  }
0xe1: {  	s2 =	simm.s32 $0xC;
	s6 =	sand.u32 $0x40, s0;
	v25 =	vmov s7;
	v17 =	vld [tilespmem:s23+$0x30];
	s23 =	simm.s32 $0x1A80;
	v28 =	vadd.s32 v6, v27;
	[tilespmem:v35+s26+$0x0] =	vst.idx.msk $0xffff, v29;
	v29 =	vadd.s32 v11, v27  }
.LBB2_4:
0xe2: {  	p0 =	slt.u32 s2, $0xFC;
	v30 =	vmov s6;
	v31 =	vadd.s32 v9, v27;
	v32 =	vld [tilespmem:s22+$0x60];
	v29 =	vor.u32 v10, v29  }
0xe3: {  	v28 =	vor.u32 v4, v28;
	v30 =	vmul.u32 $0x88, v30;
	[tilespmem:v23+s26+$0x0] =	vst.idx.msk $0xffff, v22;
	v22 =	vadd.s32 v8, v27  }
0xe4: {  	v33 =	vand.u32 $0x5, v24;
	v23 =	vor.u32 v5, v31;
	[tilespmem:v21+s26+$0x0] =	vst.idx.msk $0xffff, v26;
	v21 =	vld [tilespmem:s22+$0xFFFFFFE0];
	v27 =	vor.u32 v7, v22  }
0xe5: {  	v24 =	vand.u32 $0x78, v24;
	s6 =	sadd.s32 $0x3, s25;
	s25 =	smov.u32 s2;
	v22 =	vbroadcast v30, $0x0;
	v30 =	vand.u32 $0x6, v25;
	v26 =	vld [tilespmem:s22+$0xFFFFFFA0];
	[tilespmem:v20+s26+$0x0] =	vst.idx.msk $0xffff, v19  }
0xe6: {  	v19 =	vand.u32 $0x78, v25;
	v20 =	vmov s6;
	v25 =	vadd.s32 v3, v13;
	v31 =	vld [tilespmem:s22+$0x20];
	[tilespmem:v18+s26+$0x0] =	vst.idx.msk $0xffff, v15  }
0xe7: {  	v34 =	vadd.s32 v11, v25;
	v11 =	vand.u32 $0x78, v20;
	v15 =	vadd.s32 v0, v22;
	[tilespmem:v29+s26+$0x0] =	vst.idx.msk $0xffff, v32  }
0xe8: {  	s22 =	sadd.s32 $0x100, s22;
	v32 =	vor.u32 v10, v34;
	v10 =	vand.u32 $0x7, v20;
	v18 =	vadd.s32 v11, v15;
	v29 =	vld [tilespmem:s23+$0x70];
	[tilespmem:v16+s26+$0x0] =	vst.idx.msk $0xffff, v17  }
0xe9: {  	v13 =	vmovc v22;
	v16 =	vadd.s32 v14, v15;
	v17 =	vadd.s32 v24, v15;
	v20 =	vld [tilespmem:s22+$0x40];
	v18 =	vor.u32 v10, v18  }
0xea: {  	v15 =	vadd.s32 v19, v15;
	v16 =	vor.u32 v12, v16;
	v17 =	vor.u32 v33, v17;
	v22 =	vld [tilespmem:s22+$0xFFFFFFC0]  }
0xeb: {  	v35 =	vor.u32 v30, v15;
	v15 =	vadd.s32 v6, v25;
	v6 =	vmov v14;
	v34 =	vld [tilespmem:s22+$0x0];
	[tilespmem:v28+s26+$0x0] =	vst.idx.msk $0xffff, v26  }
0xec: {  	v28 =	vadd.s32 v9, v25;
	v25 =	vadd.s32 v8, v25;
	v9 =	vmov v24;
	v14 =	vld [tilespmem:s22+$0xFFFFFF80];
	[tilespmem:v23+s26+$0x0] =	vst.idx.msk $0xffff, v21  }
0xed: {  	v37 =	vor.u32 v4, v15;
	v8 =	vmov v19;
	v23 =	vadd.s32 v1, v13;
	v36 =	vld [tilespmem:s23+$0xFFFFFFB0];
	[tilespmem:v32+s26+$0x0] =	vst.idx.msk $0xffff, v29  }
0xee: {  	v4 =	vmov v12;
	v19 =	vadd.s32 v6, v23;
	[tilespmem:v18+s26+$0x0] =	vst.idx.msk $0xffff, v20;
	v18 =	vadd.s32 v11, v23;
	v15 =	vld [tilespmem:s23+$0xFFFFFFF0]  }
0xef: {  	v12 =	vadd.s32 v9, v23;
	[tilespmem:v17+s26+$0x0] =	vst.idx.msk $0xffff, v22;
	v29 =	vld [tilespmem:s22+$0x50];
	v32 =	vor.u32 v10, v18  }
.Ltmp5:
0xf0: {  	v21 =	vor.u32 v4, v19;
	v17 =	vadd.s32 v8, v23;
	v22 =	vld [tilespmem:s22+$0xFFFFFFD0];
	[tilespmem:v35+s26+$0x0] =	vst.idx.msk $0xffff, v34;
	(pc) =	sbr.rel @p0 .LBB2_4-.Ltmp5, $4  }
0xf1: {  	v24 =	vmov s2;
	v23 =	vor.u32 v33, v12;
	v20 =	vor.u32 v30, v17;
	[tilespmem:v16+s26+$0x0] =	vst.idx.msk $0xffff, v14;
	v19 =	vld [tilespmem:s22+$0x10]  }
0xf2: {  	s6 =	sadd.s32 $0x1, s2;
	v12 =	vand.u32 $0x4, v24;
	v18 =	vor.u32 v5, v28;
	v16 =	vor.u32 v7, v25;
	v26 =	vld [tilespmem:s22+$0xFFFFFF90];
	[tilespmem:v27+s26+$0x0] =	vst.idx.msk $0xffff, v31  }
0xf3: {  	s7 =	sadd.s32 $0x2, s2;
	s0 =	sadd.s32 $0x2, s0;
	v5 =	vmovc v33;
	v14 =	vand.u32 $0x78, v24;
	v24 =	vmov s6;
	v7 =	vmovc v30;
	v27 =	vadd.s32 v2, v13;
	[tilespmem:v37+s26+$0x0] =	vst.idx.msk $0xffff, v36;
	v17 =	vld [tilespmem:s23+$0x30];
	s23 =	smov.u32 s22  }
0xf4: {  	s2 =	sadd.s32 $0x4, s2;
	s6 =	sand.u32 $0x40, s0;
	v25 =	vmov s7;
	v28 =	vadd.s32 v6, v27;
	[tilespmem:v32+s26+$0x0] =	vst.idx.msk $0xffff, v29;
	v29 =	vadd.s32 v11, v27  }
0xf5: {  	v30 =	vmov s6  }
0xf6: {  	v30 =	vmul.u32 $0x88, v30  }
0xf7: {  	v31 =	vadd.s32 v9, v27  }
0xf8: {  	v29 =	vor.u32 v10, v29;
	v28 =	vor.u32 v4, v28;
	s0 =	sadd.s32 $0x3, s25;
	v30 =	vbroadcast v30, $0x0  }
0xf9: {  	v48 =	vadd.s32 v8, v27;
	v33 =	vand.u32 $0x5, v24;
	v34 =	vmov s0  }
0xfa: {  	v32 =	vld [tilespmem:s22+$0x60];
	[tilespmem:v23+s26+$0x0] =	vst.idx.msk $0xffff, v22;
	v49 =	vor.u32 v5, v31;
	v31 =	vand.u32 $0x78, v34;
	v50 =	vadd.s32 v0, v30  }
0xfb: {  	s6 =	sadd.s32 $0x100, s22;
	[tilespmem:v18+s26+$0x0] =	vst.idx.msk $0xffff, v15;
	v13 =	vadd.s32 v3, v13;
	v61 =	vld [tilespmem:s22+$0xFFFFFFE0];
	v27 =	vand.u32 $0x7, v34;
	v52 =	vadd.s32 v31, v50  }
0xfc: {  	v24 =	vand.u32 $0x78, v24;
	[tilespmem:v20+s26+$0x0] =	vst.idx.msk $0xffff, v19;
	v54 =	vld [tilespmem:s6+$0x40];
	v53 =	vadd.s32 v14, v50;
	v34 =	vor.u32 v27, v52  }
0xfd: {  	v57 =	vld [tilespmem:s6+$0xFFFFFF80];
	[tilespmem:v21+s26+$0x0] =	vst.idx.msk $0xffff, v26;
	v55 =	vadd.s32 v24, v50;
	v56 =	vor.u32 v12, v53  }
0xfe: {  	v58 =	vld [tilespmem:s6+$0xFFFFFFC0];
	v11 =	vadd.s32 v11, v13;
	[tilespmem:v16+s26+$0x0] =	vst.idx.msk $0xffff, v17;
	v15 =	vor.u32 v33, v55  }
0xff: {  	v35 =	vand.u32 $0x78, v25;
	v22 =	vor.u32 v7, v48;
	v36 =	vor.u32 v10, v11;
	v44 =	vld [tilespmem:s22+$0x20];
	[tilespmem:v29+s26+$0x0] =	vst.idx.msk $0xffff, v32  }
0x100: {  	v25 =	vand.u32 $0x6, v25;
	v51 =	vld [tilespmem:s22+$0xFFFFFFA0];
	v62 =	vadd.s32 v1, v30;
	v26 =	vadd.s32 v35, v50;
	[tilespmem:v49+s26+$0x0] =	vst.idx.msk $0xffff, v61  }
0x101: {  	v59 =	vld [tilespmem:s6+$0x0];
	v37 =	vadd.s32 v31, v62;
	v60 =	vor.u32 v25, v26;
	[tilespmem:v34+s26+$0x0] =	vst.idx.msk $0xffff, v54  }
0x102: {  	v38 =	vadd.s32 v14, v62;
	v11 =	vor.u32 v27, v37;
	[tilespmem:v56+s26+$0x0] =	vst.idx.msk $0xffff, v57;
	v39 =	vld [tilespmem:s6+$0x50]  }
0x103: {  	v40 =	vadd.s32 v24, v62;
	v41 =	vor.u32 v12, v38;
	[tilespmem:v15+s26+$0x0] =	vst.idx.msk $0xffff, v58;
	v19 =	vld [tilespmem:s6+$0xFFFFFF90]  }
0x104: {  	v6 =	vadd.s32 v6, v13;
	[tilespmem:v22+s26+$0x0] =	vst.idx.msk $0xffff, v44;
	v15 =	vor.u32 v33, v40;
	v42 =	vld [tilespmem:s6+$0xFFFFFFD0]  }
0x105: {  	v45 =	vadd.s32 v9, v13;
	v4 =	vor.u32 v4, v6;
	v63 =	vld [tilespmem:s23+$0x70];
	[tilespmem:v28+s26+$0x0] =	vst.idx.msk $0xffff, v51  }
0x106: {  	v46 =	vadd.s32 v2, v30;
	v43 =	vadd.s32 v35, v62;
	v47 =	vld [tilespmem:s23+$0xFFFFFFB0];
	[tilespmem:v60+s26+$0x0] =	vst.idx.msk $0xffff, v59  }
0x107: {  	v48 =	vadd.s32 v31, v46;
	v16 =	vor.u32 v25, v43;
	v17 =	vld [tilespmem:s6+$0x10];
	[tilespmem:v11+s26+$0x0] =	vst.idx.msk $0xffff, v39  }
0x108: {  	v49 =	vadd.s32 v14, v46;
	v6 =	vor.u32 v27, v48;
	[tilespmem:v41+s26+$0x0] =	vst.idx.msk $0xffff, v19;
	v50 =	vld [tilespmem:s6+$0x60]  }
0x109: {  	v51 =	vadd.s32 v24, v46;
	v11 =	vor.u32 v12, v49;
	[tilespmem:v15+s26+$0x0] =	vst.idx.msk $0xffff, v42;
	v52 =	vld [tilespmem:s6+$0xFFFFFFA0]  }
0x10a: {  	v5 =	vor.u32 v5, v45;
	v18 =	vor.u32 v33, v51;
	[tilespmem:v36+s26+$0x0] =	vst.idx.msk $0xffff, v63;
	v53 =	vld [tilespmem:s6+$0xFFFFFFE0]  }
0x10b: {  	v10 =	vadd.s32 v35, v46;
	v54 =	vadd.s32 v8, v13;
	v56 =	vld [tilespmem:s23+$0xFFFFFFF0];
	[tilespmem:v4+s26+$0x0] =	vst.idx.msk $0xffff, v47  }
0x10c: {  	v58 =	vld [tilespmem:s23+$0x30];
	v57 =	vor.u32 v7, v54;
	v4 =	vadd.s32 v3, v30;
	[tilespmem:v16+s26+$0x0] =	vst.idx.msk $0xffff, v17  }
0x10d: {  	v10 =	vor.u32 v25, v10;
	v59 =	vadd.s32 v31, v4;
	v55 =	vld [tilespmem:s6+$0x20];
	[tilespmem:v6+s26+$0x0] =	vst.idx.msk $0xffff, v50  }
0x10e: {  	v61 =	vadd.s32 v14, v4;
	v6 =	vor.u32 v27, v59;
	[tilespmem:v11+s26+$0x0] =	vst.idx.msk $0xffff, v52;
	v60 =	vld [tilespmem:s6+$0x70]  }
0x10f: {  	v62 =	vadd.s32 v24, v4;
	[tilespmem:v18+s26+$0x0] =	vst.idx.msk $0xffff, v53;
	v11 =	vor.u32 v12, v61;
	v15 =	vld [tilespmem:s6+$0xFFFFFFB0]  }
0x110: {  	v14 =	vor.u32 v33, v62;
	[tilespmem:v5+s26+$0x0] =	vst.idx.msk $0xffff, v56;
	v63 =	vld [tilespmem:s6+$0xFFFFFFF0]  }
0x111: {  	[tilespmem:v57+s26+$0x0] =	vst.idx.msk $0xffff, v58  }
0x112: {  	v4 =	vadd.s32 v35, v4;
	[tilespmem:v10+s26+$0x0] =	vst.idx.msk $0xffff, v55  }
0x113: {  	v4 =	vor.u32 v25, v4;
	v5 =	vld [tilespmem:s6+$0x30];
	[tilespmem:v6+s26+$0x0] =	vst.idx.msk $0xffff, v60  }
0x114: {  	[tilespmem:v11+s26+$0x0] =	vst.idx.msk $0xffff, v15  }
0x115: {  	[tilespmem:v14+s26+$0x0] =	vst.idx.msk $0xffff, v63  }
0x116: {  	s7 =	sshll.u32 s28, $0x10;
	s2 =	rddreg [dreg:$0x4]  }
0x117: {  	s22 =	sor.u32 s2, s7  }
0x118: {  	[tilespmem:v4+s26+$0x0] =	vst.idx.msk $0xffff, v5;
	s0 =	sadd.s32 s8, s22  }
0x119: {  	[hbm4b:s0+s3] =	stream.linear.scatter [tilespmem:s26], [sflag:$0x3], $0x80, $0x38;
	[tilespmem:$0x12100] =	vst v63  }
0x11a: {  	s25 =	smov.u32 s8;
	s23 =	simm.s32 $0x9988;
	s8 =	sadd.s32 $0x10, s0  }
0x11b: {  	[hbm4b:s8+s3] =	stream.linear.scatter [tilespmem:s23], [sflag:$0x3], $0x80, $0x38;
	[tilespmem:$0x12100] =	vst v63  }
0x11c: {  	s7 =	simm.s32 $0x9A10;
	s6 =	sadd.s32 $0x20, s0  }
0x11d: {  	[hbm4b:s6+s3] =	stream.linear.scatter [tilespmem:s7], [sflag:$0x3], $0x80, $0x38;
	[tilespmem:$0x12100] =	vst v63  }
0x11e: {  	s8 =	sadd.s32 $0x30, s0;
	s23 =	simm.s32 $0x9A98  }
0x11f: {  	[hbm4b:s8+s3] =	stream.linear.scatter [tilespmem:s23], [sflag:$0x3], $0x80, $0x38;
	[tilespmem:$0x12100] =	vst v63  }
0x120: {  	s6 =	sadd.s32 $0x40, s0;
	s7 =	simm.s32 $0x9B20  }
0x121: {  	[hbm4b:s6+s3] =	stream.linear.scatter [tilespmem:s7], [sflag:$0x3], $0x80, $0x38;
	[tilespmem:$0x12100] =	vst v63  }
0x122: {  	s8 =	sadd.s32 $0x50, s0;
	s23 =	simm.s32 $0x9BA8  }
0x123: {  	[hbm4b:s8+s3] =	stream.linear.scatter [tilespmem:s23], [sflag:$0x3], $0x80, $0x38;
	[tilespmem:$0x12100] =	vst v63  }
0x124: {  	s6 =	sadd.s32 $0x60, s0;
	s7 =	simm.s32 $0x9C30  }
0x125: {  	[hbm4b:s6+s3] =	stream.linear.scatter [tilespmem:s7], [sflag:$0x3], $0x80, $0x38;
	[tilespmem:$0x12100] =	vst v63  }
0x126: {  	s0 =	sadd.s32 $0x70, s0;
	s8 =	simm.s32 $0x9CB8  }
0x127: {  	[hbm4b:s0+s3] =	stream.linear.scatter [tilespmem:s8], [sflag:$0x3], $0x80, $0x38;
	[tilespmem:$0x12100] =	vst v63  }
0x128: {  	s23 =	simm.s32 $0x9D40;
	s0 =	sadd.s32 s22, s9  }
0x129: {  	[hbm4b:s0+s3] =	stream.linear.scatter [tilespmem:s23], [sflag:$0x3], $0x80, $0x38;
	[tilespmem:$0x12100] =	vst v63  }
0x12a: {  	s7 =	simm.s32 $0x9DC8;
	s6 =	sadd.s32 $0x10, s0  }
0x12b: {  	[hbm4b:s6+s3] =	stream.linear.scatter [tilespmem:s7], [sflag:$0x3], $0x80, $0x38;
	[tilespmem:$0x12100] =	vst v63  }
0x12c: {  	s8 =	smov.u32 s9;
	s9 =	sadd.s32 $0x20, s0;
	s23 =	simm.s32 $0x9E50  }
0x12d: {  	[hbm4b:s9+s3] =	stream.linear.scatter [tilespmem:s23], [sflag:$0x3], $0x80, $0x38;
	[tilespmem:$0x12100] =	vst v63  }
0x12e: {  	s6 =	sadd.s32 $0x30, s0;
	s7 =	simm.s32 $0x9ED8  }
0x12f: {  	[hbm4b:s6+s3] =	stream.linear.scatter [tilespmem:s7], [sflag:$0x3], $0x80, $0x38;
	[tilespmem:$0x12100] =	vst v63  }
0x130: {  	s9 =	sadd.s32 $0x40, s0;
	s23 =	simm.s32 $0x9F60  }
0x131: {  	[hbm4b:s9+s3] =	stream.linear.scatter [tilespmem:s23], [sflag:$0x3], $0x80, $0x38;
	[tilespmem:$0x12100] =	vst v63  }
0x132: {  	s6 =	sadd.s32 $0x50, s0;
	s7 =	simm.s32 $0x9FE8  }
0x133: {  	[hbm4b:s6+s3] =	stream.linear.scatter [tilespmem:s7], [sflag:$0x3], $0x80, $0x38;
	[tilespmem:$0x12100] =	vst v63  }
0x134: {  	s9 =	sadd.s32 $0x60, s0;
	s23 =	simm.s32 $0xA070  }
0x135: {  	[hbm4b:s9+s3] =	stream.linear.scatter [tilespmem:s23], [sflag:$0x3], $0x80, $0x38;
	[tilespmem:$0x12100] =	vst v63  }
0x136: {  	s0 =	sadd.s32 $0x70, s0;
	s6 =	simm.s32 $0xA0F8  }
0x137: {  	[hbm4b:s0+s3] =	stream.linear.scatter [tilespmem:s6], [sflag:$0x3], $0x80, $0x38;
	[tilespmem:$0x12100] =	vst v63  }
0x138: {  	s7 =	simm.s32 $0xA180;
	s0 =	sadd.s32 s22, s10  }
0x139: {  	[hbm4b:s0+s3] =	stream.linear.scatter [tilespmem:s7], [sflag:$0x3], $0x80, $0x38;
	[tilespmem:$0x12100] =	vst v63  }
0x13a: {  	s9 =	smov.u32 s10;
	s23 =	simm.s32 $0xA208;
	s10 =	sadd.s32 $0x10, s0  }
0x13b: {  	[hbm4b:s10+s3] =	stream.linear.scatter [tilespmem:s23], [sflag:$0x3], $0x80, $0x38;
	[tilespmem:$0x12100] =	vst v63  }
0x13c: {  	s6 =	sadd.s32 $0x20, s0;
	s7 =	simm.s32 $0xA290  }
0x13d: {  	[hbm4b:s6+s3] =	stream.linear.scatter [tilespmem:s7], [sflag:$0x3], $0x80, $0x38;
	[tilespmem:$0x12100] =	vst v63  }
0x13e: {  	s10 =	sadd.s32 $0x30, s0;
	s23 =	simm.s32 $0xA318  }
0x13f: {  	[hbm4b:s10+s3] =	stream.linear.scatter [tilespmem:s23], [sflag:$0x3], $0x80, $0x38;
	[tilespmem:$0x12100] =	vst v63  }
0x140: {  	s6 =	sadd.s32 $0x40, s0;
	s7 =	simm.s32 $0xA3A0  }
0x141: {  	[hbm4b:s6+s3] =	stream.linear.scatter [tilespmem:s7], [sflag:$0x3], $0x80, $0x38;
	[tilespmem:$0x12100] =	vst v63  }
0x142: {  	s10 =	sadd.s32 $0x50, s0;
	s23 =	simm.s32 $0xA428  }
0x143: {  	[hbm4b:s10+s3] =	stream.linear.scatter [tilespmem:s23], [sflag:$0x3], $0x80, $0x38;
	[tilespmem:$0x12100] =	vst v63  }
0x144: {  	s6 =	sadd.s32 $0x60, s0;
	s7 =	simm.s32 $0xA4B0  }
0x145: {  	[hbm4b:s6+s3] =	stream.linear.scatter [tilespmem:s7], [sflag:$0x3], $0x80, $0x38;
	[tilespmem:$0x12100] =	vst v63  }
0x146: {  	s0 =	sadd.s32 $0x70, s0;
	s10 =	simm.s32 $0xA538  }
0x147: {  	[hbm4b:s0+s3] =	stream.linear.scatter [tilespmem:s10], [sflag:$0x3], $0x80, $0x38;
	[tilespmem:$0x12100] =	vst v63  }
0x148: {  	s23 =	simm.s32 $0xA5C0;
	s0 =	sadd.s32 s22, s11  }
0x149: {  	[hbm4b:s0+s3] =	stream.linear.scatter [tilespmem:s23], [sflag:$0x3], $0x80, $0x38;
	[tilespmem:$0x12100] =	vst v63  }
0x14a: {  	s7 =	simm.s32 $0xA648;
	s6 =	sadd.s32 $0x10, s0  }
0x14b: {  	[hbm4b:s6+s3] =	stream.linear.scatter [tilespmem:s7], [sflag:$0x3], $0x80, $0x38;
	[tilespmem:$0x12100] =	vst v63  }
0x14c: {  	s10 =	smov.u32 s11;
	s11 =	sadd.s32 $0x20, s0;
	s23 =	simm.s32 $0xA6D0  }
0x14d: {  	[hbm4b:s11+s3] =	stream.linear.scatter [tilespmem:s23], [sflag:$0x3], $0x80, $0x38;
	[tilespmem:$0x12100] =	vst v63  }
0x14e: {  	s6 =	sadd.s32 $0x30, s0;
	s7 =	simm.s32 $0xA758  }
0x14f: {  	[hbm4b:s6+s3] =	stream.linear.scatter [tilespmem:s7], [sflag:$0x3], $0x80, $0x38;
	[tilespmem:$0x12100] =	vst v63  }
0x150: {  	s11 =	sadd.s32 $0x40, s0;
	s23 =	simm.s32 $0xA7E0  }
0x151: {  	[hbm4b:s11+s3] =	stream.linear.scatter [tilespmem:s23], [sflag:$0x3], $0x80, $0x38;
	[tilespmem:$0x12100] =	vst v63  }
0x152: {  	s6 =	sadd.s32 $0x50, s0;
	s7 =	simm.s32 $0xA868  }
0x153: {  	[hbm4b:s6+s3] =	stream.linear.scatter [tilespmem:s7], [sflag:$0x3], $0x80, $0x38;
	[tilespmem:$0x12100] =	vst v63  }
0x154: {  	s11 =	sadd.s32 $0x60, s0;
	s23 =	simm.s32 $0xA8F0  }
0x155: {  	[hbm4b:s11+s3] =	stream.linear.scatter [tilespmem:s23], [sflag:$0x3], $0x80, $0x38;
	[tilespmem:$0x12100] =	vst v63  }
0x156: {  	s0 =	sadd.s32 $0x70, s0;
	s6 =	simm.s32 $0xA978  }
0x157: {  	[hbm4b:s0+s3] =	stream.linear.scatter [tilespmem:s6], [sflag:$0x3], $0x80, $0x38;
	[tilespmem:$0x12100] =	vst v63  }
0x158: {  	s7 =	simm.s32 $0xAA00;
	s0 =	sadd.s32 s22, s12  }
0x159: {  	[hbm4b:s0+s3] =	stream.linear.scatter [tilespmem:s7], [sflag:$0x3], $0x80, $0x38;
	[tilespmem:$0x12100] =	vst v63  }
0x15a: {  	s11 =	smov.u32 s12;
	s23 =	simm.s32 $0xAA88;
	s12 =	sadd.s32 $0x10, s0  }
0x15b: {  	[hbm4b:s12+s3] =	stream.linear.scatter [tilespmem:s23], [sflag:$0x3], $0x80, $0x38;
	[tilespmem:$0x12100] =	vst v63  }
0x15c: {  	s6 =	sadd.s32 $0x20, s0;
	s7 =	simm.s32 $0xAB10  }
0x15d: {  	[hbm4b:s6+s3] =	stream.linear.scatter [tilespmem:s7], [sflag:$0x3], $0x80, $0x38;
	[tilespmem:$0x12100] =	vst v63  }
0x15e: {  	s12 =	sadd.s32 $0x30, s0;
	s23 =	simm.s32 $0xAB98  }
0x15f: {  	[hbm4b:s12+s3] =	stream.linear.scatter [tilespmem:s23], [sflag:$0x3], $0x80, $0x38;
	[tilespmem:$0x12100] =	vst v63  }
0x160: {  	s6 =	sadd.s32 $0x40, s0;
	s7 =	simm.s32 $0xAC20  }
0x161: {  	[hbm4b:s6+s3] =	stream.linear.scatter [tilespmem:s7], [sflag:$0x3], $0x80, $0x38;
	[tilespmem:$0x12100] =	vst v63  }
0x162: {  	s12 =	sadd.s32 $0x50, s0;
	s23 =	simm.s32 $0xACA8  }
0x163: {  	[hbm4b:s12+s3] =	stream.linear.scatter [tilespmem:s23], [sflag:$0x3], $0x80, $0x38;
	[tilespmem:$0x12100] =	vst v63  }
0x164: {  	s6 =	sadd.s32 $0x60, s0;
	s7 =	simm.s32 $0xAD30  }
0x165: {  	[hbm4b:s6+s3] =	stream.linear.scatter [tilespmem:s7], [sflag:$0x3], $0x80, $0x38;
	[tilespmem:$0x12100] =	vst v63  }
0x166: {  	s0 =	sadd.s32 $0x70, s0;
	s12 =	simm.s32 $0xADB8  }
0x167: {  	[hbm4b:s0+s3] =	stream.linear.scatter [tilespmem:s12], [sflag:$0x3], $0x80, $0x38;
	[tilespmem:$0x12100] =	vst v63  }
0x168: {  	s23 =	simm.s32 $0xAE40;
	s0 =	sadd.s32 s22, s13  }
0x169: {  	[hbm4b:s0+s3] =	stream.linear.scatter [tilespmem:s23], [sflag:$0x3], $0x80, $0x38;
	[tilespmem:$0x12100] =	vst v63  }
0x16a: {  	s7 =	simm.s32 $0xAEC8;
	s6 =	sadd.s32 $0x10, s0  }
0x16b: {  	[hbm4b:s6+s3] =	stream.linear.scatter [tilespmem:s7], [sflag:$0x3], $0x80, $0x38;
	[tilespmem:$0x12100] =	vst v63  }
0x16c: {  	s12 =	smov.u32 s13;
	s13 =	sadd.s32 $0x20, s0;
	s23 =	simm.s32 $0xAF50  }
0x16d: {  	[hbm4b:s13+s3] =	stream.linear.scatter [tilespmem:s23], [sflag:$0x3], $0x80, $0x38;
	[tilespmem:$0x12100] =	vst v63  }
0x16e: {  	s6 =	sadd.s32 $0x30, s0;
	s7 =	simm.s32 $0xAFD8  }
0x16f: {  	[hbm4b:s6+s3] =	stream.linear.scatter [tilespmem:s7], [sflag:$0x3], $0x80, $0x38;
	[tilespmem:$0x12100] =	vst v63  }
0x170: {  	s13 =	sadd.s32 $0x40, s0;
	s23 =	simm.s32 $0xB060  }
0x171: {  	[hbm4b:s13+s3] =	stream.linear.scatter [tilespmem:s23], [sflag:$0x3], $0x80, $0x38;
	[tilespmem:$0x12100] =	vst v63  }
0x172: {  	s6 =	sadd.s32 $0x50, s0;
	s7 =	simm.s32 $0xB0E8  }
0x173: {  	[hbm4b:s6+s3] =	stream.linear.scatter [tilespmem:s7], [sflag:$0x3], $0x80, $0x38;
	[tilespmem:$0x12100] =	vst v63  }
0x174: {  	s13 =	sadd.s32 $0x60, s0;
	s23 =	simm.s32 $0xB170  }
0x175: {  	[hbm4b:s13+s3] =	stream.linear.scatter [tilespmem:s23], [sflag:$0x3], $0x80, $0x38;
	[tilespmem:$0x12100] =	vst v63  }
0x176: {  	s0 =	sadd.s32 $0x70, s0;
	s6 =	simm.s32 $0xB1F8  }
0x177: {  	[hbm4b:s0+s3] =	stream.linear.scatter [tilespmem:s6], [sflag:$0x3], $0x80, $0x38;
	[tilespmem:$0x12100] =	vst v63  }
0x178: {  	s7 =	simm.s32 $0xB280;
	s0 =	sadd.s32 s22, s14  }
0x179: {  	[hbm4b:s0+s3] =	stream.linear.scatter [tilespmem:s7], [sflag:$0x3], $0x80, $0x38;
	[tilespmem:$0x12100] =	vst v63  }
0x17a: {  	s13 =	smov.u32 s14;
	s23 =	simm.s32 $0xB308;
	s14 =	sadd.s32 $0x10, s0  }
0x17b: {  	[hbm4b:s14+s3] =	stream.linear.scatter [tilespmem:s23], [sflag:$0x3], $0x80, $0x38;
	[tilespmem:$0x12100] =	vst v63  }
0x17c: {  	s6 =	sadd.s32 $0x20, s0;
	s7 =	simm.s32 $0xB390  }
0x17d: {  	[hbm4b:s6+s3] =	stream.linear.scatter [tilespmem:s7], [sflag:$0x3], $0x80, $0x38;
	[tilespmem:$0x12100] =	vst v63  }
0x17e: {  	s14 =	sadd.s32 $0x30, s0;
	s23 =	simm.s32 $0xB418  }
0x17f: {  	[hbm4b:s14+s3] =	stream.linear.scatter [tilespmem:s23], [sflag:$0x3], $0x80, $0x38;
	[tilespmem:$0x12100] =	vst v63  }
0x180: {  	s6 =	sadd.s32 $0x40, s0;
	s7 =	simm.s32 $0xB4A0  }
0x181: {  	[hbm4b:s6+s3] =	stream.linear.scatter [tilespmem:s7], [sflag:$0x3], $0x80, $0x38;
	[tilespmem:$0x12100] =	vst v63  }
0x182: {  	s14 =	sadd.s32 $0x50, s0;
	s23 =	simm.s32 $0xB528  }
0x183: {  	[hbm4b:s14+s3] =	stream.linear.scatter [tilespmem:s23], [sflag:$0x3], $0x80, $0x38;
	[tilespmem:$0x12100] =	vst v63  }
0x184: {  	s6 =	sadd.s32 $0x60, s0;
	s7 =	simm.s32 $0xB5B0  }
0x185: {  	[hbm4b:s6+s3] =	stream.linear.scatter [tilespmem:s7], [sflag:$0x3], $0x80, $0x38;
	[tilespmem:$0x12100] =	vst v63  }
0x186: {  	s0 =	sadd.s32 $0x70, s0;
	s14 =	simm.s32 $0xB638  }
0x187: {  	[hbm4b:s0+s3] =	stream.linear.scatter [tilespmem:s14], [sflag:$0x3], $0x80, $0x38;
	[tilespmem:$0x12100] =	vst v63  }
0x188: {  	s23 =	simm.s32 $0xB6C0;
	s0 =	sadd.s32 s22, s15  }
0x189: {  	[hbm4b:s0+s3] =	stream.linear.scatter [tilespmem:s23], [sflag:$0x3], $0x80, $0x38;
	[tilespmem:$0x12100] =	vst v63  }
0x18a: {  	s7 =	simm.s32 $0xB748;
	s6 =	sadd.s32 $0x10, s0  }
0x18b: {  	[hbm4b:s6+s3] =	stream.linear.scatter [tilespmem:s7], [sflag:$0x3], $0x80, $0x38;
	[tilespmem:$0x12100] =	vst v63  }
0x18c: {  	s14 =	smov.u32 s15;
	s15 =	sadd.s32 $0x20, s0;
	s23 =	simm.s32 $0xB7D0  }
0x18d: {  	[hbm4b:s15+s3] =	stream.linear.scatter [tilespmem:s23], [sflag:$0x3], $0x80, $0x38;
	[tilespmem:$0x12100] =	vst v63  }
0x18e: {  	s6 =	sadd.s32 $0x30, s0;
	s7 =	simm.s32 $0xB858  }
0x18f: {  	[hbm4b:s6+s3] =	stream.linear.scatter [tilespmem:s7], [sflag:$0x3], $0x80, $0x38;
	[tilespmem:$0x12100] =	vst v63  }
0x190: {  	s15 =	sadd.s32 $0x40, s0;
	s23 =	simm.s32 $0xB8E0  }
0x191: {  	[hbm4b:s15+s3] =	stream.linear.scatter [tilespmem:s23], [sflag:$0x3], $0x80, $0x38;
	[tilespmem:$0x12100] =	vst v63  }
0x192: {  	s6 =	sadd.s32 $0x50, s0;
	s7 =	simm.s32 $0xB968  }
0x193: {  	[hbm4b:s6+s3] =	stream.linear.scatter [tilespmem:s7], [sflag:$0x3], $0x80, $0x38;
	[tilespmem:$0x12100] =	vst v63  }
0x194: {  	s15 =	sadd.s32 $0x60, s0;
	s23 =	simm.s32 $0xB9F0  }
0x195: {  	[hbm4b:s15+s3] =	stream.linear.scatter [tilespmem:s23], [sflag:$0x3], $0x80, $0x38;
	[tilespmem:$0x12100] =	vst v63  }
0x196: {  	s0 =	sadd.s32 $0x70, s0;
	s6 =	simm.s32 $0xBA78  }
0x197: {  	[hbm4b:s0+s3] =	stream.linear.scatter [tilespmem:s6], [sflag:$0x3], $0x80, $0x38;
	[tilespmem:$0x12100] =	vst v63  }
0x198: {  	s7 =	simm.s32 $0xBB00;
	s0 =	sadd.s32 s22, s16  }
0x199: {  	[hbm4b:s0+s3] =	stream.linear.scatter [tilespmem:s7], [sflag:$0x3], $0x80, $0x38;
	[tilespmem:$0x12100] =	vst v63  }
0x19a: {  	s15 =	smov.u32 s16;
	s23 =	simm.s32 $0xBB88;
	s16 =	sadd.s32 $0x10, s0  }
0x19b: {  	[hbm4b:s16+s3] =	stream.linear.scatter [tilespmem:s23], [sflag:$0x3], $0x80, $0x38;
	[tilespmem:$0x12100] =	vst v63  }
0x19c: {  	s6 =	sadd.s32 $0x20, s0;
	s7 =	simm.s32 $0xBC10  }
0x19d: {  	[hbm4b:s6+s3] =	stream.linear.scatter [tilespmem:s7], [sflag:$0x3], $0x80, $0x38;
	[tilespmem:$0x12100] =	vst v63  }
0x19e: {  	s16 =	sadd.s32 $0x30, s0;
	s23 =	simm.s32 $0xBC98  }
0x19f: {  	[hbm4b:s16+s3] =	stream.linear.scatter [tilespmem:s23], [sflag:$0x3], $0x80, $0x38;
	[tilespmem:$0x12100] =	vst v63  }
0x1a0: {  	s6 =	sadd.s32 $0x40, s0;
	s7 =	simm.s32 $0xBD20  }
0x1a1: {  	[hbm4b:s6+s3] =	stream.linear.scatter [tilespmem:s7], [sflag:$0x3], $0x80, $0x38;
	[tilespmem:$0x12100] =	vst v63  }
0x1a2: {  	s16 =	sadd.s32 $0x50, s0;
	s23 =	simm.s32 $0xBDA8  }
0x1a3: {  	[hbm4b:s16+s3] =	stream.linear.scatter [tilespmem:s23], [sflag:$0x3], $0x80, $0x38;
	[tilespmem:$0x12100] =	vst v63  }
0x1a4: {  	s6 =	sadd.s32 $0x60, s0;
	s7 =	simm.s32 $0xBE30  }
0x1a5: {  	[hbm4b:s6+s3] =	stream.linear.scatter [tilespmem:s7], [sflag:$0x3], $0x80, $0x38;
	[tilespmem:$0x12100] =	vst v63  }
0x1a6: {  	s0 =	sadd.s32 $0x70, s0;
	s16 =	simm.s32 $0xBEB8  }
0x1a7: {  	[hbm4b:s0+s3] =	stream.linear.scatter [tilespmem:s16], [sflag:$0x3], $0x80, $0x38;
	[tilespmem:$0x12100] =	vst v63  }
0x1a8: {  	s23 =	simm.s32 $0xBF40;
	s0 =	sadd.s32 s22, s17  }
0x1a9: {  	[hbm4b:s0+s3] =	stream.linear.scatter [tilespmem:s23], [sflag:$0x3], $0x80, $0x38;
	[tilespmem:$0x12100] =	vst v63  }
0x1aa: {  	s7 =	simm.s32 $0xBFC8;
	s6 =	sadd.s32 $0x10, s0  }
0x1ab: {  	[hbm4b:s6+s3] =	stream.linear.scatter [tilespmem:s7], [sflag:$0x3], $0x80, $0x38;
	[tilespmem:$0x12100] =	vst v63  }
0x1ac: {  	s16 =	smov.u32 s17;
	s17 =	sadd.s32 $0x20, s0;
	s23 =	simm.s32 $0xC050  }
0x1ad: {  	[hbm4b:s17+s3] =	stream.linear.scatter [tilespmem:s23], [sflag:$0x3], $0x80, $0x38;
	[tilespmem:$0x12100] =	vst v63  }
0x1ae: {  	s6 =	sadd.s32 $0x30, s0;
	s7 =	simm.s32 $0xC0D8  }
0x1af: {  	[hbm4b:s6+s3] =	stream.linear.scatter [tilespmem:s7], [sflag:$0x3], $0x80, $0x38;
	[tilespmem:$0x12100] =	vst v63  }
0x1b0: {  	s17 =	sadd.s32 $0x40, s0;
	s23 =	simm.s32 $0xC160  }
0x1b1: {  	[hbm4b:s17+s3] =	stream.linear.scatter [tilespmem:s23], [sflag:$0x3], $0x80, $0x38;
	[tilespmem:$0x12100] =	vst v63  }
0x1b2: {  	s6 =	sadd.s32 $0x50, s0;
	s7 =	simm.s32 $0xC1E8  }
0x1b3: {  	[hbm4b:s6+s3] =	stream.linear.scatter [tilespmem:s7], [sflag:$0x3], $0x80, $0x38;
	[tilespmem:$0x12100] =	vst v63  }
0x1b4: {  	s17 =	sadd.s32 $0x60, s0;
	s23 =	simm.s32 $0xC270  }
0x1b5: {  	[hbm4b:s17+s3] =	stream.linear.scatter [tilespmem:s23], [sflag:$0x3], $0x80, $0x38;
	[tilespmem:$0x12100] =	vst v63  }
0x1b6: {  	s0 =	sadd.s32 $0x70, s0;
	s6 =	simm.s32 $0xC2F8  }
0x1b7: {  	[hbm4b:s0+s3] =	stream.linear.scatter [tilespmem:s6], [sflag:$0x3], $0x80, $0x38;
	[tilespmem:$0x12100] =	vst v63  }
0x1b8: {  	s7 =	simm.s32 $0xC380;
	s0 =	sadd.s32 s22, s18  }
0x1b9: {  	[hbm4b:s0+s3] =	stream.linear.scatter [tilespmem:s7], [sflag:$0x3], $0x80, $0x38;
	[tilespmem:$0x12100] =	vst v63  }
0x1ba: {  	s17 =	smov.u32 s18;
	s23 =	simm.s32 $0xC408;
	s18 =	sadd.s32 $0x10, s0  }
0x1bb: {  	[hbm4b:s18+s3] =	stream.linear.scatter [tilespmem:s23], [sflag:$0x3], $0x80, $0x38;
	[tilespmem:$0x12100] =	vst v63  }
0x1bc: {  	s6 =	sadd.s32 $0x20, s0;
	s7 =	simm.s32 $0xC490  }
0x1bd: {  	[hbm4b:s6+s3] =	stream.linear.scatter [tilespmem:s7], [sflag:$0x3], $0x80, $0x38;
	[tilespmem:$0x12100] =	vst v63  }
0x1be: {  	s18 =	sadd.s32 $0x30, s0;
	s23 =	simm.s32 $0xC518  }
0x1bf: {  	[hbm4b:s18+s3] =	stream.linear.scatter [tilespmem:s23], [sflag:$0x3], $0x80, $0x38;
	[tilespmem:$0x12100] =	vst v63  }
0x1c0: {  	s6 =	sadd.s32 $0x40, s0;
	s7 =	simm.s32 $0xC5A0  }
0x1c1: {  	[hbm4b:s6+s3] =	stream.linear.scatter [tilespmem:s7], [sflag:$0x3], $0x80, $0x38;
	[tilespmem:$0x12100] =	vst v63  }
0x1c2: {  	s18 =	sadd.s32 $0x50, s0;
	s23 =	simm.s32 $0xC628  }
0x1c3: {  	[hbm4b:s18+s3] =	stream.linear.scatter [tilespmem:s23], [sflag:$0x3], $0x80, $0x38;
	[tilespmem:$0x12100] =	vst v63  }
0x1c4: {  	s6 =	sadd.s32 $0x60, s0;
	s7 =	simm.s32 $0xC6B0  }
0x1c5: {  	[hbm4b:s6+s3] =	stream.linear.scatter [tilespmem:s7], [sflag:$0x3], $0x80, $0x38;
	[tilespmem:$0x12100] =	vst v63  }
0x1c6: {  	s0 =	sadd.s32 $0x70, s0;
	s18 =	simm.s32 $0xC738  }
0x1c7: {  	[hbm4b:s0+s3] =	stream.linear.scatter [tilespmem:s18], [sflag:$0x3], $0x80, $0x38;
	[tilespmem:$0x12100] =	vst v63  }
0x1c8: {  	s23 =	simm.s32 $0xC7C0;
	s0 =	sadd.s32 s22, s19  }
0x1c9: {  	[hbm4b:s0+s3] =	stream.linear.scatter [tilespmem:s23], [sflag:$0x3], $0x80, $0x38;
	[tilespmem:$0x12100] =	vst v63  }
0x1ca: {  	s7 =	simm.s32 $0xC848;
	s6 =	sadd.s32 $0x10, s0  }
0x1cb: {  	[hbm4b:s6+s3] =	stream.linear.scatter [tilespmem:s7], [sflag:$0x3], $0x80, $0x38;
	[tilespmem:$0x12100] =	vst v63  }
0x1cc: {  	s18 =	smov.u32 s19;
	s19 =	sadd.s32 $0x20, s0;
	s23 =	simm.s32 $0xC8D0  }
0x1cd: {  	[hbm4b:s19+s3] =	stream.linear.scatter [tilespmem:s23], [sflag:$0x3], $0x80, $0x38;
	[tilespmem:$0x12100] =	vst v63  }
0x1ce: {  	s6 =	sadd.s32 $0x30, s0;
	s7 =	simm.s32 $0xC958  }
0x1cf: {  	[hbm4b:s6+s3] =	stream.linear.scatter [tilespmem:s7], [sflag:$0x3], $0x80, $0x38;
	[tilespmem:$0x12100] =	vst v63  }
0x1d0: {  	s19 =	sadd.s32 $0x40, s0;
	s23 =	simm.s32 $0xC9E0  }
0x1d1: {  	[hbm4b:s19+s3] =	stream.linear.scatter [tilespmem:s23], [sflag:$0x3], $0x80, $0x38;
	[tilespmem:$0x12100] =	vst v63  }
0x1d2: {  	s6 =	sadd.s32 $0x50, s0;
	s7 =	simm.s32 $0xCA68  }
0x1d3: {  	[hbm4b:s6+s3] =	stream.linear.scatter [tilespmem:s7], [sflag:$0x3], $0x80, $0x38;
	[tilespmem:$0x12100] =	vst v63  }
0x1d4: {  	s19 =	sadd.s32 $0x60, s0;
	s23 =	simm.s32 $0xCAF0  }
0x1d5: {  	[hbm4b:s19+s3] =	stream.linear.scatter [tilespmem:s23], [sflag:$0x3], $0x80, $0x38;
	[tilespmem:$0x12100] =	vst v63  }
0x1d6: {  	s0 =	sadd.s32 $0x70, s0;
	s6 =	simm.s32 $0xCB78  }
0x1d7: {  	[hbm4b:s0+s3] =	stream.linear.scatter [tilespmem:s6], [sflag:$0x3], $0x80, $0x38;
	[tilespmem:$0x12100] =	vst v63  }
0x1d8: {  	s7 =	simm.s32 $0xCC00;
	s0 =	sadd.s32 s22, s20  }
0x1d9: {  	[hbm4b:s0+s3] =	stream.linear.scatter [tilespmem:s7], [sflag:$0x3], $0x80, $0x38;
	[tilespmem:$0x12100] =	vst v63  }
0x1da: {  	s19 =	smov.u32 s20;
	s23 =	simm.s32 $0xCC88;
	s20 =	sadd.s32 $0x10, s0  }
0x1db: {  	[hbm4b:s20+s3] =	stream.linear.scatter [tilespmem:s23], [sflag:$0x3], $0x80, $0x38;
	[tilespmem:$0x12100] =	vst v63  }
0x1dc: {  	s6 =	sadd.s32 $0x20, s0;
	s7 =	simm.s32 $0xCD10  }
0x1dd: {  	[hbm4b:s6+s3] =	stream.linear.scatter [tilespmem:s7], [sflag:$0x3], $0x80, $0x38;
	[tilespmem:$0x12100] =	vst v63  }
0x1de: {  	s20 =	sadd.s32 $0x30, s0;
	s23 =	simm.s32 $0xCD98  }
0x1df: {  	[hbm4b:s20+s3] =	stream.linear.scatter [tilespmem:s23], [sflag:$0x3], $0x80, $0x38;
	[tilespmem:$0x12100] =	vst v63  }
0x1e0: {  	s6 =	sadd.s32 $0x40, s0;
	s7 =	simm.s32 $0xCE20  }
0x1e1: {  	[hbm4b:s6+s3] =	stream.linear.scatter [tilespmem:s7], [sflag:$0x3], $0x80, $0x38;
	[tilespmem:$0x12100] =	vst v63  }
0x1e2: {  	s20 =	sadd.s32 $0x50, s0;
	s23 =	simm.s32 $0xCEA8  }
0x1e3: {  	[hbm4b:s20+s3] =	stream.linear.scatter [tilespmem:s23], [sflag:$0x3], $0x80, $0x38;
	[tilespmem:$0x12100] =	vst v63  }
0x1e4: {  	s6 =	sadd.s32 $0x60, s0;
	s7 =	simm.s32 $0xCF30  }
0x1e5: {  	[hbm4b:s6+s3] =	stream.linear.scatter [tilespmem:s7], [sflag:$0x3], $0x80, $0x38;
	[tilespmem:$0x12100] =	vst v63  }
0x1e6: {  	s0 =	sadd.s32 $0x70, s0;
	s20 =	simm.s32 $0xCFB8  }
0x1e7: {  	[hbm4b:s0+s3] =	stream.linear.scatter [tilespmem:s20], [sflag:$0x3], $0x80, $0x38;
	[tilespmem:$0x12100] =	vst v63  }
0x1e8: {  	s23 =	simm.s32 $0xD040;
	s0 =	sadd.s32 s22, s21  }
0x1e9: {  	[hbm4b:s0+s3] =	stream.linear.scatter [tilespmem:s23], [sflag:$0x3], $0x80, $0x38;
	[tilespmem:$0x12100] =	vst v63  }
0x1ea: {  	s7 =	simm.s32 $0xD0C8;
	s6 =	sadd.s32 $0x10, s0  }
0x1eb: {  	[hbm4b:s6+s3] =	stream.linear.scatter [tilespmem:s7], [sflag:$0x3], $0x80, $0x38;
	[tilespmem:$0x12100] =	vst v63  }
0x1ec: {  	s20 =	smov.u32 s21;
	s21 =	sadd.s32 $0x20, s0;
	s23 =	simm.s32 $0xD150  }
0x1ed: {  	[hbm4b:s21+s3] =	stream.linear.scatter [tilespmem:s23], [sflag:$0x3], $0x80, $0x38;
	[tilespmem:$0x12100] =	vst v63  }
0x1ee: {  	s6 =	sadd.s32 $0x30, s0;
	s7 =	simm.s32 $0xD1D8  }
0x1ef: {  	[hbm4b:s6+s3] =	stream.linear.scatter [tilespmem:s7], [sflag:$0x3], $0x80, $0x38;
	[tilespmem:$0x12100] =	vst v63  }
0x1f0: {  	s21 =	sadd.s32 $0x40, s0;
	s23 =	simm.s32 $0xD260  }
0x1f1: {  	[hbm4b:s21+s3] =	stream.linear.scatter [tilespmem:s23], [sflag:$0x3], $0x80, $0x38;
	[tilespmem:$0x12100] =	vst v63  }
0x1f2: {  	s6 =	sadd.s32 $0x50, s0;
	s7 =	simm.s32 $0xD2E8  }
0x1f3: {  	[hbm4b:s6+s3] =	stream.linear.scatter [tilespmem:s7], [sflag:$0x3], $0x80, $0x38;
	[tilespmem:$0x12100] =	vst v63  }
0x1f4: {  	s21 =	sadd.s32 $0x60, s0;
	s23 =	simm.s32 $0xD370  }
0x1f5: {  	[hbm4b:s21+s3] =	stream.linear.scatter [tilespmem:s23], [sflag:$0x3], $0x80, $0x38;
	[tilespmem:$0x12100] =	vst v63  }
0x1f6: {  	s0 =	sadd.s32 $0x70, s0;
	s6 =	simm.s32 $0xD3F8  }
0x1f7: {  	[hbm4b:s0+s3] =	stream.linear.scatter [tilespmem:s6], [sflag:$0x3], $0x80, $0x38;
	[tilespmem:$0x12100] =	vst v63  }
0x1f8: {  	s7 =	simm.s32 $0xD480;
	s0 =	sadd.s32 s22, s24  }
0x1f9: {  	[hbm4b:s0+s3] =	stream.linear.scatter [tilespmem:s7], [sflag:$0x3], $0x80, $0x38;
	[tilespmem:$0x12100] =	vst v63  }
0x1fa: {  	s21 =	smov.u32 s24;
	s24 =	simm.s32 $0xD508;
	s23 =	sadd.s32 $0x10, s0  }
0x1fb: {  	[hbm4b:s23+s3] =	stream.linear.scatter [tilespmem:s24], [sflag:$0x3], $0x80, $0x38;
	[tilespmem:$0x12100] =	vst v63  }
0x1fc: {  	s6 =	sadd.s32 $0x20, s0;
	s7 =	simm.s32 $0xD590  }
0x1fd: {  	[hbm4b:s6+s3] =	stream.linear.scatter [tilespmem:s7], [sflag:$0x3], $0x80, $0x38;
	[tilespmem:$0x12100] =	vst v63  }
0x1fe: {  	s23 =	sadd.s32 $0x30, s0;
	s24 =	simm.s32 $0xD618  }
0x1ff: {  	[hbm4b:s23+s3] =	stream.linear.scatter [tilespmem:s24], [sflag:$0x3], $0x80, $0x38;
	[tilespmem:$0x12100] =	vst v63  }
0x200: {  	s6 =	sadd.s32 $0x40, s0;
	s7 =	simm.s32 $0xD6A0  }
0x201: {  	[hbm4b:s6+s3] =	stream.linear.scatter [tilespmem:s7], [sflag:$0x3], $0x80, $0x38;
	[tilespmem:$0x12100] =	vst v63  }
0x202: {  	s23 =	sadd.s32 $0x50, s0;
	s24 =	simm.s32 $0xD728  }
0x203: {  	[hbm4b:s23+s3] =	stream.linear.scatter [tilespmem:s24], [sflag:$0x3], $0x80, $0x38;
	[tilespmem:$0x12100] =	vst v63  }
0x204: {  	s7 =	sadd.s32 $0x60, s0;
	s23 =	simm.s32 $0xD7B0  }
0x205: {  	[hbm4b:s7+s3] =	stream.linear.scatter [tilespmem:s23], [sflag:$0x3], $0x80, $0x38;
	[tilespmem:$0x12100] =	vst v63  }
0x206: {  	s0 =	sadd.s32 $0x70, s0;
	s24 =	simm.s32 $0xD838  }
0x207: {  	[hbm4b:s0+s3] =	stream.linear.scatter [tilespmem:s24], [sflag:$0x3], $0x80, $0x38;
	[tilespmem:$0x12100] =	vst v63  }
0x208: {  	s6 =	simm.s32 $0xD8C0;
	s0 =	sadd.s32 s22, s29  }
0x209: {  	[hbm4b:s0+s3] =	stream.linear.scatter [tilespmem:s6], [sflag:$0x3], $0x80, $0x38;
	[tilespmem:$0x12100] =	vst v63  }
0x20a: {  	s22 =	simm.s32 $0xD948;
	s7 =	sadd.s32 $0x10, s0  }
0x20b: {  	[hbm4b:s7+s3] =	stream.linear.scatter [tilespmem:s22], [sflag:$0x3], $0x80, $0x38;
	[tilespmem:$0x12100] =	vst v63  }
0x20c: {  	s24 =	simm.s32 $0xD9D0;
	s23 =	sadd.s32 $0x20, s0  }
0x20d: {  	[hbm4b:s23+s3] =	stream.linear.scatter [tilespmem:s24], [sflag:$0x3], $0x80, $0x38;
	[tilespmem:$0x12100] =	vst v63  }
0x20e: {  	s7 =	sadd.s32 $0x30, s0;
	s22 =	simm.s32 $0xDA58  }
0x20f: {  	[hbm4b:s7+s3] =	stream.linear.scatter [tilespmem:s22], [sflag:$0x3], $0x80, $0x38;
	[tilespmem:$0x12100] =	vst v63  }
0x210: {  	s23 =	sadd.s32 $0x40, s0;
	s24 =	simm.s32 $0xDAE0  }
0x211: {  	[hbm4b:s23+s3] =	stream.linear.scatter [tilespmem:s24], [sflag:$0x3], $0x80, $0x38;
	[tilespmem:$0x12100] =	vst v63  }
0x212: {  	p0 =	seq.s32 s5, $0x0;
	s6 =	sadd.s32 $0x50, s0;
	s7 =	simm.s32 $0xDB68  }
0x213: {  	[hbm4b:s6+s3] =	stream.linear.scatter [tilespmem:s7], [sflag:$0x3], $0x80, $0x38;
	[tilespmem:$0x12100] =	vst v63  }
.Ltmp6:
0x214: {  	_ = 	snop;
	(pc) =	sbr.rel @p0 .LBB2_9-.Ltmp6, $4  }
0x215: {  	s22 =	sadd.s32 $0x60, s0;
	s23 =	simm.s32 $0xDBF0  }
0x216: {  	[hbm4b:s22+s3] =	stream.linear.scatter [tilespmem:s23], [sflag:$0x3], $0x80, $0x38;
	[tilespmem:$0x12100] =	vst v63  }
0x217: {  	s0 =	sadd.s32 $0x70, s0;
	s24 =	simm.s32 $0xDC78  }
0x218: {  	[hbm4b:s0+s3] =	stream.linear.scatter [tilespmem:s24], [sflag:$0x3], $0x80, $0x38;
	[tilespmem:$0x12100] =	vst v63  }
.LBB2_6:
0x219: {  	s2 =	simm.s32 $0x2  }
0x21a: {  	_ =	swait.ge [sflag:s2], $0x2000  }
0x21b: {  	[sflag:s2] =	ssyncset.done $0x0  }
0x21c: {  	p0 =	seq.s32 s28, $0x18;
	[sflag:s2] =	ssyncadd.s32 $0xFFFFE000  }
0x21d: {  	s0 =	sshll.u32 @!p0 s28, $0x8;
	_ =	swait.ge [sflag:s2], $0x2000  }
0x21e: {  	s5 =	simm.s32 @!p0 $0x80;
	s0 =	sand.u32 @!p0 $0x3FFFFF00, s0;
	[sflag:s2] =	ssyncset.done $0x0  }
0x21f: {  	s6 =	simm.s32 @!p0 $0x1900;
	[sflag:s2] =	ssyncadd.s32 $0xFFFFE000;
	s2 =	sadd.s32 @!p0 $0x100, s0  }
0x220: {  	[tilespmem:s6], [sflag:$0x1] =	stream.indirect.gather @!p0 [hbm4b:s4+s5], $0x40, s2, s5, $0xb8;
	[tilespmem:$0x12100] =	vst v63  }
0x221: {  	p1 =	slt.u32 @!p0 s28, $0x2;
	s0 =	sadd.s32 @!p0 $0x180, s0;
	s2 =	simm.s32 @!p0 $0x3900  }
0x222: {  	[tilespmem:s2], [sflag:$0x1] =	stream.indirect.gather @!p0 [hbm4b:s4+s5], $0x40, s0, s5, $0xb8;
	[tilespmem:$0x12100] =	vst v63  }
0x223: {  	p0 =	por p0, !p1  }
0x224: {  	_ =	swait.ge @p0 [sflag:s30], $0x400  }
0x225: {  	[sflag:s30] =	ssyncset.done @p0 $0x0  }
0x226: {  	[sflag:s30] =	ssyncadd.s32 @p0 $0xFFFFFC00  }
0x227: {  	_ =	swait.ge @p0 [sflag:s30], $0x400  }
0x228: {  	[sflag:s30] =	ssyncset.done @p0 $0x0  }
0x229: {  	[sflag:s30] =	ssyncadd.s32 @p0 $0xFFFFFC00  }
0x22a: {  	_ =	swait.ge @p0 [sflag:s30], $0x400  }
0x22b: {  	[sflag:s30] =	ssyncset.done @p0 $0x0  }
0x22c: {  	[sflag:s30] =	ssyncadd.s32 @p0 $0xFFFFFC00  }
0x22d: {  	_ =	swait.ge @p0 [sflag:s30], $0x400  }
0x22e: {  	[sflag:s30] =	ssyncset.done @p0 $0x0  }
0x22f: {  	[sflag:s30] =	ssyncadd.s32 @p0 $0xFFFFFC00  }
0x230: {  	_ =	swait.ge @p0 [sflag:s30], $0x400  }
0x231: {  	[sflag:s30] =	ssyncset.done @p0 $0x0  }
0x232: {  	[sflag:s30] =	ssyncadd.s32 @p0 $0xFFFFFC00  }
0x233: {  	_ =	swait.ge @p0 [sflag:s30], $0x400  }
0x234: {  	[sflag:s30] =	ssyncset.done @p0 $0x0  }
0x235: {  	[sflag:s30] =	ssyncadd.s32 @p0 $0xFFFFFC00  }
0x236: {  	_ =	swait.ge @p0 [sflag:s30], $0x400  }
0x237: {  	[sflag:s30] =	ssyncset.done @p0 $0x0  }
0x238: {  	[sflag:s30] =	ssyncadd.s32 @p0 $0xFFFFFC00  }
0x239: {  	_ =	swait.ge @p0 [sflag:s30], $0x400  }
0x23a: {  	[sflag:s30] =	ssyncset.done @p0 $0x0  }
0x23b: {  	[sflag:s30] =	ssyncadd.s32 @p0 $0xFFFFFC00  }
0x23c: {  	_ =	swait.ge @p0 [sflag:s30], $0x400  }
0x23d: {  	[sflag:s30] =	ssyncset.done @p0 $0x0  }
0x23e: {  	[sflag:s30] =	ssyncadd.s32 @p0 $0xFFFFFC00  }
0x23f: {  	_ =	swait.ge @p0 [sflag:s30], $0x400  }
0x240: {  	[sflag:s30] =	ssyncset.done @p0 $0x0  }
0x241: {  	[sflag:s30] =	ssyncadd.s32 @p0 $0xFFFFFC00  }
0x242: {  	_ =	swait.ge @p0 [sflag:s30], $0x400  }
0x243: {  	[sflag:s30] =	ssyncset.done @p0 $0x0  }
0x244: {  	[sflag:s30] =	ssyncadd.s32 @p0 $0xFFFFFC00  }
0x245: {  	_ =	swait.ge @p0 [sflag:s30], $0x400  }
0x246: {  	[sflag:s30] =	ssyncset.done @p0 $0x0  }
0x247: {  	[sflag:s30] =	ssyncadd.s32 @p0 $0xFFFFFC00  }
0x248: {  	_ =	swait.ge @p0 [sflag:s30], $0x400  }
0x249: {  	[sflag:s30] =	ssyncset.done @p0 $0x0  }
0x24a: {  	[sflag:s30] =	ssyncadd.s32 @p0 $0xFFFFFC00  }
0x24b: {  	s23 =	simm.s32 $0x0;
	_ =	swait.ge @p0 [sflag:s30], $0x400  }
0x24c: {  	s24 =	sand.u32 $0x40, s23;
	[sflag:s30] =	ssyncset.done @p0 $0x0  }
0x24d: {  	v4 =	vmov s24;
	[sflag:s30] =	ssyncadd.s32 @p0 $0xFFFFFC00  }
0x24e: {  	v4 =	vmul.u32 $0x88, v4;
	_ =	swait.ge @p0 [sflag:s30], $0x400  }
0x24f: {  	[sflag:s30] =	ssyncset.done @p0 $0x0  }
0x250: {  	v10 =	vbroadcast v4, $0x0;
	s5 =	simm.s32 $0x3;
	[sflag:s30] =	ssyncadd.s32 @p0 $0xFFFFFC00  }
0x251: {  	v4 =	vmov s5;
	_ =	swait.ge @p0 [sflag:s30], $0x400  }
0x252: {  	v6 =	vmov s23;
	v5 =	vadd.s32 v0, v10;
	v12 =	vand.u32 $0x78, v4;
	[sflag:s30] =	ssyncset.done @p0 $0x0  }
0x253: {  	s22 =	simm.s32 $0x5980;
	v15 =	vand.u32 $0x4, v6;
	s6 =	simm.s32 $0x1;
	v14 =	vand.u32 $0x7, v4;
	v4 =	vadd.s32 v12, v5;
	[sflag:s30] =	ssyncadd.s32 @p0 $0xFFFFFC00  }
0x254: {  	v16 =	vand.u32 $0x78, v6;
	v6 =	vmov s6;
	v4 =	vor.u32 v14, v4;
	v7 =	vld [tilespmem:s22+$0x40]  }
0x255: {  	v18 =	vand.u32 $0x78, v6  }
0x256: {  	v17 =	vand.u32 $0x5, v6;
	v9 =	vadd.s32 v18, v5  }
0x257: {  	s7 =	simm.s32 $0x2;
	v6 =	vadd.s32 v16, v5;
	v9 =	vor.u32 v17, v9;
	v20 =	vld [tilespmem:s22+$0xFFFFFFC0]  }
0x258: {  	v8 =	vmov s7;
	v13 =	vadd.s32 v1, v10;
	v6 =	vor.u32 v15, v6;
	v11 =	vld [tilespmem:s22+$0xFFFFFF80]  }
0x259: {  	v19 =	vand.u32 $0x78, v8;
	[tilespmem:v4+s31+$0x0] =	vst.idx.msk $0xffff, v7;
	v4 =	vadd.s32 v12, v13  }
0x25a: {  	v24 =	vand.u32 $0x6, v8;
	v5 =	vadd.s32 v19, v5;
	v7 =	vld [tilespmem:s22+$0x50];
	v8 =	vor.u32 v14, v4  }
0x25b: {  	v22 =	vadd.s32 v18, v13;
	s5 =	simm.s32 $0x6;
	v5 =	vor.u32 v24, v5;
	v21 =	vld [tilespmem:s22+$0x0];
	v4 =	vadd.s32 v16, v13  }
0x25c: {  	s23 =	simm.s32 $0x4;
	v26 =	vmov s5;
	[tilespmem:v9+s31+$0x0] =	vst.idx.msk $0xffff, v20;
	v23 =	vor.u32 v15, v4;
	v4 =	vadd.s32 v19, v13  }
0x25d: {  	[tilespmem:v6+s31+$0x0] =	vst.idx.msk $0xffff, v11;
	v11 =	vor.u32 v17, v22;
	v25 =	vld [tilespmem:s22+$0xFFFFFFD0];
	v13 =	vmov s23;
	v22 =	vor.u32 v24, v4  }
0x25e: {  	s24 =	simm.s32 $0x5;
	v9 =	vld [tilespmem:s22+$0xFFFFFF90];
	v4 =	vand.u32 $0x4, v13;
	v6 =	vand.u32 $0x78, v13;
	v13 =	vadd.s32 v2, v10  }
0x25f: {  	s2 =	sand.u32 $0x40, s7;
	v20 =	vmov s24;
	v27 =	vadd.s32 v16, v13;
	[tilespmem:v8+s31+$0x0] =	vst.idx.msk $0xffff, v7;
	v7 =	vadd.s32 v12, v13  }
0x260: {  	[tilespmem:v5+s31+$0x0] =	vst.idx.msk $0xffff, v21;
	v5 =	vmov s2;
	v27 =	vor.u32 v15, v27;
	v21 =	vld [tilespmem:s22+$0x60];
	v28 =	vor.u32 v14, v7  }
0x261: {  	v29 =	vld [tilespmem:s22+$0x10];
	v8 =	vadd.s32 v18, v13;
	v13 =	vadd.s32 v19, v13;
	v7 =	vmul.u32 $0x88, v5  }
0x262: {  	[tilespmem:v11+s31+$0x0] =	vst.idx.msk $0xffff, v25;
	v25 =	vadd.s32 v3, v10;
	v5 =	vand.u32 $0x5, v20;
	v30 =	vor.u32 v17, v8  }
0x263: {  	s6 =	simm.s32 $0x7;
	v31 =	vor.u32 v24, v13;
	[tilespmem:v23+s31+$0x0] =	vst.idx.msk $0xffff, v9;
	v9 =	vand.u32 $0x78, v20;
	v13 =	vbroadcast v7, $0x0  }
0x264: {  	v8 =	vand.u32 $0x78, v26;
	v23 =	vmov s6;
	v12 =	vadd.s32 v12, v25;
	v20 =	vld [tilespmem:s22+$0xFFFFFFA0]  }
0x265: {  	v11 =	vand.u32 $0x78, v23;
	v7 =	vand.u32 $0x6, v26;
	v26 =	vld [tilespmem:s22+$0xFFFFFFE0];
	v32 =	vadd.s32 v0, v13;
	[tilespmem:v28+s31+$0x0] =	vst.idx.msk $0xffff, v21  }
0x266: {  	s5 =	simm.s32 $0x5A80;
	[tilespmem:v22+s31+$0x0] =	vst.idx.msk $0xffff, v29;
	v10 =	vand.u32 $0x7, v23;
	v12 =	vor.u32 v14, v12;
	v21 =	vadd.s32 v11, v32;
	v22 =	vld [tilespmem:s22+$0x70]  }
0x267: {  	v23 =	vadd.s32 v9, v32;
	v28 =	vld [tilespmem:s5+$0x40];
	v21 =	vor.u32 v10, v21  }
0x268: {  	v29 =	vld [tilespmem:s5+$0xFFFFFFC0];
	v14 =	vadd.s32 v6, v32;
	v32 =	vadd.s32 v8, v32;
	v23 =	vor.u32 v5, v23  }
0x269: {  	v33 =	vld [tilespmem:s5+$0x0];
	v16 =	vadd.s32 v16, v25;
	v32 =	vor.u32 v7, v32;
	[tilespmem:v27+s31+$0x0] =	vst.idx.msk $0xffff, v20  }
0x26a: {  	v18 =	vadd.s32 v18, v25;
	v14 =	vor.u32 v4, v14;
	v20 =	vld [tilespmem:s5+$0xFFFFFF80];
	[tilespmem:v30+s31+$0x0] =	vst.idx.msk $0xffff, v26  }
0x26b: {  	v25 =	vadd.s32 v19, v25;
	v19 =	vadd.s32 v1, v13;
	v26 =	vld [tilespmem:s22+$0x20];
	[tilespmem:v12+s31+$0x0] =	vst.idx.msk $0xffff, v22  }
0x26c: {  	v30 =	vor.u32 v15, v16;
	v34 =	vld [tilespmem:s22+$0xFFFFFFB0];
	v15 =	vadd.s32 v11, v19;
	[tilespmem:v21+s31+$0x0] =	vst.idx.msk $0xffff, v28  }
0x26d: {  	s23 =	simm.s32 $0x8;
	v18 =	vor.u32 v17, v18;
	v35 =	vor.u32 v10, v15;
	[tilespmem:v23+s31+$0x0] =	vst.idx.msk $0xffff, v29;
	v29 =	vld [tilespmem:s5+$0x50]  }
0x26e: {  	v27 =	vmov s23;
	v16 =	vadd.s32 v9, v19;
	v15 =	vld [tilespmem:s22+$0xFFFFFFF0];
	v12 =	vadd.s32 v6, v19;
	[tilespmem:v32+s31+$0x0] =	vst.idx.msk $0xffff, v33  }
0x26f: {  	s7 =	simm.s32 $0x9;
	[tilespmem:v14+s31+$0x0] =	vst.idx.msk $0xffff, v20;
	v23 =	vor.u32 v5, v16;
	v16 =	vor.u32 v24, v25;
	v14 =	vand.u32 $0x78, v27;
	v22 =	vld [tilespmem:s5+$0xFFFFFFD0]  }
0x270: {  	v24 =	vmov s7;
	v21 =	vor.u32 v4, v12;
	v12 =	vadd.s32 v8, v19;
	[tilespmem:v31+s31+$0x0] =	vst.idx.msk $0xffff, v26;
	v26 =	vld [tilespmem:s5+$0xFFFFFF90]  }
0x271: {  	s0 =	simm.s32 $0x4;
	s24 =	simm.s32 $0xA;
	v19 =	vld [tilespmem:s5+$0x10];
	[tilespmem:v30+s31+$0x0] =	vst.idx.msk $0xffff, v34;
	v20 =	vor.u32 v7, v12;
	v12 =	vand.u32 $0x4, v27;
	v27 =	vadd.s32 v2, v13  }
0x272: {  	s2 =	simm.s32 $0xC;
	s6 =	sand.u32 $0x40, s0;
	v25 =	vmov s24;
	v17 =	vld [tilespmem:s22+$0x30];
	s22 =	simm.s32 $0x5A80;
	v28 =	vadd.s32 v6, v27;
	[tilespmem:v35+s31+$0x0] =	vst.idx.msk $0xffff, v29;
	v29 =	vadd.s32 v11, v27  }
.LBB2_7:
0x273: {  	p0 =	slt.u32 s2, $0xFC;
	v30 =	vmov s6;
	v31 =	vadd.s32 v9, v27;
	v32 =	vld [tilespmem:s5+$0x60];
	v29 =	vor.u32 v10, v29  }
0x274: {  	v28 =	vor.u32 v4, v28;
	v30 =	vmul.u32 $0x88, v30;
	[tilespmem:v23+s31+$0x0] =	vst.idx.msk $0xffff, v22;
	v22 =	vadd.s32 v8, v27  }
0x275: {  	v33 =	vand.u32 $0x5, v24;
	v23 =	vor.u32 v5, v31;
	[tilespmem:v21+s31+$0x0] =	vst.idx.msk $0xffff, v26;
	v21 =	vld [tilespmem:s5+$0xFFFFFFE0];
	v27 =	vor.u32 v7, v22  }
0x276: {  	v24 =	vand.u32 $0x78, v24;
	s6 =	sadd.s32 $0x3, s23;
	s23 =	smov.u32 s2;
	v22 =	vbroadcast v30, $0x0;
	v30 =	vand.u32 $0x6, v25;
	v26 =	vld [tilespmem:s5+$0xFFFFFFA0];
	[tilespmem:v20+s31+$0x0] =	vst.idx.msk $0xffff, v19  }
0x277: {  	v19 =	vand.u32 $0x78, v25;
	v20 =	vmov s6;
	v25 =	vadd.s32 v3, v13;
	v31 =	vld [tilespmem:s5+$0x20];
	[tilespmem:v18+s31+$0x0] =	vst.idx.msk $0xffff, v15  }
0x278: {  	v34 =	vadd.s32 v11, v25;
	v11 =	vand.u32 $0x78, v20;
	v15 =	vadd.s32 v0, v22;
	[tilespmem:v29+s31+$0x0] =	vst.idx.msk $0xffff, v32  }
0x279: {  	s5 =	sadd.s32 $0x100, s5;
	v32 =	vor.u32 v10, v34;
	v10 =	vand.u32 $0x7, v20;
	v18 =	vadd.s32 v11, v15;
	v29 =	vld [tilespmem:s22+$0x70];
	[tilespmem:v16+s31+$0x0] =	vst.idx.msk $0xffff, v17  }
0x27a: {  	v13 =	vmovc v22;
	v16 =	vadd.s32 v14, v15;
	v17 =	vadd.s32 v24, v15;
	v20 =	vld [tilespmem:s5+$0x40];
	v18 =	vor.u32 v10, v18  }
0x27b: {  	v15 =	vadd.s32 v19, v15;
	v16 =	vor.u32 v12, v16;
	v17 =	vor.u32 v33, v17;
	v22 =	vld [tilespmem:s5+$0xFFFFFFC0]  }
0x27c: {  	v35 =	vor.u32 v30, v15;
	v15 =	vadd.s32 v6, v25;
	v6 =	vmov v14;
	v34 =	vld [tilespmem:s5+$0x0];
	[tilespmem:v28+s31+$0x0] =	vst.idx.msk $0xffff, v26  }
0x27d: {  	v28 =	vadd.s32 v9, v25;
	v25 =	vadd.s32 v8, v25;
	v9 =	vmov v24;
	v14 =	vld [tilespmem:s5+$0xFFFFFF80];
	[tilespmem:v23+s31+$0x0] =	vst.idx.msk $0xffff, v21  }
0x27e: {  	v37 =	vor.u32 v4, v15;
	v8 =	vmov v19;
	v23 =	vadd.s32 v1, v13;
	v36 =	vld [tilespmem:s22+$0xFFFFFFB0];
	[tilespmem:v32+s31+$0x0] =	vst.idx.msk $0xffff, v29  }
0x27f: {  	v4 =	vmov v12;
	v19 =	vadd.s32 v6, v23;
	[tilespmem:v18+s31+$0x0] =	vst.idx.msk $0xffff, v20;
	v18 =	vadd.s32 v11, v23;
	v15 =	vld [tilespmem:s22+$0xFFFFFFF0]  }
0x280: {  	v12 =	vadd.s32 v9, v23;
	[tilespmem:v17+s31+$0x0] =	vst.idx.msk $0xffff, v22;
	v29 =	vld [tilespmem:s5+$0x50];
	v32 =	vor.u32 v10, v18  }
.Ltmp7:
0x281: {  	v21 =	vor.u32 v4, v19;
	v17 =	vadd.s32 v8, v23;
	v22 =	vld [tilespmem:s5+$0xFFFFFFD0];
	[tilespmem:v35+s31+$0x0] =	vst.idx.msk $0xffff, v34;
	(pc) =	sbr.rel @p0 .LBB2_7-.Ltmp7, $4  }
0x282: {  	v24 =	vmov s2;
	v23 =	vor.u32 v33, v12;
	v20 =	vor.u32 v30, v17;
	[tilespmem:v16+s31+$0x0] =	vst.idx.msk $0xffff, v14;
	v19 =	vld [tilespmem:s5+$0x10]  }
0x283: {  	s6 =	sadd.s32 $0x1, s2;
	v12 =	vand.u32 $0x4, v24;
	v18 =	vor.u32 v5, v28;
	v16 =	vor.u32 v7, v25;
	v26 =	vld [tilespmem:s5+$0xFFFFFF90];
	[tilespmem:v27+s31+$0x0] =	vst.idx.msk $0xffff, v31  }
0x284: {  	s7 =	sadd.s32 $0x2, s2;
	s0 =	sadd.s32 $0x2, s0;
	v5 =	vmovc v33;
	v14 =	vand.u32 $0x78, v24;
	v24 =	vmov s6;
	v7 =	vmovc v30;
	v27 =	vadd.s32 v2, v13;
	[tilespmem:v37+s31+$0x0] =	vst.idx.msk $0xffff, v36;
	v17 =	vld [tilespmem:s22+$0x30];
	s22 =	smov.u32 s5  }
0x285: {  	s2 =	sadd.s32 $0x4, s2;
	s6 =	sand.u32 $0x40, s0;
	v25 =	vmov s7;
	v28 =	vadd.s32 v6, v27;
	[tilespmem:v32+s31+$0x0] =	vst.idx.msk $0xffff, v29;
	v29 =	vadd.s32 v11, v27  }
0x286: {  	v30 =	vmov s6  }
0x287: {  	v30 =	vmul.u32 $0x88, v30  }
0x288: {  	v31 =	vadd.s32 v9, v27  }
0x289: {  	v29 =	vor.u32 v10, v29;
	v28 =	vor.u32 v4, v28;
	s0 =	sadd.s32 $0x3, s23;
	v30 =	vbroadcast v30, $0x0  }
0x28a: {  	v48 =	vadd.s32 v8, v27;
	v33 =	vand.u32 $0x5, v24;
	v34 =	vmov s0  }
0x28b: {  	v32 =	vld [tilespmem:s5+$0x60];
	[tilespmem:v23+s31+$0x0] =	vst.idx.msk $0xffff, v22;
	v49 =	vor.u32 v5, v31;
	v31 =	vand.u32 $0x78, v34;
	v50 =	vadd.s32 v0, v30  }
0x28c: {  	s2 =	sadd.s32 $0x100, s5;
	[tilespmem:v18+s31+$0x0] =	vst.idx.msk $0xffff, v15;
	v13 =	vadd.s32 v3, v13;
	v61 =	vld [tilespmem:s5+$0xFFFFFFE0];
	v27 =	vand.u32 $0x7, v34;
	v52 =	vadd.s32 v31, v50  }
0x28d: {  	v24 =	vand.u32 $0x78, v24;
	[tilespmem:v20+s31+$0x0] =	vst.idx.msk $0xffff, v19;
	v54 =	vld [tilespmem:s2+$0x40];
	v53 =	vadd.s32 v14, v50;
	v34 =	vor.u32 v27, v52  }
0x28e: {  	v57 =	vld [tilespmem:s2+$0xFFFFFF80];
	[tilespmem:v21+s31+$0x0] =	vst.idx.msk $0xffff, v26;
	v55 =	vadd.s32 v24, v50;
	v56 =	vor.u32 v12, v53  }
0x28f: {  	v58 =	vld [tilespmem:s2+$0xFFFFFFC0];
	v11 =	vadd.s32 v11, v13;
	[tilespmem:v16+s31+$0x0] =	vst.idx.msk $0xffff, v17;
	v15 =	vor.u32 v33, v55  }
0x290: {  	v35 =	vand.u32 $0x78, v25;
	v22 =	vor.u32 v7, v48;
	v36 =	vor.u32 v10, v11;
	v44 =	vld [tilespmem:s5+$0x20];
	[tilespmem:v29+s31+$0x0] =	vst.idx.msk $0xffff, v32  }
0x291: {  	v25 =	vand.u32 $0x6, v25;
	v51 =	vld [tilespmem:s5+$0xFFFFFFA0];
	v62 =	vadd.s32 v1, v30;
	v26 =	vadd.s32 v35, v50;
	[tilespmem:v49+s31+$0x0] =	vst.idx.msk $0xffff, v61  }
0x292: {  	v59 =	vld [tilespmem:s2+$0x0];
	v37 =	vadd.s32 v31, v62;
	v60 =	vor.u32 v25, v26;
	[tilespmem:v34+s31+$0x0] =	vst.idx.msk $0xffff, v54  }
0x293: {  	v38 =	vadd.s32 v14, v62;
	v11 =	vor.u32 v27, v37;
	[tilespmem:v56+s31+$0x0] =	vst.idx.msk $0xffff, v57;
	v39 =	vld [tilespmem:s2+$0x50]  }
0x294: {  	v40 =	vadd.s32 v24, v62;
	v41 =	vor.u32 v12, v38;
	[tilespmem:v15+s31+$0x0] =	vst.idx.msk $0xffff, v58;
	v19 =	vld [tilespmem:s2+$0xFFFFFF90]  }
0x295: {  	v6 =	vadd.s32 v6, v13;
	[tilespmem:v22+s31+$0x0] =	vst.idx.msk $0xffff, v44;
	v15 =	vor.u32 v33, v40;
	v42 =	vld [tilespmem:s2+$0xFFFFFFD0]  }
0x296: {  	v45 =	vadd.s32 v9, v13;
	v4 =	vor.u32 v4, v6;
	v63 =	vld [tilespmem:s22+$0x70];
	[tilespmem:v28+s31+$0x0] =	vst.idx.msk $0xffff, v51  }
0x297: {  	v46 =	vadd.s32 v2, v30;
	v43 =	vadd.s32 v35, v62;
	v47 =	vld [tilespmem:s22+$0xFFFFFFB0];
	[tilespmem:v60+s31+$0x0] =	vst.idx.msk $0xffff, v59  }
0x298: {  	v48 =	vadd.s32 v31, v46;
	v16 =	vor.u32 v25, v43;
	v17 =	vld [tilespmem:s2+$0x10];
	[tilespmem:v11+s31+$0x0] =	vst.idx.msk $0xffff, v39  }
0x299: {  	v49 =	vadd.s32 v14, v46;
	v6 =	vor.u32 v27, v48;
	[tilespmem:v41+s31+$0x0] =	vst.idx.msk $0xffff, v19;
	v50 =	vld [tilespmem:s2+$0x60]  }
0x29a: {  	v51 =	vadd.s32 v24, v46;
	v11 =	vor.u32 v12, v49;
	[tilespmem:v15+s31+$0x0] =	vst.idx.msk $0xffff, v42;
	v52 =	vld [tilespmem:s2+$0xFFFFFFA0]  }
0x29b: {  	v5 =	vor.u32 v5, v45;
	v18 =	vor.u32 v33, v51;
	[tilespmem:v36+s31+$0x0] =	vst.idx.msk $0xffff, v63;
	v53 =	vld [tilespmem:s2+$0xFFFFFFE0]  }
0x29c: {  	v10 =	vadd.s32 v35, v46;
	v54 =	vadd.s32 v8, v13;
	v56 =	vld [tilespmem:s22+$0xFFFFFFF0];
	[tilespmem:v4+s31+$0x0] =	vst.idx.msk $0xffff, v47  }
0x29d: {  	v58 =	vld [tilespmem:s22+$0x30];
	v57 =	vor.u32 v7, v54;
	v4 =	vadd.s32 v3, v30;
	[tilespmem:v16+s31+$0x0] =	vst.idx.msk $0xffff, v17  }
0x29e: {  	v10 =	vor.u32 v25, v10;
	v59 =	vadd.s32 v31, v4;
	v55 =	vld [tilespmem:s2+$0x20];
	[tilespmem:v6+s31+$0x0] =	vst.idx.msk $0xffff, v50  }
0x29f: {  	v61 =	vadd.s32 v14, v4;
	v6 =	vor.u32 v27, v59;
	[tilespmem:v11+s31+$0x0] =	vst.idx.msk $0xffff, v52;
	v60 =	vld [tilespmem:s2+$0x70]  }
0x2a0: {  	v62 =	vadd.s32 v24, v4;
	[tilespmem:v18+s31+$0x0] =	vst.idx.msk $0xffff, v53;
	v11 =	vor.u32 v12, v61;
	v15 =	vld [tilespmem:s2+$0xFFFFFFB0]  }
0x2a1: {  	v14 =	vor.u32 v33, v62;
	[tilespmem:v5+s31+$0x0] =	vst.idx.msk $0xffff, v56;
	v63 =	vld [tilespmem:s2+$0xFFFFFFF0]  }
0x2a2: {  	[tilespmem:v57+s31+$0x0] =	vst.idx.msk $0xffff, v58  }
0x2a3: {  	v4 =	vadd.s32 v35, v4;
	[tilespmem:v10+s31+$0x0] =	vst.idx.msk $0xffff, v55  }
0x2a4: {  	v4 =	vor.u32 v25, v4;
	v5 =	vld [tilespmem:s2+$0x30];
	[tilespmem:v6+s31+$0x0] =	vst.idx.msk $0xffff, v60  }
0x2a5: {  	[tilespmem:v11+s31+$0x0] =	vst.idx.msk $0xffff, v15  }
0x2a6: {  	[tilespmem:v14+s31+$0x0] =	vst.idx.msk $0xffff, v63  }
0x2a7: {  	s6 =	sshll.u32 s28, $0x10;
	s2 =	rddreg [dreg:$0x4]  }
0x2a8: {  	s5 =	sor.u32 s2, s6  }
0x2a9: {  	[tilespmem:v4+s31+$0x0] =	vst.idx.msk $0xffff, v5;
	s0 =	sadd.s32 s25, s5  }
0x2aa: {  	[hbm4b:s0+s3] =	stream.linear.scatter [tilespmem:s31], [sflag:$0x4], $0x80, $0x38;
	[tilespmem:$0x12100] =	vst v63  }
0x2ab: {  	s22 =	simm.s32 $0xDD88;
	s7 =	sadd.s32 $0x10, s0  }
0x2ac: {  	[hbm4b:s7+s3] =	stream.linear.scatter [tilespmem:s22], [sflag:$0x4], $0x80, $0x38;
	[tilespmem:$0x12100] =	vst v63  }
0x2ad: {  	s24 =	simm.s32 $0xDE10;
	s23 =	sadd.s32 $0x20, s0  }
0x2ae: {  	[hbm4b:s23+s3] =	stream.linear.scatter [tilespmem:s24], [sflag:$0x4], $0x80, $0x38;
	[tilespmem:$0x12100] =	vst v63  }
0x2af: {  	s7 =	sadd.s32 $0x30, s0;
	s22 =	simm.s32 $0xDE98  }
0x2b0: {  	[hbm4b:s7+s3] =	stream.linear.scatter [tilespmem:s22], [sflag:$0x4], $0x80, $0x38;
	[tilespmem:$0x12100] =	vst v63  }
0x2b1: {  	s23 =	sadd.s32 $0x40, s0;
	s24 =	simm.s32 $0xDF20  }
0x2b2: {  	[hbm4b:s23+s3] =	stream.linear.scatter [tilespmem:s24], [sflag:$0x4], $0x80, $0x38;
	[tilespmem:$0x12100] =	vst v63  }
0x2b3: {  	s6 =	sadd.s32 $0x50, s0;
	s7 =	simm.s32 $0xDFA8  }
0x2b4: {  	[hbm4b:s6+s3] =	stream.linear.scatter [tilespmem:s7], [sflag:$0x4], $0x80, $0x38;
	[tilespmem:$0x12100] =	vst v63  }
0x2b5: {  	s22 =	sadd.s32 $0x60, s0;
	s23 =	simm.s32 $0xE030  }
0x2b6: {  	[hbm4b:s22+s3] =	stream.linear.scatter [tilespmem:s23], [sflag:$0x4], $0x80, $0x38;
	[tilespmem:$0x12100] =	vst v63  }
0x2b7: {  	s0 =	sadd.s32 $0x70, s0;
	s24 =	simm.s32 $0xE0B8  }
0x2b8: {  	[hbm4b:s0+s3] =	stream.linear.scatter [tilespmem:s24], [sflag:$0x4], $0x80, $0x38;
	[tilespmem:$0x12100] =	vst v63  }
0x2b9: {  	s6 =	simm.s32 $0xE140;
	s0 =	sadd.s32 s5, s8  }
0x2ba: {  	[hbm4b:s0+s3] =	stream.linear.scatter [tilespmem:s6], [sflag:$0x4], $0x80, $0x38;
	[tilespmem:$0x12100] =	vst v63  }
0x2bb: {  	s22 =	simm.s32 $0xE1C8;
	s7 =	sadd.s32 $0x10, s0  }
0x2bc: {  	[hbm4b:s7+s3] =	stream.linear.scatter [tilespmem:s22], [sflag:$0x4], $0x80, $0x38;
	[tilespmem:$0x12100] =	vst v63  }
0x2bd: {  	s24 =	simm.s32 $0xE250;
	s23 =	sadd.s32 $0x20, s0  }
0x2be: {  	[hbm4b:s23+s3] =	stream.linear.scatter [tilespmem:s24], [sflag:$0x4], $0x80, $0x38;
	[tilespmem:$0x12100] =	vst v63  }
0x2bf: {  	s7 =	sadd.s32 $0x30, s0;
	s22 =	simm.s32 $0xE2D8  }
0x2c0: {  	[hbm4b:s7+s3] =	stream.linear.scatter [tilespmem:s22], [sflag:$0x4], $0x80, $0x38;
	[tilespmem:$0x12100] =	vst v63  }
0x2c1: {  	s23 =	sadd.s32 $0x40, s0;
	s24 =	simm.s32 $0xE360  }
0x2c2: {  	[hbm4b:s23+s3] =	stream.linear.scatter [tilespmem:s24], [sflag:$0x4], $0x80, $0x38;
	[tilespmem:$0x12100] =	vst v63  }
0x2c3: {  	s6 =	sadd.s32 $0x50, s0;
	s7 =	simm.s32 $0xE3E8  }
0x2c4: {  	[hbm4b:s6+s3] =	stream.linear.scatter [tilespmem:s7], [sflag:$0x4], $0x80, $0x38;
	[tilespmem:$0x12100] =	vst v63  }
0x2c5: {  	s22 =	sadd.s32 $0x60, s0;
	s23 =	simm.s32 $0xE470  }
0x2c6: {  	[hbm4b:s22+s3] =	stream.linear.scatter [tilespmem:s23], [sflag:$0x4], $0x80, $0x38;
	[tilespmem:$0x12100] =	vst v63  }
0x2c7: {  	s0 =	sadd.s32 $0x70, s0;
	s24 =	simm.s32 $0xE4F8  }
0x2c8: {  	[hbm4b:s0+s3] =	stream.linear.scatter [tilespmem:s24], [sflag:$0x4], $0x80, $0x38;
	[tilespmem:$0x12100] =	vst v63  }
0x2c9: {  	s6 =	simm.s32 $0xE580;
	s0 =	sadd.s32 s5, s9  }
0x2ca: {  	[hbm4b:s0+s3] =	stream.linear.scatter [tilespmem:s6], [sflag:$0x4], $0x80, $0x38;
	[tilespmem:$0x12100] =	vst v63  }
0x2cb: {  	s22 =	simm.s32 $0xE608;
	s7 =	sadd.s32 $0x10, s0  }
0x2cc: {  	[hbm4b:s7+s3] =	stream.linear.scatter [tilespmem:s22], [sflag:$0x4], $0x80, $0x38;
	[tilespmem:$0x12100] =	vst v63  }
0x2cd: {  	s24 =	simm.s32 $0xE690;
	s23 =	sadd.s32 $0x20, s0  }
0x2ce: {  	[hbm4b:s23+s3] =	stream.linear.scatter [tilespmem:s24], [sflag:$0x4], $0x80, $0x38;
	[tilespmem:$0x12100] =	vst v63  }
0x2cf: {  	s7 =	sadd.s32 $0x30, s0;
	s22 =	simm.s32 $0xE718  }
0x2d0: {  	[hbm4b:s7+s3] =	stream.linear.scatter [tilespmem:s22], [sflag:$0x4], $0x80, $0x38;
	[tilespmem:$0x12100] =	vst v63  }
0x2d1: {  	s23 =	sadd.s32 $0x40, s0;
	s24 =	simm.s32 $0xE7A0  }
0x2d2: {  	[hbm4b:s23+s3] =	stream.linear.scatter [tilespmem:s24], [sflag:$0x4], $0x80, $0x38;
	[tilespmem:$0x12100] =	vst v63  }
0x2d3: {  	s6 =	sadd.s32 $0x50, s0;
	s7 =	simm.s32 $0xE828  }
0x2d4: {  	[hbm4b:s6+s3] =	stream.linear.scatter [tilespmem:s7], [sflag:$0x4], $0x80, $0x38;
	[tilespmem:$0x12100] =	vst v63  }
0x2d5: {  	s22 =	sadd.s32 $0x60, s0;
	s23 =	simm.s32 $0xE8B0  }
0x2d6: {  	[hbm4b:s22+s3] =	stream.linear.scatter [tilespmem:s23], [sflag:$0x4], $0x80, $0x38;
	[tilespmem:$0x12100] =	vst v63  }
0x2d7: {  	s0 =	sadd.s32 $0x70, s0;
	s24 =	simm.s32 $0xE938  }
0x2d8: {  	[hbm4b:s0+s3] =	stream.linear.scatter [tilespmem:s24], [sflag:$0x4], $0x80, $0x38;
	[tilespmem:$0x12100] =	vst v63  }
0x2d9: {  	s6 =	simm.s32 $0xE9C0;
	s0 =	sadd.s32 s5, s10  }
0x2da: {  	[hbm4b:s0+s3] =	stream.linear.scatter [tilespmem:s6], [sflag:$0x4], $0x80, $0x38;
	[tilespmem:$0x12100] =	vst v63  }
0x2db: {  	s22 =	simm.s32 $0xEA48;
	s7 =	sadd.s32 $0x10, s0  }
0x2dc: {  	[hbm4b:s7+s3] =	stream.linear.scatter [tilespmem:s22], [sflag:$0x4], $0x80, $0x38;
	[tilespmem:$0x12100] =	vst v63  }
0x2dd: {  	s24 =	simm.s32 $0xEAD0;
	s23 =	sadd.s32 $0x20, s0  }
0x2de: {  	[hbm4b:s23+s3] =	stream.linear.scatter [tilespmem:s24], [sflag:$0x4], $0x80, $0x38;
	[tilespmem:$0x12100] =	vst v63  }
0x2df: {  	s7 =	sadd.s32 $0x30, s0;
	s22 =	simm.s32 $0xEB58  }
0x2e0: {  	[hbm4b:s7+s3] =	stream.linear.scatter [tilespmem:s22], [sflag:$0x4], $0x80, $0x38;
	[tilespmem:$0x12100] =	vst v63  }
0x2e1: {  	s23 =	sadd.s32 $0x40, s0;
	s24 =	simm.s32 $0xEBE0  }
0x2e2: {  	[hbm4b:s23+s3] =	stream.linear.scatter [tilespmem:s24], [sflag:$0x4], $0x80, $0x38;
	[tilespmem:$0x12100] =	vst v63  }
0x2e3: {  	s6 =	sadd.s32 $0x50, s0;
	s7 =	simm.s32 $0xEC68  }
0x2e4: {  	[hbm4b:s6+s3] =	stream.linear.scatter [tilespmem:s7], [sflag:$0x4], $0x80, $0x38;
	[tilespmem:$0x12100] =	vst v63  }
0x2e5: {  	s22 =	sadd.s32 $0x60, s0;
	s23 =	simm.s32 $0xECF0  }
0x2e6: {  	[hbm4b:s22+s3] =	stream.linear.scatter [tilespmem:s23], [sflag:$0x4], $0x80, $0x38;
	[tilespmem:$0x12100] =	vst v63  }
0x2e7: {  	s0 =	sadd.s32 $0x70, s0;
	s24 =	simm.s32 $0xED78  }
0x2e8: {  	[hbm4b:s0+s3] =	stream.linear.scatter [tilespmem:s24], [sflag:$0x4], $0x80, $0x38;
	[tilespmem:$0x12100] =	vst v63  }
0x2e9: {  	s6 =	simm.s32 $0xEE00;
	s0 =	sadd.s32 s5, s11  }
0x2ea: {  	[hbm4b:s0+s3] =	stream.linear.scatter [tilespmem:s6], [sflag:$0x4], $0x80, $0x38;
	[tilespmem:$0x12100] =	vst v63  }
0x2eb: {  	s22 =	simm.s32 $0xEE88;
	s7 =	sadd.s32 $0x10, s0  }
0x2ec: {  	[hbm4b:s7+s3] =	stream.linear.scatter [tilespmem:s22], [sflag:$0x4], $0x80, $0x38;
	[tilespmem:$0x12100] =	vst v63  }
0x2ed: {  	s24 =	simm.s32 $0xEF10;
	s23 =	sadd.s32 $0x20, s0  }
0x2ee: {  	[hbm4b:s23+s3] =	stream.linear.scatter [tilespmem:s24], [sflag:$0x4], $0x80, $0x38;
	[tilespmem:$0x12100] =	vst v63  }
0x2ef: {  	s7 =	sadd.s32 $0x30, s0;
	s22 =	simm.s32 $0xEF98  }
0x2f0: {  	[hbm4b:s7+s3] =	stream.linear.scatter [tilespmem:s22], [sflag:$0x4], $0x80, $0x38;
	[tilespmem:$0x12100] =	vst v63  }
0x2f1: {  	s23 =	sadd.s32 $0x40, s0;
	s24 =	simm.s32 $0xF020  }
0x2f2: {  	[hbm4b:s23+s3] =	stream.linear.scatter [tilespmem:s24], [sflag:$0x4], $0x80, $0x38;
	[tilespmem:$0x12100] =	vst v63  }
0x2f3: {  	s6 =	sadd.s32 $0x50, s0;
	s7 =	simm.s32 $0xF0A8  }
0x2f4: {  	[hbm4b:s6+s3] =	stream.linear.scatter [tilespmem:s7], [sflag:$0x4], $0x80, $0x38;
	[tilespmem:$0x12100] =	vst v63  }
0x2f5: {  	s22 =	sadd.s32 $0x60, s0;
	s23 =	simm.s32 $0xF130  }
0x2f6: {  	[hbm4b:s22+s3] =	stream.linear.scatter [tilespmem:s23], [sflag:$0x4], $0x80, $0x38;
	[tilespmem:$0x12100] =	vst v63  }
0x2f7: {  	s0 =	sadd.s32 $0x70, s0;
	s24 =	simm.s32 $0xF1B8  }
0x2f8: {  	[hbm4b:s0+s3] =	stream.linear.scatter [tilespmem:s24], [sflag:$0x4], $0x80, $0x38;
	[tilespmem:$0x12100] =	vst v63  }
0x2f9: {  	s6 =	simm.s32 $0xF240;
	s0 =	sadd.s32 s5, s12  }
0x2fa: {  	[hbm4b:s0+s3] =	stream.linear.scatter [tilespmem:s6], [sflag:$0x4], $0x80, $0x38;
	[tilespmem:$0x12100] =	vst v63  }
0x2fb: {  	s22 =	simm.s32 $0xF2C8;
	s7 =	sadd.s32 $0x10, s0  }
0x2fc: {  	[hbm4b:s7+s3] =	stream.linear.scatter [tilespmem:s22], [sflag:$0x4], $0x80, $0x38;
	[tilespmem:$0x12100] =	vst v63  }
0x2fd: {  	s24 =	simm.s32 $0xF350;
	s23 =	sadd.s32 $0x20, s0  }
0x2fe: {  	[hbm4b:s23+s3] =	stream.linear.scatter [tilespmem:s24], [sflag:$0x4], $0x80, $0x38;
	[tilespmem:$0x12100] =	vst v63  }
0x2ff: {  	s7 =	sadd.s32 $0x30, s0;
	s22 =	simm.s32 $0xF3D8  }
0x300: {  	[hbm4b:s7+s3] =	stream.linear.scatter [tilespmem:s22], [sflag:$0x4], $0x80, $0x38;
	[tilespmem:$0x12100] =	vst v63  }
0x301: {  	s23 =	sadd.s32 $0x40, s0;
	s24 =	simm.s32 $0xF460  }
0x302: {  	[hbm4b:s23+s3] =	stream.linear.scatter [tilespmem:s24], [sflag:$0x4], $0x80, $0x38;
	[tilespmem:$0x12100] =	vst v63  }
0x303: {  	s6 =	sadd.s32 $0x50, s0;
	s7 =	simm.s32 $0xF4E8  }
0x304: {  	[hbm4b:s6+s3] =	stream.linear.scatter [tilespmem:s7], [sflag:$0x4], $0x80, $0x38;
	[tilespmem:$0x12100] =	vst v63  }
0x305: {  	s22 =	sadd.s32 $0x60, s0;
	s23 =	simm.s32 $0xF570  }
0x306: {  	[hbm4b:s22+s3] =	stream.linear.scatter [tilespmem:s23], [sflag:$0x4], $0x80, $0x38;
	[tilespmem:$0x12100] =	vst v63  }
0x307: {  	s0 =	sadd.s32 $0x70, s0;
	s24 =	simm.s32 $0xF5F8  }
0x308: {  	[hbm4b:s0+s3] =	stream.linear.scatter [tilespmem:s24], [sflag:$0x4], $0x80, $0x38;
	[tilespmem:$0x12100] =	vst v63  }
0x309: {  	s6 =	simm.s32 $0xF680;
	s0 =	sadd.s32 s5, s13  }
0x30a: {  	[hbm4b:s0+s3] =	stream.linear.scatter [tilespmem:s6], [sflag:$0x4], $0x80, $0x38;
	[tilespmem:$0x12100] =	vst v63  }
0x30b: {  	s22 =	simm.s32 $0xF708;
	s7 =	sadd.s32 $0x10, s0  }
0x30c: {  	[hbm4b:s7+s3] =	stream.linear.scatter [tilespmem:s22], [sflag:$0x4], $0x80, $0x38;
	[tilespmem:$0x12100] =	vst v63  }
0x30d: {  	s24 =	simm.s32 $0xF790;
	s23 =	sadd.s32 $0x20, s0  }
0x30e: {  	[hbm4b:s23+s3] =	stream.linear.scatter [tilespmem:s24], [sflag:$0x4], $0x80, $0x38;
	[tilespmem:$0x12100] =	vst v63  }
0x30f: {  	s7 =	sadd.s32 $0x30, s0;
	s22 =	simm.s32 $0xF818  }
0x310: {  	[hbm4b:s7+s3] =	stream.linear.scatter [tilespmem:s22], [sflag:$0x4], $0x80, $0x38;
	[tilespmem:$0x12100] =	vst v63  }
0x311: {  	s23 =	sadd.s32 $0x40, s0;
	s24 =	simm.s32 $0xF8A0  }
0x312: {  	[hbm4b:s23+s3] =	stream.linear.scatter [tilespmem:s24], [sflag:$0x4], $0x80, $0x38;
	[tilespmem:$0x12100] =	vst v63  }
0x313: {  	s6 =	sadd.s32 $0x50, s0;
	s7 =	simm.s32 $0xF928  }
0x314: {  	[hbm4b:s6+s3] =	stream.linear.scatter [tilespmem:s7], [sflag:$0x4], $0x80, $0x38;
	[tilespmem:$0x12100] =	vst v63  }
0x315: {  	s22 =	sadd.s32 $0x60, s0;
	s23 =	simm.s32 $0xF9B0  }
0x316: {  	[hbm4b:s22+s3] =	stream.linear.scatter [tilespmem:s23], [sflag:$0x4], $0x80, $0x38;
	[tilespmem:$0x12100] =	vst v63  }
0x317: {  	s0 =	sadd.s32 $0x70, s0;
	s24 =	simm.s32 $0xFA38  }
0x318: {  	[hbm4b:s0+s3] =	stream.linear.scatter [tilespmem:s24], [sflag:$0x4], $0x80, $0x38;
	[tilespmem:$0x12100] =	vst v63  }
0x319: {  	s6 =	simm.s32 $0xFAC0;
	s0 =	sadd.s32 s5, s14  }
0x31a: {  	[hbm4b:s0+s3] =	stream.linear.scatter [tilespmem:s6], [sflag:$0x4], $0x80, $0x38;
	[tilespmem:$0x12100] =	vst v63  }
0x31b: {  	s22 =	simm.s32 $0xFB48;
	s7 =	sadd.s32 $0x10, s0  }
0x31c: {  	[hbm4b:s7+s3] =	stream.linear.scatter [tilespmem:s22], [sflag:$0x4], $0x80, $0x38;
	[tilespmem:$0x12100] =	vst v63  }
0x31d: {  	s24 =	simm.s32 $0xFBD0;
	s23 =	sadd.s32 $0x20, s0  }
0x31e: {  	[hbm4b:s23+s3] =	stream.linear.scatter [tilespmem:s24], [sflag:$0x4], $0x80, $0x38;
	[tilespmem:$0x12100] =	vst v63  }
0x31f: {  	s7 =	sadd.s32 $0x30, s0;
	s22 =	simm.s32 $0xFC58  }
0x320: {  	[hbm4b:s7+s3] =	stream.linear.scatter [tilespmem:s22], [sflag:$0x4], $0x80, $0x38;
	[tilespmem:$0x12100] =	vst v63  }
0x321: {  	s23 =	sadd.s32 $0x40, s0;
	s24 =	simm.s32 $0xFCE0  }
0x322: {  	[hbm4b:s23+s3] =	stream.linear.scatter [tilespmem:s24], [sflag:$0x4], $0x80, $0x38;
	[tilespmem:$0x12100] =	vst v63  }
0x323: {  	s6 =	sadd.s32 $0x50, s0;
	s7 =	simm.s32 $0xFD68  }
0x324: {  	[hbm4b:s6+s3] =	stream.linear.scatter [tilespmem:s7], [sflag:$0x4], $0x80, $0x38;
	[tilespmem:$0x12100] =	vst v63  }
0x325: {  	s22 =	sadd.s32 $0x60, s0;
	s23 =	simm.s32 $0xFDF0  }
0x326: {  	[hbm4b:s22+s3] =	stream.linear.scatter [tilespmem:s23], [sflag:$0x4], $0x80, $0x38;
	[tilespmem:$0x12100] =	vst v63  }
0x327: {  	s0 =	sadd.s32 $0x70, s0;
	s24 =	simm.s32 $0xFE78  }
0x328: {  	[hbm4b:s0+s3] =	stream.linear.scatter [tilespmem:s24], [sflag:$0x4], $0x80, $0x38;
	[tilespmem:$0x12100] =	vst v63  }
0x329: {  	s6 =	simm.s32 $0xFF00;
	s0 =	sadd.s32 s5, s15  }
0x32a: {  	[hbm4b:s0+s3] =	stream.linear.scatter [tilespmem:s6], [sflag:$0x4], $0x80, $0x38;
	[tilespmem:$0x12100] =	vst v63  }
0x32b: {  	s22 =	simm.s32 $0xFF88;
	s7 =	sadd.s32 $0x10, s0  }
0x32c: {  	[hbm4b:s7+s3] =	stream.linear.scatter [tilespmem:s22], [sflag:$0x4], $0x80, $0x38;
	[tilespmem:$0x12100] =	vst v63  }
0x32d: {  	s24 =	simm.s32 $0x10010;
	s23 =	sadd.s32 $0x20, s0  }
0x32e: {  	[hbm4b:s23+s3] =	stream.linear.scatter [tilespmem:s24], [sflag:$0x4], $0x80, $0x38;
	[tilespmem:$0x12100] =	vst v63  }
0x32f: {  	s7 =	sadd.s32 $0x30, s0;
	s22 =	simm.s32 $0x10098  }
0x330: {  	[hbm4b:s7+s3] =	stream.linear.scatter [tilespmem:s22], [sflag:$0x4], $0x80, $0x38;
	[tilespmem:$0x12100] =	vst v63  }
0x331: {  	s23 =	sadd.s32 $0x40, s0;
	s24 =	simm.s32 $0x10120  }
0x332: {  	[hbm4b:s23+s3] =	stream.linear.scatter [tilespmem:s24], [sflag:$0x4], $0x80, $0x38;
	[tilespmem:$0x12100] =	vst v63  }
0x333: {  	s6 =	sadd.s32 $0x50, s0;
	s7 =	simm.s32 $0x101A8  }
0x334: {  	[hbm4b:s6+s3] =	stream.linear.scatter [tilespmem:s7], [sflag:$0x4], $0x80, $0x38;
	[tilespmem:$0x12100] =	vst v63  }
0x335: {  	s22 =	sadd.s32 $0x60, s0;
	s23 =	simm.s32 $0x10230  }
0x336: {  	[hbm4b:s22+s3] =	stream.linear.scatter [tilespmem:s23], [sflag:$0x4], $0x80, $0x38;
	[tilespmem:$0x12100] =	vst v63  }
0x337: {  	s0 =	sadd.s32 $0x70, s0;
	s24 =	simm.s32 $0x102B8  }
0x338: {  	[hbm4b:s0+s3] =	stream.linear.scatter [tilespmem:s24], [sflag:$0x4], $0x80, $0x38;
	[tilespmem:$0x12100] =	vst v63  }
0x339: {  	s6 =	simm.s32 $0x10340;
	s0 =	sadd.s32 s5, s16  }
0x33a: {  	[hbm4b:s0+s3] =	stream.linear.scatter [tilespmem:s6], [sflag:$0x4], $0x80, $0x38;
	[tilespmem:$0x12100] =	vst v63  }
0x33b: {  	s22 =	simm.s32 $0x103C8;
	s7 =	sadd.s32 $0x10, s0  }
0x33c: {  	[hbm4b:s7+s3] =	stream.linear.scatter [tilespmem:s22], [sflag:$0x4], $0x80, $0x38;
	[tilespmem:$0x12100] =	vst v63  }
0x33d: {  	s24 =	simm.s32 $0x10450;
	s23 =	sadd.s32 $0x20, s0  }
0x33e: {  	[hbm4b:s23+s3] =	stream.linear.scatter [tilespmem:s24], [sflag:$0x4], $0x80, $0x38;
	[tilespmem:$0x12100] =	vst v63  }
0x33f: {  	s7 =	sadd.s32 $0x30, s0;
	s22 =	simm.s32 $0x104D8  }
0x340: {  	[hbm4b:s7+s3] =	stream.linear.scatter [tilespmem:s22], [sflag:$0x4], $0x80, $0x38;
	[tilespmem:$0x12100] =	vst v63  }
0x341: {  	s23 =	sadd.s32 $0x40, s0;
	s24 =	simm.s32 $0x10560  }
0x342: {  	[hbm4b:s23+s3] =	stream.linear.scatter [tilespmem:s24], [sflag:$0x4], $0x80, $0x38;
	[tilespmem:$0x12100] =	vst v63  }
0x343: {  	s6 =	sadd.s32 $0x50, s0;
	s7 =	simm.s32 $0x105E8  }
0x344: {  	[hbm4b:s6+s3] =	stream.linear.scatter [tilespmem:s7], [sflag:$0x4], $0x80, $0x38;
	[tilespmem:$0x12100] =	vst v63  }
0x345: {  	s22 =	sadd.s32 $0x60, s0;
	s23 =	simm.s32 $0x10670  }
0x346: {  	[hbm4b:s22+s3] =	stream.linear.scatter [tilespmem:s23], [sflag:$0x4], $0x80, $0x38;
	[tilespmem:$0x12100] =	vst v63  }
0x347: {  	s0 =	sadd.s32 $0x70, s0;
	s24 =	simm.s32 $0x106F8  }
0x348: {  	[hbm4b:s0+s3] =	stream.linear.scatter [tilespmem:s24], [sflag:$0x4], $0x80, $0x38;
	[tilespmem:$0x12100] =	vst v63  }
0x349: {  	s6 =	simm.s32 $0x10780;
	s0 =	sadd.s32 s5, s17  }
0x34a: {  	[hbm4b:s0+s3] =	stream.linear.scatter [tilespmem:s6], [sflag:$0x4], $0x80, $0x38;
	[tilespmem:$0x12100] =	vst v63  }
0x34b: {  	s22 =	simm.s32 $0x10808;
	s7 =	sadd.s32 $0x10, s0  }
0x34c: {  	[hbm4b:s7+s3] =	stream.linear.scatter [tilespmem:s22], [sflag:$0x4], $0x80, $0x38;
	[tilespmem:$0x12100] =	vst v63  }
0x34d: {  	s24 =	simm.s32 $0x10890;
	s23 =	sadd.s32 $0x20, s0  }
0x34e: {  	[hbm4b:s23+s3] =	stream.linear.scatter [tilespmem:s24], [sflag:$0x4], $0x80, $0x38;
	[tilespmem:$0x12100] =	vst v63  }
0x34f: {  	s7 =	sadd.s32 $0x30, s0;
	s22 =	simm.s32 $0x10918  }
0x350: {  	[hbm4b:s7+s3] =	stream.linear.scatter [tilespmem:s22], [sflag:$0x4], $0x80, $0x38;
	[tilespmem:$0x12100] =	vst v63  }
0x351: {  	s23 =	sadd.s32 $0x40, s0;
	s24 =	simm.s32 $0x109A0  }
0x352: {  	[hbm4b:s23+s3] =	stream.linear.scatter [tilespmem:s24], [sflag:$0x4], $0x80, $0x38;
	[tilespmem:$0x12100] =	vst v63  }
0x353: {  	s6 =	sadd.s32 $0x50, s0;
	s7 =	simm.s32 $0x10A28  }
0x354: {  	[hbm4b:s6+s3] =	stream.linear.scatter [tilespmem:s7], [sflag:$0x4], $0x80, $0x38;
	[tilespmem:$0x12100] =	vst v63  }
0x355: {  	s22 =	sadd.s32 $0x60, s0;
	s23 =	simm.s32 $0x10AB0  }
0x356: {  	[hbm4b:s22+s3] =	stream.linear.scatter [tilespmem:s23], [sflag:$0x4], $0x80, $0x38;
	[tilespmem:$0x12100] =	vst v63  }
0x357: {  	s0 =	sadd.s32 $0x70, s0;
	s24 =	simm.s32 $0x10B38  }
0x358: {  	[hbm4b:s0+s3] =	stream.linear.scatter [tilespmem:s24], [sflag:$0x4], $0x80, $0x38;
	[tilespmem:$0x12100] =	vst v63  }
0x359: {  	s6 =	simm.s32 $0x10BC0;
	s0 =	sadd.s32 s5, s18  }
0x35a: {  	[hbm4b:s0+s3] =	stream.linear.scatter [tilespmem:s6], [sflag:$0x4], $0x80, $0x38;
	[tilespmem:$0x12100] =	vst v63  }
0x35b: {  	s22 =	simm.s32 $0x10C48;
	s7 =	sadd.s32 $0x10, s0  }
0x35c: {  	[hbm4b:s7+s3] =	stream.linear.scatter [tilespmem:s22], [sflag:$0x4], $0x80, $0x38;
	[tilespmem:$0x12100] =	vst v63  }
0x35d: {  	s24 =	simm.s32 $0x10CD0;
	s23 =	sadd.s32 $0x20, s0  }
0x35e: {  	[hbm4b:s23+s3] =	stream.linear.scatter [tilespmem:s24], [sflag:$0x4], $0x80, $0x38;
	[tilespmem:$0x12100] =	vst v63  }
0x35f: {  	s7 =	sadd.s32 $0x30, s0;
	s22 =	simm.s32 $0x10D58  }
0x360: {  	[hbm4b:s7+s3] =	stream.linear.scatter [tilespmem:s22], [sflag:$0x4], $0x80, $0x38;
	[tilespmem:$0x12100] =	vst v63  }
0x361: {  	s23 =	sadd.s32 $0x40, s0;
	s24 =	simm.s32 $0x10DE0  }
0x362: {  	[hbm4b:s23+s3] =	stream.linear.scatter [tilespmem:s24], [sflag:$0x4], $0x80, $0x38;
	[tilespmem:$0x12100] =	vst v63  }
0x363: {  	s6 =	sadd.s32 $0x50, s0;
	s7 =	simm.s32 $0x10E68  }
0x364: {  	[hbm4b:s6+s3] =	stream.linear.scatter [tilespmem:s7], [sflag:$0x4], $0x80, $0x38;
	[tilespmem:$0x12100] =	vst v63  }
0x365: {  	s22 =	sadd.s32 $0x60, s0;
	s23 =	simm.s32 $0x10EF0  }
0x366: {  	[hbm4b:s22+s3] =	stream.linear.scatter [tilespmem:s23], [sflag:$0x4], $0x80, $0x38;
	[tilespmem:$0x12100] =	vst v63  }
0x367: {  	s0 =	sadd.s32 $0x70, s0;
	s24 =	simm.s32 $0x10F78  }
0x368: {  	[hbm4b:s0+s3] =	stream.linear.scatter [tilespmem:s24], [sflag:$0x4], $0x80, $0x38;
	[tilespmem:$0x12100] =	vst v63  }
0x369: {  	s6 =	simm.s32 $0x11000;
	s0 =	sadd.s32 s5, s19  }
0x36a: {  	[hbm4b:s0+s3] =	stream.linear.scatter [tilespmem:s6], [sflag:$0x4], $0x80, $0x38;
	[tilespmem:$0x12100] =	vst v63  }
0x36b: {  	s22 =	simm.s32 $0x11088;
	s7 =	sadd.s32 $0x10, s0  }
0x36c: {  	[hbm4b:s7+s3] =	stream.linear.scatter [tilespmem:s22], [sflag:$0x4], $0x80, $0x38;
	[tilespmem:$0x12100] =	vst v63  }
0x36d: {  	s24 =	simm.s32 $0x11110;
	s23 =	sadd.s32 $0x20, s0  }
0x36e: {  	[hbm4b:s23+s3] =	stream.linear.scatter [tilespmem:s24], [sflag:$0x4], $0x80, $0x38;
	[tilespmem:$0x12100] =	vst v63  }
0x36f: {  	s7 =	sadd.s32 $0x30, s0;
	s22 =	simm.s32 $0x11198  }
0x370: {  	[hbm4b:s7+s3] =	stream.linear.scatter [tilespmem:s22], [sflag:$0x4], $0x80, $0x38;
	[tilespmem:$0x12100] =	vst v63  }
0x371: {  	s23 =	sadd.s32 $0x40, s0;
	s24 =	simm.s32 $0x11220  }
0x372: {  	[hbm4b:s23+s3] =	stream.linear.scatter [tilespmem:s24], [sflag:$0x4], $0x80, $0x38;
	[tilespmem:$0x12100] =	vst v63  }
0x373: {  	s6 =	sadd.s32 $0x50, s0;
	s7 =	simm.s32 $0x112A8  }
0x374: {  	[hbm4b:s6+s3] =	stream.linear.scatter [tilespmem:s7], [sflag:$0x4], $0x80, $0x38;
	[tilespmem:$0x12100] =	vst v63  }
0x375: {  	s22 =	sadd.s32 $0x60, s0;
	s23 =	simm.s32 $0x11330  }
0x376: {  	[hbm4b:s22+s3] =	stream.linear.scatter [tilespmem:s23], [sflag:$0x4], $0x80, $0x38;
	[tilespmem:$0x12100] =	vst v63  }
0x377: {  	s0 =	sadd.s32 $0x70, s0;
	s24 =	simm.s32 $0x113B8  }
0x378: {  	[hbm4b:s0+s3] =	stream.linear.scatter [tilespmem:s24], [sflag:$0x4], $0x80, $0x38;
	[tilespmem:$0x12100] =	vst v63  }
0x379: {  	s6 =	simm.s32 $0x11440;
	s0 =	sadd.s32 s5, s20  }
0x37a: {  	[hbm4b:s0+s3] =	stream.linear.scatter [tilespmem:s6], [sflag:$0x4], $0x80, $0x38;
	[tilespmem:$0x12100] =	vst v63  }
0x37b: {  	s22 =	simm.s32 $0x114C8;
	s7 =	sadd.s32 $0x10, s0  }
0x37c: {  	[hbm4b:s7+s3] =	stream.linear.scatter [tilespmem:s22], [sflag:$0x4], $0x80, $0x38;
	[tilespmem:$0x12100] =	vst v63  }
0x37d: {  	s24 =	simm.s32 $0x11550;
	s23 =	sadd.s32 $0x20, s0  }
0x37e: {  	[hbm4b:s23+s3] =	stream.linear.scatter [tilespmem:s24], [sflag:$0x4], $0x80, $0x38;
	[tilespmem:$0x12100] =	vst v63  }
0x37f: {  	s7 =	sadd.s32 $0x30, s0;
	s22 =	simm.s32 $0x115D8  }
0x380: {  	[hbm4b:s7+s3] =	stream.linear.scatter [tilespmem:s22], [sflag:$0x4], $0x80, $0x38;
	[tilespmem:$0x12100] =	vst v63  }
0x381: {  	s23 =	sadd.s32 $0x40, s0;
	s24 =	simm.s32 $0x11660  }
0x382: {  	[hbm4b:s23+s3] =	stream.linear.scatter [tilespmem:s24], [sflag:$0x4], $0x80, $0x38;
	[tilespmem:$0x12100] =	vst v63  }
0x383: {  	s6 =	sadd.s32 $0x50, s0;
	s7 =	simm.s32 $0x116E8  }
0x384: {  	[hbm4b:s6+s3] =	stream.linear.scatter [tilespmem:s7], [sflag:$0x4], $0x80, $0x38;
	[tilespmem:$0x12100] =	vst v63  }
0x385: {  	s22 =	sadd.s32 $0x60, s0;
	s23 =	simm.s32 $0x11770  }
0x386: {  	[hbm4b:s22+s3] =	stream.linear.scatter [tilespmem:s23], [sflag:$0x4], $0x80, $0x38;
	[tilespmem:$0x12100] =	vst v63  }
0x387: {  	s0 =	sadd.s32 $0x70, s0;
	s24 =	simm.s32 $0x117F8  }
0x388: {  	[hbm4b:s0+s3] =	stream.linear.scatter [tilespmem:s24], [sflag:$0x4], $0x80, $0x38;
	[tilespmem:$0x12100] =	vst v63  }
0x389: {  	s6 =	simm.s32 $0x11880;
	s0 =	sadd.s32 s5, s21  }
0x38a: {  	[hbm4b:s0+s3] =	stream.linear.scatter [tilespmem:s6], [sflag:$0x4], $0x80, $0x38;
	[tilespmem:$0x12100] =	vst v63  }
0x38b: {  	s22 =	simm.s32 $0x11908;
	s7 =	sadd.s32 $0x10, s0  }
0x38c: {  	[hbm4b:s7+s3] =	stream.linear.scatter [tilespmem:s22], [sflag:$0x4], $0x80, $0x38;
	[tilespmem:$0x12100] =	vst v63  }
0x38d: {  	s24 =	simm.s32 $0x11990;
	s23 =	sadd.s32 $0x20, s0  }
0x38e: {  	[hbm4b:s23+s3] =	stream.linear.scatter [tilespmem:s24], [sflag:$0x4], $0x80, $0x38;
	[tilespmem:$0x12100] =	vst v63  }
0x38f: {  	s7 =	sadd.s32 $0x30, s0;
	s22 =	simm.s32 $0x11A18  }
0x390: {  	[hbm4b:s7+s3] =	stream.linear.scatter [tilespmem:s22], [sflag:$0x4], $0x80, $0x38;
	[tilespmem:$0x12100] =	vst v63  }
0x391: {  	s23 =	sadd.s32 $0x40, s0;
	s24 =	simm.s32 $0x11AA0  }
0x392: {  	[hbm4b:s23+s3] =	stream.linear.scatter [tilespmem:s24], [sflag:$0x4], $0x80, $0x38;
	[tilespmem:$0x12100] =	vst v63  }
0x393: {  	s7 =	sadd.s32 $0x50, s0;
	s22 =	simm.s32 $0x11B28  }
0x394: {  	[hbm4b:s7+s3] =	stream.linear.scatter [tilespmem:s22], [sflag:$0x4], $0x80, $0x38;
	[tilespmem:$0x12100] =	vst v63  }
0x395: {  	s23 =	sadd.s32 $0x60, s0;
	s24 =	simm.s32 $0x11BB0  }
0x396: {  	[hbm4b:s23+s3] =	stream.linear.scatter [tilespmem:s24], [sflag:$0x4], $0x80, $0x38;
	[tilespmem:$0x12100] =	vst v63  }
0x397: {  	s0 =	sadd.s32 $0x70, s0;
	s7 =	simm.s32 $0x11C38  }
0x398: {  	[hbm4b:s0+s3] =	stream.linear.scatter [tilespmem:s7], [sflag:$0x4], $0x80, $0x38;
	[tilespmem:$0x12100] =	vst v63  }
0x399: {  	s22 =	simm.s32 $0x11CC0;
	s0 =	sadd.s32 s5, s29  }
0x39a: {  	[hbm4b:s0+s3] =	stream.linear.scatter [tilespmem:s22], [sflag:$0x4], $0x80, $0x38;
	[tilespmem:$0x12100] =	vst v63  }
0x39b: {  	s24 =	simm.s32 $0x11D48;
	s23 =	sadd.s32 $0x10, s0  }
0x39c: {  	[hbm4b:s23+s3] =	stream.linear.scatter [tilespmem:s24], [sflag:$0x4], $0x80, $0x38;
	[tilespmem:$0x12100] =	vst v63  }
0x39d: {  	s6 =	simm.s32 $0x11DD0;
	s5 =	sadd.s32 $0x20, s0  }
0x39e: {  	[hbm4b:s5+s3] =	stream.linear.scatter [tilespmem:s6], [sflag:$0x4], $0x80, $0x38;
	[tilespmem:$0x12100] =	vst v63  }
0x39f: {  	s7 =	sadd.s32 $0x30, s0;
	s22 =	simm.s32 $0x11E58  }
0x3a0: {  	[hbm4b:s7+s3] =	stream.linear.scatter [tilespmem:s22], [sflag:$0x4], $0x80, $0x38;
	[tilespmem:$0x12100] =	vst v63  }
0x3a1: {  	s23 =	sadd.s32 $0x40, s0;
	s24 =	simm.s32 $0x11EE0  }
0x3a2: {  	[hbm4b:s23+s3] =	stream.linear.scatter [tilespmem:s24], [sflag:$0x4], $0x80, $0x38;
	[tilespmem:$0x12100] =	vst v63  }
0x3a3: {  	s6 =	sadd.s32 $0x50, s0;
	s7 =	simm.s32 $0x11F68  }
0x3a4: {  	[hbm4b:s6+s3] =	stream.linear.scatter [tilespmem:s7], [sflag:$0x4], $0x80, $0x38;
	[tilespmem:$0x12100] =	vst v63  }
.Ltmp8:
0x3a5: {  	_ = 	snop;
	(pc) =	sbr.rel .LBB2_9-.Ltmp8, $4  }
0x3a6: {  	s22 =	sadd.s32 $0x60, s0;
	s23 =	simm.s32 $0x11FF0  }
0x3a7: {  	[hbm4b:s22+s3] =	stream.linear.scatter [tilespmem:s23], [sflag:$0x4], $0x80, $0x38;
	[tilespmem:$0x12100] =	vst v63  }
0x3a8: {  	s0 =	sadd.s32 $0x70, s0;
	s24 =	simm.s32 $0x12078  }
0x3a9: {  	[hbm4b:s0+s3] =	stream.linear.scatter [tilespmem:s24], [sflag:$0x4], $0x80, $0x38;
	[tilespmem:$0x12100] =	vst v63  }
.LBB2_11:
0x3aa: {  	_ =	sfence.sel $0x180000  }
0x3ab: {  	[bflag:$0x0] =	sbarrier.arrive $0xFFFF  }
0x3ac: {  	_ =	strace $0x90000047  }
0x3ad: {  	s0 =	stileid.u32;
	[bflag:$0x2] =	sbarrier.arrive $0xFFFF  }
0x3ae: {  	p0 =	sne.s32 s0, $0x0;
	s0 =	rddreg [dreg:$0x2]  }
0x3af: {  	s0 =	sadd.s32 @!p0 $0x100000, s0  }
0x3b0: {  	[sflag:s0] =	ssyncadd.tile.s32 @!p0 $0x1;
	_ =	shalt  }
.Lfunc_end2:
_tile_overlayer_lowered:
.L_overlay_start_2:
0x3b1: {  	(tag) =	ssettag $0x2  }
0x3b2: {  	s0 =	rddreg [dreg:$0x0];
	s2 =	stileid.u32  }
0x3b3: {  	s1 =	rddreg [dreg:$0x1];
	p0 =	sne.s32 s2, $0x0  }
0x3b4: {  	s3 =	rddreg [dreg:$0x2];
	[bflag:$0x3] =	sbarrier.arrive $0xFFFF;
	s2 =	simm.s32 @!p0 $0x1C05  }
0x3b5: {  	[timem:s3], [sflag:s2] =	dma.local @!p0 [hbm:s0], s1  }
0x3b6: {  	s0 =	simm.s32 @!p0 $0x5  }
0x3b7: {  	_ =	swait.ge @!p0 [sflag:s0], s1  }
0x3b8: {  	s1 =	ssub.s32 @!p0 $0x0, s1;
	[sflag:s0] =	ssyncset.done @!p0 $0x0  }
0x3b9: {  	[sflag:s0] =	ssyncadd.s32 @!p0 s1  }
0x3ba: {  	[bflag:$0x3] =	sbarrier.arrive $0xFFFF  }
0x3bb: {  	_ =	shalt  }

</sc_bundles>
